<compile_context>
chip_gen: v7x
topology: tpu7x:2x2x1
jax: 0.10.2.dev20260603
libtpu: 0.0.44.dev20260713+nightly
codegen_flags: <defaults>
</compile_context>

<pallas_src>
import functools

import jax
import jax.numpy as jnp
from jax import lax
from jax.experimental import pallas as pl
from jax.experimental.pallas import tpu as pltpu
from jax.experimental.pallas import tpu_sc as plsc

_LANES = 16
_NSLOT = 3
_CH = (104, 96)


def _make_sc_add(batch, maxlen, dim):
    info = plsc.get_sparse_core_info()
    nc, ns = info.num_cores, info.num_subcores
    nw = nc * ns
    assert batch % nw == 0 and dim % _LANES == 0 and sum(_CH) == maxlen
    b_per_w = batch // nw
    sp_rows = ns * _NSLOT * maxlen

    mesh = plsc.VectorSubcoreMesh(core_axis_name="c", subcore_axis_name="s")

    @functools.partial(
        pl.kernel,
        out_type=jax.ShapeDtypeStruct((batch, maxlen, dim), jnp.float32),
        mesh=mesh,
        scratch_types=[
            pltpu.VMEM((maxlen, dim), jnp.float32),
            pltpu.VMEM((_NSLOT, _CH[0]), jnp.int32),
            pltpu.VMEM((_NSLOT, _CH[1]), jnp.int32),
            pltpu.VMEM_SHARED((sp_rows, dim), jnp.float32),
            pltpu.SemaphoreType.DMA,
            pltpu.SemaphoreType.DMA,
            pltpu.SemaphoreType.DMA,
            pltpu.SemaphoreType.DMA,
            pltpu.SemaphoreType.DMA,
            pltpu.SemaphoreType.DMA,
            pltpu.SemaphoreType.DMA,
            pltpu.SemaphoreType.DMA,
            pltpu.SemaphoreType.DMA,
        ],
    )
    def sc_add(x_hbm, pos_hbm, out_hbm, pos_v, idxa, idxb, sp,
               in0, in1, in2, ad0, ad1, ad2, ot0, ot1, ot2):
        cid = lax.axis_index("c")
        sid = lax.axis_index("s")
        wid = sid * nc + cid
        base = wid * b_per_w
        tile_base = sid * (_NSLOT * maxlen)
        insems, addsems, outsems = [in0, in1, in2], [ad0, ad1, ad2], [ot0, ot1, ot2]

        pltpu.sync_copy(pos_hbm, pos_v)

        iot = lax.iota(jnp.int32, _LANES)
        for s in range(_NSLOT):
            rowbase = tile_base + s * maxlen
            for o in (0, 16, 32, 48, 64, 80, _CH[0] - _LANES):
                idxa[s, pl.ds(o, _LANES)] = rowbase + o + iot
            for o in (0, 16, 32, 48, 64, _CH[1] - _LANES):
                idxb[s, pl.ds(o, _LANES)] = rowbase + _CH[0] + o + iot

        def sp_slot(s):
            return sp.at[pl.ds(tile_base + s * maxlen, maxlen)]

        def start_in(r, s):
            pltpu.async_copy(x_hbm.at[base + r], sp_slot(s), insems[s])

        def wait_in(r, s):
            pltpu.make_async_copy(
                x_hbm.at[base + r], sp_slot(s), insems[s]).wait()

        def start_adds(s):
            pltpu.async_copy(pos_v.at[pl.ds(0, _CH[0])],
                             sp.at[idxa.at[s]], addsems[s], add=True)
            pltpu.async_copy(pos_v.at[pl.ds(_CH[0], _CH[1])],
                             sp.at[idxb.at[s]], addsems[s], add=True)

        def wait_adds(s):
            pltpu.make_async_copy(pos_v.at[pl.ds(0, _CH[0])],
                                  sp.at[idxa.at[s]], addsems[s]).wait()
            pltpu.make_async_copy(pos_v.at[pl.ds(_CH[0], _CH[1])],
                                  sp.at[idxb.at[s]], addsems[s]).wait()

        def start_out(r, s):
            pltpu.async_copy(sp_slot(s), out_hbm.at[base + r], outsems[s])

        def wait_out(r, s):
            pltpu.make_async_copy(
                sp_slot(s), out_hbm.at[base + r], outsems[s]).wait()

        for s in range(_NSLOT):
            start_in(s, s)
        for r in range(b_per_w):
            s = r % _NSLOT
            wait_in(r, s)
            start_adds(s)
            if r >= 1:
                q = (r - 1) % _NSLOT
                wait_adds(q)
                start_out(r - 1, q)
            if 2 <= r < b_per_w - 1:
                t = (r + 1) % _NSLOT
                wait_out(r - 2, t)
                start_in(r + 1, t)
        last = b_per_w - 1
        wait_adds(last % _NSLOT)
        start_out(last, last % _NSLOT)
        for rr in range(last - 2, last + 1):
            wait_out(rr, rr % _NSLOT)

    return sc_add


def kernel(x, pos_emb):
    batch, maxlen, dim = x.shape
    return _make_sc_add(batch, maxlen, dim)(x, pos_emb)

# --- scband reference (transcript-rebuilt; emitter-appended) ---
"""Pipeline reference for scband-position-embedding-13443247636561 (READ-ONLY COPY).

The authoritative reference and input builder live on the scoring server;
editing this copy changes nothing except your own understanding.
"""

import jax, jax.numpy as jnp
import numpy as np

MAXLEN = 200
EMBED_DIM = 128
BATCH = 1024

def setup_inputs(seed: int = 0) -> dict:
    key = jax.random.key(seed)
    k1, k2 = jax.random.split(key)
    x = jax.random.normal(k1, (BATCH, MAXLEN, EMBED_DIM), dtype=jnp.float32)
    # learned position embedding table, sized per init_kwargs (maxlen, embed_dim)
    pos_emb = jax.random.normal(k2, (MAXLEN, EMBED_DIM), dtype=jnp.float32) * 0.02
    return {"x": x, "pos_emb": pos_emb}

def reference(x, pos_emb):
    positions = jnp.arange(0, MAXLEN)
    pos = jnp.take(pos_emb, positions, axis=0)  # gather -> embedding lookup
    return x + pos[None, :, :]

if __name__ == "__main__":
    import jax
    _d = setup_inputs()
    print(jax.jit(kernel)(*tuple(_d.values())))

</pallas_src>

<mosaic_0001>
#map = affine_map<(d0, d1) -> (0, 0, 0)>
#map1 = affine_map<(d0, d1) -> (0, 0)>
module attributes {stable_mosaic.version = 14 : i64} {
  func.func @sc_add(%arg0: i32, %arg1: i32, %arg2: memref<1024x200x128xf32, #tpu.memory_space<hbm>>, %arg3: memref<200x128xf32, #tpu.memory_space<hbm>>, %arg4: memref<1024x200x128xf32, #tpu.memory_space<hbm>>, %arg5: memref<200x128xf32, #tpu.memory_space<vmem>>, %arg6: memref<3x104xi32, #tpu.memory_space<vmem>>, %arg7: memref<3x96xi32, #tpu.memory_space<vmem>>, %arg8: memref<9600x128xf32, #tpu.memory_space<vmem_shared>>, %arg9: memref<!tpu.dma_semaphore, #tpu.memory_space<semaphore_mem>>, %arg10: memref<!tpu.dma_semaphore, #tpu.memory_space<semaphore_mem>>, %arg11: memref<!tpu.dma_semaphore, #tpu.memory_space<semaphore_mem>>, %arg12: memref<!tpu.dma_semaphore, #tpu.memory_space<semaphore_mem>>, %arg13: memref<!tpu.dma_semaphore, #tpu.memory_space<semaphore_mem>>, %arg14: memref<!tpu.dma_semaphore, #tpu.memory_space<semaphore_mem>>, %arg15: memref<!tpu.dma_semaphore, #tpu.memory_space<semaphore_mem>>, %arg16: memref<!tpu.dma_semaphore, #tpu.memory_space<semaphore_mem>>, %arg17: memref<!tpu.dma_semaphore, #tpu.memory_space<semaphore_mem>>) attributes {dimension_semantics = [#tpu.dimension_semantics<core_parallel>, #tpu.dimension_semantics<subcore_parallel>], iteration_bounds = array<i64: 2, 16>, scalar_prefetch = 0 : i64, scratch_operands = 13 : i64, tpu.core_type = #tpu.core_type<sc_vector_subcore>, window_params = [{transform_indices = #map}, {transform_indices = #map1}, {transform_indices = #map}]} {
    %mul3A = arith.constant 2 : i32
    %mul3A_0 = arith.muli %arg1, %mul3A : i32
    %add3A = arith.addi %mul3A_0, %arg0 : i32
    %mul3A_1 = arith.constant 32 : i32
    %mul3A_2 = arith.muli %add3A, %mul3A_1 : i32
    %mul3A_3 = arith.constant 600 : i32
    %mul3A_4 = arith.muli %arg1, %mul3A_3 : i32
    "tpu.region"() ({
      %run_scoped3A = tpu.sem_alloc : memref<!tpu.dma_semaphore, #tpu.memory_space<semaphore_mem>>
      tpu.enqueue_dma source(%arg3 : memref<200x128xf32, #tpu.memory_space<hbm>>) target(%arg5 : memref<200x128xf32, #tpu.memory_space<vmem>>) target_semaphore(%run_scoped3A : memref<!tpu.dma_semaphore, #tpu.memory_space<semaphore_mem>>)
      tpu.wait_dma2 semaphore(%run_scoped3A : memref<!tpu.dma_semaphore, #tpu.memory_space<semaphore_mem>>) src(%arg3 : memref<200x128xf32, #tpu.memory_space<hbm>>) dst(%arg5 : memref<200x128xf32, #tpu.memory_space<vmem>>)
      tpu.yield
    }) : () -> ()
    %iota3A = tpu.iota {dimensions = array<i32: 0>} : vector<16xi32>
    %add3A_5 = arith.constant 0 : i32
    %add3A_6 = arith.addi %mul3A_4, %add3A_5 : i32
    %add3A_7 = arith.constant 0 : i32
    %add3A_8 = arith.addi %add3A_6, %add3A_7 : i32
    %add3A_9 = vector.broadcast %add3A_8 : i32 to vector<16xi32>
    %add3A_10 = arith.addi %add3A_9, %iota3A : vector<16xi32>
    %swap3A = arith.constant 0 : i32
    %swap3A_11 = arith.index_cast %swap3A : i32 to index
    %swap3A_12 = arith.constant 0 : index
    %swap3A_13 = tpu.vector_load %arg6[%swap3A_11, %swap3A_12] {strides = array<i32>} : memref<3x104xi32, #tpu.memory_space<vmem>>, vector<1x16xi32>,
    %swap3A_14 = vector.shape_cast %swap3A_13 : vector<1x16xi32> to vector<16xi32>
    %swap3A_15 = vector.shape_cast %add3A_10 : vector<16xi32> to vector<1x16xi32>
    tpu.vector_store %arg6[%swap3A_11, %swap3A_12], %swap3A_15 {strides = array<i32>} : memref<3x104xi32, #tpu.memory_space<vmem>>, vector<1x16xi32>,
    %add3A_16 = arith.constant 16 : i32
    %add3A_17 = arith.addi %add3A_6, %add3A_16 : i32
    %add3A_18 = vector.broadcast %add3A_17 : i32 to vector<16xi32>
    %add3A_19 = arith.addi %add3A_18, %iota3A : vector<16xi32>
    %swap3A_20 = arith.constant 0 : i32
    %swap3A_21 = arith.index_cast %swap3A_20 : i32 to index
    %swap3A_22 = arith.constant 16 : index
    %swap3A_23 = tpu.vector_load %arg6[%swap3A_21, %swap3A_22] {strides = array<i32>} : memref<3x104xi32, #tpu.memory_space<vmem>>, vector<1x16xi32>,
    %swap3A_24 = vector.shape_cast %swap3A_23 : vector<1x16xi32> to vector<16xi32>
    %swap3A_25 = vector.shape_cast %add3A_19 : vector<16xi32> to vector<1x16xi32>
    tpu.vector_store %arg6[%swap3A_21, %swap3A_22], %swap3A_25 {strides = array<i32>} : memref<3x104xi32, #tpu.memory_space<vmem>>, vector<1x16xi32>,
    %add3A_26 = arith.constant 32 : i32
    %add3A_27 = arith.addi %add3A_6, %add3A_26 : i32
    %add3A_28 = vector.broadcast %add3A_27 : i32 to vector<16xi32>
    %add3A_29 = arith.addi %add3A_28, %iota3A : vector<16xi32>
    %swap3A_30 = arith.constant 0 : i32
    %swap3A_31 = arith.index_cast %swap3A_30 : i32 to index
    %swap3A_32 = arith.constant 32 : index
    %swap3A_33 = tpu.vector_load %arg6[%swap3A_31, %swap3A_32] {strides = array<i32>} : memref<3x104xi32, #tpu.memory_space<vmem>>, vector<1x16xi32>,
    %swap3A_34 = vector.shape_cast %swap3A_33 : vector<1x16xi32> to vector<16xi32>
    %swap3A_35 = vector.shape_cast %add3A_29 : vector<16xi32> to vector<1x16xi32>
    tpu.vector_store %arg6[%swap3A_31, %swap3A_32], %swap3A_35 {strides = array<i32>} : memref<3x104xi32, #tpu.memory_space<vmem>>, vector<1x16xi32>,
    %add3A_36 = arith.constant 48 : i32
    %add3A_37 = arith.addi %add3A_6, %add3A_36 : i32
    %add3A_38 = vector.broadcast %add3A_37 : i32 to vector<16xi32>
    %add3A_39 = arith.addi %add3A_38, %iota3A : vector<16xi32>
    %swap3A_40 = arith.constant 0 : i32
    %swap3A_41 = arith.index_cast %swap3A_40 : i32 to index
    %swap3A_42 = arith.constant 48 : index
    %swap3A_43 = tpu.vector_load %arg6[%swap3A_41, %swap3A_42] {strides = array<i32>} : memref<3x104xi32, #tpu.memory_space<vmem>>, vector<1x16xi32>,
    %swap3A_44 = vector.shape_cast %swap3A_43 : vector<1x16xi32> to vector<16xi32>
    %swap3A_45 = vector.shape_cast %add3A_39 : vector<16xi32> to vector<1x16xi32>
    tpu.vector_store %arg6[%swap3A_41, %swap3A_42], %swap3A_45 {strides = array<i32>} : memref<3x104xi32, #tpu.memory_space<vmem>>, vector<1x16xi32>,
    %add3A_46 = arith.constant 64 : i32
    %add3A_47 = arith.addi %add3A_6, %add3A_46 : i32
    %add3A_48 = vector.broadcast %add3A_47 : i32 to vector<16xi32>
    %add3A_49 = arith.addi %add3A_48, %iota3A : vector<16xi32>
    %swap3A_50 = arith.constant 0 : i32
    %swap3A_51 = arith.index_cast %swap3A_50 : i32 to index
    %swap3A_52 = arith.constant 64 : index
    %swap3A_53 = tpu.vector_load %arg6[%swap3A_51, %swap3A_52] {strides = array<i32>} : memref<3x104xi32, #tpu.memory_space<vmem>>, vector<1x16xi32>,
    %swap3A_54 = vector.shape_cast %swap3A_53 : vector<1x16xi32> to vector<16xi32>
    %swap3A_55 = vector.shape_cast %add3A_49 : vector<16xi32> to vector<1x16xi32>
    tpu.vector_store %arg6[%swap3A_51, %swap3A_52], %swap3A_55 {strides = array<i32>} : memref<3x104xi32, #tpu.memory_space<vmem>>, vector<1x16xi32>,
    %add3A_56 = arith.constant 80 : i32
    %add3A_57 = arith.addi %add3A_6, %add3A_56 : i32
    %add3A_58 = vector.broadcast %add3A_57 : i32 to vector<16xi32>
    %add3A_59 = arith.addi %add3A_58, %iota3A : vector<16xi32>
    %swap3A_60 = arith.constant 0 : i32
    %swap3A_61 = arith.index_cast %swap3A_60 : i32 to index
    %swap3A_62 = arith.constant 80 : index
    %swap3A_63 = tpu.vector_load %arg6[%swap3A_61, %swap3A_62] {strides = array<i32>} : memref<3x104xi32, #tpu.memory_space<vmem>>, vector<1x16xi32>,
    %swap3A_64 = vector.shape_cast %swap3A_63 : vector<1x16xi32> to vector<16xi32>
    %swap3A_65 = vector.shape_cast %add3A_59 : vector<16xi32> to vector<1x16xi32>
    tpu.vector_store %arg6[%swap3A_61, %swap3A_62], %swap3A_65 {strides = array<i32>} : memref<3x104xi32, #tpu.memory_space<vmem>>, vector<1x16xi32>,
    %add3A_66 = arith.constant 88 : i32
    %add3A_67 = arith.addi %add3A_6, %add3A_66 : i32
    %add3A_68 = vector.broadcast %add3A_67 : i32 to vector<16xi32>
    %add3A_69 = arith.addi %add3A_68, %iota3A : vector<16xi32>
    %swap3A_70 = arith.constant 0 : i32
    %swap3A_71 = arith.index_cast %swap3A_70 : i32 to index
    %swap3A_72 = arith.constant 88 : index
    %swap3A_73 = tpu.vector_load %arg6[%swap3A_71, %swap3A_72] {strides = array<i32>} : memref<3x104xi32, #tpu.memory_space<vmem>>, vector<1x16xi32>,
    %swap3A_74 = vector.shape_cast %swap3A_73 : vector<1x16xi32> to vector<16xi32>
    %swap3A_75 = vector.shape_cast %add3A_69 : vector<16xi32> to vector<1x16xi32>
    tpu.vector_store %arg6[%swap3A_71, %swap3A_72], %swap3A_75 {strides = array<i32>} : memref<3x104xi32, #tpu.memory_space<vmem>>, vector<1x16xi32>,
    %add3A_76 = arith.constant 104 : i32
    %add3A_77 = arith.addi %add3A_6, %add3A_76 : i32
    %add3A_78 = arith.constant 0 : i32
    %add3A_79 = arith.addi %add3A_77, %add3A_78 : i32
    %add3A_80 = vector.broadcast %add3A_79 : i32 to vector<16xi32>
    %add3A_81 = arith.addi %add3A_80, %iota3A : vector<16xi32>
    %swap3A_82 = arith.constant 0 : i32
    %swap3A_83 = arith.index_cast %swap3A_82 : i32 to index
    %swap3A_84 = arith.constant 0 : index
    %swap3A_85 = tpu.vector_load %arg7[%swap3A_83, %swap3A_84] {strides = array<i32>} : memref<3x96xi32, #tpu.memory_space<vmem>>, vector<1x16xi32>,
    %swap3A_86 = vector.shape_cast %swap3A_85 : vector<1x16xi32> to vector<16xi32>
    %swap3A_87 = vector.shape_cast %add3A_81 : vector<16xi32> to vector<1x16xi32>
    tpu.vector_store %arg7[%swap3A_83, %swap3A_84], %swap3A_87 {strides = array<i32>} : memref<3x96xi32, #tpu.memory_space<vmem>>, vector<1x16xi32>,
    %add3A_88 = arith.constant 104 : i32
    %add3A_89 = arith.addi %add3A_6, %add3A_88 : i32
    %add3A_90 = arith.constant 16 : i32
    %add3A_91 = arith.addi %add3A_89, %add3A_90 : i32
    %add3A_92 = vector.broadcast %add3A_91 : i32 to vector<16xi32>
    %add3A_93 = arith.addi %add3A_92, %iota3A : vector<16xi32>
    %swap3A_94 = arith.constant 0 : i32
    %swap3A_95 = arith.index_cast %swap3A_94 : i32 to index
    %swap3A_96 = arith.constant 16 : index
    %swap3A_97 = tpu.vector_load %arg7[%swap3A_95, %swap3A_96] {strides = array<i32>} : memref<3x96xi32, #tpu.memory_space<vmem>>, vector<1x16xi32>,
    %swap3A_98 = vector.shape_cast %swap3A_97 : vector<1x16xi32> to vector<16xi32>
    %swap3A_99 = vector.shape_cast %add3A_93 : vector<16xi32> to vector<1x16xi32>
    tpu.vector_store %arg7[%swap3A_95, %swap3A_96], %swap3A_99 {strides = array<i32>} : memref<3x96xi32, #tpu.memory_space<vmem>>, vector<1x16xi32>,
    %add3A_100 = arith.constant 104 : i32
    %add3A_101 = arith.addi %add3A_6, %add3A_100 : i32
    %add3A_102 = arith.constant 32 : i32
    %add3A_103 = arith.addi %add3A_101, %add3A_102 : i32
    %add3A_104 = vector.broadcast %add3A_103 : i32 to vector<16xi32>
    %add3A_105 = arith.addi %add3A_104, %iota3A : vector<16xi32>
    %swap3A_106 = arith.constant 0 : i32
    %swap3A_107 = arith.index_cast %swap3A_106 : i32 to index
    %swap3A_108 = arith.constant 32 : index
    %swap3A_109 = tpu.vector_load %arg7[%swap3A_107, %swap3A_108] {strides = array<i32>} : memref<3x96xi32, #tpu.memory_space<vmem>>, vector<1x16xi32>,
    %swap3A_110 = vector.shape_cast %swap3A_109 : vector<1x16xi32> to vector<16xi32>
    %swap3A_111 = vector.shape_cast %add3A_105 : vector<16xi32> to vector<1x16xi32>
    tpu.vector_store %arg7[%swap3A_107, %swap3A_108], %swap3A_111 {strides = array<i32>} : memref<3x96xi32, #tpu.memory_space<vmem>>, vector<1x16xi32>,
    %add3A_112 = arith.constant 104 : i32
    %add3A_113 = arith.addi %add3A_6, %add3A_112 : i32
    %add3A_114 = arith.constant 48 : i32
    %add3A_115 = arith.addi %add3A_113, %add3A_114 : i32
    %add3A_116 = vector.broadcast %add3A_115 : i32 to vector<16xi32>
    %add3A_117 = arith.addi %add3A_116, %iota3A : vector<16xi32>
    %swap3A_118 = arith.constant 0 : i32
    %swap3A_119 = arith.index_cast %swap3A_118 : i32 to index
    %swap3A_120 = arith.constant 48 : index
    %swap3A_121 = tpu.vector_load %arg7[%swap3A_119, %swap3A_120] {strides = array<i32>} : memref<3x96xi32, #tpu.memory_space<vmem>>, vector<1x16xi32>,
    %swap3A_122 = vector.shape_cast %swap3A_121 : vector<1x16xi32> to vector<16xi32>
    %swap3A_123 = vector.shape_cast %add3A_117 : vector<16xi32> to vector<1x16xi32>
    tpu.vector_store %arg7[%swap3A_119, %swap3A_120], %swap3A_123 {strides = array<i32>} : memref<3x96xi32, #tpu.memory_space<vmem>>, vector<1x16xi32>,
    %add3A_124 = arith.constant 104 : i32
    %add3A_125 = arith.addi %add3A_6, %add3A_124 : i32
    %add3A_126 = arith.constant 64 : i32
    %add3A_127 = arith.addi %add3A_125, %add3A_126 : i32
    %add3A_128 = vector.broadcast %add3A_127 : i32 to vector<16xi32>
    %add3A_129 = arith.addi %add3A_128, %iota3A : vector<16xi32>
    %swap3A_130 = arith.constant 0 : i32
    %swap3A_131 = arith.index_cast %swap3A_130 : i32 to index
    %swap3A_132 = arith.constant 64 : index
    %swap3A_133 = tpu.vector_load %arg7[%swap3A_131, %swap3A_132] {strides = array<i32>} : memref<3x96xi32, #tpu.memory_space<vmem>>, vector<1x16xi32>,
    %swap3A_134 = vector.shape_cast %swap3A_133 : vector<1x16xi32> to vector<16xi32>
    %swap3A_135 = vector.shape_cast %add3A_129 : vector<16xi32> to vector<1x16xi32>
    tpu.vector_store %arg7[%swap3A_131, %swap3A_132], %swap3A_135 {strides = array<i32>} : memref<3x96xi32, #tpu.memory_space<vmem>>, vector<1x16xi32>,
    %add3A_136 = arith.constant 104 : i32
    %add3A_137 = arith.addi %add3A_6, %add3A_136 : i32
    %add3A_138 = arith.constant 80 : i32
    %add3A_139 = arith.addi %add3A_137, %add3A_138 : i32
    %add3A_140 = vector.broadcast %add3A_139 : i32 to vector<16xi32>
    %add3A_141 = arith.addi %add3A_140, %iota3A : vector<16xi32>
    %swap3A_142 = arith.constant 0 : i32
    %swap3A_143 = arith.index_cast %swap3A_142 : i32 to index
    %swap3A_144 = arith.constant 80 : index
    %swap3A_145 = tpu.vector_load %arg7[%swap3A_143, %swap3A_144] {strides = array<i32>} : memref<3x96xi32, #tpu.memory_space<vmem>>, vector<1x16xi32>,
    %swap3A_146 = vector.shape_cast %swap3A_145 : vector<1x16xi32> to vector<16xi32>
    %swap3A_147 = vector.shape_cast %add3A_141 : vector<16xi32> to vector<1x16xi32>
    tpu.vector_store %arg7[%swap3A_143, %swap3A_144], %swap3A_147 {strides = array<i32>} : memref<3x96xi32, #tpu.memory_space<vmem>>, vector<1x16xi32>,
    %add3A_148 = arith.constant 200 : i32
    %add3A_149 = arith.addi %mul3A_4, %add3A_148 : i32
    %add3A_150 = arith.constant 0 : i32
    %add3A_151 = arith.addi %add3A_149, %add3A_150 : i32
    %add3A_152 = vector.broadcast %add3A_151 : i32 to vector<16xi32>
    %add3A_153 = arith.addi %add3A_152, %iota3A : vector<16xi32>
    %swap3A_154 = arith.constant 1 : i32
    %swap3A_155 = arith.index_cast %swap3A_154 : i32 to index
    %swap3A_156 = arith.constant 0 : index
    %swap3A_157 = tpu.vector_load %arg6[%swap3A_155, %swap3A_156] {strides = array<i32>} : memref<3x104xi32, #tpu.memory_space<vmem>>, vector<1x16xi32>,
    %swap3A_158 = vector.shape_cast %swap3A_157 : vector<1x16xi32> to vector<16xi32>
    %swap3A_159 = vector.shape_cast %add3A_153 : vector<16xi32> to vector<1x16xi32>
    tpu.vector_store %arg6[%swap3A_155, %swap3A_156], %swap3A_159 {strides = array<i32>} : memref<3x104xi32, #tpu.memory_space<vmem>>, vector<1x16xi32>,
    %add3A_160 = arith.constant 16 : i32
    %add3A_161 = arith.addi %add3A_149, %add3A_160 : i32
    %add3A_162 = vector.broadcast %add3A_161 : i32 to vector<16xi32>
    %add3A_163 = arith.addi %add3A_162, %iota3A : vector<16xi32>
    %swap3A_164 = arith.constant 1 : i32
    %swap3A_165 = arith.index_cast %swap3A_164 : i32 to index
    %swap3A_166 = arith.constant 16 : index
    %swap3A_167 = tpu.vector_load %arg6[%swap3A_165, %swap3A_166] {strides = array<i32>} : memref<3x104xi32, #tpu.memory_space<vmem>>, vector<1x16xi32>,
    %swap3A_168 = vector.shape_cast %swap3A_167 : vector<1x16xi32> to vector<16xi32>
    %swap3A_169 = vector.shape_cast %add3A_163 : vector<16xi32> to vector<1x16xi32>
    tpu.vector_store %arg6[%swap3A_165, %swap3A_166], %swap3A_169 {strides = array<i32>} : memref<3x104xi32, #tpu.memory_space<vmem>>, vector<1x16xi32>,
    %add3A_170 = arith.constant 32 : i32
    %add3A_171 = arith.addi %add3A_149, %add3A_170 : i32
    %add3A_172 = vector.broadcast %add3A_171 : i32 to vector<16xi32>
    %add3A_173 = arith.addi %add3A_172, %iota3A : vector<16xi32>
    %swap3A_174 = arith.constant 1 : i32
    %swap3A_175 = arith.index_cast %swap3A_174 : i32 to index
    %swap3A_176 = arith.constant 32 : index
    %swap3A_177 = tpu.vector_load %arg6[%swap3A_175, %swap3A_176] {strides = array<i32>} : memref<3x104xi32, #tpu.memory_space<vmem>>, vector<1x16xi32>,
    %swap3A_178 = vector.shape_cast %swap3A_177 : vector<1x16xi32> to vector<16xi32>
    %swap3A_179 = vector.shape_cast %add3A_173 : vector<16xi32> to vector<1x16xi32>
    tpu.vector_store %arg6[%swap3A_175, %swap3A_176], %swap3A_179 {strides = array<i32>} : memref<3x104xi32, #tpu.memory_space<vmem>>, vector<1x16xi32>,
    %add3A_180 = arith.constant 48 : i32
    %add3A_181 = arith.addi %add3A_149, %add3A_180 : i32
    %add3A_182 = vector.broadcast %add3A_181 : i32 to vector<16xi32>
    %add3A_183 = arith.addi %add3A_182, %iota3A : vector<16xi32>
    %swap3A_184 = arith.constant 1 : i32
    %swap3A_185 = arith.index_cast %swap3A_184 : i32 to index
    %swap3A_186 = arith.constant 48 : index
    %swap3A_187 = tpu.vector_load %arg6[%swap3A_185, %swap3A_186] {strides = array<i32>} : memref<3x104xi32, #tpu.memory_space<vmem>>, vector<1x16xi32>,
    %swap3A_188 = vector.shape_cast %swap3A_187 : vector<1x16xi32> to vector<16xi32>
    %swap3A_189 = vector.shape_cast %add3A_183 : vector<16xi32> to vector<1x16xi32>
    tpu.vector_store %arg6[%swap3A_185, %swap3A_186], %swap3A_189 {strides = array<i32>} : memref<3x104xi32, #tpu.memory_space<vmem>>, vector<1x16xi32>,
    %add3A_190 = arith.constant 64 : i32
    %add3A_191 = arith.addi %add3A_149, %add3A_190 : i32
    %add3A_192 = vector.broadcast %add3A_191 : i32 to vector<16xi32>
    %add3A_193 = arith.addi %add3A_192, %iota3A : vector<16xi32>
    %swap3A_194 = arith.constant 1 : i32
    %swap3A_195 = arith.index_cast %swap3A_194 : i32 to index
    %swap3A_196 = arith.constant 64 : index
    %swap3A_197 = tpu.vector_load %arg6[%swap3A_195, %swap3A_196] {strides = array<i32>} : memref<3x104xi32, #tpu.memory_space<vmem>>, vector<1x16xi32>,
    %swap3A_198 = vector.shape_cast %swap3A_197 : vector<1x16xi32> to vector<16xi32>
    %swap3A_199 = vector.shape_cast %add3A_193 : vector<16xi32> to vector<1x16xi32>
    tpu.vector_store %arg6[%swap3A_195, %swap3A_196], %swap3A_199 {strides = array<i32>} : memref<3x104xi32, #tpu.memory_space<vmem>>, vector<1x16xi32>,
    %add3A_200 = arith.constant 80 : i32
    %add3A_201 = arith.addi %add3A_149, %add3A_200 : i32
    %add3A_202 = vector.broadcast %add3A_201 : i32 to vector<16xi32>
    %add3A_203 = arith.addi %add3A_202, %iota3A : vector<16xi32>
    %swap3A_204 = arith.constant 1 : i32
    %swap3A_205 = arith.index_cast %swap3A_204 : i32 to index
    %swap3A_206 = arith.constant 80 : index
    %swap3A_207 = tpu.vector_load %arg6[%swap3A_205, %swap3A_206] {strides = array<i32>} : memref<3x104xi32, #tpu.memory_space<vmem>>, vector<1x16xi32>,
    %swap3A_208 = vector.shape_cast %swap3A_207 : vector<1x16xi32> to vector<16xi32>
    %swap3A_209 = vector.shape_cast %add3A_203 : vector<16xi32> to vector<1x16xi32>
    tpu.vector_store %arg6[%swap3A_205, %swap3A_206], %swap3A_209 {strides = array<i32>} : memref<3x104xi32, #tpu.memory_space<vmem>>, vector<1x16xi32>,
    %add3A_210 = arith.constant 88 : i32
    %add3A_211 = arith.addi %add3A_149, %add3A_210 : i32
    %add3A_212 = vector.broadcast %add3A_211 : i32 to vector<16xi32>
    %add3A_213 = arith.addi %add3A_212, %iota3A : vector<16xi32>
    %swap3A_214 = arith.constant 1 : i32
    %swap3A_215 = arith.index_cast %swap3A_214 : i32 to index
    %swap3A_216 = arith.constant 88 : index
    %swap3A_217 = tpu.vector_load %arg6[%swap3A_215, %swap3A_216] {strides = array<i32>} : memref<3x104xi32, #tpu.memory_space<vmem>>, vector<1x16xi32>,
    %swap3A_218 = vector.shape_cast %swap3A_217 : vector<1x16xi32> to vector<16xi32>
    %swap3A_219 = vector.shape_cast %add3A_213 : vector<16xi32> to vector<1x16xi32>
    tpu.vector_store %arg6[%swap3A_215, %swap3A_216], %swap3A_219 {strides = array<i32>} : memref<3x104xi32, #tpu.memory_space<vmem>>, vector<1x16xi32>,
    %add3A_220 = arith.constant 104 : i32
    %add3A_221 = arith.addi %add3A_149, %add3A_220 : i32
    %add3A_222 = arith.constant 0 : i32
    %add3A_223 = arith.addi %add3A_221, %add3A_222 : i32
    %add3A_224 = vector.broadcast %add3A_223 : i32 to vector<16xi32>
    %add3A_225 = arith.addi %add3A_224, %iota3A : vector<16xi32>
    %swap3A_226 = arith.constant 1 : i32
    %swap3A_227 = arith.index_cast %swap3A_226 : i32 to index
    %swap3A_228 = arith.constant 0 : index
    %swap3A_229 = tpu.vector_load %arg7[%swap3A_227, %swap3A_228] {strides = array<i32>} : memref<3x96xi32, #tpu.memory_space<vmem>>, vector<1x16xi32>,
    %swap3A_230 = vector.shape_cast %swap3A_229 : vector<1x16xi32> to vector<16xi32>
    %swap3A_231 = vector.shape_cast %add3A_225 : vector<16xi32> to vector<1x16xi32>
    tpu.vector_store %arg7[%swap3A_227, %swap3A_228], %swap3A_231 {strides = array<i32>} : memref<3x96xi32, #tpu.memory_space<vmem>>, vector<1x16xi32>,
    %add3A_232 = arith.constant 104 : i32
    %add3A_233 = arith.addi %add3A_149, %add3A_232 : i32
    %add3A_234 = arith.constant 16 : i32
    %add3A_235 = arith.addi %add3A_233, %add3A_234 : i32
    %add3A_236 = vector.broadcast %add3A_235 : i32 to vector<16xi32>
    %add3A_237 = arith.addi %add3A_236, %iota3A : vector<16xi32>
    %swap3A_238 = arith.constant 1 : i32
    %swap3A_239 = arith.index_cast %swap3A_238 : i32 to index
    %swap3A_240 = arith.constant 16 : index
    %swap3A_241 = tpu.vector_load %arg7[%swap3A_239, %swap3A_240] {strides = array<i32>} : memref<3x96xi32, #tpu.memory_space<vmem>>, vector<1x16xi32>,
    %swap3A_242 = vector.shape_cast %swap3A_241 : vector<1x16xi32> to vector<16xi32>
    %swap3A_243 = vector.shape_cast %add3A_237 : vector<16xi32> to vector<1x16xi32>
    tpu.vector_store %arg7[%swap3A_239, %swap3A_240], %swap3A_243 {strides = array<i32>} : memref<3x96xi32, #tpu.memory_space<vmem>>, vector<1x16xi32>,
    %add3A_244 = arith.constant 104 : i32
    %add3A_245 = arith.addi %add3A_149, %add3A_244 : i32
    %add3A_246 = arith.constant 32 : i32
    %add3A_247 = arith.addi %add3A_245, %add3A_246 : i32
    %add3A_248 = vector.broadcast %add3A_247 : i32 to vector<16xi32>
    %add3A_249 = arith.addi %add3A_248, %iota3A : vector<16xi32>
    %swap3A_250 = arith.constant 1 : i32
    %swap3A_251 = arith.index_cast %swap3A_250 : i32 to index
    %swap3A_252 = arith.constant 32 : index
    %swap3A_253 = tpu.vector_load %arg7[%swap3A_251, %swap3A_252] {strides = array<i32>} : memref<3x96xi32, #tpu.memory_space<vmem>>, vector<1x16xi32>,
    %swap3A_254 = vector.shape_cast %swap3A_253 : vector<1x16xi32> to vector<16xi32>
    %swap3A_255 = vector.shape_cast %add3A_249 : vector<16xi32> to vector<1x16xi32>
    tpu.vector_store %arg7[%swap3A_251, %swap3A_252], %swap3A_255 {strides = array<i32>} : memref<3x96xi32, #tpu.memory_space<vmem>>, vector<1x16xi32>,
    %add3A_256 = arith.constant 104 : i32
    %add3A_257 = arith.addi %add3A_149, %add3A_256 : i32
    %add3A_258 = arith.constant 48 : i32
    %add3A_259 = arith.addi %add3A_257, %add3A_258 : i32
    %add3A_260 = vector.broadcast %add3A_259 : i32 to vector<16xi32>
    %add3A_261 = arith.addi %add3A_260, %iota3A : vector<16xi32>
    %swap3A_262 = arith.constant 1 : i32
    %swap3A_263 = arith.index_cast %swap3A_262 : i32 to index
    %swap3A_264 = arith.constant 48 : index
    %swap3A_265 = tpu.vector_load %arg7[%swap3A_263, %swap3A_264] {strides = array<i32>} : memref<3x96xi32, #tpu.memory_space<vmem>>, vector<1x16xi32>,
    %swap3A_266 = vector.shape_cast %swap3A_265 : vector<1x16xi32> to vector<16xi32>
    %swap3A_267 = vector.shape_cast %add3A_261 : vector<16xi32> to vector<1x16xi32>
    tpu.vector_store %arg7[%swap3A_263, %swap3A_264], %swap3A_267 {strides = array<i32>} : memref<3x96xi32, #tpu.memory_space<vmem>>, vector<1x16xi32>,
    %add3A_268 = arith.constant 104 : i32
    %add3A_269 = arith.addi %add3A_149, %add3A_268 : i32
    %add3A_270 = arith.constant 64 : i32
    %add3A_271 = arith.addi %add3A_269, %add3A_270 : i32
    %add3A_272 = vector.broadcast %add3A_271 : i32 to vector<16xi32>
    %add3A_273 = arith.addi %add3A_272, %iota3A : vector<16xi32>
    %swap3A_274 = arith.constant 1 : i32
    %swap3A_275 = arith.index_cast %swap3A_274 : i32 to index
    %swap3A_276 = arith.constant 64 : index
    %swap3A_277 = tpu.vector_load %arg7[%swap3A_275, %swap3A_276] {strides = array<i32>} : memref<3x96xi32, #tpu.memory_space<vmem>>, vector<1x16xi32>,
    %swap3A_278 = vector.shape_cast %swap3A_277 : vector<1x16xi32> to vector<16xi32>
    %swap3A_279 = vector.shape_cast %add3A_273 : vector<16xi32> to vector<1x16xi32>
    tpu.vector_store %arg7[%swap3A_275, %swap3A_276], %swap3A_279 {strides = array<i32>} : memref<3x96xi32, #tpu.memory_space<vmem>>, vector<1x16xi32>,
    %add3A_280 = arith.constant 104 : i32
    %add3A_281 = arith.addi %add3A_149, %add3A_280 : i32
    %add3A_282 = arith.constant 80 : i32
    %add3A_283 = arith.addi %add3A_281, %add3A_282 : i32
    %add3A_284 = vector.broadcast %add3A_283 : i32 to vector<16xi32>
    %add3A_285 = arith.addi %add3A_284, %iota3A : vector<16xi32>
    %swap3A_286 = arith.constant 1 : i32
    %swap3A_287 = arith.index_cast %swap3A_286 : i32 to index
    %swap3A_288 = arith.constant 80 : index
    %swap3A_289 = tpu.vector_load %arg7[%swap3A_287, %swap3A_288] {strides = array<i32>} : memref<3x96xi32, #tpu.memory_space<vmem>>, vector<1x16xi32>,
    %swap3A_290 = vector.shape_cast %swap3A_289 : vector<1x16xi32> to vector<16xi32>
    %swap3A_291 = vector.shape_cast %add3A_285 : vector<16xi32> to vector<1x16xi32>
    tpu.vector_store %arg7[%swap3A_287, %swap3A_288], %swap3A_291 {strides = array<i32>} : memref<3x96xi32, #tpu.memory_space<vmem>>, vector<1x16xi32>,
    %add3A_292 = arith.constant 400 : i32
    %add3A_293 = arith.addi %mul3A_4, %add3A_292 : i32
    %add3A_294 = arith.constant 0 : i32
    %add3A_295 = arith.addi %add3A_293, %add3A_294 : i32
    %add3A_296 = vector.broadcast %add3A_295 : i32 to vector<16xi32>
    %add3A_297 = arith.addi %add3A_296, %iota3A : vector<16xi32>
    %swap3A_298 = arith.constant 2 : i32
    %swap3A_299 = arith.index_cast %swap3A_298 : i32 to index
    %swap3A_300 = arith.constant 0 : index
    %swap3A_301 = tpu.vector_load %arg6[%swap3A_299, %swap3A_300] {strides = array<i32>} : memref<3x104xi32, #tpu.memory_space<vmem>>, vector<1x16xi32>,
    %swap3A_302 = vector.shape_cast %swap3A_301 : vector<1x16xi32> to vector<16xi32>
    %swap3A_303 = vector.shape_cast %add3A_297 : vector<16xi32> to vector<1x16xi32>
    tpu.vector_store %arg6[%swap3A_299, %swap3A_300], %swap3A_303 {strides = array<i32>} : memref<3x104xi32, #tpu.memory_space<vmem>>, vector<1x16xi32>,
    %add3A_304 = arith.constant 16 : i32
    %add3A_305 = arith.addi %add3A_293, %add3A_304 : i32
    %add3A_306 = vector.broadcast %add3A_305 : i32 to vector<16xi32>
    %add3A_307 = arith.addi %add3A_306, %iota3A : vector<16xi32>
    %swap3A_308 = arith.constant 2 : i32
    %swap3A_309 = arith.index_cast %swap3A_308 : i32 to index
    %swap3A_310 = arith.constant 16 : index
    %swap3A_311 = tpu.vector_load %arg6[%swap3A_309, %swap3A_310] {strides = array<i32>} : memref<3x104xi32, #tpu.memory_space<vmem>>, vector<1x16xi32>,
    %swap3A_312 = vector.shape_cast %swap3A_311 : vector<1x16xi32> to vector<16xi32>
    %swap3A_313 = vector.shape_cast %add3A_307 : vector<16xi32> to vector<1x16xi32>
    tpu.vector_store %arg6[%swap3A_309, %swap3A_310], %swap3A_313 {strides = array<i32>} : memref<3x104xi32, #tpu.memory_space<vmem>>, vector<1x16xi32>,
    %add3A_314 = arith.constant 32 : i32
    %add3A_315 = arith.addi %add3A_293, %add3A_314 : i32
    %add3A_316 = vector.broadcast %add3A_315 : i32 to vector<16xi32>
    %add3A_317 = arith.addi %add3A_316, %iota3A : vector<16xi32>
    %swap3A_318 = arith.constant 2 : i32
    %swap3A_319 = arith.index_cast %swap3A_318 : i32 to index
    %swap3A_320 = arith.constant 32 : index
    %swap3A_321 = tpu.vector_load %arg6[%swap3A_319, %swap3A_320] {strides = array<i32>} : memref<3x104xi32, #tpu.memory_space<vmem>>, vector<1x16xi32>,
    %swap3A_322 = vector.shape_cast %swap3A_321 : vector<1x16xi32> to vector<16xi32>
    %swap3A_323 = vector.shape_cast %add3A_317 : vector<16xi32> to vector<1x16xi32>
    tpu.vector_store %arg6[%swap3A_319, %swap3A_320], %swap3A_323 {strides = array<i32>} : memref<3x104xi32, #tpu.memory_space<vmem>>, vector<1x16xi32>,
    %add3A_324 = arith.constant 48 : i32
    %add3A_325 = arith.addi %add3A_293, %add3A_324 : i32
    %add3A_326 = vector.broadcast %add3A_325 : i32 to vector<16xi32>
    %add3A_327 = arith.addi %add3A_326, %iota3A : vector<16xi32>
    %swap3A_328 = arith.constant 2 : i32
    %swap3A_329 = arith.index_cast %swap3A_328 : i32 to index
    %swap3A_330 = arith.constant 48 : index
    %swap3A_331 = tpu.vector_load %arg6[%swap3A_329, %swap3A_330] {strides = array<i32>} : memref<3x104xi32, #tpu.memory_space<vmem>>, vector<1x16xi32>,
    %swap3A_332 = vector.shape_cast %swap3A_331 : vector<1x16xi32> to vector<16xi32>
    %swap3A_333 = vector.shape_cast %add3A_327 : vector<16xi32> to vector<1x16xi32>
    tpu.vector_store %arg6[%swap3A_329, %swap3A_330], %swap3A_333 {strides = array<i32>} : memref<3x104xi32, #tpu.memory_space<vmem>>, vector<1x16xi32>,
    %add3A_334 = arith.constant 64 : i32
    %add3A_335 = arith.addi %add3A_293, %add3A_334 : i32
    %add3A_336 = vector.broadcast %add3A_335 : i32 to vector<16xi32>
    %add3A_337 = arith.addi %add3A_336, %iota3A : vector<16xi32>
    %swap3A_338 = arith.constant 2 : i32
    %swap3A_339 = arith.index_cast %swap3A_338 : i32 to index
    %swap3A_340 = arith.constant 64 : index
    %swap3A_341 = tpu.vector_load %arg6[%swap3A_339, %swap3A_340] {strides = array<i32>} : memref<3x104xi32, #tpu.memory_space<vmem>>, vector<1x16xi32>,
    %swap3A_342 = vector.shape_cast %swap3A_341 : vector<1x16xi32> to vector<16xi32>
    %swap3A_343 = vector.shape_cast %add3A_337 : vector<16xi32> to vector<1x16xi32>
    tpu.vector_store %arg6[%swap3A_339, %swap3A_340], %swap3A_343 {strides = array<i32>} : memref<3x104xi32, #tpu.memory_space<vmem>>, vector<1x16xi32>,
    %add3A_344 = arith.constant 80 : i32
    %add3A_345 = arith.addi %add3A_293, %add3A_344 : i32
    %add3A_346 = vector.broadcast %add3A_345 : i32 to vector<16xi32>
    %add3A_347 = arith.addi %add3A_346, %iota3A : vector<16xi32>
    %swap3A_348 = arith.constant 2 : i32
    %swap3A_349 = arith.index_cast %swap3A_348 : i32 to index
    %swap3A_350 = arith.constant 80 : index
    %swap3A_351 = tpu.vector_load %arg6[%swap3A_349, %swap3A_350] {strides = array<i32>} : memref<3x104xi32, #tpu.memory_space<vmem>>, vector<1x16xi32>,
    %swap3A_352 = vector.shape_cast %swap3A_351 : vector<1x16xi32> to vector<16xi32>
    %swap3A_353 = vector.shape_cast %add3A_347 : vector<16xi32> to vector<1x16xi32>
    tpu.vector_store %arg6[%swap3A_349, %swap3A_350], %swap3A_353 {strides = array<i32>} : memref<3x104xi32, #tpu.memory_space<vmem>>, vector<1x16xi32>,
    %add3A_354 = arith.constant 88 : i32
    %add3A_355 = arith.addi %add3A_293, %add3A_354 : i32
    %add3A_356 = vector.broadcast %add3A_355 : i32 to vector<16xi32>
    %add3A_357 = arith.addi %add3A_356, %iota3A : vector<16xi32>
    %swap3A_358 = arith.constant 2 : i32
    %swap3A_359 = arith.index_cast %swap3A_358 : i32 to index
    %swap3A_360 = arith.constant 88 : index
    %swap3A_361 = tpu.vector_load %arg6[%swap3A_359, %swap3A_360] {strides = array<i32>} : memref<3x104xi32, #tpu.memory_space<vmem>>, vector<1x16xi32>,
    %swap3A_362 = vector.shape_cast %swap3A_361 : vector<1x16xi32> to vector<16xi32>
    %swap3A_363 = vector.shape_cast %add3A_357 : vector<16xi32> to vector<1x16xi32>
    tpu.vector_store %arg6[%swap3A_359, %swap3A_360], %swap3A_363 {strides = array<i32>} : memref<3x104xi32, #tpu.memory_space<vmem>>, vector<1x16xi32>,
    %add3A_364 = arith.constant 104 : i32
    %add3A_365 = arith.addi %add3A_293, %add3A_364 : i32
    %add3A_366 = arith.constant 0 : i32
    %add3A_367 = arith.addi %add3A_365, %add3A_366 : i32
    %add3A_368 = vector.broadcast %add3A_367 : i32 to vector<16xi32>
    %add3A_369 = arith.addi %add3A_368, %iota3A : vector<16xi32>
    %swap3A_370 = arith.constant 2 : i32
    %swap3A_371 = arith.index_cast %swap3A_370 : i32 to index
    %swap3A_372 = arith.constant 0 : index
    %swap3A_373 = tpu.vector_load %arg7[%swap3A_371, %swap3A_372] {strides = array<i32>} : memref<3x96xi32, #tpu.memory_space<vmem>>, vector<1x16xi32>,
    %swap3A_374 = vector.shape_cast %swap3A_373 : vector<1x16xi32> to vector<16xi32>
    %swap3A_375 = vector.shape_cast %add3A_369 : vector<16xi32> to vector<1x16xi32>
    tpu.vector_store %arg7[%swap3A_371, %swap3A_372], %swap3A_375 {strides = array<i32>} : memref<3x96xi32, #tpu.memory_space<vmem>>, vector<1x16xi32>,
    %add3A_376 = arith.constant 104 : i32
    %add3A_377 = arith.addi %add3A_293, %add3A_376 : i32
    %add3A_378 = arith.constant 16 : i32
    %add3A_379 = arith.addi %add3A_377, %add3A_378 : i32
    %add3A_380 = vector.broadcast %add3A_379 : i32 to vector<16xi32>
    %add3A_381 = arith.addi %add3A_380, %iota3A : vector<16xi32>
    %swap3A_382 = arith.constant 2 : i32
    %swap3A_383 = arith.index_cast %swap3A_382 : i32 to index
    %swap3A_384 = arith.constant 16 : index
    %swap3A_385 = tpu.vector_load %arg7[%swap3A_383, %swap3A_384] {strides = array<i32>} : memref<3x96xi32, #tpu.memory_space<vmem>>, vector<1x16xi32>,
    %swap3A_386 = vector.shape_cast %swap3A_385 : vector<1x16xi32> to vector<16xi32>
    %swap3A_387 = vector.shape_cast %add3A_381 : vector<16xi32> to vector<1x16xi32>
    tpu.vector_store %arg7[%swap3A_383, %swap3A_384], %swap3A_387 {strides = array<i32>} : memref<3x96xi32, #tpu.memory_space<vmem>>, vector<1x16xi32>,
    %add3A_388 = arith.constant 104 : i32
    %add3A_389 = arith.addi %add3A_293, %add3A_388 : i32
    %add3A_390 = arith.constant 32 : i32
    %add3A_391 = arith.addi %add3A_389, %add3A_390 : i32
    %add3A_392 = vector.broadcast %add3A_391 : i32 to vector<16xi32>
    %add3A_393 = arith.addi %add3A_392, %iota3A : vector<16xi32>
    %swap3A_394 = arith.constant 2 : i32
    %swap3A_395 = arith.index_cast %swap3A_394 : i32 to index
    %swap3A_396 = arith.constant 32 : index
    %swap3A_397 = tpu.vector_load %arg7[%swap3A_395, %swap3A_396] {strides = array<i32>} : memref<3x96xi32, #tpu.memory_space<vmem>>, vector<1x16xi32>,
    %swap3A_398 = vector.shape_cast %swap3A_397 : vector<1x16xi32> to vector<16xi32>
    %swap3A_399 = vector.shape_cast %add3A_393 : vector<16xi32> to vector<1x16xi32>
    tpu.vector_store %arg7[%swap3A_395, %swap3A_396], %swap3A_399 {strides = array<i32>} : memref<3x96xi32, #tpu.memory_space<vmem>>, vector<1x16xi32>,
    %add3A_400 = arith.constant 104 : i32
    %add3A_401 = arith.addi %add3A_293, %add3A_400 : i32
    %add3A_402 = arith.constant 48 : i32
    %add3A_403 = arith.addi %add3A_401, %add3A_402 : i32
    %add3A_404 = vector.broadcast %add3A_403 : i32 to vector<16xi32>
    %add3A_405 = arith.addi %add3A_404, %iota3A : vector<16xi32>
    %swap3A_406 = arith.constant 2 : i32
    %swap3A_407 = arith.index_cast %swap3A_406 : i32 to index
    %swap3A_408 = arith.constant 48 : index
    %swap3A_409 = tpu.vector_load %arg7[%swap3A_407, %swap3A_408] {strides = array<i32>} : memref<3x96xi32, #tpu.memory_space<vmem>>, vector<1x16xi32>,
    %swap3A_410 = vector.shape_cast %swap3A_409 : vector<1x16xi32> to vector<16xi32>
    %swap3A_411 = vector.shape_cast %add3A_405 : vector<16xi32> to vector<1x16xi32>
    tpu.vector_store %arg7[%swap3A_407, %swap3A_408], %swap3A_411 {strides = array<i32>} : memref<3x96xi32, #tpu.memory_space<vmem>>, vector<1x16xi32>,
    %add3A_412 = arith.constant 104 : i32
    %add3A_413 = arith.addi %add3A_293, %add3A_412 : i32
    %add3A_414 = arith.constant 64 : i32
    %add3A_415 = arith.addi %add3A_413, %add3A_414 : i32
    %add3A_416 = vector.broadcast %add3A_415 : i32 to vector<16xi32>
    %add3A_417 = arith.addi %add3A_416, %iota3A : vector<16xi32>
    %swap3A_418 = arith.constant 2 : i32
    %swap3A_419 = arith.index_cast %swap3A_418 : i32 to index
    %swap3A_420 = arith.constant 64 : index
    %swap3A_421 = tpu.vector_load %arg7[%swap3A_419, %swap3A_420] {strides = array<i32>} : memref<3x96xi32, #tpu.memory_space<vmem>>, vector<1x16xi32>,
    %swap3A_422 = vector.shape_cast %swap3A_421 : vector<1x16xi32> to vector<16xi32>
    %swap3A_423 = vector.shape_cast %add3A_417 : vector<16xi32> to vector<1x16xi32>
    tpu.vector_store %arg7[%swap3A_419, %swap3A_420], %swap3A_423 {strides = array<i32>} : memref<3x96xi32, #tpu.memory_space<vmem>>, vector<1x16xi32>,
    %add3A_424 = arith.constant 104 : i32
    %add3A_425 = arith.addi %add3A_293, %add3A_424 : i32
    %add3A_426 = arith.constant 80 : i32
    %add3A_427 = arith.addi %add3A_425, %add3A_426 : i32
    %add3A_428 = vector.broadcast %add3A_427 : i32 to vector<16xi32>
    %add3A_429 = arith.addi %add3A_428, %iota3A : vector<16xi32>
    %swap3A_430 = arith.constant 2 : i32
    %swap3A_431 = arith.index_cast %swap3A_430 : i32 to index
    %swap3A_432 = arith.constant 80 : index
    %swap3A_433 = tpu.vector_load %arg7[%swap3A_431, %swap3A_432] {strides = array<i32>} : memref<3x96xi32, #tpu.memory_space<vmem>>, vector<1x16xi32>,
    %swap3A_434 = vector.shape_cast %swap3A_433 : vector<1x16xi32> to vector<16xi32>
    %swap3A_435 = vector.shape_cast %add3A_429 : vector<16xi32> to vector<1x16xi32>
    tpu.vector_store %arg7[%swap3A_431, %swap3A_432], %swap3A_435 {strides = array<i32>} : memref<3x96xi32, #tpu.memory_space<vmem>>, vector<1x16xi32>,
    %add3A_436 = arith.constant 0 : i32
    %add3A_437 = arith.addi %mul3A_2, %add3A_436 : i32
    %add3A_438 = arith.constant 0 : i32
    %add3A_439 = arith.addi %mul3A_4, %add3A_438 : i32
    %dma_start3A = arith.constant 0 : i32
    %dma_start3A_440 = tpu.memref_slice %arg8[%add3A_439, %dma_start3A] : memref<9600x128xf32, #tpu.memory_space<vmem_shared>> -> memref<200x128xf32, #tpu.memory_space<vmem_shared>>
    %dma_start3A_441 = arith.constant 0 : i32
    %dma_start3A_442 = arith.constant 0 : i32
    %dma_start3A_443 = tpu.memref_slice %arg2[%add3A_437, %dma_start3A_441, %dma_start3A_442] : memref<1024x200x128xf32, #tpu.memory_space<hbm>> -> memref<1x200x128xf32, #tpu.memory_space<hbm>>
    %dma_start3A_444 = tpu.memref_squeeze %dma_start3A_443 : memref<1x200x128xf32, #tpu.memory_space<hbm>> -> memref<200x128xf32, #tpu.memory_space<hbm>>
    tpu.enqueue_dma source(%dma_start3A_444 : memref<200x128xf32, #tpu.memory_space<hbm>>) target(%dma_start3A_440 : memref<200x128xf32, #tpu.memory_space<vmem_shared>>) target_semaphore(%arg9 : memref<!tpu.dma_semaphore, #tpu.memory_space<semaphore_mem>>)
    %add3A_445 = arith.constant 1 : i32
    %add3A_446 = arith.addi %mul3A_2, %add3A_445 : i32
    %add3A_447 = arith.constant 200 : i32
    %add3A_448 = arith.addi %mul3A_4, %add3A_447 : i32
    %dma_start3A_449 = arith.constant 0 : i32
    %dma_start3A_450 = tpu.memref_slice %arg8[%add3A_448, %dma_start3A_449] : memref<9600x128xf32, #tpu.memory_space<vmem_shared>> -> memref<200x128xf32, #tpu.memory_space<vmem_shared>>
    %dma_start3A_451 = arith.constant 0 : i32
    %dma_start3A_452 = arith.constant 0 : i32
    %dma_start3A_453 = tpu.memref_slice %arg2[%add3A_446, %dma_start3A_451, %dma_start3A_452] : memref<1024x200x128xf32, #tpu.memory_space<hbm>> -> memref<1x200x128xf32, #tpu.memory_space<hbm>>
    %dma_start3A_454 = tpu.memref_squeeze %dma_start3A_453 : memref<1x200x128xf32, #tpu.memory_space<hbm>> -> memref<200x128xf32, #tpu.memory_space<hbm>>
    tpu.enqueue_dma source(%dma_start3A_454 : memref<200x128xf32, #tpu.memory_space<hbm>>) target(%dma_start3A_450 : memref<200x128xf32, #tpu.memory_space<vmem_shared>>) target_semaphore(%arg10 : memref<!tpu.dma_semaphore, #tpu.memory_space<semaphore_mem>>)
    %add3A_455 = arith.constant 2 : i32
    %add3A_456 = arith.addi %mul3A_2, %add3A_455 : i32
    %add3A_457 = arith.constant 400 : i32
    %add3A_458 = arith.addi %mul3A_4, %add3A_457 : i32
    %dma_start3A_459 = arith.constant 0 : i32
    %dma_start3A_460 = tpu.memref_slice %arg8[%add3A_458, %dma_start3A_459] : memref<9600x128xf32, #tpu.memory_space<vmem_shared>> -> memref<200x128xf32, #tpu.memory_space<vmem_shared>>
    %dma_start3A_461 = arith.constant 0 : i32
    %dma_start3A_462 = arith.constant 0 : i32
    %dma_start3A_463 = tpu.memref_slice %arg2[%add3A_456, %dma_start3A_461, %dma_start3A_462] : memref<1024x200x128xf32, #tpu.memory_space<hbm>> -> memref<1x200x128xf32, #tpu.memory_space<hbm>>
    %dma_start3A_464 = tpu.memref_squeeze %dma_start3A_463 : memref<1x200x128xf32, #tpu.memory_space<hbm>> -> memref<200x128xf32, #tpu.memory_space<hbm>>
    tpu.enqueue_dma source(%dma_start3A_464 : memref<200x128xf32, #tpu.memory_space<hbm>>) target(%dma_start3A_460 : memref<200x128xf32, #tpu.memory_space<vmem_shared>>) target_semaphore(%arg11 : memref<!tpu.dma_semaphore, #tpu.memory_space<semaphore_mem>>)
    %add3A_465 = arith.constant 0 : i32
    %add3A_466 = arith.addi %mul3A_2, %add3A_465 : i32
    %add3A_467 = arith.constant 0 : i32
    %add3A_468 = arith.addi %mul3A_4, %add3A_467 : i32
    %dma_wait3A = arith.constant 0 : i32
    %dma_wait3A_469 = tpu.memref_slice %arg8[%add3A_468, %dma_wait3A] : memref<9600x128xf32, #tpu.memory_space<vmem_shared>> -> memref<200x128xf32, #tpu.memory_space<vmem_shared>>
    %dma_wait3A_470 = arith.constant 0 : i32
    %dma_wait3A_471 = arith.constant 0 : i32
    %dma_wait3A_472 = tpu.memref_slice %arg2[%add3A_466, %dma_wait3A_470, %dma_wait3A_471] : memref<1024x200x128xf32, #tpu.memory_space<hbm>> -> memref<1x200x128xf32, #tpu.memory_space<hbm>>
    %dma_wait3A_473 = tpu.memref_squeeze %dma_wait3A_472 : memref<1x200x128xf32, #tpu.memory_space<hbm>> -> memref<200x128xf32, #tpu.memory_space<hbm>>
    tpu.wait_dma2 semaphore(%arg9 : memref<!tpu.dma_semaphore, #tpu.memory_space<semaphore_mem>>) src(%dma_wait3A_473 : memref<200x128xf32, #tpu.memory_space<hbm>>) dst(%dma_wait3A_469 : memref<200x128xf32, #tpu.memory_space<vmem_shared>>)
    %dma_start3A_474 = arith.constant 0 : i32
    %dma_start3A_475 = arith.constant 0 : i32
    %dma_start3A_476 = arith.constant 0 : i32
    %dma_start3A_477 = tpu.memref_slice %arg5[%dma_start3A_475, %dma_start3A_476] : memref<200x128xf32, #tpu.memory_space<vmem>> -> memref<104x128xf32, #tpu.memory_space<vmem>>
    %dma_start3A_478 = arith.constant 0 : i32
    %dma_start3A_479 = tpu.memref_slice %arg6[%dma_start3A_474, %dma_start3A_478] : memref<3x104xi32, #tpu.memory_space<vmem>> -> memref<1x104xi32, #tpu.memory_space<vmem>>
    %dma_start3A_480 = tpu.memref_squeeze %dma_start3A_479 : memref<1x104xi32, #tpu.memory_space<vmem>> -> memref<104xi32, #tpu.memory_space<vmem>>
    %dma_start3A_481 = arith.constant 0 : i32
    %dma_start3A_482 = arith.constant 0 : i32
    %dma_start3A_483 = tpu.memref_slice %arg8[%dma_start3A_481, %dma_start3A_482] : memref<9600x128xf32, #tpu.memory_space<vmem_shared>> -> memref<9600x128xf32, #tpu.memory_space<vmem_shared>>
    tpu.enqueue_indirect_dma source(%dma_start3A_477 : memref<104x128xf32, #tpu.memory_space<vmem>>) target(%dma_start3A_483 : memref<9600x128xf32, #tpu.memory_space<vmem_shared>>) offsets(%dma_start3A_480 : memref<104xi32, #tpu.memory_space<vmem>>) semaphore(%arg12 : memref<!tpu.dma_semaphore, #tpu.memory_space<semaphore_mem>>) {add = true}
    %dma_start3A_484 = arith.constant 0 : i32
    %dma_start3A_485 = arith.constant 104 : i32
    %dma_start3A_486 = arith.constant 0 : i32
    %dma_start3A_487 = tpu.memref_slice %arg5[%dma_start3A_485, %dma_start3A_486] : memref<200x128xf32, #tpu.memory_space<vmem>> -> memref<96x128xf32, #tpu.memory_space<vmem>>
    %dma_start3A_488 = arith.constant 0 : i32
    %dma_start3A_489 = tpu.memref_slice %arg7[%dma_start3A_484, %dma_start3A_488] : memref<3x96xi32, #tpu.memory_space<vmem>> -> memref<1x96xi32, #tpu.memory_space<vmem>>
    %dma_start3A_490 = tpu.memref_squeeze %dma_start3A_489 : memref<1x96xi32, #tpu.memory_space<vmem>> -> memref<96xi32, #tpu.memory_space<vmem>>
    %dma_start3A_491 = arith.constant 0 : i32
    %dma_start3A_492 = arith.constant 0 : i32
    %dma_start3A_493 = tpu.memref_slice %arg8[%dma_start3A_491, %dma_start3A_492] : memref<9600x128xf32, #tpu.memory_space<vmem_shared>> -> memref<9600x128xf32, #tpu.memory_space<vmem_shared>>
    tpu.enqueue_indirect_dma source(%dma_start3A_487 : memref<96x128xf32, #tpu.memory_space<vmem>>) target(%dma_start3A_493 : memref<9600x128xf32, #tpu.memory_space<vmem_shared>>) offsets(%dma_start3A_490 : memref<96xi32, #tpu.memory_space<vmem>>) semaphore(%arg12 : memref<!tpu.dma_semaphore, #tpu.memory_space<semaphore_mem>>) {add = true}
    %add3A_494 = arith.constant 1 : i32
    %add3A_495 = arith.addi %mul3A_2, %add3A_494 : i32
    %add3A_496 = arith.constant 200 : i32
    %add3A_497 = arith.addi %mul3A_4, %add3A_496 : i32
    %dma_wait3A_498 = arith.constant 0 : i32
    %dma_wait3A_499 = tpu.memref_slice %arg8[%add3A_497, %dma_wait3A_498] : memref<9600x128xf32, #tpu.memory_space<vmem_shared>> -> memref<200x128xf32, #tpu.memory_space<vmem_shared>>
    %dma_wait3A_500 = arith.constant 0 : i32
    %dma_wait3A_501 = arith.constant 0 : i32
    %dma_wait3A_502 = tpu.memref_slice %arg2[%add3A_495, %dma_wait3A_500, %dma_wait3A_501] : memref<1024x200x128xf32, #tpu.memory_space<hbm>> -> memref<1x200x128xf32, #tpu.memory_space<hbm>>
    %dma_wait3A_503 = tpu.memref_squeeze %dma_wait3A_502 : memref<1x200x128xf32, #tpu.memory_space<hbm>> -> memref<200x128xf32, #tpu.memory_space<hbm>>
    tpu.wait_dma2 semaphore(%arg10 : memref<!tpu.dma_semaphore, #tpu.memory_space<semaphore_mem>>) src(%dma_wait3A_503 : memref<200x128xf32, #tpu.memory_space<hbm>>) dst(%dma_wait3A_499 : memref<200x128xf32, #tpu.memory_space<vmem_shared>>)
    %dma_start3A_504 = arith.constant 1 : i32
    %dma_start3A_505 = arith.constant 0 : i32
    %dma_start3A_506 = arith.constant 0 : i32
    %dma_start3A_507 = tpu.memref_slice %arg5[%dma_start3A_505, %dma_start3A_506] : memref<200x128xf32, #tpu.memory_space<vmem>> -> memref<104x128xf32, #tpu.memory_space<vmem>>
    %dma_start3A_508 = arith.constant 0 : i32
    %dma_start3A_509 = tpu.memref_slice %arg6[%dma_start3A_504, %dma_start3A_508] : memref<3x104xi32, #tpu.memory_space<vmem>> -> memref<1x104xi32, #tpu.memory_space<vmem>>
    %dma_start3A_510 = tpu.memref_squeeze %dma_start3A_509 : memref<1x104xi32, #tpu.memory_space<vmem>> -> memref<104xi32, #tpu.memory_space<vmem>>
    %dma_start3A_511 = arith.constant 0 : i32
    %dma_start3A_512 = arith.constant 0 : i32
    %dma_start3A_513 = tpu.memref_slice %arg8[%dma_start3A_511, %dma_start3A_512] : memref<9600x128xf32, #tpu.memory_space<vmem_shared>> -> memref<9600x128xf32, #tpu.memory_space<vmem_shared>>
    tpu.enqueue_indirect_dma source(%dma_start3A_507 : memref<104x128xf32, #tpu.memory_space<vmem>>) target(%dma_start3A_513 : memref<9600x128xf32, #tpu.memory_space<vmem_shared>>) offsets(%dma_start3A_510 : memref<104xi32, #tpu.memory_space<vmem>>) semaphore(%arg13 : memref<!tpu.dma_semaphore, #tpu.memory_space<semaphore_mem>>) {add = true}
    %dma_start3A_514 = arith.constant 1 : i32
    %dma_start3A_515 = arith.constant 104 : i32
    %dma_start3A_516 = arith.constant 0 : i32
    %dma_start3A_517 = tpu.memref_slice %arg5[%dma_start3A_515, %dma_start3A_516] : memref<200x128xf32, #tpu.memory_space<vmem>> -> memref<96x128xf32, #tpu.memory_space<vmem>>
    %dma_start3A_518 = arith.constant 0 : i32
    %dma_start3A_519 = tpu.memref_slice %arg7[%dma_start3A_514, %dma_start3A_518] : memref<3x96xi32, #tpu.memory_space<vmem>> -> memref<1x96xi32, #tpu.memory_space<vmem>>
    %dma_start3A_520 = tpu.memref_squeeze %dma_start3A_519 : memref<1x96xi32, #tpu.memory_space<vmem>> -> memref<96xi32, #tpu.memory_space<vmem>>
    %dma_start3A_521 = arith.constant 0 : i32
    %dma_start3A_522 = arith.constant 0 : i32
    %dma_start3A_523 = tpu.memref_slice %arg8[%dma_start3A_521, %dma_start3A_522] : memref<9600x128xf32, #tpu.memory_space<vmem_shared>> -> memref<9600x128xf32, #tpu.memory_space<vmem_shared>>
    tpu.enqueue_indirect_dma source(%dma_start3A_517 : memref<96x128xf32, #tpu.memory_space<vmem>>) target(%dma_start3A_523 : memref<9600x128xf32, #tpu.memory_space<vmem_shared>>) offsets(%dma_start3A_520 : memref<96xi32, #tpu.memory_space<vmem>>) semaphore(%arg13 : memref<!tpu.dma_semaphore, #tpu.memory_space<semaphore_mem>>) {add = true}
    %dma_wait3A_524 = arith.constant 0 : i32
    %dma_wait3A_525 = arith.constant 0 : i32
    %dma_wait3A_526 = arith.constant 0 : i32
    %dma_wait3A_527 = tpu.memref_slice %arg5[%dma_wait3A_525, %dma_wait3A_526] : memref<200x128xf32, #tpu.memory_space<vmem>> -> memref<104x128xf32, #tpu.memory_space<vmem>>
    %dma_wait3A_528 = arith.constant 0 : i32
    %dma_wait3A_529 = tpu.memref_slice %arg6[%dma_wait3A_524, %dma_wait3A_528] : memref<3x104xi32, #tpu.memory_space<vmem>> -> memref<1x104xi32, #tpu.memory_space<vmem>>
    %dma_wait3A_530 = tpu.memref_squeeze %dma_wait3A_529 : memref<1x104xi32, #tpu.memory_space<vmem>> -> memref<104xi32, #tpu.memory_space<vmem>>
    %dma_wait3A_531 = arith.constant 0 : i32
    %dma_wait3A_532 = arith.constant 0 : i32
    %dma_wait3A_533 = tpu.memref_slice %arg8[%dma_wait3A_531, %dma_wait3A_532] : memref<9600x128xf32, #tpu.memory_space<vmem_shared>> -> memref<9600x128xf32, #tpu.memory_space<vmem_shared>>
    tpu.wait_indirect_dma semaphore(%arg12 : memref<!tpu.dma_semaphore, #tpu.memory_space<semaphore_mem>>) src(%dma_wait3A_527 : memref<104x128xf32, #tpu.memory_space<vmem>>) dst(%dma_wait3A_533 : memref<9600x128xf32, #tpu.memory_space<vmem_shared>>)
    %dma_wait3A_534 = arith.constant 0 : i32
    %dma_wait3A_535 = arith.constant 104 : i32
    %dma_wait3A_536 = arith.constant 0 : i32
    %dma_wait3A_537 = tpu.memref_slice %arg5[%dma_wait3A_535, %dma_wait3A_536] : memref<200x128xf32, #tpu.memory_space<vmem>> -> memref<96x128xf32, #tpu.memory_space<vmem>>
    %dma_wait3A_538 = arith.constant 0 : i32
    %dma_wait3A_539 = tpu.memref_slice %arg7[%dma_wait3A_534, %dma_wait3A_538] : memref<3x96xi32, #tpu.memory_space<vmem>> -> memref<1x96xi32, #tpu.memory_space<vmem>>
    %dma_wait3A_540 = tpu.memref_squeeze %dma_wait3A_539 : memref<1x96xi32, #tpu.memory_space<vmem>> -> memref<96xi32, #tpu.memory_space<vmem>>
    %dma_wait3A_541 = arith.constant 0 : i32
    %dma_wait3A_542 = arith.constant 0 : i32
    %dma_wait3A_543 = tpu.memref_slice %arg8[%dma_wait3A_541, %dma_wait3A_542] : memref<9600x128xf32, #tpu.memory_space<vmem_shared>> -> memref<9600x128xf32, #tpu.memory_space<vmem_shared>>
    tpu.wait_indirect_dma semaphore(%arg12 : memref<!tpu.dma_semaphore, #tpu.memory_space<semaphore_mem>>) src(%dma_wait3A_537 : memref<96x128xf32, #tpu.memory_space<vmem>>) dst(%dma_wait3A_543 : memref<9600x128xf32, #tpu.memory_space<vmem_shared>>)
    %add3A_544 = arith.constant 0 : i32
    %add3A_545 = arith.addi %mul3A_4, %add3A_544 : i32
    %add3A_546 = arith.constant 0 : i32
    %add3A_547 = arith.addi %mul3A_2, %add3A_546 : i32
    %dma_start3A_548 = arith.constant 0 : i32
    %dma_start3A_549 = arith.constant 0 : i32
    %dma_start3A_550 = tpu.memref_slice %arg4[%add3A_547, %dma_start3A_548, %dma_start3A_549] : memref<1024x200x128xf32, #tpu.memory_space<hbm>> -> memref<1x200x128xf32, #tpu.memory_space<hbm>>
    %dma_start3A_551 = tpu.memref_squeeze %dma_start3A_550 : memref<1x200x128xf32, #tpu.memory_space<hbm>> -> memref<200x128xf32, #tpu.memory_space<hbm>>
    %dma_start3A_552 = arith.constant 0 : i32
    %dma_start3A_553 = tpu.memref_slice %arg8[%add3A_545, %dma_start3A_552] : memref<9600x128xf32, #tpu.memory_space<vmem_shared>> -> memref<200x128xf32, #tpu.memory_space<vmem_shared>>
    tpu.enqueue_dma source(%dma_start3A_553 : memref<200x128xf32, #tpu.memory_space<vmem_shared>>) target(%dma_start3A_551 : memref<200x128xf32, #tpu.memory_space<hbm>>) target_semaphore(%arg15 : memref<!tpu.dma_semaphore, #tpu.memory_space<semaphore_mem>>)
    %add3A_554 = arith.constant 2 : i32
    %add3A_555 = arith.addi %mul3A_2, %add3A_554 : i32
    %add3A_556 = arith.constant 400 : i32
    %add3A_557 = arith.addi %mul3A_4, %add3A_556 : i32
    %dma_wait3A_558 = arith.constant 0 : i32
    %dma_wait3A_559 = tpu.memref_slice %arg8[%add3A_557, %dma_wait3A_558] : memref<9600x128xf32, #tpu.memory_space<vmem_shared>> -> memref<200x128xf32, #tpu.memory_space<vmem_shared>>
    %dma_wait3A_560 = arith.constant 0 : i32
    %dma_wait3A_561 = arith.constant 0 : i32
    %dma_wait3A_562 = tpu.memref_slice %arg2[%add3A_555, %dma_wait3A_560, %dma_wait3A_561] : memref<1024x200x128xf32, #tpu.memory_space<hbm>> -> memref<1x200x128xf32, #tpu.memory_space<hbm>>
    %dma_wait3A_563 = tpu.memref_squeeze %dma_wait3A_562 : memref<1x200x128xf32, #tpu.memory_space<hbm>> -> memref<200x128xf32, #tpu.memory_space<hbm>>
    tpu.wait_dma2 semaphore(%arg11 : memref<!tpu.dma_semaphore, #tpu.memory_space<semaphore_mem>>) src(%dma_wait3A_563 : memref<200x128xf32, #tpu.memory_space<hbm>>) dst(%dma_wait3A_559 : memref<200x128xf32, #tpu.memory_space<vmem_shared>>)
    %dma_start3A_564 = arith.constant 2 : i32
    %dma_start3A_565 = arith.constant 0 : i32
    %dma_start3A_566 = arith.constant 0 : i32
    %dma_start3A_567 = tpu.memref_slice %arg5[%dma_start3A_565, %dma_start3A_566] : memref<200x128xf32, #tpu.memory_space<vmem>> -> memref<104x128xf32, #tpu.memory_space<vmem>>
    %dma_start3A_568 = arith.constant 0 : i32
    %dma_start3A_569 = tpu.memref_slice %arg6[%dma_start3A_564, %dma_start3A_568] : memref<3x104xi32, #tpu.memory_space<vmem>> -> memref<1x104xi32, #tpu.memory_space<vmem>>
    %dma_start3A_570 = tpu.memref_squeeze %dma_start3A_569 : memref<1x104xi32, #tpu.memory_space<vmem>> -> memref<104xi32, #tpu.memory_space<vmem>>
    %dma_start3A_571 = arith.constant 0 : i32
    %dma_start3A_572 = arith.constant 0 : i32
    %dma_start3A_573 = tpu.memref_slice %arg8[%dma_start3A_571, %dma_start3A_572] : memref<9600x128xf32, #tpu.memory_space<vmem_shared>> -> memref<9600x128xf32, #tpu.memory_space<vmem_shared>>
    tpu.enqueue_indirect_dma source(%dma_start3A_567 : memref<104x128xf32, #tpu.memory_space<vmem>>) target(%dma_start3A_573 : memref<9600x128xf32, #tpu.memory_space<vmem_shared>>) offsets(%dma_start3A_570 : memref<104xi32, #tpu.memory_space<vmem>>) semaphore(%arg14 : memref<!tpu.dma_semaphore, #tpu.memory_space<semaphore_mem>>) {add = true}
    %dma_start3A_574 = arith.constant 2 : i32
    %dma_start3A_575 = arith.constant 104 : i32
    %dma_start3A_576 = arith.constant 0 : i32
    %dma_start3A_577 = tpu.memref_slice %arg5[%dma_start3A_575, %dma_start3A_576] : memref<200x128xf32, #tpu.memory_space<vmem>> -> memref<96x128xf32, #tpu.memory_space<vmem>>
    %dma_start3A_578 = arith.constant 0 : i32
    %dma_start3A_579 = tpu.memref_slice %arg7[%dma_start3A_574, %dma_start3A_578] : memref<3x96xi32, #tpu.memory_space<vmem>> -> memref<1x96xi32, #tpu.memory_space<vmem>>
    %dma_start3A_580 = tpu.memref_squeeze %dma_start3A_579 : memref<1x96xi32, #tpu.memory_space<vmem>> -> memref<96xi32, #tpu.memory_space<vmem>>
    %dma_start3A_581 = arith.constant 0 : i32
    %dma_start3A_582 = arith.constant 0 : i32
    %dma_start3A_583 = tpu.memref_slice %arg8[%dma_start3A_581, %dma_start3A_582] : memref<9600x128xf32, #tpu.memory_space<vmem_shared>> -> memref<9600x128xf32, #tpu.memory_space<vmem_shared>>
    tpu.enqueue_indirect_dma source(%dma_start3A_577 : memref<96x128xf32, #tpu.memory_space<vmem>>) target(%dma_start3A_583 : memref<9600x128xf32, #tpu.memory_space<vmem_shared>>) offsets(%dma_start3A_580 : memref<96xi32, #tpu.memory_space<vmem>>) semaphore(%arg14 : memref<!tpu.dma_semaphore, #tpu.memory_space<semaphore_mem>>) {add = true}
    %dma_wait3A_584 = arith.constant 1 : i32
    %dma_wait3A_585 = arith.constant 0 : i32
    %dma_wait3A_586 = arith.constant 0 : i32
    %dma_wait3A_587 = tpu.memref_slice %arg5[%dma_wait3A_585, %dma_wait3A_586] : memref<200x128xf32, #tpu.memory_space<vmem>> -> memref<104x128xf32, #tpu.memory_space<vmem>>
    %dma_wait3A_588 = arith.constant 0 : i32
    %dma_wait3A_589 = tpu.memref_slice %arg6[%dma_wait3A_584, %dma_wait3A_588] : memref<3x104xi32, #tpu.memory_space<vmem>> -> memref<1x104xi32, #tpu.memory_space<vmem>>
    %dma_wait3A_590 = tpu.memref_squeeze %dma_wait3A_589 : memref<1x104xi32, #tpu.memory_space<vmem>> -> memref<104xi32, #tpu.memory_space<vmem>>
    %dma_wait3A_591 = arith.constant 0 : i32
    %dma_wait3A_592 = arith.constant 0 : i32
    %dma_wait3A_593 = tpu.memref_slice %arg8[%dma_wait3A_591, %dma_wait3A_592] : memref<9600x128xf32, #tpu.memory_space<vmem_shared>> -> memref<9600x128xf32, #tpu.memory_space<vmem_shared>>
    tpu.wait_indirect_dma semaphore(%arg13 : memref<!tpu.dma_semaphore, #tpu.memory_space<semaphore_mem>>) src(%dma_wait3A_587 : memref<104x128xf32, #tpu.memory_space<vmem>>) dst(%dma_wait3A_593 : memref<9600x128xf32, #tpu.memory_space<vmem_shared>>)
    %dma_wait3A_594 = arith.constant 1 : i32
    %dma_wait3A_595 = arith.constant 104 : i32
    %dma_wait3A_596 = arith.constant 0 : i32
    %dma_wait3A_597 = tpu.memref_slice %arg5[%dma_wait3A_595, %dma_wait3A_596] : memref<200x128xf32, #tpu.memory_space<vmem>> -> memref<96x128xf32, #tpu.memory_space<vmem>>
    %dma_wait3A_598 = arith.constant 0 : i32
    %dma_wait3A_599 = tpu.memref_slice %arg7[%dma_wait3A_594, %dma_wait3A_598] : memref<3x96xi32, #tpu.memory_space<vmem>> -> memref<1x96xi32, #tpu.memory_space<vmem>>
    %dma_wait3A_600 = tpu.memref_squeeze %dma_wait3A_599 : memref<1x96xi32, #tpu.memory_space<vmem>> -> memref<96xi32, #tpu.memory_space<vmem>>
    %dma_wait3A_601 = arith.constant 0 : i32
    %dma_wait3A_602 = arith.constant 0 : i32
    %dma_wait3A_603 = tpu.memref_slice %arg8[%dma_wait3A_601, %dma_wait3A_602] : memref<9600x128xf32, #tpu.memory_space<vmem_shared>> -> memref<9600x128xf32, #tpu.memory_space<vmem_shared>>
    tpu.wait_indirect_dma semaphore(%arg13 : memref<!tpu.dma_semaphore, #tpu.memory_space<semaphore_mem>>) src(%dma_wait3A_597 : memref<96x128xf32, #tpu.memory_space<vmem>>) dst(%dma_wait3A_603 : memref<9600x128xf32, #tpu.memory_space<vmem_shared>>)
    %add3A_604 = arith.constant 200 : i32
    %add3A_605 = arith.addi %mul3A_4, %add3A_604 : i32
    %add3A_606 = arith.constant 1 : i32
    %add3A_607 = arith.addi %mul3A_2, %add3A_606 : i32
    %dma_start3A_608 = arith.constant 0 : i32
    %dma_start3A_609 = arith.constant 0 : i32
    %dma_start3A_610 = tpu.memref_slice %arg4[%add3A_607, %dma_start3A_608, %dma_start3A_609] : memref<1024x200x128xf32, #tpu.memory_space<hbm>> -> memref<1x200x128xf32, #tpu.memory_space<hbm>>
    %dma_start3A_611 = tpu.memref_squeeze %dma_start3A_610 : memref<1x200x128xf32, #tpu.memory_space<hbm>> -> memref<200x128xf32, #tpu.memory_space<hbm>>
    %dma_start3A_612 = arith.constant 0 : i32
    %dma_start3A_613 = tpu.memref_slice %arg8[%add3A_605, %dma_start3A_612] : memref<9600x128xf32, #tpu.memory_space<vmem_shared>> -> memref<200x128xf32, #tpu.memory_space<vmem_shared>>
    tpu.enqueue_dma source(%dma_start3A_613 : memref<200x128xf32, #tpu.memory_space<vmem_shared>>) target(%dma_start3A_611 : memref<200x128xf32, #tpu.memory_space<hbm>>) target_semaphore(%arg16 : memref<!tpu.dma_semaphore, #tpu.memory_space<semaphore_mem>>)
    %add3A_614 = arith.constant 0 : i32
    %add3A_615 = arith.addi %mul3A_4, %add3A_614 : i32
    %add3A_616 = arith.constant 0 : i32
    %add3A_617 = arith.addi %mul3A_2, %add3A_616 : i32
    %dma_wait3A_618 = arith.constant 0 : i32
    %dma_wait3A_619 = arith.constant 0 : i32
    %dma_wait3A_620 = tpu.memref_slice %arg4[%add3A_617, %dma_wait3A_618, %dma_wait3A_619] : memref<1024x200x128xf32, #tpu.memory_space<hbm>> -> memref<1x200x128xf32, #tpu.memory_space<hbm>>
    %dma_wait3A_621 = tpu.memref_squeeze %dma_wait3A_620 : memref<1x200x128xf32, #tpu.memory_space<hbm>> -> memref<200x128xf32, #tpu.memory_space<hbm>>
    %dma_wait3A_622 = arith.constant 0 : i32
    %dma_wait3A_623 = tpu.memref_slice %arg8[%add3A_615, %dma_wait3A_622] : memref<9600x128xf32, #tpu.memory_space<vmem_shared>> -> memref<200x128xf32, #tpu.memory_space<vmem_shared>>
    tpu.wait_dma2 semaphore(%arg15 : memref<!tpu.dma_semaphore, #tpu.memory_space<semaphore_mem>>) src(%dma_wait3A_623 : memref<200x128xf32, #tpu.memory_space<vmem_shared>>) dst(%dma_wait3A_621 : memref<200x128xf32, #tpu.memory_space<hbm>>)
    %add3A_624 = arith.constant 3 : i32
    %add3A_625 = arith.addi %mul3A_2, %add3A_624 : i32
    %add3A_626 = arith.constant 0 : i32
    %add3A_627 = arith.addi %mul3A_4, %add3A_626 : i32
    %dma_start3A_628 = arith.constant 0 : i32
    %dma_start3A_629 = tpu.memref_slice %arg8[%add3A_627, %dma_start3A_628] : memref<9600x128xf32, #tpu.memory_space<vmem_shared>> -> memref<200x128xf32, #tpu.memory_space<vmem_shared>>
    %dma_start3A_630 = arith.constant 0 : i32
    %dma_start3A_631 = arith.constant 0 : i32
    %dma_start3A_632 = tpu.memref_slice %arg2[%add3A_625, %dma_start3A_630, %dma_start3A_631] : memref<1024x200x128xf32, #tpu.memory_space<hbm>> -> memref<1x200x128xf32, #tpu.memory_space<hbm>>
    %dma_start3A_633 = tpu.memref_squeeze %dma_start3A_632 : memref<1x200x128xf32, #tpu.memory_space<hbm>> -> memref<200x128xf32, #tpu.memory_space<hbm>>
    tpu.enqueue_dma source(%dma_start3A_633 : memref<200x128xf32, #tpu.memory_space<hbm>>) target(%dma_start3A_629 : memref<200x128xf32, #tpu.memory_space<vmem_shared>>) target_semaphore(%arg9 : memref<!tpu.dma_semaphore, #tpu.memory_space<semaphore_mem>>)
    %add3A_634 = arith.constant 3 : i32
    %add3A_635 = arith.addi %mul3A_2, %add3A_634 : i32
    %add3A_636 = arith.constant 0 : i32
    %add3A_637 = arith.addi %mul3A_4, %add3A_636 : i32
    %dma_wait3A_638 = arith.constant 0 : i32
    %dma_wait3A_639 = tpu.memref_slice %arg8[%add3A_637, %dma_wait3A_638] : memref<9600x128xf32, #tpu.memory_space<vmem_shared>> -> memref<200x128xf32, #tpu.memory_space<vmem_shared>>
    %dma_wait3A_640 = arith.constant 0 : i32
    %dma_wait3A_641 = arith.constant 0 : i32
    %dma_wait3A_642 = tpu.memref_slice %arg2[%add3A_635, %dma_wait3A_640, %dma_wait3A_641] : memref<1024x200x128xf32, #tpu.memory_space<hbm>> -> memref<1x200x128xf32, #tpu.memory_space<hbm>>
    %dma_wait3A_643 = tpu.memref_squeeze %dma_wait3A_642 : memref<1x200x128xf32, #tpu.memory_space<hbm>> -> memref<200x128xf32, #tpu.memory_space<hbm>>
    tpu.wait_dma2 semaphore(%arg9 : memref<!tpu.dma_semaphore, #tpu.memory_space<semaphore_mem>>) src(%dma_wait3A_643 : memref<200x128xf32, #tpu.memory_space<hbm>>) dst(%dma_wait3A_639 : memref<200x128xf32, #tpu.memory_space<vmem_shared>>)
    %dma_start3A_644 = arith.constant 0 : i32
    %dma_start3A_645 = arith.constant 0 : i32
    %dma_start3A_646 = arith.constant 0 : i32
    %dma_start3A_647 = tpu.memref_slice %arg5[%dma_start3A_645, %dma_start3A_646] : memref<200x128xf32, #tpu.memory_space<vmem>> -> memref<104x128xf32, #tpu.memory_space<vmem>>
    %dma_start3A_648 = arith.constant 0 : i32
    %dma_start3A_649 = tpu.memref_slice %arg6[%dma_start3A_644, %dma_start3A_648] : memref<3x104xi32, #tpu.memory_space<vmem>> -> memref<1x104xi32, #tpu.memory_space<vmem>>
    %dma_start3A_650 = tpu.memref_squeeze %dma_start3A_649 : memref<1x104xi32, #tpu.memory_space<vmem>> -> memref<104xi32, #tpu.memory_space<vmem>>
    %dma_start3A_651 = arith.constant 0 : i32
    %dma_start3A_652 = arith.constant 0 : i32
    %dma_start3A_653 = tpu.memref_slice %arg8[%dma_start3A_651, %dma_start3A_652] : memref<9600x128xf32, #tpu.memory_space<vmem_shared>> -> memref<9600x128xf32, #tpu.memory_space<vmem_shared>>
    tpu.enqueue_indirect_dma source(%dma_start3A_647 : memref<104x128xf32, #tpu.memory_space<vmem>>) target(%dma_start3A_653 : memref<9600x128xf32, #tpu.memory_space<vmem_shared>>) offsets(%dma_start3A_650 : memref<104xi32, #tpu.memory_space<vmem>>) semaphore(%arg12 : memref<!tpu.dma_semaphore, #tpu.memory_space<semaphore_mem>>) {add = true}
    %dma_start3A_654 = arith.constant 0 : i32
    %dma_start3A_655 = arith.constant 104 : i32
    %dma_start3A_656 = arith.constant 0 : i32
    %dma_start3A_657 = tpu.memref_slice %arg5[%dma_start3A_655, %dma_start3A_656] : memref<200x128xf32, #tpu.memory_space<vmem>> -> memref<96x128xf32, #tpu.memory_space<vmem>>
    %dma_start3A_658 = arith.constant 0 : i32
    %dma_start3A_659 = tpu.memref_slice %arg7[%dma_start3A_654, %dma_start3A_658] : memref<3x96xi32, #tpu.memory_space<vmem>> -> memref<1x96xi32, #tpu.memory_space<vmem>>
    %dma_start3A_660 = tpu.memref_squeeze %dma_start3A_659 : memref<1x96xi32, #tpu.memory_space<vmem>> -> memref<96xi32, #tpu.memory_space<vmem>>
    %dma_start3A_661 = arith.constant 0 : i32
    %dma_start3A_662 = arith.constant 0 : i32
    %dma_start3A_663 = tpu.memref_slice %arg8[%dma_start3A_661, %dma_start3A_662] : memref<9600x128xf32, #tpu.memory_space<vmem_shared>> -> memref<9600x128xf32, #tpu.memory_space<vmem_shared>>
    tpu.enqueue_indirect_dma source(%dma_start3A_657 : memref<96x128xf32, #tpu.memory_space<vmem>>) target(%dma_start3A_663 : memref<9600x128xf32, #tpu.memory_space<vmem_shared>>) offsets(%dma_start3A_660 : memref<96xi32, #tpu.memory_space<vmem>>) semaphore(%arg12 : memref<!tpu.dma_semaphore, #tpu.memory_space<semaphore_mem>>) {add = true}
    %dma_wait3A_664 = arith.constant 2 : i32
    %dma_wait3A_665 = arith.constant 0 : i32
    %dma_wait3A_666 = arith.constant 0 : i32
    %dma_wait3A_667 = tpu.memref_slice %arg5[%dma_wait3A_665, %dma_wait3A_666] : memref<200x128xf32, #tpu.memory_space<vmem>> -> memref<104x128xf32, #tpu.memory_space<vmem>>
    %dma_wait3A_668 = arith.constant 0 : i32
    %dma_wait3A_669 = tpu.memref_slice %arg6[%dma_wait3A_664, %dma_wait3A_668] : memref<3x104xi32, #tpu.memory_space<vmem>> -> memref<1x104xi32, #tpu.memory_space<vmem>>
    %dma_wait3A_670 = tpu.memref_squeeze %dma_wait3A_669 : memref<1x104xi32, #tpu.memory_space<vmem>> -> memref<104xi32, #tpu.memory_space<vmem>>
    %dma_wait3A_671 = arith.constant 0 : i32
    %dma_wait3A_672 = arith.constant 0 : i32
    %dma_wait3A_673 = tpu.memref_slice %arg8[%dma_wait3A_671, %dma_wait3A_672] : memref<9600x128xf32, #tpu.memory_space<vmem_shared>> -> memref<9600x128xf32, #tpu.memory_space<vmem_shared>>
    tpu.wait_indirect_dma semaphore(%arg14 : memref<!tpu.dma_semaphore, #tpu.memory_space<semaphore_mem>>) src(%dma_wait3A_667 : memref<104x128xf32, #tpu.memory_space<vmem>>) dst(%dma_wait3A_673 : memref<9600x128xf32, #tpu.memory_space<vmem_shared>>)
    %dma_wait3A_674 = arith.constant 2 : i32
    %dma_wait3A_675 = arith.constant 104 : i32
    %dma_wait3A_676 = arith.constant 0 : i32
    %dma_wait3A_677 = tpu.memref_slice %arg5[%dma_wait3A_675, %dma_wait3A_676] : memref<200x128xf32, #tpu.memory_space<vmem>> -> memref<96x128xf32, #tpu.memory_space<vmem>>
    %dma_wait3A_678 = arith.constant 0 : i32
    %dma_wait3A_679 = tpu.memref_slice %arg7[%dma_wait3A_674, %dma_wait3A_678] : memref<3x96xi32, #tpu.memory_space<vmem>> -> memref<1x96xi32, #tpu.memory_space<vmem>>
    %dma_wait3A_680 = tpu.memref_squeeze %dma_wait3A_679 : memref<1x96xi32, #tpu.memory_space<vmem>> -> memref<96xi32, #tpu.memory_space<vmem>>
    %dma_wait3A_681 = arith.constant 0 : i32
    %dma_wait3A_682 = arith.constant 0 : i32
    %dma_wait3A_683 = tpu.memref_slice %arg8[%dma_wait3A_681, %dma_wait3A_682] : memref<9600x128xf32, #tpu.memory_space<vmem_shared>> -> memref<9600x128xf32, #tpu.memory_space<vmem_shared>>
    tpu.wait_indirect_dma semaphore(%arg14 : memref<!tpu.dma_semaphore, #tpu.memory_space<semaphore_mem>>) src(%dma_wait3A_677 : memref<96x128xf32, #tpu.memory_space<vmem>>) dst(%dma_wait3A_683 : memref<9600x128xf32, #tpu.memory_space<vmem_shared>>)
    %add3A_684 = arith.constant 400 : i32
    %add3A_685 = arith.addi %mul3A_4, %add3A_684 : i32
    %add3A_686 = arith.constant 2 : i32
    %add3A_687 = arith.addi %mul3A_2, %add3A_686 : i32
    %dma_start3A_688 = arith.constant 0 : i32
    %dma_start3A_689 = arith.constant 0 : i32
    %dma_start3A_690 = tpu.memref_slice %arg4[%add3A_687, %dma_start3A_688, %dma_start3A_689] : memref<1024x200x128xf32, #tpu.memory_space<hbm>> -> memref<1x200x128xf32, #tpu.memory_space<hbm>>
    %dma_start3A_691 = tpu.memref_squeeze %dma_start3A_690 : memref<1x200x128xf32, #tpu.memory_space<hbm>> -> memref<200x128xf32, #tpu.memory_space<hbm>>
    %dma_start3A_692 = arith.constant 0 : i32
    %dma_start3A_693 = tpu.memref_slice %arg8[%add3A_685, %dma_start3A_692] : memref<9600x128xf32, #tpu.memory_space<vmem_shared>> -> memref<200x128xf32, #tpu.memory_space<vmem_shared>>
    tpu.enqueue_dma source(%dma_start3A_693 : memref<200x128xf32, #tpu.memory_space<vmem_shared>>) target(%dma_start3A_691 : memref<200x128xf32, #tpu.memory_space<hbm>>) target_semaphore(%arg17 : memref<!tpu.dma_semaphore, #tpu.memory_space<semaphore_mem>>)
    %add3A_694 = arith.constant 200 : i32
    %add3A_695 = arith.addi %mul3A_4, %add3A_694 : i32
    %add3A_696 = arith.constant 1 : i32
    %add3A_697 = arith.addi %mul3A_2, %add3A_696 : i32
    %dma_wait3A_698 = arith.constant 0 : i32
    %dma_wait3A_699 = arith.constant 0 : i32
    %dma_wait3A_700 = tpu.memref_slice %arg4[%add3A_697, %dma_wait3A_698, %dma_wait3A_699] : memref<1024x200x128xf32, #tpu.memory_space<hbm>> -> memref<1x200x128xf32, #tpu.memory_space<hbm>>
    %dma_wait3A_701 = tpu.memref_squeeze %dma_wait3A_700 : memref<1x200x128xf32, #tpu.memory_space<hbm>> -> memref<200x128xf32, #tpu.memory_space<hbm>>
    %dma_wait3A_702 = arith.constant 0 : i32
    %dma_wait3A_703 = tpu.memref_slice %arg8[%add3A_695, %dma_wait3A_702] : memref<9600x128xf32, #tpu.memory_space<vmem_shared>> -> memref<200x128xf32, #tpu.memory_space<vmem_shared>>
    tpu.wait_dma2 semaphore(%arg16 : memref<!tpu.dma_semaphore, #tpu.memory_space<semaphore_mem>>) src(%dma_wait3A_703 : memref<200x128xf32, #tpu.memory_space<vmem_shared>>) dst(%dma_wait3A_701 : memref<200x128xf32, #tpu.memory_space<hbm>>)
    %add3A_704 = arith.constant 4 : i32
    %add3A_705 = arith.addi %mul3A_2, %add3A_704 : i32
    %add3A_706 = arith.constant 200 : i32
    %add3A_707 = arith.addi %mul3A_4, %add3A_706 : i32
    %dma_start3A_708 = arith.constant 0 : i32
    %dma_start3A_709 = tpu.memref_slice %arg8[%add3A_707, %dma_start3A_708] : memref<9600x128xf32, #tpu.memory_space<vmem_shared>> -> memref<200x128xf32, #tpu.memory_space<vmem_shared>>
    %dma_start3A_710 = arith.constant 0 : i32
    %dma_start3A_711 = arith.constant 0 : i32
    %dma_start3A_712 = tpu.memref_slice %arg2[%add3A_705, %dma_start3A_710, %dma_start3A_711] : memref<1024x200x128xf32, #tpu.memory_space<hbm>> -> memref<1x200x128xf32, #tpu.memory_space<hbm>>
    %dma_start3A_713 = tpu.memref_squeeze %dma_start3A_712 : memref<1x200x128xf32, #tpu.memory_space<hbm>> -> memref<200x128xf32, #tpu.memory_space<hbm>>
    tpu.enqueue_dma source(%dma_start3A_713 : memref<200x128xf32, #tpu.memory_space<hbm>>) target(%dma_start3A_709 : memref<200x128xf32, #tpu.memory_space<vmem_shared>>) target_semaphore(%arg10 : memref<!tpu.dma_semaphore, #tpu.memory_space<semaphore_mem>>)
    %add3A_714 = arith.constant 4 : i32
    %add3A_715 = arith.addi %mul3A_2, %add3A_714 : i32
    %add3A_716 = arith.constant 200 : i32
    %add3A_717 = arith.addi %mul3A_4, %add3A_716 : i32
    %dma_wait3A_718 = arith.constant 0 : i32
    %dma_wait3A_719 = tpu.memref_slice %arg8[%add3A_717, %dma_wait3A_718] : memref<9600x128xf32, #tpu.memory_space<vmem_shared>> -> memref<200x128xf32, #tpu.memory_space<vmem_shared>>
    %dma_wait3A_720 = arith.constant 0 : i32
    %dma_wait3A_721 = arith.constant 0 : i32
    %dma_wait3A_722 = tpu.memref_slice %arg2[%add3A_715, %dma_wait3A_720, %dma_wait3A_721] : memref<1024x200x128xf32, #tpu.memory_space<hbm>> -> memref<1x200x128xf32, #tpu.memory_space<hbm>>
    %dma_wait3A_723 = tpu.memref_squeeze %dma_wait3A_722 : memref<1x200x128xf32, #tpu.memory_space<hbm>> -> memref<200x128xf32, #tpu.memory_space<hbm>>
    tpu.wait_dma2 semaphore(%arg10 : memref<!tpu.dma_semaphore, #tpu.memory_space<semaphore_mem>>) src(%dma_wait3A_723 : memref<200x128xf32, #tpu.memory_space<hbm>>) dst(%dma_wait3A_719 : memref<200x128xf32, #tpu.memory_space<vmem_shared>>)
    %dma_start3A_724 = arith.constant 1 : i32
    %dma_start3A_725 = arith.constant 0 : i32
    %dma_start3A_726 = arith.constant 0 : i32
    %dma_start3A_727 = tpu.memref_slice %arg5[%dma_start3A_725, %dma_start3A_726] : memref<200x128xf32, #tpu.memory_space<vmem>> -> memref<104x128xf32, #tpu.memory_space<vmem>>
    %dma_start3A_728 = arith.constant 0 : i32
    %dma_start3A_729 = tpu.memref_slice %arg6[%dma_start3A_724, %dma_start3A_728] : memref<3x104xi32, #tpu.memory_space<vmem>> -> memref<1x104xi32, #tpu.memory_space<vmem>>
    %dma_start3A_730 = tpu.memref_squeeze %dma_start3A_729 : memref<1x104xi32, #tpu.memory_space<vmem>> -> memref<104xi32, #tpu.memory_space<vmem>>
    %dma_start3A_731 = arith.constant 0 : i32
    %dma_start3A_732 = arith.constant 0 : i32
    %dma_start3A_733 = tpu.memref_slice %arg8[%dma_start3A_731, %dma_start3A_732] : memref<9600x128xf32, #tpu.memory_space<vmem_shared>> -> memref<9600x128xf32, #tpu.memory_space<vmem_shared>>
    tpu.enqueue_indirect_dma source(%dma_start3A_727 : memref<104x128xf32, #tpu.memory_space<vmem>>) target(%dma_start3A_733 : memref<9600x128xf32, #tpu.memory_space<vmem_shared>>) offsets(%dma_start3A_730 : memref<104xi32, #tpu.memory_space<vmem>>) semaphore(%arg13 : memref<!tpu.dma_semaphore, #tpu.memory_space<semaphore_mem>>) {add = true}
    %dma_start3A_734 = arith.constant 1 : i32
    %dma_start3A_735 = arith.constant 104 : i32
    %dma_start3A_736 = arith.constant 0 : i32
    %dma_start3A_737 = tpu.memref_slice %arg5[%dma_start3A_735, %dma_start3A_736] : memref<200x128xf32, #tpu.memory_space<vmem>> -> memref<96x128xf32, #tpu.memory_space<vmem>>
    %dma_start3A_738 = arith.constant 0 : i32
    %dma_start3A_739 = tpu.memref_slice %arg7[%dma_start3A_734, %dma_start3A_738] : memref<3x96xi32, #tpu.memory_space<vmem>> -> memref<1x96xi32, #tpu.memory_space<vmem>>
    %dma_start3A_740 = tpu.memref_squeeze %dma_start3A_739 : memref<1x96xi32, #tpu.memory_space<vmem>> -> memref<96xi32, #tpu.memory_space<vmem>>
    %dma_start3A_741 = arith.constant 0 : i32
    %dma_start3A_742 = arith.constant 0 : i32
    %dma_start3A_743 = tpu.memref_slice %arg8[%dma_start3A_741, %dma_start3A_742] : memref<9600x128xf32, #tpu.memory_space<vmem_shared>> -> memref<9600x128xf32, #tpu.memory_space<vmem_shared>>
    tpu.enqueue_indirect_dma source(%dma_start3A_737 : memref<96x128xf32, #tpu.memory_space<vmem>>) target(%dma_start3A_743 : memref<9600x128xf32, #tpu.memory_space<vmem_shared>>) offsets(%dma_start3A_740 : memref<96xi32, #tpu.memory_space<vmem>>) semaphore(%arg13 : memref<!tpu.dma_semaphore, #tpu.memory_space<semaphore_mem>>) {add = true}
    %dma_wait3A_744 = arith.constant 0 : i32
    %dma_wait3A_745 = arith.constant 0 : i32
    %dma_wait3A_746 = arith.constant 0 : i32
    %dma_wait3A_747 = tpu.memref_slice %arg5[%dma_wait3A_745, %dma_wait3A_746] : memref<200x128xf32, #tpu.memory_space<vmem>> -> memref<104x128xf32, #tpu.memory_space<vmem>>
    %dma_wait3A_748 = arith.constant 0 : i32
    %dma_wait3A_749 = tpu.memref_slice %arg6[%dma_wait3A_744, %dma_wait3A_748] : memref<3x104xi32, #tpu.memory_space<vmem>> -> memref<1x104xi32, #tpu.memory_space<vmem>>
    %dma_wait3A_750 = tpu.memref_squeeze %dma_wait3A_749 : memref<1x104xi32, #tpu.memory_space<vmem>> -> memref<104xi32, #tpu.memory_space<vmem>>
    %dma_wait3A_751 = arith.constant 0 : i32
    %dma_wait3A_752 = arith.constant 0 : i32
    %dma_wait3A_753 = tpu.memref_slice %arg8[%dma_wait3A_751, %dma_wait3A_752] : memref<9600x128xf32, #tpu.memory_space<vmem_shared>> -> memref<9600x128xf32, #tpu.memory_space<vmem_shared>>
    tpu.wait_indirect_dma semaphore(%arg12 : memref<!tpu.dma_semaphore, #tpu.memory_space<semaphore_mem>>) src(%dma_wait3A_747 : memref<104x128xf32, #tpu.memory_space<vmem>>) dst(%dma_wait3A_753 : memref<9600x128xf32, #tpu.memory_space<vmem_shared>>)
    %dma_wait3A_754 = arith.constant 0 : i32
    %dma_wait3A_755 = arith.constant 104 : i32
    %dma_wait3A_756 = arith.constant 0 : i32
    %dma_wait3A_757 = tpu.memref_slice %arg5[%dma_wait3A_755, %dma_wait3A_756] : memref<200x128xf32, #tpu.memory_space<vmem>> -> memref<96x128xf32, #tpu.memory_space<vmem>>
    %dma_wait3A_758 = arith.constant 0 : i32
    %dma_wait3A_759 = tpu.memref_slice %arg7[%dma_wait3A_754, %dma_wait3A_758] : memref<3x96xi32, #tpu.memory_space<vmem>> -> memref<1x96xi32, #tpu.memory_space<vmem>>
    %dma_wait3A_760 = tpu.memref_squeeze %dma_wait3A_759 : memref<1x96xi32, #tpu.memory_space<vmem>> -> memref<96xi32, #tpu.memory_space<vmem>>
    %dma_wait3A_761 = arith.constant 0 : i32
    %dma_wait3A_762 = arith.constant 0 : i32
    %dma_wait3A_763 = tpu.memref_slice %arg8[%dma_wait3A_761, %dma_wait3A_762] : memref<9600x128xf32, #tpu.memory_space<vmem_shared>> -> memref<9600x128xf32, #tpu.memory_space<vmem_shared>>
    tpu.wait_indirect_dma semaphore(%arg12 : memref<!tpu.dma_semaphore, #tpu.memory_space<semaphore_mem>>) src(%dma_wait3A_757 : memref<96x128xf32, #tpu.memory_space<vmem>>) dst(%dma_wait3A_763 : memref<9600x128xf32, #tpu.memory_space<vmem_shared>>)
    %add3A_764 = arith.constant 0 : i32
    %add3A_765 = arith.addi %mul3A_4, %add3A_764 : i32
    %add3A_766 = arith.constant 3 : i32
    %add3A_767 = arith.addi %mul3A_2, %add3A_766 : i32
    %dma_start3A_768 = arith.constant 0 : i32
    %dma_start3A_769 = arith.constant 0 : i32
    %dma_start3A_770 = tpu.memref_slice %arg4[%add3A_767, %dma_start3A_768, %dma_start3A_769] : memref<1024x200x128xf32, #tpu.memory_space<hbm>> -> memref<1x200x128xf32, #tpu.memory_space<hbm>>
    %dma_start3A_771 = tpu.memref_squeeze %dma_start3A_770 : memref<1x200x128xf32, #tpu.memory_space<hbm>> -> memref<200x128xf32, #tpu.memory_space<hbm>>
    %dma_start3A_772 = arith.constant 0 : i32
    %dma_start3A_773 = tpu.memref_slice %arg8[%add3A_765, %dma_start3A_772] : memref<9600x128xf32, #tpu.memory_space<vmem_shared>> -> memref<200x128xf32, #tpu.memory_space<vmem_shared>>
    tpu.enqueue_dma source(%dma_start3A_773 : memref<200x128xf32, #tpu.memory_space<vmem_shared>>) target(%dma_start3A_771 : memref<200x128xf32, #tpu.memory_space<hbm>>) target_semaphore(%arg15 : memref<!tpu.dma_semaphore, #tpu.memory_space<semaphore_mem>>)
    %add3A_774 = arith.constant 400 : i32
    %add3A_775 = arith.addi %mul3A_4, %add3A_774 : i32
    %add3A_776 = arith.constant 2 : i32
    %add3A_777 = arith.addi %mul3A_2, %add3A_776 : i32
    %dma_wait3A_778 = arith.constant 0 : i32
    %dma_wait3A_779 = arith.constant 0 : i32
    %dma_wait3A_780 = tpu.memref_slice %arg4[%add3A_777, %dma_wait3A_778, %dma_wait3A_779] : memref<1024x200x128xf32, #tpu.memory_space<hbm>> -> memref<1x200x128xf32, #tpu.memory_space<hbm>>
    %dma_wait3A_781 = tpu.memref_squeeze %dma_wait3A_780 : memref<1x200x128xf32, #tpu.memory_space<hbm>> -> memref<200x128xf32, #tpu.memory_space<hbm>>
    %dma_wait3A_782 = arith.constant 0 : i32
    %dma_wait3A_783 = tpu.memref_slice %arg8[%add3A_775, %dma_wait3A_782] : memref<9600x128xf32, #tpu.memory_space<vmem_shared>> -> memref<200x128xf32, #tpu.memory_space<vmem_shared>>
    tpu.wait_dma2 semaphore(%arg17 : memref<!tpu.dma_semaphore, #tpu.memory_space<semaphore_mem>>) src(%dma_wait3A_783 : memref<200x128xf32, #tpu.memory_space<vmem_shared>>) dst(%dma_wait3A_781 : memref<200x128xf32, #tpu.memory_space<hbm>>)
    %add3A_784 = arith.constant 5 : i32
    %add3A_785 = arith.addi %mul3A_2, %add3A_784 : i32
    %add3A_786 = arith.constant 400 : i32
    %add3A_787 = arith.addi %mul3A_4, %add3A_786 : i32
    %dma_start3A_788 = arith.constant 0 : i32
    %dma_start3A_789 = tpu.memref_slice %arg8[%add3A_787, %dma_start3A_788] : memref<9600x128xf32, #tpu.memory_space<vmem_shared>> -> memref<200x128xf32, #tpu.memory_space<vmem_shared>>
    %dma_start3A_790 = arith.constant 0 : i32
    %dma_start3A_791 = arith.constant 0 : i32
    %dma_start3A_792 = tpu.memref_slice %arg2[%add3A_785, %dma_start3A_790, %dma_start3A_791] : memref<1024x200x128xf32, #tpu.memory_space<hbm>> -> memref<1x200x128xf32, #tpu.memory_space<hbm>>
    %dma_start3A_793 = tpu.memref_squeeze %dma_start3A_792 : memref<1x200x128xf32, #tpu.memory_space<hbm>> -> memref<200x128xf32, #tpu.memory_space<hbm>>
    tpu.enqueue_dma source(%dma_start3A_793 : memref<200x128xf32, #tpu.memory_space<hbm>>) target(%dma_start3A_789 : memref<200x128xf32, #tpu.memory_space<vmem_shared>>) target_semaphore(%arg11 : memref<!tpu.dma_semaphore, #tpu.memory_space<semaphore_mem>>)
    %add3A_794 = arith.constant 5 : i32
    %add3A_795 = arith.addi %mul3A_2, %add3A_794 : i32
    %add3A_796 = arith.constant 400 : i32
    %add3A_797 = arith.addi %mul3A_4, %add3A_796 : i32
    %dma_wait3A_798 = arith.constant 0 : i32
    %dma_wait3A_799 = tpu.memref_slice %arg8[%add3A_797, %dma_wait3A_798] : memref<9600x128xf32, #tpu.memory_space<vmem_shared>> -> memref<200x128xf32, #tpu.memory_space<vmem_shared>>
    %dma_wait3A_800 = arith.constant 0 : i32
    %dma_wait3A_801 = arith.constant 0 : i32
    %dma_wait3A_802 = tpu.memref_slice %arg2[%add3A_795, %dma_wait3A_800, %dma_wait3A_801] : memref<1024x200x128xf32, #tpu.memory_space<hbm>> -> memref<1x200x128xf32, #tpu.memory_space<hbm>>
    %dma_wait3A_803 = tpu.memref_squeeze %dma_wait3A_802 : memref<1x200x128xf32, #tpu.memory_space<hbm>> -> memref<200x128xf32, #tpu.memory_space<hbm>>
    tpu.wait_dma2 semaphore(%arg11 : memref<!tpu.dma_semaphore, #tpu.memory_space<semaphore_mem>>) src(%dma_wait3A_803 : memref<200x128xf32, #tpu.memory_space<hbm>>) dst(%dma_wait3A_799 : memref<200x128xf32, #tpu.memory_space<vmem_shared>>)
    %dma_start3A_804 = arith.constant 2 : i32
    %dma_start3A_805 = arith.constant 0 : i32
    %dma_start3A_806 = arith.constant 0 : i32
    %dma_start3A_807 = tpu.memref_slice %arg5[%dma_start3A_805, %dma_start3A_806] : memref<200x128xf32, #tpu.memory_space<vmem>> -> memref<104x128xf32, #tpu.memory_space<vmem>>
    %dma_start3A_808 = arith.constant 0 : i32
    %dma_start3A_809 = tpu.memref_slice %arg6[%dma_start3A_804, %dma_start3A_808] : memref<3x104xi32, #tpu.memory_space<vmem>> -> memref<1x104xi32, #tpu.memory_space<vmem>>
    %dma_start3A_810 = tpu.memref_squeeze %dma_start3A_809 : memref<1x104xi32, #tpu.memory_space<vmem>> -> memref<104xi32, #tpu.memory_space<vmem>>
    %dma_start3A_811 = arith.constant 0 : i32
    %dma_start3A_812 = arith.constant 0 : i32
    %dma_start3A_813 = tpu.memref_slice %arg8[%dma_start3A_811, %dma_start3A_812] : memref<9600x128xf32, #tpu.memory_space<vmem_shared>> -> memref<9600x128xf32, #tpu.memory_space<vmem_shared>>
    tpu.enqueue_indirect_dma source(%dma_start3A_807 : memref<104x128xf32, #tpu.memory_space<vmem>>) target(%dma_start3A_813 : memref<9600x128xf32, #tpu.memory_space<vmem_shared>>) offsets(%dma_start3A_810 : memref<104xi32, #tpu.memory_space<vmem>>) semaphore(%arg14 : memref<!tpu.dma_semaphore, #tpu.memory_space<semaphore_mem>>) {add = true}
    %dma_start3A_814 = arith.constant 2 : i32
    %dma_start3A_815 = arith.constant 104 : i32
    %dma_start3A_816 = arith.constant 0 : i32
    %dma_start3A_817 = tpu.memref_slice %arg5[%dma_start3A_815, %dma_start3A_816] : memref<200x128xf32, #tpu.memory_space<vmem>> -> memref<96x128xf32, #tpu.memory_space<vmem>>
    %dma_start3A_818 = arith.constant 0 : i32
    %dma_start3A_819 = tpu.memref_slice %arg7[%dma_start3A_814, %dma_start3A_818] : memref<3x96xi32, #tpu.memory_space<vmem>> -> memref<1x96xi32, #tpu.memory_space<vmem>>
    %dma_start3A_820 = tpu.memref_squeeze %dma_start3A_819 : memref<1x96xi32, #tpu.memory_space<vmem>> -> memref<96xi32, #tpu.memory_space<vmem>>
    %dma_start3A_821 = arith.constant 0 : i32
    %dma_start3A_822 = arith.constant 0 : i32
    %dma_start3A_823 = tpu.memref_slice %arg8[%dma_start3A_821, %dma_start3A_822] : memref<9600x128xf32, #tpu.memory_space<vmem_shared>> -> memref<9600x128xf32, #tpu.memory_space<vmem_shared>>
    tpu.enqueue_indirect_dma source(%dma_start3A_817 : memref<96x128xf32, #tpu.memory_space<vmem>>) target(%dma_start3A_823 : memref<9600x128xf32, #tpu.memory_space<vmem_shared>>) offsets(%dma_start3A_820 : memref<96xi32, #tpu.memory_space<vmem>>) semaphore(%arg14 : memref<!tpu.dma_semaphore, #tpu.memory_space<semaphore_mem>>) {add = true}
    %dma_wait3A_824 = arith.constant 1 : i32
    %dma_wait3A_825 = arith.constant 0 : i32
    %dma_wait3A_826 = arith.constant 0 : i32
    %dma_wait3A_827 = tpu.memref_slice %arg5[%dma_wait3A_825, %dma_wait3A_826] : memref<200x128xf32, #tpu.memory_space<vmem>> -> memref<104x128xf32, #tpu.memory_space<vmem>>
    %dma_wait3A_828 = arith.constant 0 : i32
    %dma_wait3A_829 = tpu.memref_slice %arg6[%dma_wait3A_824, %dma_wait3A_828] : memref<3x104xi32, #tpu.memory_space<vmem>> -> memref<1x104xi32, #tpu.memory_space<vmem>>
    %dma_wait3A_830 = tpu.memref_squeeze %dma_wait3A_829 : memref<1x104xi32, #tpu.memory_space<vmem>> -> memref<104xi32, #tpu.memory_space<vmem>>
    %dma_wait3A_831 = arith.constant 0 : i32
    %dma_wait3A_832 = arith.constant 0 : i32
    %dma_wait3A_833 = tpu.memref_slice %arg8[%dma_wait3A_831, %dma_wait3A_832] : memref<9600x128xf32, #tpu.memory_space<vmem_shared>> -> memref<9600x128xf32, #tpu.memory_space<vmem_shared>>
    tpu.wait_indirect_dma semaphore(%arg13 : memref<!tpu.dma_semaphore, #tpu.memory_space<semaphore_mem>>) src(%dma_wait3A_827 : memref<104x128xf32, #tpu.memory_space<vmem>>) dst(%dma_wait3A_833 : memref<9600x128xf32, #tpu.memory_space<vmem_shared>>)
    %dma_wait3A_834 = arith.constant 1 : i32
    %dma_wait3A_835 = arith.constant 104 : i32
    %dma_wait3A_836 = arith.constant 0 : i32
    %dma_wait3A_837 = tpu.memref_slice %arg5[%dma_wait3A_835, %dma_wait3A_836] : memref<200x128xf32, #tpu.memory_space<vmem>> -> memref<96x128xf32, #tpu.memory_space<vmem>>
    %dma_wait3A_838 = arith.constant 0 : i32
    %dma_wait3A_839 = tpu.memref_slice %arg7[%dma_wait3A_834, %dma_wait3A_838] : memref<3x96xi32, #tpu.memory_space<vmem>> -> memref<1x96xi32, #tpu.memory_space<vmem>>
    %dma_wait3A_840 = tpu.memref_squeeze %dma_wait3A_839 : memref<1x96xi32, #tpu.memory_space<vmem>> -> memref<96xi32, #tpu.memory_space<vmem>>
    %dma_wait3A_841 = arith.constant 0 : i32
    %dma_wait3A_842 = arith.constant 0 : i32
    %dma_wait3A_843 = tpu.memref_slice %arg8[%dma_wait3A_841, %dma_wait3A_842] : memref<9600x128xf32, #tpu.memory_space<vmem_shared>> -> memref<9600x128xf32, #tpu.memory_space<vmem_shared>>
    tpu.wait_indirect_dma semaphore(%arg13 : memref<!tpu.dma_semaphore, #tpu.memory_space<semaphore_mem>>) src(%dma_wait3A_837 : memref<96x128xf32, #tpu.memory_space<vmem>>) dst(%dma_wait3A_843 : memref<9600x128xf32, #tpu.memory_space<vmem_shared>>)
    %add3A_844 = arith.constant 200 : i32
    %add3A_845 = arith.addi %mul3A_4, %add3A_844 : i32
    %add3A_846 = arith.constant 4 : i32
    %add3A_847 = arith.addi %mul3A_2, %add3A_846 : i32
    %dma_start3A_848 = arith.constant 0 : i32
    %dma_start3A_849 = arith.constant 0 : i32
    %dma_start3A_850 = tpu.memref_slice %arg4[%add3A_847, %dma_start3A_848, %dma_start3A_849] : memref<1024x200x128xf32, #tpu.memory_space<hbm>> -> memref<1x200x128xf32, #tpu.memory_space<hbm>>
    %dma_start3A_851 = tpu.memref_squeeze %dma_start3A_850 : memref<1x200x128xf32, #tpu.memory_space<hbm>> -> memref<200x128xf32, #tpu.memory_space<hbm>>
    %dma_start3A_852 = arith.constant 0 : i32
    %dma_start3A_853 = tpu.memref_slice %arg8[%add3A_845, %dma_start3A_852] : memref<9600x128xf32, #tpu.memory_space<vmem_shared>> -> memref<200x128xf32, #tpu.memory_space<vmem_shared>>
    tpu.enqueue_dma source(%dma_start3A_853 : memref<200x128xf32, #tpu.memory_space<vmem_shared>>) target(%dma_start3A_851 : memref<200x128xf32, #tpu.memory_space<hbm>>) target_semaphore(%arg16 : memref<!tpu.dma_semaphore, #tpu.memory_space<semaphore_mem>>)
    %add3A_854 = arith.constant 0 : i32
    %add3A_855 = arith.addi %mul3A_4, %add3A_854 : i32
    %add3A_856 = arith.constant 3 : i32
    %add3A_857 = arith.addi %mul3A_2, %add3A_856 : i32
    %dma_wait3A_858 = arith.constant 0 : i32
    %dma_wait3A_859 = arith.constant 0 : i32
    %dma_wait3A_860 = tpu.memref_slice %arg4[%add3A_857, %dma_wait3A_858, %dma_wait3A_859] : memref<1024x200x128xf32, #tpu.memory_space<hbm>> -> memref<1x200x128xf32, #tpu.memory_space<hbm>>
    %dma_wait3A_861 = tpu.memref_squeeze %dma_wait3A_860 : memref<1x200x128xf32, #tpu.memory_space<hbm>> -> memref<200x128xf32, #tpu.memory_space<hbm>>
    %dma_wait3A_862 = arith.constant 0 : i32
    %dma_wait3A_863 = tpu.memref_slice %arg8[%add3A_855, %dma_wait3A_862] : memref<9600x128xf32, #tpu.memory_space<vmem_shared>> -> memref<200x128xf32, #tpu.memory_space<vmem_shared>>
    tpu.wait_dma2 semaphore(%arg15 : memref<!tpu.dma_semaphore, #tpu.memory_space<semaphore_mem>>) src(%dma_wait3A_863 : memref<200x128xf32, #tpu.memory_space<vmem_shared>>) dst(%dma_wait3A_861 : memref<200x128xf32, #tpu.memory_space<hbm>>)
    %add3A_864 = arith.constant 6 : i32
    %add3A_865 = arith.addi %mul3A_2, %add3A_864 : i32
    %add3A_866 = arith.constant 0 : i32
    %add3A_867 = arith.addi %mul3A_4, %add3A_866 : i32
    %dma_start3A_868 = arith.constant 0 : i32
    %dma_start3A_869 = tpu.memref_slice %arg8[%add3A_867, %dma_start3A_868] : memref<9600x128xf32, #tpu.memory_space<vmem_shared>> -> memref<200x128xf32, #tpu.memory_space<vmem_shared>>
    %dma_start3A_870 = arith.constant 0 : i32
    %dma_start3A_871 = arith.constant 0 : i32
    %dma_start3A_872 = tpu.memref_slice %arg2[%add3A_865, %dma_start3A_870, %dma_start3A_871] : memref<1024x200x128xf32, #tpu.memory_space<hbm>> -> memref<1x200x128xf32, #tpu.memory_space<hbm>>
    %dma_start3A_873 = tpu.memref_squeeze %dma_start3A_872 : memref<1x200x128xf32, #tpu.memory_space<hbm>> -> memref<200x128xf32, #tpu.memory_space<hbm>>
    tpu.enqueue_dma source(%dma_start3A_873 : memref<200x128xf32, #tpu.memory_space<hbm>>) target(%dma_start3A_869 : memref<200x128xf32, #tpu.memory_space<vmem_shared>>) target_semaphore(%arg9 : memref<!tpu.dma_semaphore, #tpu.memory_space<semaphore_mem>>)
    %add3A_874 = arith.constant 6 : i32
    %add3A_875 = arith.addi %mul3A_2, %add3A_874 : i32
    %add3A_876 = arith.constant 0 : i32
    %add3A_877 = arith.addi %mul3A_4, %add3A_876 : i32
    %dma_wait3A_878 = arith.constant 0 : i32
    %dma_wait3A_879 = tpu.memref_slice %arg8[%add3A_877, %dma_wait3A_878] : memref<9600x128xf32, #tpu.memory_space<vmem_shared>> -> memref<200x128xf32, #tpu.memory_space<vmem_shared>>
    %dma_wait3A_880 = arith.constant 0 : i32
    %dma_wait3A_881 = arith.constant 0 : i32
    %dma_wait3A_882 = tpu.memref_slice %arg2[%add3A_875, %dma_wait3A_880, %dma_wait3A_881] : memref<1024x200x128xf32, #tpu.memory_space<hbm>> -> memref<1x200x128xf32, #tpu.memory_space<hbm>>
    %dma_wait3A_883 = tpu.memref_squeeze %dma_wait3A_882 : memref<1x200x128xf32, #tpu.memory_space<hbm>> -> memref<200x128xf32, #tpu.memory_space<hbm>>
    tpu.wait_dma2 semaphore(%arg9 : memref<!tpu.dma_semaphore, #tpu.memory_space<semaphore_mem>>) src(%dma_wait3A_883 : memref<200x128xf32, #tpu.memory_space<hbm>>) dst(%dma_wait3A_879 : memref<200x128xf32, #tpu.memory_space<vmem_shared>>)
    %dma_start3A_884 = arith.constant 0 : i32
    %dma_start3A_885 = arith.constant 0 : i32
    %dma_start3A_886 = arith.constant 0 : i32
    %dma_start3A_887 = tpu.memref_slice %arg5[%dma_start3A_885, %dma_start3A_886] : memref<200x128xf32, #tpu.memory_space<vmem>> -> memref<104x128xf32, #tpu.memory_space<vmem>>
    %dma_start3A_888 = arith.constant 0 : i32
    %dma_start3A_889 = tpu.memref_slice %arg6[%dma_start3A_884, %dma_start3A_888] : memref<3x104xi32, #tpu.memory_space<vmem>> -> memref<1x104xi32, #tpu.memory_space<vmem>>
    %dma_start3A_890 = tpu.memref_squeeze %dma_start3A_889 : memref<1x104xi32, #tpu.memory_space<vmem>> -> memref<104xi32, #tpu.memory_space<vmem>>
    %dma_start3A_891 = arith.constant 0 : i32
    %dma_start3A_892 = arith.constant 0 : i32
    %dma_start3A_893 = tpu.memref_slice %arg8[%dma_start3A_891, %dma_start3A_892] : memref<9600x128xf32, #tpu.memory_space<vmem_shared>> -> memref<9600x128xf32, #tpu.memory_space<vmem_shared>>
    tpu.enqueue_indirect_dma source(%dma_start3A_887 : memref<104x128xf32, #tpu.memory_space<vmem>>) target(%dma_start3A_893 : memref<9600x128xf32, #tpu.memory_space<vmem_shared>>) offsets(%dma_start3A_890 : memref<104xi32, #tpu.memory_space<vmem>>) semaphore(%arg12 : memref<!tpu.dma_semaphore, #tpu.memory_space<semaphore_mem>>) {add = true}
    %dma_start3A_894 = arith.constant 0 : i32
    %dma_start3A_895 = arith.constant 104 : i32
    %dma_start3A_896 = arith.constant 0 : i32
    %dma_start3A_897 = tpu.memref_slice %arg5[%dma_start3A_895, %dma_start3A_896] : memref<200x128xf32, #tpu.memory_space<vmem>> -> memref<96x128xf32, #tpu.memory_space<vmem>>
    %dma_start3A_898 = arith.constant 0 : i32
    %dma_start3A_899 = tpu.memref_slice %arg7[%dma_start3A_894, %dma_start3A_898] : memref<3x96xi32, #tpu.memory_space<vmem>> -> memref<1x96xi32, #tpu.memory_space<vmem>>
    %dma_start3A_900 = tpu.memref_squeeze %dma_start3A_899 : memref<1x96xi32, #tpu.memory_space<vmem>> -> memref<96xi32, #tpu.memory_space<vmem>>
    %dma_start3A_901 = arith.constant 0 : i32
    %dma_start3A_902 = arith.constant 0 : i32
    %dma_start3A_903 = tpu.memref_slice %arg8[%dma_start3A_901, %dma_start3A_902] : memref<9600x128xf32, #tpu.memory_space<vmem_shared>> -> memref<9600x128xf32, #tpu.memory_space<vmem_shared>>
    tpu.enqueue_indirect_dma source(%dma_start3A_897 : memref<96x128xf32, #tpu.memory_space<vmem>>) target(%dma_start3A_903 : memref<9600x128xf32, #tpu.memory_space<vmem_shared>>) offsets(%dma_start3A_900 : memref<96xi32, #tpu.memory_space<vmem>>) semaphore(%arg12 : memref<!tpu.dma_semaphore, #tpu.memory_space<semaphore_mem>>) {add = true}
    %dma_wait3A_904 = arith.constant 2 : i32
    %dma_wait3A_905 = arith.constant 0 : i32
    %dma_wait3A_906 = arith.constant 0 : i32
    %dma_wait3A_907 = tpu.memref_slice %arg5[%dma_wait3A_905, %dma_wait3A_906] : memref<200x128xf32, #tpu.memory_space<vmem>> -> memref<104x128xf32, #tpu.memory_space<vmem>>
    %dma_wait3A_908 = arith.constant 0 : i32
    %dma_wait3A_909 = tpu.memref_slice %arg6[%dma_wait3A_904, %dma_wait3A_908] : memref<3x104xi32, #tpu.memory_space<vmem>> -> memref<1x104xi32, #tpu.memory_space<vmem>>
    %dma_wait3A_910 = tpu.memref_squeeze %dma_wait3A_909 : memref<1x104xi32, #tpu.memory_space<vmem>> -> memref<104xi32, #tpu.memory_space<vmem>>
    %dma_wait3A_911 = arith.constant 0 : i32
    %dma_wait3A_912 = arith.constant 0 : i32
    %dma_wait3A_913 = tpu.memref_slice %arg8[%dma_wait3A_911, %dma_wait3A_912] : memref<9600x128xf32, #tpu.memory_space<vmem_shared>> -> memref<9600x128xf32, #tpu.memory_space<vmem_shared>>
    tpu.wait_indirect_dma semaphore(%arg14 : memref<!tpu.dma_semaphore, #tpu.memory_space<semaphore_mem>>) src(%dma_wait3A_907 : memref<104x128xf32, #tpu.memory_space<vmem>>) dst(%dma_wait3A_913 : memref<9600x128xf32, #tpu.memory_space<vmem_shared>>)
    %dma_wait3A_914 = arith.constant 2 : i32
    %dma_wait3A_915 = arith.constant 104 : i32
    %dma_wait3A_916 = arith.constant 0 : i32
    %dma_wait3A_917 = tpu.memref_slice %arg5[%dma_wait3A_915, %dma_wait3A_916] : memref<200x128xf32, #tpu.memory_space<vmem>> -> memref<96x128xf32, #tpu.memory_space<vmem>>
    %dma_wait3A_918 = arith.constant 0 : i32
    %dma_wait3A_919 = tpu.memref_slice %arg7[%dma_wait3A_914, %dma_wait3A_918] : memref<3x96xi32, #tpu.memory_space<vmem>> -> memref<1x96xi32, #tpu.memory_space<vmem>>
    %dma_wait3A_920 = tpu.memref_squeeze %dma_wait3A_919 : memref<1x96xi32, #tpu.memory_space<vmem>> -> memref<96xi32, #tpu.memory_space<vmem>>
    %dma_wait3A_921 = arith.constant 0 : i32
    %dma_wait3A_922 = arith.constant 0 : i32
    %dma_wait3A_923 = tpu.memref_slice %arg8[%dma_wait3A_921, %dma_wait3A_922] : memref<9600x128xf32, #tpu.memory_space<vmem_shared>> -> memref<9600x128xf32, #tpu.memory_space<vmem_shared>>
    tpu.wait_indirect_dma semaphore(%arg14 : memref<!tpu.dma_semaphore, #tpu.memory_space<semaphore_mem>>) src(%dma_wait3A_917 : memref<96x128xf32, #tpu.memory_space<vmem>>) dst(%dma_wait3A_923 : memref<9600x128xf32, #tpu.memory_space<vmem_shared>>)
    %add3A_924 = arith.constant 400 : i32
    %add3A_925 = arith.addi %mul3A_4, %add3A_924 : i32
    %add3A_926 = arith.constant 5 : i32
    %add3A_927 = arith.addi %mul3A_2, %add3A_926 : i32
    %dma_start3A_928 = arith.constant 0 : i32
    %dma_start3A_929 = arith.constant 0 : i32
    %dma_start3A_930 = tpu.memref_slice %arg4[%add3A_927, %dma_start3A_928, %dma_start3A_929] : memref<1024x200x128xf32, #tpu.memory_space<hbm>> -> memref<1x200x128xf32, #tpu.memory_space<hbm>>
    %dma_start3A_931 = tpu.memref_squeeze %dma_start3A_930 : memref<1x200x128xf32, #tpu.memory_space<hbm>> -> memref<200x128xf32, #tpu.memory_space<hbm>>
    %dma_start3A_932 = arith.constant 0 : i32
    %dma_start3A_933 = tpu.memref_slice %arg8[%add3A_925, %dma_start3A_932] : memref<9600x128xf32, #tpu.memory_space<vmem_shared>> -> memref<200x128xf32, #tpu.memory_space<vmem_shared>>
    tpu.enqueue_dma source(%dma_start3A_933 : memref<200x128xf32, #tpu.memory_space<vmem_shared>>) target(%dma_start3A_931 : memref<200x128xf32, #tpu.memory_space<hbm>>) target_semaphore(%arg17 : memref<!tpu.dma_semaphore, #tpu.memory_space<semaphore_mem>>)
    %add3A_934 = arith.constant 200 : i32
    %add3A_935 = arith.addi %mul3A_4, %add3A_934 : i32
    %add3A_936 = arith.constant 4 : i32
    %add3A_937 = arith.addi %mul3A_2, %add3A_936 : i32
    %dma_wait3A_938 = arith.constant 0 : i32
    %dma_wait3A_939 = arith.constant 0 : i32
    %dma_wait3A_940 = tpu.memref_slice %arg4[%add3A_937, %dma_wait3A_938, %dma_wait3A_939] : memref<1024x200x128xf32, #tpu.memory_space<hbm>> -> memref<1x200x128xf32, #tpu.memory_space<hbm>>
    %dma_wait3A_941 = tpu.memref_squeeze %dma_wait3A_940 : memref<1x200x128xf32, #tpu.memory_space<hbm>> -> memref<200x128xf32, #tpu.memory_space<hbm>>
    %dma_wait3A_942 = arith.constant 0 : i32
    %dma_wait3A_943 = tpu.memref_slice %arg8[%add3A_935, %dma_wait3A_942] : memref<9600x128xf32, #tpu.memory_space<vmem_shared>> -> memref<200x128xf32, #tpu.memory_space<vmem_shared>>
    tpu.wait_dma2 semaphore(%arg16 : memref<!tpu.dma_semaphore, #tpu.memory_space<semaphore_mem>>) src(%dma_wait3A_943 : memref<200x128xf32, #tpu.memory_space<vmem_shared>>) dst(%dma_wait3A_941 : memref<200x128xf32, #tpu.memory_space<hbm>>)
    %add3A_944 = arith.constant 7 : i32
    %add3A_945 = arith.addi %mul3A_2, %add3A_944 : i32
    %add3A_946 = arith.constant 200 : i32
    %add3A_947 = arith.addi %mul3A_4, %add3A_946 : i32
    %dma_start3A_948 = arith.constant 0 : i32
    %dma_start3A_949 = tpu.memref_slice %arg8[%add3A_947, %dma_start3A_948] : memref<9600x128xf32, #tpu.memory_space<vmem_shared>> -> memref<200x128xf32, #tpu.memory_space<vmem_shared>>
    %dma_start3A_950 = arith.constant 0 : i32
    %dma_start3A_951 = arith.constant 0 : i32
    %dma_start3A_952 = tpu.memref_slice %arg2[%add3A_945, %dma_start3A_950, %dma_start3A_951] : memref<1024x200x128xf32, #tpu.memory_space<hbm>> -> memref<1x200x128xf32, #tpu.memory_space<hbm>>
    %dma_start3A_953 = tpu.memref_squeeze %dma_start3A_952 : memref<1x200x128xf32, #tpu.memory_space<hbm>> -> memref<200x128xf32, #tpu.memory_space<hbm>>
    tpu.enqueue_dma source(%dma_start3A_953 : memref<200x128xf32, #tpu.memory_space<hbm>>) target(%dma_start3A_949 : memref<200x128xf32, #tpu.memory_space<vmem_shared>>) target_semaphore(%arg10 : memref<!tpu.dma_semaphore, #tpu.memory_space<semaphore_mem>>)
    %add3A_954 = arith.constant 7 : i32
    %add3A_955 = arith.addi %mul3A_2, %add3A_954 : i32
    %add3A_956 = arith.constant 200 : i32
    %add3A_957 = arith.addi %mul3A_4, %add3A_956 : i32
    %dma_wait3A_958 = arith.constant 0 : i32
    %dma_wait3A_959 = tpu.memref_slice %arg8[%add3A_957, %dma_wait3A_958] : memref<9600x128xf32, #tpu.memory_space<vmem_shared>> -> memref<200x128xf32, #tpu.memory_space<vmem_shared>>
    %dma_wait3A_960 = arith.constant 0 : i32
    %dma_wait3A_961 = arith.constant 0 : i32
    %dma_wait3A_962 = tpu.memref_slice %arg2[%add3A_955, %dma_wait3A_960, %dma_wait3A_961] : memref<1024x200x128xf32, #tpu.memory_space<hbm>> -> memref<1x200x128xf32, #tpu.memory_space<hbm>>
    %dma_wait3A_963 = tpu.memref_squeeze %dma_wait3A_962 : memref<1x200x128xf32, #tpu.memory_space<hbm>> -> memref<200x128xf32, #tpu.memory_space<hbm>>
    tpu.wait_dma2 semaphore(%arg10 : memref<!tpu.dma_semaphore, #tpu.memory_space<semaphore_mem>>) src(%dma_wait3A_963 : memref<200x128xf32, #tpu.memory_space<hbm>>) dst(%dma_wait3A_959 : memref<200x128xf32, #tpu.memory_space<vmem_shared>>)
    %dma_start3A_964 = arith.constant 1 : i32
    %dma_start3A_965 = arith.constant 0 : i32
    %dma_start3A_966 = arith.constant 0 : i32
    %dma_start3A_967 = tpu.memref_slice %arg5[%dma_start3A_965, %dma_start3A_966] : memref<200x128xf32, #tpu.memory_space<vmem>> -> memref<104x128xf32, #tpu.memory_space<vmem>>
    %dma_start3A_968 = arith.constant 0 : i32
    %dma_start3A_969 = tpu.memref_slice %arg6[%dma_start3A_964, %dma_start3A_968] : memref<3x104xi32, #tpu.memory_space<vmem>> -> memref<1x104xi32, #tpu.memory_space<vmem>>
    %dma_start3A_970 = tpu.memref_squeeze %dma_start3A_969 : memref<1x104xi32, #tpu.memory_space<vmem>> -> memref<104xi32, #tpu.memory_space<vmem>>
    %dma_start3A_971 = arith.constant 0 : i32
    %dma_start3A_972 = arith.constant 0 : i32
    %dma_start3A_973 = tpu.memref_slice %arg8[%dma_start3A_971, %dma_start3A_972] : memref<9600x128xf32, #tpu.memory_space<vmem_shared>> -> memref<9600x128xf32, #tpu.memory_space<vmem_shared>>
    tpu.enqueue_indirect_dma source(%dma_start3A_967 : memref<104x128xf32, #tpu.memory_space<vmem>>) target(%dma_start3A_973 : memref<9600x128xf32, #tpu.memory_space<vmem_shared>>) offsets(%dma_start3A_970 : memref<104xi32, #tpu.memory_space<vmem>>) semaphore(%arg13 : memref<!tpu.dma_semaphore, #tpu.memory_space<semaphore_mem>>) {add = true}
    %dma_start3A_974 = arith.constant 1 : i32
    %dma_start3A_975 = arith.constant 104 : i32
    %dma_start3A_976 = arith.constant 0 : i32
    %dma_start3A_977 = tpu.memref_slice %arg5[%dma_start3A_975, %dma_start3A_976] : memref<200x128xf32, #tpu.memory_space<vmem>> -> memref<96x128xf32, #tpu.memory_space<vmem>>
    %dma_start3A_978 = arith.constant 0 : i32
    %dma_start3A_979 = tpu.memref_slice %arg7[%dma_start3A_974, %dma_start3A_978] : memref<3x96xi32, #tpu.memory_space<vmem>> -> memref<1x96xi32, #tpu.memory_space<vmem>>
    %dma_start3A_980 = tpu.memref_squeeze %dma_start3A_979 : memref<1x96xi32, #tpu.memory_space<vmem>> -> memref<96xi32, #tpu.memory_space<vmem>>
    %dma_start3A_981 = arith.constant 0 : i32
    %dma_start3A_982 = arith.constant 0 : i32
    %dma_start3A_983 = tpu.memref_slice %arg8[%dma_start3A_981, %dma_start3A_982] : memref<9600x128xf32, #tpu.memory_space<vmem_shared>> -> memref<9600x128xf32, #tpu.memory_space<vmem_shared>>
    tpu.enqueue_indirect_dma source(%dma_start3A_977 : memref<96x128xf32, #tpu.memory_space<vmem>>) target(%dma_start3A_983 : memref<9600x128xf32, #tpu.memory_space<vmem_shared>>) offsets(%dma_start3A_980 : memref<96xi32, #tpu.memory_space<vmem>>) semaphore(%arg13 : memref<!tpu.dma_semaphore, #tpu.memory_space<semaphore_mem>>) {add = true}
    %dma_wait3A_984 = arith.constant 0 : i32
    %dma_wait3A_985 = arith.constant 0 : i32
    %dma_wait3A_986 = arith.constant 0 : i32
    %dma_wait3A_987 = tpu.memref_slice %arg5[%dma_wait3A_985, %dma_wait3A_986] : memref<200x128xf32, #tpu.memory_space<vmem>> -> memref<104x128xf32, #tpu.memory_space<vmem>>
    %dma_wait3A_988 = arith.constant 0 : i32
    %dma_wait3A_989 = tpu.memref_slice %arg6[%dma_wait3A_984, %dma_wait3A_988] : memref<3x104xi32, #tpu.memory_space<vmem>> -> memref<1x104xi32, #tpu.memory_space<vmem>>
    %dma_wait3A_990 = tpu.memref_squeeze %dma_wait3A_989 : memref<1x104xi32, #tpu.memory_space<vmem>> -> memref<104xi32, #tpu.memory_space<vmem>>
    %dma_wait3A_991 = arith.constant 0 : i32
    %dma_wait3A_992 = arith.constant 0 : i32
    %dma_wait3A_993 = tpu.memref_slice %arg8[%dma_wait3A_991, %dma_wait3A_992] : memref<9600x128xf32, #tpu.memory_space<vmem_shared>> -> memref<9600x128xf32, #tpu.memory_space<vmem_shared>>
    tpu.wait_indirect_dma semaphore(%arg12 : memref<!tpu.dma_semaphore, #tpu.memory_space<semaphore_mem>>) src(%dma_wait3A_987 : memref<104x128xf32, #tpu.memory_space<vmem>>) dst(%dma_wait3A_993 : memref<9600x128xf32, #tpu.memory_space<vmem_shared>>)
    %dma_wait3A_994 = arith.constant 0 : i32
    %dma_wait3A_995 = arith.constant 104 : i32
    %dma_wait3A_996 = arith.constant 0 : i32
    %dma_wait3A_997 = tpu.memref_slice %arg5[%dma_wait3A_995, %dma_wait3A_996] : memref<200x128xf32, #tpu.memory_space<vmem>> -> memref<96x128xf32, #tpu.memory_space<vmem>>
    %dma_wait3A_998 = arith.constant 0 : i32
    %dma_wait3A_999 = tpu.memref_slice %arg7[%dma_wait3A_994, %dma_wait3A_998] : memref<3x96xi32, #tpu.memory_space<vmem>> -> memref<1x96xi32, #tpu.memory_space<vmem>>
    %dma_wait3A_1000 = tpu.memref_squeeze %dma_wait3A_999 : memref<1x96xi32, #tpu.memory_space<vmem>> -> memref<96xi32, #tpu.memory_space<vmem>>
    %dma_wait3A_1001 = arith.constant 0 : i32
    %dma_wait3A_1002 = arith.constant 0 : i32
    %dma_wait3A_1003 = tpu.memref_slice %arg8[%dma_wait3A_1001, %dma_wait3A_1002] : memref<9600x128xf32, #tpu.memory_space<vmem_shared>> -> memref<9600x128xf32, #tpu.memory_space<vmem_shared>>
    tpu.wait_indirect_dma semaphore(%arg12 : memref<!tpu.dma_semaphore, #tpu.memory_space<semaphore_mem>>) src(%dma_wait3A_997 : memref<96x128xf32, #tpu.memory_space<vmem>>) dst(%dma_wait3A_1003 : memref<9600x128xf32, #tpu.memory_space<vmem_shared>>)
    %add3A_1004 = arith.constant 0 : i32
    %add3A_1005 = arith.addi %mul3A_4, %add3A_1004 : i32
    %add3A_1006 = arith.constant 6 : i32
    %add3A_1007 = arith.addi %mul3A_2, %add3A_1006 : i32
    %dma_start3A_1008 = arith.constant 0 : i32
    %dma_start3A_1009 = arith.constant 0 : i32
    %dma_start3A_1010 = tpu.memref_slice %arg4[%add3A_1007, %dma_start3A_1008, %dma_start3A_1009] : memref<1024x200x128xf32, #tpu.memory_space<hbm>> -> memref<1x200x128xf32, #tpu.memory_space<hbm>>
    %dma_start3A_1011 = tpu.memref_squeeze %dma_start3A_1010 : memref<1x200x128xf32, #tpu.memory_space<hbm>> -> memref<200x128xf32, #tpu.memory_space<hbm>>
    %dma_start3A_1012 = arith.constant 0 : i32
    %dma_start3A_1013 = tpu.memref_slice %arg8[%add3A_1005, %dma_start3A_1012] : memref<9600x128xf32, #tpu.memory_space<vmem_shared>> -> memref<200x128xf32, #tpu.memory_space<vmem_shared>>
    tpu.enqueue_dma source(%dma_start3A_1013 : memref<200x128xf32, #tpu.memory_space<vmem_shared>>) target(%dma_start3A_1011 : memref<200x128xf32, #tpu.memory_space<hbm>>) target_semaphore(%arg15 : memref<!tpu.dma_semaphore, #tpu.memory_space<semaphore_mem>>)
    %add3A_1014 = arith.constant 400 : i32
    %add3A_1015 = arith.addi %mul3A_4, %add3A_1014 : i32
    %add3A_1016 = arith.constant 5 : i32
    %add3A_1017 = arith.addi %mul3A_2, %add3A_1016 : i32
    %dma_wait3A_1018 = arith.constant 0 : i32
    %dma_wait3A_1019 = arith.constant 0 : i32
    %dma_wait3A_1020 = tpu.memref_slice %arg4[%add3A_1017, %dma_wait3A_1018, %dma_wait3A_1019] : memref<1024x200x128xf32, #tpu.memory_space<hbm>> -> memref<1x200x128xf32, #tpu.memory_space<hbm>>
    %dma_wait3A_1021 = tpu.memref_squeeze %dma_wait3A_1020 : memref<1x200x128xf32, #tpu.memory_space<hbm>> -> memref<200x128xf32, #tpu.memory_space<hbm>>
    %dma_wait3A_1022 = arith.constant 0 : i32
    %dma_wait3A_1023 = tpu.memref_slice %arg8[%add3A_1015, %dma_wait3A_1022] : memref<9600x128xf32, #tpu.memory_space<vmem_shared>> -> memref<200x128xf32, #tpu.memory_space<vmem_shared>>
    tpu.wait_dma2 semaphore(%arg17 : memref<!tpu.dma_semaphore, #tpu.memory_space<semaphore_mem>>) src(%dma_wait3A_1023 : memref<200x128xf32, #tpu.memory_space<vmem_shared>>) dst(%dma_wait3A_1021 : memref<200x128xf32, #tpu.memory_space<hbm>>)
    %add3A_1024 = arith.constant 8 : i32
    %add3A_1025 = arith.addi %mul3A_2, %add3A_1024 : i32
    %add3A_1026 = arith.constant 400 : i32
    %add3A_1027 = arith.addi %mul3A_4, %add3A_1026 : i32
    %dma_start3A_1028 = arith.constant 0 : i32
    %dma_start3A_1029 = tpu.memref_slice %arg8[%add3A_1027, %dma_start3A_1028] : memref<9600x128xf32, #tpu.memory_space<vmem_shared>> -> memref<200x128xf32, #tpu.memory_space<vmem_shared>>
    %dma_start3A_1030 = arith.constant 0 : i32
    %dma_start3A_1031 = arith.constant 0 : i32
    %dma_start3A_1032 = tpu.memref_slice %arg2[%add3A_1025, %dma_start3A_1030, %dma_start3A_1031] : memref<1024x200x128xf32, #tpu.memory_space<hbm>> -> memref<1x200x128xf32, #tpu.memory_space<hbm>>
    %dma_start3A_1033 = tpu.memref_squeeze %dma_start3A_1032 : memref<1x200x128xf32, #tpu.memory_space<hbm>> -> memref<200x128xf32, #tpu.memory_space<hbm>>
    tpu.enqueue_dma source(%dma_start3A_1033 : memref<200x128xf32, #tpu.memory_space<hbm>>) target(%dma_start3A_1029 : memref<200x128xf32, #tpu.memory_space<vmem_shared>>) target_semaphore(%arg11 : memref<!tpu.dma_semaphore, #tpu.memory_space<semaphore_mem>>)
    %add3A_1034 = arith.constant 8 : i32
    %add3A_1035 = arith.addi %mul3A_2, %add3A_1034 : i32
    %add3A_1036 = arith.constant 400 : i32
    %add3A_1037 = arith.addi %mul3A_4, %add3A_1036 : i32
    %dma_wait3A_1038 = arith.constant 0 : i32
    %dma_wait3A_1039 = tpu.memref_slice %arg8[%add3A_1037, %dma_wait3A_1038] : memref<9600x128xf32, #tpu.memory_space<vmem_shared>> -> memref<200x128xf32, #tpu.memory_space<vmem_shared>>
    %dma_wait3A_1040 = arith.constant 0 : i32
    %dma_wait3A_1041 = arith.constant 0 : i32
    %dma_wait3A_1042 = tpu.memref_slice %arg2[%add3A_1035, %dma_wait3A_1040, %dma_wait3A_1041] : memref<1024x200x128xf32, #tpu.memory_space<hbm>> -> memref<1x200x128xf32, #tpu.memory_space<hbm>>
    %dma_wait3A_1043 = tpu.memref_squeeze %dma_wait3A_1042 : memref<1x200x128xf32, #tpu.memory_space<hbm>> -> memref<200x128xf32, #tpu.memory_space<hbm>>
    tpu.wait_dma2 semaphore(%arg11 : memref<!tpu.dma_semaphore, #tpu.memory_space<semaphore_mem>>) src(%dma_wait3A_1043 : memref<200x128xf32, #tpu.memory_space<hbm>>) dst(%dma_wait3A_1039 : memref<200x128xf32, #tpu.memory_space<vmem_shared>>)
    %dma_start3A_1044 = arith.constant 2 : i32
    %dma_start3A_1045 = arith.constant 0 : i32
    %dma_start3A_1046 = arith.constant 0 : i32
    %dma_start3A_1047 = tpu.memref_slice %arg5[%dma_start3A_1045, %dma_start3A_1046] : memref<200x128xf32, #tpu.memory_space<vmem>> -> memref<104x128xf32, #tpu.memory_space<vmem>>
    %dma_start3A_1048 = arith.constant 0 : i32
    %dma_start3A_1049 = tpu.memref_slice %arg6[%dma_start3A_1044, %dma_start3A_1048] : memref<3x104xi32, #tpu.memory_space<vmem>> -> memref<1x104xi32, #tpu.memory_space<vmem>>
    %dma_start3A_1050 = tpu.memref_squeeze %dma_start3A_1049 : memref<1x104xi32, #tpu.memory_space<vmem>> -> memref<104xi32, #tpu.memory_space<vmem>>
    %dma_start3A_1051 = arith.constant 0 : i32
    %dma_start3A_1052 = arith.constant 0 : i32
    %dma_start3A_1053 = tpu.memref_slice %arg8[%dma_start3A_1051, %dma_start3A_1052] : memref<9600x128xf32, #tpu.memory_space<vmem_shared>> -> memref<9600x128xf32, #tpu.memory_space<vmem_shared>>
    tpu.enqueue_indirect_dma source(%dma_start3A_1047 : memref<104x128xf32, #tpu.memory_space<vmem>>) target(%dma_start3A_1053 : memref<9600x128xf32, #tpu.memory_space<vmem_shared>>) offsets(%dma_start3A_1050 : memref<104xi32, #tpu.memory_space<vmem>>) semaphore(%arg14 : memref<!tpu.dma_semaphore, #tpu.memory_space<semaphore_mem>>) {add = true}
    %dma_start3A_1054 = arith.constant 2 : i32
    %dma_start3A_1055 = arith.constant 104 : i32
    %dma_start3A_1056 = arith.constant 0 : i32
    %dma_start3A_1057 = tpu.memref_slice %arg5[%dma_start3A_1055, %dma_start3A_1056] : memref<200x128xf32, #tpu.memory_space<vmem>> -> memref<96x128xf32, #tpu.memory_space<vmem>>
    %dma_start3A_1058 = arith.constant 0 : i32
    %dma_start3A_1059 = tpu.memref_slice %arg7[%dma_start3A_1054, %dma_start3A_1058] : memref<3x96xi32, #tpu.memory_space<vmem>> -> memref<1x96xi32, #tpu.memory_space<vmem>>
    %dma_start3A_1060 = tpu.memref_squeeze %dma_start3A_1059 : memref<1x96xi32, #tpu.memory_space<vmem>> -> memref<96xi32, #tpu.memory_space<vmem>>
    %dma_start3A_1061 = arith.constant 0 : i32
    %dma_start3A_1062 = arith.constant 0 : i32
    %dma_start3A_1063 = tpu.memref_slice %arg8[%dma_start3A_1061, %dma_start3A_1062] : memref<9600x128xf32, #tpu.memory_space<vmem_shared>> -> memref<9600x128xf32, #tpu.memory_space<vmem_shared>>
    tpu.enqueue_indirect_dma source(%dma_start3A_1057 : memref<96x128xf32, #tpu.memory_space<vmem>>) target(%dma_start3A_1063 : memref<9600x128xf32, #tpu.memory_space<vmem_shared>>) offsets(%dma_start3A_1060 : memref<96xi32, #tpu.memory_space<vmem>>) semaphore(%arg14 : memref<!tpu.dma_semaphore, #tpu.memory_space<semaphore_mem>>) {add = true}
    %dma_wait3A_1064 = arith.constant 1 : i32
    %dma_wait3A_1065 = arith.constant 0 : i32
    %dma_wait3A_1066 = arith.constant 0 : i32
    %dma_wait3A_1067 = tpu.memref_slice %arg5[%dma_wait3A_1065, %dma_wait3A_1066] : memref<200x128xf32, #tpu.memory_space<vmem>> -> memref<104x128xf32, #tpu.memory_space<vmem>>
    %dma_wait3A_1068 = arith.constant 0 : i32
    %dma_wait3A_1069 = tpu.memref_slice %arg6[%dma_wait3A_1064, %dma_wait3A_1068] : memref<3x104xi32, #tpu.memory_space<vmem>> -> memref<1x104xi32, #tpu.memory_space<vmem>>
    %dma_wait3A_1070 = tpu.memref_squeeze %dma_wait3A_1069 : memref<1x104xi32, #tpu.memory_space<vmem>> -> memref<104xi32, #tpu.memory_space<vmem>>
    %dma_wait3A_1071 = arith.constant 0 : i32
    %dma_wait3A_1072 = arith.constant 0 : i32
    %dma_wait3A_1073 = tpu.memref_slice %arg8[%dma_wait3A_1071, %dma_wait3A_1072] : memref<9600x128xf32, #tpu.memory_space<vmem_shared>> -> memref<9600x128xf32, #tpu.memory_space<vmem_shared>>
    tpu.wait_indirect_dma semaphore(%arg13 : memref<!tpu.dma_semaphore, #tpu.memory_space<semaphore_mem>>) src(%dma_wait3A_1067 : memref<104x128xf32, #tpu.memory_space<vmem>>) dst(%dma_wait3A_1073 : memref<9600x128xf32, #tpu.memory_space<vmem_shared>>)
    %dma_wait3A_1074 = arith.constant 1 : i32
    %dma_wait3A_1075 = arith.constant 104 : i32
    %dma_wait3A_1076 = arith.constant 0 : i32
    %dma_wait3A_1077 = tpu.memref_slice %arg5[%dma_wait3A_1075, %dma_wait3A_1076] : memref<200x128xf32, #tpu.memory_space<vmem>> -> memref<96x128xf32, #tpu.memory_space<vmem>>
    %dma_wait3A_1078 = arith.constant 0 : i32
    %dma_wait3A_1079 = tpu.memref_slice %arg7[%dma_wait3A_1074, %dma_wait3A_1078] : memref<3x96xi32, #tpu.memory_space<vmem>> -> memref<1x96xi32, #tpu.memory_space<vmem>>
    %dma_wait3A_1080 = tpu.memref_squeeze %dma_wait3A_1079 : memref<1x96xi32, #tpu.memory_space<vmem>> -> memref<96xi32, #tpu.memory_space<vmem>>
    %dma_wait3A_1081 = arith.constant 0 : i32
    %dma_wait3A_1082 = arith.constant 0 : i32
    %dma_wait3A_1083 = tpu.memref_slice %arg8[%dma_wait3A_1081, %dma_wait3A_1082] : memref<9600x128xf32, #tpu.memory_space<vmem_shared>> -> memref<9600x128xf32, #tpu.memory_space<vmem_shared>>
    tpu.wait_indirect_dma semaphore(%arg13 : memref<!tpu.dma_semaphore, #tpu.memory_space<semaphore_mem>>) src(%dma_wait3A_1077 : memref<96x128xf32, #tpu.memory_space<vmem>>) dst(%dma_wait3A_1083 : memref<9600x128xf32, #tpu.memory_space<vmem_shared>>)
    %add3A_1084 = arith.constant 200 : i32
    %add3A_1085 = arith.addi %mul3A_4, %add3A_1084 : i32
    %add3A_1086 = arith.constant 7 : i32
    %add3A_1087 = arith.addi %mul3A_2, %add3A_1086 : i32
    %dma_start3A_1088 = arith.constant 0 : i32
    %dma_start3A_1089 = arith.constant 0 : i32
    %dma_start3A_1090 = tpu.memref_slice %arg4[%add3A_1087, %dma_start3A_1088, %dma_start3A_1089] : memref<1024x200x128xf32, #tpu.memory_space<hbm>> -> memref<1x200x128xf32, #tpu.memory_space<hbm>>
    %dma_start3A_1091 = tpu.memref_squeeze %dma_start3A_1090 : memref<1x200x128xf32, #tpu.memory_space<hbm>> -> memref<200x128xf32, #tpu.memory_space<hbm>>
    %dma_start3A_1092 = arith.constant 0 : i32
    %dma_start3A_1093 = tpu.memref_slice %arg8[%add3A_1085, %dma_start3A_1092] : memref<9600x128xf32, #tpu.memory_space<vmem_shared>> -> memref<200x128xf32, #tpu.memory_space<vmem_shared>>
    tpu.enqueue_dma source(%dma_start3A_1093 : memref<200x128xf32, #tpu.memory_space<vmem_shared>>) target(%dma_start3A_1091 : memref<200x128xf32, #tpu.memory_space<hbm>>) target_semaphore(%arg16 : memref<!tpu.dma_semaphore, #tpu.memory_space<semaphore_mem>>)
    %add3A_1094 = arith.constant 0 : i32
    %add3A_1095 = arith.addi %mul3A_4, %add3A_1094 : i32
    %add3A_1096 = arith.constant 6 : i32
    %add3A_1097 = arith.addi %mul3A_2, %add3A_1096 : i32
    %dma_wait3A_1098 = arith.constant 0 : i32
    %dma_wait3A_1099 = arith.constant 0 : i32
    %dma_wait3A_1100 = tpu.memref_slice %arg4[%add3A_1097, %dma_wait3A_1098, %dma_wait3A_1099] : memref<1024x200x128xf32, #tpu.memory_space<hbm>> -> memref<1x200x128xf32, #tpu.memory_space<hbm>>
    %dma_wait3A_1101 = tpu.memref_squeeze %dma_wait3A_1100 : memref<1x200x128xf32, #tpu.memory_space<hbm>> -> memref<200x128xf32, #tpu.memory_space<hbm>>
    %dma_wait3A_1102 = arith.constant 0 : i32
    %dma_wait3A_1103 = tpu.memref_slice %arg8[%add3A_1095, %dma_wait3A_1102] : memref<9600x128xf32, #tpu.memory_space<vmem_shared>> -> memref<200x128xf32, #tpu.memory_space<vmem_shared>>
    tpu.wait_dma2 semaphore(%arg15 : memref<!tpu.dma_semaphore, #tpu.memory_space<semaphore_mem>>) src(%dma_wait3A_1103 : memref<200x128xf32, #tpu.memory_space<vmem_shared>>) dst(%dma_wait3A_1101 : memref<200x128xf32, #tpu.memory_space<hbm>>)
    %add3A_1104 = arith.constant 9 : i32
    %add3A_1105 = arith.addi %mul3A_2, %add3A_1104 : i32
    %add3A_1106 = arith.constant 0 : i32
    %add3A_1107 = arith.addi %mul3A_4, %add3A_1106 : i32
    %dma_start3A_1108 = arith.constant 0 : i32
    %dma_start3A_1109 = tpu.memref_slice %arg8[%add3A_1107, %dma_start3A_1108] : memref<9600x128xf32, #tpu.memory_space<vmem_shared>> -> memref<200x128xf32, #tpu.memory_space<vmem_shared>>
    %dma_start3A_1110 = arith.constant 0 : i32
    %dma_start3A_1111 = arith.constant 0 : i32
    %dma_start3A_1112 = tpu.memref_slice %arg2[%add3A_1105, %dma_start3A_1110, %dma_start3A_1111] : memref<1024x200x128xf32, #tpu.memory_space<hbm>> -> memref<1x200x128xf32, #tpu.memory_space<hbm>>
    %dma_start3A_1113 = tpu.memref_squeeze %dma_start3A_1112 : memref<1x200x128xf32, #tpu.memory_space<hbm>> -> memref<200x128xf32, #tpu.memory_space<hbm>>
    tpu.enqueue_dma source(%dma_start3A_1113 : memref<200x128xf32, #tpu.memory_space<hbm>>) target(%dma_start3A_1109 : memref<200x128xf32, #tpu.memory_space<vmem_shared>>) target_semaphore(%arg9 : memref<!tpu.dma_semaphore, #tpu.memory_space<semaphore_mem>>)
    %add3A_1114 = arith.constant 9 : i32
    %add3A_1115 = arith.addi %mul3A_2, %add3A_1114 : i32
    %add3A_1116 = arith.constant 0 : i32
    %add3A_1117 = arith.addi %mul3A_4, %add3A_1116 : i32
    %dma_wait3A_1118 = arith.constant 0 : i32
    %dma_wait3A_1119 = tpu.memref_slice %arg8[%add3A_1117, %dma_wait3A_1118] : memref<9600x128xf32, #tpu.memory_space<vmem_shared>> -> memref<200x128xf32, #tpu.memory_space<vmem_shared>>
    %dma_wait3A_1120 = arith.constant 0 : i32
    %dma_wait3A_1121 = arith.constant 0 : i32
    %dma_wait3A_1122 = tpu.memref_slice %arg2[%add3A_1115, %dma_wait3A_1120, %dma_wait3A_1121] : memref<1024x200x128xf32, #tpu.memory_space<hbm>> -> memref<1x200x128xf32, #tpu.memory_space<hbm>>
    %dma_wait3A_1123 = tpu.memref_squeeze %dma_wait3A_1122 : memref<1x200x128xf32, #tpu.memory_space<hbm>> -> memref<200x128xf32, #tpu.memory_space<hbm>>
    tpu.wait_dma2 semaphore(%arg9 : memref<!tpu.dma_semaphore, #tpu.memory_space<semaphore_mem>>) src(%dma_wait3A_1123 : memref<200x128xf32, #tpu.memory_space<hbm>>) dst(%dma_wait3A_1119 : memref<200x128xf32, #tpu.memory_space<vmem_shared>>)
    %dma_start3A_1124 = arith.constant 0 : i32
    %dma_start3A_1125 = arith.constant 0 : i32
    %dma_start3A_1126 = arith.constant 0 : i32
    %dma_start3A_1127 = tpu.memref_slice %arg5[%dma_start3A_1125, %dma_start3A_1126] : memref<200x128xf32, #tpu.memory_space<vmem>> -> memref<104x128xf32, #tpu.memory_space<vmem>>
    %dma_start3A_1128 = arith.constant 0 : i32
    %dma_start3A_1129 = tpu.memref_slice %arg6[%dma_start3A_1124, %dma_start3A_1128] : memref<3x104xi32, #tpu.memory_space<vmem>> -> memref<1x104xi32, #tpu.memory_space<vmem>>
    %dma_start3A_1130 = tpu.memref_squeeze %dma_start3A_1129 : memref<1x104xi32, #tpu.memory_space<vmem>> -> memref<104xi32, #tpu.memory_space<vmem>>
    %dma_start3A_1131 = arith.constant 0 : i32
    %dma_start3A_1132 = arith.constant 0 : i32
    %dma_start3A_1133 = tpu.memref_slice %arg8[%dma_start3A_1131, %dma_start3A_1132] : memref<9600x128xf32, #tpu.memory_space<vmem_shared>> -> memref<9600x128xf32, #tpu.memory_space<vmem_shared>>
    tpu.enqueue_indirect_dma source(%dma_start3A_1127 : memref<104x128xf32, #tpu.memory_space<vmem>>) target(%dma_start3A_1133 : memref<9600x128xf32, #tpu.memory_space<vmem_shared>>) offsets(%dma_start3A_1130 : memref<104xi32, #tpu.memory_space<vmem>>) semaphore(%arg12 : memref<!tpu.dma_semaphore, #tpu.memory_space<semaphore_mem>>) {add = true}
    %dma_start3A_1134 = arith.constant 0 : i32
    %dma_start3A_1135 = arith.constant 104 : i32
    %dma_start3A_1136 = arith.constant 0 : i32
    %dma_start3A_1137 = tpu.memref_slice %arg5[%dma_start3A_1135, %dma_start3A_1136] : memref<200x128xf32, #tpu.memory_space<vmem>> -> memref<96x128xf32, #tpu.memory_space<vmem>>
    %dma_start3A_1138 = arith.constant 0 : i32
    %dma_start3A_1139 = tpu.memref_slice %arg7[%dma_start3A_1134, %dma_start3A_1138] : memref<3x96xi32, #tpu.memory_space<vmem>> -> memref<1x96xi32, #tpu.memory_space<vmem>>
    %dma_start3A_1140 = tpu.memref_squeeze %dma_start3A_1139 : memref<1x96xi32, #tpu.memory_space<vmem>> -> memref<96xi32, #tpu.memory_space<vmem>>
    %dma_start3A_1141 = arith.constant 0 : i32
    %dma_start3A_1142 = arith.constant 0 : i32
    %dma_start3A_1143 = tpu.memref_slice %arg8[%dma_start3A_1141, %dma_start3A_1142] : memref<9600x128xf32, #tpu.memory_space<vmem_shared>> -> memref<9600x128xf32, #tpu.memory_space<vmem_shared>>
    tpu.enqueue_indirect_dma source(%dma_start3A_1137 : memref<96x128xf32, #tpu.memory_space<vmem>>) target(%dma_start3A_1143 : memref<9600x128xf32, #tpu.memory_space<vmem_shared>>) offsets(%dma_start3A_1140 : memref<96xi32, #tpu.memory_space<vmem>>) semaphore(%arg12 : memref<!tpu.dma_semaphore, #tpu.memory_space<semaphore_mem>>) {add = true}
    %dma_wait3A_1144 = arith.constant 2 : i32
    %dma_wait3A_1145 = arith.constant 0 : i32
    %dma_wait3A_1146 = arith.constant 0 : i32
    %dma_wait3A_1147 = tpu.memref_slice %arg5[%dma_wait3A_1145, %dma_wait3A_1146] : memref<200x128xf32, #tpu.memory_space<vmem>> -> memref<104x128xf32, #tpu.memory_space<vmem>>
    %dma_wait3A_1148 = arith.constant 0 : i32
    %dma_wait3A_1149 = tpu.memref_slice %arg6[%dma_wait3A_1144, %dma_wait3A_1148] : memref<3x104xi32, #tpu.memory_space<vmem>> -> memref<1x104xi32, #tpu.memory_space<vmem>>
    %dma_wait3A_1150 = tpu.memref_squeeze %dma_wait3A_1149 : memref<1x104xi32, #tpu.memory_space<vmem>> -> memref<104xi32, #tpu.memory_space<vmem>>
    %dma_wait3A_1151 = arith.constant 0 : i32
    %dma_wait3A_1152 = arith.constant 0 : i32
    %dma_wait3A_1153 = tpu.memref_slice %arg8[%dma_wait3A_1151, %dma_wait3A_1152] : memref<9600x128xf32, #tpu.memory_space<vmem_shared>> -> memref<9600x128xf32, #tpu.memory_space<vmem_shared>>
    tpu.wait_indirect_dma semaphore(%arg14 : memref<!tpu.dma_semaphore, #tpu.memory_space<semaphore_mem>>) src(%dma_wait3A_1147 : memref<104x128xf32, #tpu.memory_space<vmem>>) dst(%dma_wait3A_1153 : memref<9600x128xf32, #tpu.memory_space<vmem_shared>>)
    %dma_wait3A_1154 = arith.constant 2 : i32
    %dma_wait3A_1155 = arith.constant 104 : i32
    %dma_wait3A_1156 = arith.constant 0 : i32
    %dma_wait3A_1157 = tpu.memref_slice %arg5[%dma_wait3A_1155, %dma_wait3A_1156] : memref<200x128xf32, #tpu.memory_space<vmem>> -> memref<96x128xf32, #tpu.memory_space<vmem>>
    %dma_wait3A_1158 = arith.constant 0 : i32
    %dma_wait3A_1159 = tpu.memref_slice %arg7[%dma_wait3A_1154, %dma_wait3A_1158] : memref<3x96xi32, #tpu.memory_space<vmem>> -> memref<1x96xi32, #tpu.memory_space<vmem>>
    %dma_wait3A_1160 = tpu.memref_squeeze %dma_wait3A_1159 : memref<1x96xi32, #tpu.memory_space<vmem>> -> memref<96xi32, #tpu.memory_space<vmem>>
    %dma_wait3A_1161 = arith.constant 0 : i32
    %dma_wait3A_1162 = arith.constant 0 : i32
    %dma_wait3A_1163 = tpu.memref_slice %arg8[%dma_wait3A_1161, %dma_wait3A_1162] : memref<9600x128xf32, #tpu.memory_space<vmem_shared>> -> memref<9600x128xf32, #tpu.memory_space<vmem_shared>>
    tpu.wait_indirect_dma semaphore(%arg14 : memref<!tpu.dma_semaphore, #tpu.memory_space<semaphore_mem>>) src(%dma_wait3A_1157 : memref<96x128xf32, #tpu.memory_space<vmem>>) dst(%dma_wait3A_1163 : memref<9600x128xf32, #tpu.memory_space<vmem_shared>>)
    %add3A_1164 = arith.constant 400 : i32
    %add3A_1165 = arith.addi %mul3A_4, %add3A_1164 : i32
    %add3A_1166 = arith.constant 8 : i32
    %add3A_1167 = arith.addi %mul3A_2, %add3A_1166 : i32
    %dma_start3A_1168 = arith.constant 0 : i32
    %dma_start3A_1169 = arith.constant 0 : i32
    %dma_start3A_1170 = tpu.memref_slice %arg4[%add3A_1167, %dma_start3A_1168, %dma_start3A_1169] : memref<1024x200x128xf32, #tpu.memory_space<hbm>> -> memref<1x200x128xf32, #tpu.memory_space<hbm>>
    %dma_start3A_1171 = tpu.memref_squeeze %dma_start3A_1170 : memref<1x200x128xf32, #tpu.memory_space<hbm>> -> memref<200x128xf32, #tpu.memory_space<hbm>>
    %dma_start3A_1172 = arith.constant 0 : i32
    %dma_start3A_1173 = tpu.memref_slice %arg8[%add3A_1165, %dma_start3A_1172] : memref<9600x128xf32, #tpu.memory_space<vmem_shared>> -> memref<200x128xf32, #tpu.memory_space<vmem_shared>>
    tpu.enqueue_dma source(%dma_start3A_1173 : memref<200x128xf32, #tpu.memory_space<vmem_shared>>) target(%dma_start3A_1171 : memref<200x128xf32, #tpu.memory_space<hbm>>) target_semaphore(%arg17 : memref<!tpu.dma_semaphore, #tpu.memory_space<semaphore_mem>>)
    %add3A_1174 = arith.constant 200 : i32
    %add3A_1175 = arith.addi %mul3A_4, %add3A_1174 : i32
    %add3A_1176 = arith.constant 7 : i32
    %add3A_1177 = arith.addi %mul3A_2, %add3A_1176 : i32
    %dma_wait3A_1178 = arith.constant 0 : i32
    %dma_wait3A_1179 = arith.constant 0 : i32
    %dma_wait3A_1180 = tpu.memref_slice %arg4[%add3A_1177, %dma_wait3A_1178, %dma_wait3A_1179] : memref<1024x200x128xf32, #tpu.memory_space<hbm>> -> memref<1x200x128xf32, #tpu.memory_space<hbm>>
    %dma_wait3A_1181 = tpu.memref_squeeze %dma_wait3A_1180 : memref<1x200x128xf32, #tpu.memory_space<hbm>> -> memref<200x128xf32, #tpu.memory_space<hbm>>
    %dma_wait3A_1182 = arith.constant 0 : i32
    %dma_wait3A_1183 = tpu.memref_slice %arg8[%add3A_1175, %dma_wait3A_1182] : memref<9600x128xf32, #tpu.memory_space<vmem_shared>> -> memref<200x128xf32, #tpu.memory_space<vmem_shared>>
    tpu.wait_dma2 semaphore(%arg16 : memref<!tpu.dma_semaphore, #tpu.memory_space<semaphore_mem>>) src(%dma_wait3A_1183 : memref<200x128xf32, #tpu.memory_space<vmem_shared>>) dst(%dma_wait3A_1181 : memref<200x128xf32, #tpu.memory_space<hbm>>)
    %add3A_1184 = arith.constant 10 : i32
    %add3A_1185 = arith.addi %mul3A_2, %add3A_1184 : i32
    %add3A_1186 = arith.constant 200 : i32
    %add3A_1187 = arith.addi %mul3A_4, %add3A_1186 : i32
    %dma_start3A_1188 = arith.constant 0 : i32
    %dma_start3A_1189 = tpu.memref_slice %arg8[%add3A_1187, %dma_start3A_1188] : memref<9600x128xf32, #tpu.memory_space<vmem_shared>> -> memref<200x128xf32, #tpu.memory_space<vmem_shared>>
    %dma_start3A_1190 = arith.constant 0 : i32
    %dma_start3A_1191 = arith.constant 0 : i32
    %dma_start3A_1192 = tpu.memref_slice %arg2[%add3A_1185, %dma_start3A_1190, %dma_start3A_1191] : memref<1024x200x128xf32, #tpu.memory_space<hbm>> -> memref<1x200x128xf32, #tpu.memory_space<hbm>>
    %dma_start3A_1193 = tpu.memref_squeeze %dma_start3A_1192 : memref<1x200x128xf32, #tpu.memory_space<hbm>> -> memref<200x128xf32, #tpu.memory_space<hbm>>
    tpu.enqueue_dma source(%dma_start3A_1193 : memref<200x128xf32, #tpu.memory_space<hbm>>) target(%dma_start3A_1189 : memref<200x128xf32, #tpu.memory_space<vmem_shared>>) target_semaphore(%arg10 : memref<!tpu.dma_semaphore, #tpu.memory_space<semaphore_mem>>)
    %add3A_1194 = arith.constant 10 : i32
    %add3A_1195 = arith.addi %mul3A_2, %add3A_1194 : i32
    %add3A_1196 = arith.constant 200 : i32
    %add3A_1197 = arith.addi %mul3A_4, %add3A_1196 : i32
    %dma_wait3A_1198 = arith.constant 0 : i32
    %dma_wait3A_1199 = tpu.memref_slice %arg8[%add3A_1197, %dma_wait3A_1198] : memref<9600x128xf32, #tpu.memory_space<vmem_shared>> -> memref<200x128xf32, #tpu.memory_space<vmem_shared>>
    %dma_wait3A_1200 = arith.constant 0 : i32
    %dma_wait3A_1201 = arith.constant 0 : i32
    %dma_wait3A_1202 = tpu.memref_slice %arg2[%add3A_1195, %dma_wait3A_1200, %dma_wait3A_1201] : memref<1024x200x128xf32, #tpu.memory_space<hbm>> -> memref<1x200x128xf32, #tpu.memory_space<hbm>>
    %dma_wait3A_1203 = tpu.memref_squeeze %dma_wait3A_1202 : memref<1x200x128xf32, #tpu.memory_space<hbm>> -> memref<200x128xf32, #tpu.memory_space<hbm>>
    tpu.wait_dma2 semaphore(%arg10 : memref<!tpu.dma_semaphore, #tpu.memory_space<semaphore_mem>>) src(%dma_wait3A_1203 : memref<200x128xf32, #tpu.memory_space<hbm>>) dst(%dma_wait3A_1199 : memref<200x128xf32, #tpu.memory_space<vmem_shared>>)
    %dma_start3A_1204 = arith.constant 1 : i32
    %dma_start3A_1205 = arith.constant 0 : i32
    %dma_start3A_1206 = arith.constant 0 : i32
    %dma_start3A_1207 = tpu.memref_slice %arg5[%dma_start3A_1205, %dma_start3A_1206] : memref<200x128xf32, #tpu.memory_space<vmem>> -> memref<104x128xf32, #tpu.memory_space<vmem>>
    %dma_start3A_1208 = arith.constant 0 : i32
    %dma_start3A_1209 = tpu.memref_slice %arg6[%dma_start3A_1204, %dma_start3A_1208] : memref<3x104xi32, #tpu.memory_space<vmem>> -> memref<1x104xi32, #tpu.memory_space<vmem>>
    %dma_start3A_1210 = tpu.memref_squeeze %dma_start3A_1209 : memref<1x104xi32, #tpu.memory_space<vmem>> -> memref<104xi32, #tpu.memory_space<vmem>>
    %dma_start3A_1211 = arith.constant 0 : i32
    %dma_start3A_1212 = arith.constant 0 : i32
    %dma_start3A_1213 = tpu.memref_slice %arg8[%dma_start3A_1211, %dma_start3A_1212] : memref<9600x128xf32, #tpu.memory_space<vmem_shared>> -> memref<9600x128xf32, #tpu.memory_space<vmem_shared>>
    tpu.enqueue_indirect_dma source(%dma_start3A_1207 : memref<104x128xf32, #tpu.memory_space<vmem>>) target(%dma_start3A_1213 : memref<9600x128xf32, #tpu.memory_space<vmem_shared>>) offsets(%dma_start3A_1210 : memref<104xi32, #tpu.memory_space<vmem>>) semaphore(%arg13 : memref<!tpu.dma_semaphore, #tpu.memory_space<semaphore_mem>>) {add = true}
    %dma_start3A_1214 = arith.constant 1 : i32
    %dma_start3A_1215 = arith.constant 104 : i32
    %dma_start3A_1216 = arith.constant 0 : i32
    %dma_start3A_1217 = tpu.memref_slice %arg5[%dma_start3A_1215, %dma_start3A_1216] : memref<200x128xf32, #tpu.memory_space<vmem>> -> memref<96x128xf32, #tpu.memory_space<vmem>>
    %dma_start3A_1218 = arith.constant 0 : i32
    %dma_start3A_1219 = tpu.memref_slice %arg7[%dma_start3A_1214, %dma_start3A_1218] : memref<3x96xi32, #tpu.memory_space<vmem>> -> memref<1x96xi32, #tpu.memory_space<vmem>>
    %dma_start3A_1220 = tpu.memref_squeeze %dma_start3A_1219 : memref<1x96xi32, #tpu.memory_space<vmem>> -> memref<96xi32, #tpu.memory_space<vmem>>
    %dma_start3A_1221 = arith.constant 0 : i32
    %dma_start3A_1222 = arith.constant 0 : i32
    %dma_start3A_1223 = tpu.memref_slice %arg8[%dma_start3A_1221, %dma_start3A_1222] : memref<9600x128xf32, #tpu.memory_space<vmem_shared>> -> memref<9600x128xf32, #tpu.memory_space<vmem_shared>>
    tpu.enqueue_indirect_dma source(%dma_start3A_1217 : memref<96x128xf32, #tpu.memory_space<vmem>>) target(%dma_start3A_1223 : memref<9600x128xf32, #tpu.memory_space<vmem_shared>>) offsets(%dma_start3A_1220 : memref<96xi32, #tpu.memory_space<vmem>>) semaphore(%arg13 : memref<!tpu.dma_semaphore, #tpu.memory_space<semaphore_mem>>) {add = true}
    %dma_wait3A_1224 = arith.constant 0 : i32
    %dma_wait3A_1225 = arith.constant 0 : i32
    %dma_wait3A_1226 = arith.constant 0 : i32
    %dma_wait3A_1227 = tpu.memref_slice %arg5[%dma_wait3A_1225, %dma_wait3A_1226] : memref<200x128xf32, #tpu.memory_space<vmem>> -> memref<104x128xf32, #tpu.memory_space<vmem>>
    %dma_wait3A_1228 = arith.constant 0 : i32
    %dma_wait3A_1229 = tpu.memref_slice %arg6[%dma_wait3A_1224, %dma_wait3A_1228] : memref<3x104xi32, #tpu.memory_space<vmem>> -> memref<1x104xi32, #tpu.memory_space<vmem>>
    %dma_wait3A_1230 = tpu.memref_squeeze %dma_wait3A_1229 : memref<1x104xi32, #tpu.memory_space<vmem>> -> memref<104xi32, #tpu.memory_space<vmem>>
    %dma_wait3A_1231 = arith.constant 0 : i32
    %dma_wait3A_1232 = arith.constant 0 : i32
    %dma_wait3A_1233 = tpu.memref_slice %arg8[%dma_wait3A_1231, %dma_wait3A_1232] : memref<9600x128xf32, #tpu.memory_space<vmem_shared>> -> memref<9600x128xf32, #tpu.memory_space<vmem_shared>>
    tpu.wait_indirect_dma semaphore(%arg12 : memref<!tpu.dma_semaphore, #tpu.memory_space<semaphore_mem>>) src(%dma_wait3A_1227 : memref<104x128xf32, #tpu.memory_space<vmem>>) dst(%dma_wait3A_1233 : memref<9600x128xf32, #tpu.memory_space<vmem_shared>>)
    %dma_wait3A_1234 = arith.constant 0 : i32
    %dma_wait3A_1235 = arith.constant 104 : i32
    %dma_wait3A_1236 = arith.constant 0 : i32
    %dma_wait3A_1237 = tpu.memref_slice %arg5[%dma_wait3A_1235, %dma_wait3A_1236] : memref<200x128xf32, #tpu.memory_space<vmem>> -> memref<96x128xf32, #tpu.memory_space<vmem>>
    %dma_wait3A_1238 = arith.constant 0 : i32
    %dma_wait3A_1239 = tpu.memref_slice %arg7[%dma_wait3A_1234, %dma_wait3A_1238] : memref<3x96xi32, #tpu.memory_space<vmem>> -> memref<1x96xi32, #tpu.memory_space<vmem>>
    %dma_wait3A_1240 = tpu.memref_squeeze %dma_wait3A_1239 : memref<1x96xi32, #tpu.memory_space<vmem>> -> memref<96xi32, #tpu.memory_space<vmem>>
    %dma_wait3A_1241 = arith.constant 0 : i32
    %dma_wait3A_1242 = arith.constant 0 : i32
    %dma_wait3A_1243 = tpu.memref_slice %arg8[%dma_wait3A_1241, %dma_wait3A_1242] : memref<9600x128xf32, #tpu.memory_space<vmem_shared>> -> memref<9600x128xf32, #tpu.memory_space<vmem_shared>>
    tpu.wait_indirect_dma semaphore(%arg12 : memref<!tpu.dma_semaphore, #tpu.memory_space<semaphore_mem>>) src(%dma_wait3A_1237 : memref<96x128xf32, #tpu.memory_space<vmem>>) dst(%dma_wait3A_1243 : memref<9600x128xf32, #tpu.memory_space<vmem_shared>>)
    %add3A_1244 = arith.constant 0 : i32
    %add3A_1245 = arith.addi %mul3A_4, %add3A_1244 : i32
    %add3A_1246 = arith.constant 9 : i32
    %add3A_1247 = arith.addi %mul3A_2, %add3A_1246 : i32
    %dma_start3A_1248 = arith.constant 0 : i32
    %dma_start3A_1249 = arith.constant 0 : i32
    %dma_start3A_1250 = tpu.memref_slice %arg4[%add3A_1247, %dma_start3A_1248, %dma_start3A_1249] : memref<1024x200x128xf32, #tpu.memory_space<hbm>> -> memref<1x200x128xf32, #tpu.memory_space<hbm>>
    %dma_start3A_1251 = tpu.memref_squeeze %dma_start3A_1250 : memref<1x200x128xf32, #tpu.memory_space<hbm>> -> memref<200x128xf32, #tpu.memory_space<hbm>>
    %dma_start3A_1252 = arith.constant 0 : i32
    %dma_start3A_1253 = tpu.memref_slice %arg8[%add3A_1245, %dma_start3A_1252] : memref<9600x128xf32, #tpu.memory_space<vmem_shared>> -> memref<200x128xf32, #tpu.memory_space<vmem_shared>>
    tpu.enqueue_dma source(%dma_start3A_1253 : memref<200x128xf32, #tpu.memory_space<vmem_shared>>) target(%dma_start3A_1251 : memref<200x128xf32, #tpu.memory_space<hbm>>) target_semaphore(%arg15 : memref<!tpu.dma_semaphore, #tpu.memory_space<semaphore_mem>>)
    %add3A_1254 = arith.constant 400 : i32
    %add3A_1255 = arith.addi %mul3A_4, %add3A_1254 : i32
    %add3A_1256 = arith.constant 8 : i32
    %add3A_1257 = arith.addi %mul3A_2, %add3A_1256 : i32
    %dma_wait3A_1258 = arith.constant 0 : i32
    %dma_wait3A_1259 = arith.constant 0 : i32
    %dma_wait3A_1260 = tpu.memref_slice %arg4[%add3A_1257, %dma_wait3A_1258, %dma_wait3A_1259] : memref<1024x200x128xf32, #tpu.memory_space<hbm>> -> memref<1x200x128xf32, #tpu.memory_space<hbm>>
    %dma_wait3A_1261 = tpu.memref_squeeze %dma_wait3A_1260 : memref<1x200x128xf32, #tpu.memory_space<hbm>> -> memref<200x128xf32, #tpu.memory_space<hbm>>
    %dma_wait3A_1262 = arith.constant 0 : i32
    %dma_wait3A_1263 = tpu.memref_slice %arg8[%add3A_1255, %dma_wait3A_1262] : memref<9600x128xf32, #tpu.memory_space<vmem_shared>> -> memref<200x128xf32, #tpu.memory_space<vmem_shared>>
    tpu.wait_dma2 semaphore(%arg17 : memref<!tpu.dma_semaphore, #tpu.memory_space<semaphore_mem>>) src(%dma_wait3A_1263 : memref<200x128xf32, #tpu.memory_space<vmem_shared>>) dst(%dma_wait3A_1261 : memref<200x128xf32, #tpu.memory_space<hbm>>)
    %add3A_1264 = arith.constant 11 : i32
    %add3A_1265 = arith.addi %mul3A_2, %add3A_1264 : i32
    %add3A_1266 = arith.constant 400 : i32
    %add3A_1267 = arith.addi %mul3A_4, %add3A_1266 : i32
    %dma_start3A_1268 = arith.constant 0 : i32
    %dma_start3A_1269 = tpu.memref_slice %arg8[%add3A_1267, %dma_start3A_1268] : memref<9600x128xf32, #tpu.memory_space<vmem_shared>> -> memref<200x128xf32, #tpu.memory_space<vmem_shared>>
    %dma_start3A_1270 = arith.constant 0 : i32
    %dma_start3A_1271 = arith.constant 0 : i32
    %dma_start3A_1272 = tpu.memref_slice %arg2[%add3A_1265, %dma_start3A_1270, %dma_start3A_1271] : memref<1024x200x128xf32, #tpu.memory_space<hbm>> -> memref<1x200x128xf32, #tpu.memory_space<hbm>>
    %dma_start3A_1273 = tpu.memref_squeeze %dma_start3A_1272 : memref<1x200x128xf32, #tpu.memory_space<hbm>> -> memref<200x128xf32, #tpu.memory_space<hbm>>
    tpu.enqueue_dma source(%dma_start3A_1273 : memref<200x128xf32, #tpu.memory_space<hbm>>) target(%dma_start3A_1269 : memref<200x128xf32, #tpu.memory_space<vmem_shared>>) target_semaphore(%arg11 : memref<!tpu.dma_semaphore, #tpu.memory_space<semaphore_mem>>)
    %add3A_1274 = arith.constant 11 : i32
    %add3A_1275 = arith.addi %mul3A_2, %add3A_1274 : i32
    %add3A_1276 = arith.constant 400 : i32
    %add3A_1277 = arith.addi %mul3A_4, %add3A_1276 : i32
    %dma_wait3A_1278 = arith.constant 0 : i32
    %dma_wait3A_1279 = tpu.memref_slice %arg8[%add3A_1277, %dma_wait3A_1278] : memref<9600x128xf32, #tpu.memory_space<vmem_shared>> -> memref<200x128xf32, #tpu.memory_space<vmem_shared>>
    %dma_wait3A_1280 = arith.constant 0 : i32
    %dma_wait3A_1281 = arith.constant 0 : i32
    %dma_wait3A_1282 = tpu.memref_slice %arg2[%add3A_1275, %dma_wait3A_1280, %dma_wait3A_1281] : memref<1024x200x128xf32, #tpu.memory_space<hbm>> -> memref<1x200x128xf32, #tpu.memory_space<hbm>>
    %dma_wait3A_1283 = tpu.memref_squeeze %dma_wait3A_1282 : memref<1x200x128xf32, #tpu.memory_space<hbm>> -> memref<200x128xf32, #tpu.memory_space<hbm>>
    tpu.wait_dma2 semaphore(%arg11 : memref<!tpu.dma_semaphore, #tpu.memory_space<semaphore_mem>>) src(%dma_wait3A_1283 : memref<200x128xf32, #tpu.memory_space<hbm>>) dst(%dma_wait3A_1279 : memref<200x128xf32, #tpu.memory_space<vmem_shared>>)
    %dma_start3A_1284 = arith.constant 2 : i32
    %dma_start3A_1285 = arith.constant 0 : i32
    %dma_start3A_1286 = arith.constant 0 : i32
    %dma_start3A_1287 = tpu.memref_slice %arg5[%dma_start3A_1285, %dma_start3A_1286] : memref<200x128xf32, #tpu.memory_space<vmem>> -> memref<104x128xf32, #tpu.memory_space<vmem>>
    %dma_start3A_1288 = arith.constant 0 : i32
    %dma_start3A_1289 = tpu.memref_slice %arg6[%dma_start3A_1284, %dma_start3A_1288] : memref<3x104xi32, #tpu.memory_space<vmem>> -> memref<1x104xi32, #tpu.memory_space<vmem>>
    %dma_start3A_1290 = tpu.memref_squeeze %dma_start3A_1289 : memref<1x104xi32, #tpu.memory_space<vmem>> -> memref<104xi32, #tpu.memory_space<vmem>>
    %dma_start3A_1291 = arith.constant 0 : i32
    %dma_start3A_1292 = arith.constant 0 : i32
    %dma_start3A_1293 = tpu.memref_slice %arg8[%dma_start3A_1291, %dma_start3A_1292] : memref<9600x128xf32, #tpu.memory_space<vmem_shared>> -> memref<9600x128xf32, #tpu.memory_space<vmem_shared>>
    tpu.enqueue_indirect_dma source(%dma_start3A_1287 : memref<104x128xf32, #tpu.memory_space<vmem>>) target(%dma_start3A_1293 : memref<9600x128xf32, #tpu.memory_space<vmem_shared>>) offsets(%dma_start3A_1290 : memref<104xi32, #tpu.memory_space<vmem>>) semaphore(%arg14 : memref<!tpu.dma_semaphore, #tpu.memory_space<semaphore_mem>>) {add = true}
    %dma_start3A_1294 = arith.constant 2 : i32
    %dma_start3A_1295 = arith.constant 104 : i32
    %dma_start3A_1296 = arith.constant 0 : i32
    %dma_start3A_1297 = tpu.memref_slice %arg5[%dma_start3A_1295, %dma_start3A_1296] : memref<200x128xf32, #tpu.memory_space<vmem>> -> memref<96x128xf32, #tpu.memory_space<vmem>>
    %dma_start3A_1298 = arith.constant 0 : i32
    %dma_start3A_1299 = tpu.memref_slice %arg7[%dma_start3A_1294, %dma_start3A_1298] : memref<3x96xi32, #tpu.memory_space<vmem>> -> memref<1x96xi32, #tpu.memory_space<vmem>>
    %dma_start3A_1300 = tpu.memref_squeeze %dma_start3A_1299 : memref<1x96xi32, #tpu.memory_space<vmem>> -> memref<96xi32, #tpu.memory_space<vmem>>
    %dma_start3A_1301 = arith.constant 0 : i32
    %dma_start3A_1302 = arith.constant 0 : i32
    %dma_start3A_1303 = tpu.memref_slice %arg8[%dma_start3A_1301, %dma_start3A_1302] : memref<9600x128xf32, #tpu.memory_space<vmem_shared>> -> memref<9600x128xf32, #tpu.memory_space<vmem_shared>>
    tpu.enqueue_indirect_dma source(%dma_start3A_1297 : memref<96x128xf32, #tpu.memory_space<vmem>>) target(%dma_start3A_1303 : memref<9600x128xf32, #tpu.memory_space<vmem_shared>>) offsets(%dma_start3A_1300 : memref<96xi32, #tpu.memory_space<vmem>>) semaphore(%arg14 : memref<!tpu.dma_semaphore, #tpu.memory_space<semaphore_mem>>) {add = true}
    %dma_wait3A_1304 = arith.constant 1 : i32
    %dma_wait3A_1305 = arith.constant 0 : i32
    %dma_wait3A_1306 = arith.constant 0 : i32
    %dma_wait3A_1307 = tpu.memref_slice %arg5[%dma_wait3A_1305, %dma_wait3A_1306] : memref<200x128xf32, #tpu.memory_space<vmem>> -> memref<104x128xf32, #tpu.memory_space<vmem>>
    %dma_wait3A_1308 = arith.constant 0 : i32
    %dma_wait3A_1309 = tpu.memref_slice %arg6[%dma_wait3A_1304, %dma_wait3A_1308] : memref<3x104xi32, #tpu.memory_space<vmem>> -> memref<1x104xi32, #tpu.memory_space<vmem>>
    %dma_wait3A_1310 = tpu.memref_squeeze %dma_wait3A_1309 : memref<1x104xi32, #tpu.memory_space<vmem>> -> memref<104xi32, #tpu.memory_space<vmem>>
    %dma_wait3A_1311 = arith.constant 0 : i32
    %dma_wait3A_1312 = arith.constant 0 : i32
    %dma_wait3A_1313 = tpu.memref_slice %arg8[%dma_wait3A_1311, %dma_wait3A_1312] : memref<9600x128xf32, #tpu.memory_space<vmem_shared>> -> memref<9600x128xf32, #tpu.memory_space<vmem_shared>>
    tpu.wait_indirect_dma semaphore(%arg13 : memref<!tpu.dma_semaphore, #tpu.memory_space<semaphore_mem>>) src(%dma_wait3A_1307 : memref<104x128xf32, #tpu.memory_space<vmem>>) dst(%dma_wait3A_1313 : memref<9600x128xf32, #tpu.memory_space<vmem_shared>>)
    %dma_wait3A_1314 = arith.constant 1 : i32
    %dma_wait3A_1315 = arith.constant 104 : i32
    %dma_wait3A_1316 = arith.constant 0 : i32
    %dma_wait3A_1317 = tpu.memref_slice %arg5[%dma_wait3A_1315, %dma_wait3A_1316] : memref<200x128xf32, #tpu.memory_space<vmem>> -> memref<96x128xf32, #tpu.memory_space<vmem>>
    %dma_wait3A_1318 = arith.constant 0 : i32
    %dma_wait3A_1319 = tpu.memref_slice %arg7[%dma_wait3A_1314, %dma_wait3A_1318] : memref<3x96xi32, #tpu.memory_space<vmem>> -> memref<1x96xi32, #tpu.memory_space<vmem>>
    %dma_wait3A_1320 = tpu.memref_squeeze %dma_wait3A_1319 : memref<1x96xi32, #tpu.memory_space<vmem>> -> memref<96xi32, #tpu.memory_space<vmem>>
    %dma_wait3A_1321 = arith.constant 0 : i32
    %dma_wait3A_1322 = arith.constant 0 : i32
    %dma_wait3A_1323 = tpu.memref_slice %arg8[%dma_wait3A_1321, %dma_wait3A_1322] : memref<9600x128xf32, #tpu.memory_space<vmem_shared>> -> memref<9600x128xf32, #tpu.memory_space<vmem_shared>>
    tpu.wait_indirect_dma semaphore(%arg13 : memref<!tpu.dma_semaphore, #tpu.memory_space<semaphore_mem>>) src(%dma_wait3A_1317 : memref<96x128xf32, #tpu.memory_space<vmem>>) dst(%dma_wait3A_1323 : memref<9600x128xf32, #tpu.memory_space<vmem_shared>>)
    %add3A_1324 = arith.constant 200 : i32
    %add3A_1325 = arith.addi %mul3A_4, %add3A_1324 : i32
    %add3A_1326 = arith.constant 10 : i32
    %add3A_1327 = arith.addi %mul3A_2, %add3A_1326 : i32
    %dma_start3A_1328 = arith.constant 0 : i32
    %dma_start3A_1329 = arith.constant 0 : i32
    %dma_start3A_1330 = tpu.memref_slice %arg4[%add3A_1327, %dma_start3A_1328, %dma_start3A_1329] : memref<1024x200x128xf32, #tpu.memory_space<hbm>> -> memref<1x200x128xf32, #tpu.memory_space<hbm>>
    %dma_start3A_1331 = tpu.memref_squeeze %dma_start3A_1330 : memref<1x200x128xf32, #tpu.memory_space<hbm>> -> memref<200x128xf32, #tpu.memory_space<hbm>>
    %dma_start3A_1332 = arith.constant 0 : i32
    %dma_start3A_1333 = tpu.memref_slice %arg8[%add3A_1325, %dma_start3A_1332] : memref<9600x128xf32, #tpu.memory_space<vmem_shared>> -> memref<200x128xf32, #tpu.memory_space<vmem_shared>>
    tpu.enqueue_dma source(%dma_start3A_1333 : memref<200x128xf32, #tpu.memory_space<vmem_shared>>) target(%dma_start3A_1331 : memref<200x128xf32, #tpu.memory_space<hbm>>) target_semaphore(%arg16 : memref<!tpu.dma_semaphore, #tpu.memory_space<semaphore_mem>>)
    %add3A_1334 = arith.constant 0 : i32
    %add3A_1335 = arith.addi %mul3A_4, %add3A_1334 : i32
    %add3A_1336 = arith.constant 9 : i32
    %add3A_1337 = arith.addi %mul3A_2, %add3A_1336 : i32
    %dma_wait3A_1338 = arith.constant 0 : i32
    %dma_wait3A_1339 = arith.constant 0 : i32
    %dma_wait3A_1340 = tpu.memref_slice %arg4[%add3A_1337, %dma_wait3A_1338, %dma_wait3A_1339] : memref<1024x200x128xf32, #tpu.memory_space<hbm>> -> memref<1x200x128xf32, #tpu.memory_space<hbm>>
    %dma_wait3A_1341 = tpu.memref_squeeze %dma_wait3A_1340 : memref<1x200x128xf32, #tpu.memory_space<hbm>> -> memref<200x128xf32, #tpu.memory_space<hbm>>
    %dma_wait3A_1342 = arith.constant 0 : i32
    %dma_wait3A_1343 = tpu.memref_slice %arg8[%add3A_1335, %dma_wait3A_1342] : memref<9600x128xf32, #tpu.memory_space<vmem_shared>> -> memref<200x128xf32, #tpu.memory_space<vmem_shared>>
    tpu.wait_dma2 semaphore(%arg15 : memref<!tpu.dma_semaphore, #tpu.memory_space<semaphore_mem>>) src(%dma_wait3A_1343 : memref<200x128xf32, #tpu.memory_space<vmem_shared>>) dst(%dma_wait3A_1341 : memref<200x128xf32, #tpu.memory_space<hbm>>)
    %add3A_1344 = arith.constant 12 : i32
    %add3A_1345 = arith.addi %mul3A_2, %add3A_1344 : i32
    %add3A_1346 = arith.constant 0 : i32
    %add3A_1347 = arith.addi %mul3A_4, %add3A_1346 : i32
    %dma_start3A_1348 = arith.constant 0 : i32
    %dma_start3A_1349 = tpu.memref_slice %arg8[%add3A_1347, %dma_start3A_1348] : memref<9600x128xf32, #tpu.memory_space<vmem_shared>> -> memref<200x128xf32, #tpu.memory_space<vmem_shared>>
    %dma_start3A_1350 = arith.constant 0 : i32
    %dma_start3A_1351 = arith.constant 0 : i32
    %dma_start3A_1352 = tpu.memref_slice %arg2[%add3A_1345, %dma_start3A_1350, %dma_start3A_1351] : memref<1024x200x128xf32, #tpu.memory_space<hbm>> -> memref<1x200x128xf32, #tpu.memory_space<hbm>>
    %dma_start3A_1353 = tpu.memref_squeeze %dma_start3A_1352 : memref<1x200x128xf32, #tpu.memory_space<hbm>> -> memref<200x128xf32, #tpu.memory_space<hbm>>
    tpu.enqueue_dma source(%dma_start3A_1353 : memref<200x128xf32, #tpu.memory_space<hbm>>) target(%dma_start3A_1349 : memref<200x128xf32, #tpu.memory_space<vmem_shared>>) target_semaphore(%arg9 : memref<!tpu.dma_semaphore, #tpu.memory_space<semaphore_mem>>)
    %add3A_1354 = arith.constant 12 : i32
    %add3A_1355 = arith.addi %mul3A_2, %add3A_1354 : i32
    %add3A_1356 = arith.constant 0 : i32
    %add3A_1357 = arith.addi %mul3A_4, %add3A_1356 : i32
    %dma_wait3A_1358 = arith.constant 0 : i32
    %dma_wait3A_1359 = tpu.memref_slice %arg8[%add3A_1357, %dma_wait3A_1358] : memref<9600x128xf32, #tpu.memory_space<vmem_shared>> -> memref<200x128xf32, #tpu.memory_space<vmem_shared>>
    %dma_wait3A_1360 = arith.constant 0 : i32
    %dma_wait3A_1361 = arith.constant 0 : i32
    %dma_wait3A_1362 = tpu.memref_slice %arg2[%add3A_1355, %dma_wait3A_1360, %dma_wait3A_1361] : memref<1024x200x128xf32, #tpu.memory_space<hbm>> -> memref<1x200x128xf32, #tpu.memory_space<hbm>>
    %dma_wait3A_1363 = tpu.memref_squeeze %dma_wait3A_1362 : memref<1x200x128xf32, #tpu.memory_space<hbm>> -> memref<200x128xf32, #tpu.memory_space<hbm>>
    tpu.wait_dma2 semaphore(%arg9 : memref<!tpu.dma_semaphore, #tpu.memory_space<semaphore_mem>>) src(%dma_wait3A_1363 : memref<200x128xf32, #tpu.memory_space<hbm>>) dst(%dma_wait3A_1359 : memref<200x128xf32, #tpu.memory_space<vmem_shared>>)
    %dma_start3A_1364 = arith.constant 0 : i32
    %dma_start3A_1365 = arith.constant 0 : i32
    %dma_start3A_1366 = arith.constant 0 : i32
    %dma_start3A_1367 = tpu.memref_slice %arg5[%dma_start3A_1365, %dma_start3A_1366] : memref<200x128xf32, #tpu.memory_space<vmem>> -> memref<104x128xf32, #tpu.memory_space<vmem>>
    %dma_start3A_1368 = arith.constant 0 : i32
    %dma_start3A_1369 = tpu.memref_slice %arg6[%dma_start3A_1364, %dma_start3A_1368] : memref<3x104xi32, #tpu.memory_space<vmem>> -> memref<1x104xi32, #tpu.memory_space<vmem>>
    %dma_start3A_1370 = tpu.memref_squeeze %dma_start3A_1369 : memref<1x104xi32, #tpu.memory_space<vmem>> -> memref<104xi32, #tpu.memory_space<vmem>>
    %dma_start3A_1371 = arith.constant 0 : i32
    %dma_start3A_1372 = arith.constant 0 : i32
    %dma_start3A_1373 = tpu.memref_slice %arg8[%dma_start3A_1371, %dma_start3A_1372] : memref<9600x128xf32, #tpu.memory_space<vmem_shared>> -> memref<9600x128xf32, #tpu.memory_space<vmem_shared>>
    tpu.enqueue_indirect_dma source(%dma_start3A_1367 : memref<104x128xf32, #tpu.memory_space<vmem>>) target(%dma_start3A_1373 : memref<9600x128xf32, #tpu.memory_space<vmem_shared>>) offsets(%dma_start3A_1370 : memref<104xi32, #tpu.memory_space<vmem>>) semaphore(%arg12 : memref<!tpu.dma_semaphore, #tpu.memory_space<semaphore_mem>>) {add = true}
    %dma_start3A_1374 = arith.constant 0 : i32
    %dma_start3A_1375 = arith.constant 104 : i32
    %dma_start3A_1376 = arith.constant 0 : i32
    %dma_start3A_1377 = tpu.memref_slice %arg5[%dma_start3A_1375, %dma_start3A_1376] : memref<200x128xf32, #tpu.memory_space<vmem>> -> memref<96x128xf32, #tpu.memory_space<vmem>>
    %dma_start3A_1378 = arith.constant 0 : i32
    %dma_start3A_1379 = tpu.memref_slice %arg7[%dma_start3A_1374, %dma_start3A_1378] : memref<3x96xi32, #tpu.memory_space<vmem>> -> memref<1x96xi32, #tpu.memory_space<vmem>>
    %dma_start3A_1380 = tpu.memref_squeeze %dma_start3A_1379 : memref<1x96xi32, #tpu.memory_space<vmem>> -> memref<96xi32, #tpu.memory_space<vmem>>
    %dma_start3A_1381 = arith.constant 0 : i32
    %dma_start3A_1382 = arith.constant 0 : i32
    %dma_start3A_1383 = tpu.memref_slice %arg8[%dma_start3A_1381, %dma_start3A_1382] : memref<9600x128xf32, #tpu.memory_space<vmem_shared>> -> memref<9600x128xf32, #tpu.memory_space<vmem_shared>>
    tpu.enqueue_indirect_dma source(%dma_start3A_1377 : memref<96x128xf32, #tpu.memory_space<vmem>>) target(%dma_start3A_1383 : memref<9600x128xf32, #tpu.memory_space<vmem_shared>>) offsets(%dma_start3A_1380 : memref<96xi32, #tpu.memory_space<vmem>>) semaphore(%arg12 : memref<!tpu.dma_semaphore, #tpu.memory_space<semaphore_mem>>) {add = true}
    %dma_wait3A_1384 = arith.constant 2 : i32
    %dma_wait3A_1385 = arith.constant 0 : i32
    %dma_wait3A_1386 = arith.constant 0 : i32
    %dma_wait3A_1387 = tpu.memref_slice %arg5[%dma_wait3A_1385, %dma_wait3A_1386] : memref<200x128xf32, #tpu.memory_space<vmem>> -> memref<104x128xf32, #tpu.memory_space<vmem>>
    %dma_wait3A_1388 = arith.constant 0 : i32
    %dma_wait3A_1389 = tpu.memref_slice %arg6[%dma_wait3A_1384, %dma_wait3A_1388] : memref<3x104xi32, #tpu.memory_space<vmem>> -> memref<1x104xi32, #tpu.memory_space<vmem>>
    %dma_wait3A_1390 = tpu.memref_squeeze %dma_wait3A_1389 : memref<1x104xi32, #tpu.memory_space<vmem>> -> memref<104xi32, #tpu.memory_space<vmem>>
    %dma_wait3A_1391 = arith.constant 0 : i32
    %dma_wait3A_1392 = arith.constant 0 : i32
    %dma_wait3A_1393 = tpu.memref_slice %arg8[%dma_wait3A_1391, %dma_wait3A_1392] : memref<9600x128xf32, #tpu.memory_space<vmem_shared>> -> memref<9600x128xf32, #tpu.memory_space<vmem_shared>>
    tpu.wait_indirect_dma semaphore(%arg14 : memref<!tpu.dma_semaphore, #tpu.memory_space<semaphore_mem>>) src(%dma_wait3A_1387 : memref<104x128xf32, #tpu.memory_space<vmem>>) dst(%dma_wait3A_1393 : memref<9600x128xf32, #tpu.memory_space<vmem_shared>>)
    %dma_wait3A_1394 = arith.constant 2 : i32
    %dma_wait3A_1395 = arith.constant 104 : i32
    %dma_wait3A_1396 = arith.constant 0 : i32
    %dma_wait3A_1397 = tpu.memref_slice %arg5[%dma_wait3A_1395, %dma_wait3A_1396] : memref<200x128xf32, #tpu.memory_space<vmem>> -> memref<96x128xf32, #tpu.memory_space<vmem>>
    %dma_wait3A_1398 = arith.constant 0 : i32
    %dma_wait3A_1399 = tpu.memref_slice %arg7[%dma_wait3A_1394, %dma_wait3A_1398] : memref<3x96xi32, #tpu.memory_space<vmem>> -> memref<1x96xi32, #tpu.memory_space<vmem>>
    %dma_wait3A_1400 = tpu.memref_squeeze %dma_wait3A_1399 : memref<1x96xi32, #tpu.memory_space<vmem>> -> memref<96xi32, #tpu.memory_space<vmem>>
    %dma_wait3A_1401 = arith.constant 0 : i32
    %dma_wait3A_1402 = arith.constant 0 : i32
    %dma_wait3A_1403 = tpu.memref_slice %arg8[%dma_wait3A_1401, %dma_wait3A_1402] : memref<9600x128xf32, #tpu.memory_space<vmem_shared>> -> memref<9600x128xf32, #tpu.memory_space<vmem_shared>>
    tpu.wait_indirect_dma semaphore(%arg14 : memref<!tpu.dma_semaphore, #tpu.memory_space<semaphore_mem>>) src(%dma_wait3A_1397 : memref<96x128xf32, #tpu.memory_space<vmem>>) dst(%dma_wait3A_1403 : memref<9600x128xf32, #tpu.memory_space<vmem_shared>>)
    %add3A_1404 = arith.constant 400 : i32
    %add3A_1405 = arith.addi %mul3A_4, %add3A_1404 : i32
    %add3A_1406 = arith.constant 11 : i32
    %add3A_1407 = arith.addi %mul3A_2, %add3A_1406 : i32
    %dma_start3A_1408 = arith.constant 0 : i32
    %dma_start3A_1409 = arith.constant 0 : i32
    %dma_start3A_1410 = tpu.memref_slice %arg4[%add3A_1407, %dma_start3A_1408, %dma_start3A_1409] : memref<1024x200x128xf32, #tpu.memory_space<hbm>> -> memref<1x200x128xf32, #tpu.memory_space<hbm>>
    %dma_start3A_1411 = tpu.memref_squeeze %dma_start3A_1410 : memref<1x200x128xf32, #tpu.memory_space<hbm>> -> memref<200x128xf32, #tpu.memory_space<hbm>>
    %dma_start3A_1412 = arith.constant 0 : i32
    %dma_start3A_1413 = tpu.memref_slice %arg8[%add3A_1405, %dma_start3A_1412] : memref<9600x128xf32, #tpu.memory_space<vmem_shared>> -> memref<200x128xf32, #tpu.memory_space<vmem_shared>>
    tpu.enqueue_dma source(%dma_start3A_1413 : memref<200x128xf32, #tpu.memory_space<vmem_shared>>) target(%dma_start3A_1411 : memref<200x128xf32, #tpu.memory_space<hbm>>) target_semaphore(%arg17 : memref<!tpu.dma_semaphore, #tpu.memory_space<semaphore_mem>>)
    %add3A_1414 = arith.constant 200 : i32
    %add3A_1415 = arith.addi %mul3A_4, %add3A_1414 : i32
    %add3A_1416 = arith.constant 10 : i32
    %add3A_1417 = arith.addi %mul3A_2, %add3A_1416 : i32
    %dma_wait3A_1418 = arith.constant 0 : i32
    %dma_wait3A_1419 = arith.constant 0 : i32
    %dma_wait3A_1420 = tpu.memref_slice %arg4[%add3A_1417, %dma_wait3A_1418, %dma_wait3A_1419] : memref<1024x200x128xf32, #tpu.memory_space<hbm>> -> memref<1x200x128xf32, #tpu.memory_space<hbm>>
    %dma_wait3A_1421 = tpu.memref_squeeze %dma_wait3A_1420 : memref<1x200x128xf32, #tpu.memory_space<hbm>> -> memref<200x128xf32, #tpu.memory_space<hbm>>
    %dma_wait3A_1422 = arith.constant 0 : i32
    %dma_wait3A_1423 = tpu.memref_slice %arg8[%add3A_1415, %dma_wait3A_1422] : memref<9600x128xf32, #tpu.memory_space<vmem_shared>> -> memref<200x128xf32, #tpu.memory_space<vmem_shared>>
    tpu.wait_dma2 semaphore(%arg16 : memref<!tpu.dma_semaphore, #tpu.memory_space<semaphore_mem>>) src(%dma_wait3A_1423 : memref<200x128xf32, #tpu.memory_space<vmem_shared>>) dst(%dma_wait3A_1421 : memref<200x128xf32, #tpu.memory_space<hbm>>)
    %add3A_1424 = arith.constant 13 : i32
    %add3A_1425 = arith.addi %mul3A_2, %add3A_1424 : i32
    %add3A_1426 = arith.constant 200 : i32
    %add3A_1427 = arith.addi %mul3A_4, %add3A_1426 : i32
    %dma_start3A_1428 = arith.constant 0 : i32
    %dma_start3A_1429 = tpu.memref_slice %arg8[%add3A_1427, %dma_start3A_1428] : memref<9600x128xf32, #tpu.memory_space<vmem_shared>> -> memref<200x128xf32, #tpu.memory_space<vmem_shared>>
    %dma_start3A_1430 = arith.constant 0 : i32
    %dma_start3A_1431 = arith.constant 0 : i32
    %dma_start3A_1432 = tpu.memref_slice %arg2[%add3A_1425, %dma_start3A_1430, %dma_start3A_1431] : memref<1024x200x128xf32, #tpu.memory_space<hbm>> -> memref<1x200x128xf32, #tpu.memory_space<hbm>>
    %dma_start3A_1433 = tpu.memref_squeeze %dma_start3A_1432 : memref<1x200x128xf32, #tpu.memory_space<hbm>> -> memref<200x128xf32, #tpu.memory_space<hbm>>
    tpu.enqueue_dma source(%dma_start3A_1433 : memref<200x128xf32, #tpu.memory_space<hbm>>) target(%dma_start3A_1429 : memref<200x128xf32, #tpu.memory_space<vmem_shared>>) target_semaphore(%arg10 : memref<!tpu.dma_semaphore, #tpu.memory_space<semaphore_mem>>)
    %add3A_1434 = arith.constant 13 : i32
    %add3A_1435 = arith.addi %mul3A_2, %add3A_1434 : i32
    %add3A_1436 = arith.constant 200 : i32
    %add3A_1437 = arith.addi %mul3A_4, %add3A_1436 : i32
    %dma_wait3A_1438 = arith.constant 0 : i32
    %dma_wait3A_1439 = tpu.memref_slice %arg8[%add3A_1437, %dma_wait3A_1438] : memref<9600x128xf32, #tpu.memory_space<vmem_shared>> -> memref<200x128xf32, #tpu.memory_space<vmem_shared>>
    %dma_wait3A_1440 = arith.constant 0 : i32
    %dma_wait3A_1441 = arith.constant 0 : i32
    %dma_wait3A_1442 = tpu.memref_slice %arg2[%add3A_1435, %dma_wait3A_1440, %dma_wait3A_1441] : memref<1024x200x128xf32, #tpu.memory_space<hbm>> -> memref<1x200x128xf32, #tpu.memory_space<hbm>>
    %dma_wait3A_1443 = tpu.memref_squeeze %dma_wait3A_1442 : memref<1x200x128xf32, #tpu.memory_space<hbm>> -> memref<200x128xf32, #tpu.memory_space<hbm>>
    tpu.wait_dma2 semaphore(%arg10 : memref<!tpu.dma_semaphore, #tpu.memory_space<semaphore_mem>>) src(%dma_wait3A_1443 : memref<200x128xf32, #tpu.memory_space<hbm>>) dst(%dma_wait3A_1439 : memref<200x128xf32, #tpu.memory_space<vmem_shared>>)
    %dma_start3A_1444 = arith.constant 1 : i32
    %dma_start3A_1445 = arith.constant 0 : i32
    %dma_start3A_1446 = arith.constant 0 : i32
    %dma_start3A_1447 = tpu.memref_slice %arg5[%dma_start3A_1445, %dma_start3A_1446] : memref<200x128xf32, #tpu.memory_space<vmem>> -> memref<104x128xf32, #tpu.memory_space<vmem>>
    %dma_start3A_1448 = arith.constant 0 : i32
    %dma_start3A_1449 = tpu.memref_slice %arg6[%dma_start3A_1444, %dma_start3A_1448] : memref<3x104xi32, #tpu.memory_space<vmem>> -> memref<1x104xi32, #tpu.memory_space<vmem>>
    %dma_start3A_1450 = tpu.memref_squeeze %dma_start3A_1449 : memref<1x104xi32, #tpu.memory_space<vmem>> -> memref<104xi32, #tpu.memory_space<vmem>>
    %dma_start3A_1451 = arith.constant 0 : i32
    %dma_start3A_1452 = arith.constant 0 : i32
    %dma_start3A_1453 = tpu.memref_slice %arg8[%dma_start3A_1451, %dma_start3A_1452] : memref<9600x128xf32, #tpu.memory_space<vmem_shared>> -> memref<9600x128xf32, #tpu.memory_space<vmem_shared>>
    tpu.enqueue_indirect_dma source(%dma_start3A_1447 : memref<104x128xf32, #tpu.memory_space<vmem>>) target(%dma_start3A_1453 : memref<9600x128xf32, #tpu.memory_space<vmem_shared>>) offsets(%dma_start3A_1450 : memref<104xi32, #tpu.memory_space<vmem>>) semaphore(%arg13 : memref<!tpu.dma_semaphore, #tpu.memory_space<semaphore_mem>>) {add = true}
    %dma_start3A_1454 = arith.constant 1 : i32
    %dma_start3A_1455 = arith.constant 104 : i32
    %dma_start3A_1456 = arith.constant 0 : i32
    %dma_start3A_1457 = tpu.memref_slice %arg5[%dma_start3A_1455, %dma_start3A_1456] : memref<200x128xf32, #tpu.memory_space<vmem>> -> memref<96x128xf32, #tpu.memory_space<vmem>>
    %dma_start3A_1458 = arith.constant 0 : i32
    %dma_start3A_1459 = tpu.memref_slice %arg7[%dma_start3A_1454, %dma_start3A_1458] : memref<3x96xi32, #tpu.memory_space<vmem>> -> memref<1x96xi32, #tpu.memory_space<vmem>>
    %dma_start3A_1460 = tpu.memref_squeeze %dma_start3A_1459 : memref<1x96xi32, #tpu.memory_space<vmem>> -> memref<96xi32, #tpu.memory_space<vmem>>
    %dma_start3A_1461 = arith.constant 0 : i32
    %dma_start3A_1462 = arith.constant 0 : i32
    %dma_start3A_1463 = tpu.memref_slice %arg8[%dma_start3A_1461, %dma_start3A_1462] : memref<9600x128xf32, #tpu.memory_space<vmem_shared>> -> memref<9600x128xf32, #tpu.memory_space<vmem_shared>>
    tpu.enqueue_indirect_dma source(%dma_start3A_1457 : memref<96x128xf32, #tpu.memory_space<vmem>>) target(%dma_start3A_1463 : memref<9600x128xf32, #tpu.memory_space<vmem_shared>>) offsets(%dma_start3A_1460 : memref<96xi32, #tpu.memory_space<vmem>>) semaphore(%arg13 : memref<!tpu.dma_semaphore, #tpu.memory_space<semaphore_mem>>) {add = true}
    %dma_wait3A_1464 = arith.constant 0 : i32
    %dma_wait3A_1465 = arith.constant 0 : i32
    %dma_wait3A_1466 = arith.constant 0 : i32
    %dma_wait3A_1467 = tpu.memref_slice %arg5[%dma_wait3A_1465, %dma_wait3A_1466] : memref<200x128xf32, #tpu.memory_space<vmem>> -> memref<104x128xf32, #tpu.memory_space<vmem>>
    %dma_wait3A_1468 = arith.constant 0 : i32
    %dma_wait3A_1469 = tpu.memref_slice %arg6[%dma_wait3A_1464, %dma_wait3A_1468] : memref<3x104xi32, #tpu.memory_space<vmem>> -> memref<1x104xi32, #tpu.memory_space<vmem>>
    %dma_wait3A_1470 = tpu.memref_squeeze %dma_wait3A_1469 : memref<1x104xi32, #tpu.memory_space<vmem>> -> memref<104xi32, #tpu.memory_space<vmem>>
    %dma_wait3A_1471 = arith.constant 0 : i32
    %dma_wait3A_1472 = arith.constant 0 : i32
    %dma_wait3A_1473 = tpu.memref_slice %arg8[%dma_wait3A_1471, %dma_wait3A_1472] : memref<9600x128xf32, #tpu.memory_space<vmem_shared>> -> memref<9600x128xf32, #tpu.memory_space<vmem_shared>>
    tpu.wait_indirect_dma semaphore(%arg12 : memref<!tpu.dma_semaphore, #tpu.memory_space<semaphore_mem>>) src(%dma_wait3A_1467 : memref<104x128xf32, #tpu.memory_space<vmem>>) dst(%dma_wait3A_1473 : memref<9600x128xf32, #tpu.memory_space<vmem_shared>>)
    %dma_wait3A_1474 = arith.constant 0 : i32
    %dma_wait3A_1475 = arith.constant 104 : i32
    %dma_wait3A_1476 = arith.constant 0 : i32
    %dma_wait3A_1477 = tpu.memref_slice %arg5[%dma_wait3A_1475, %dma_wait3A_1476] : memref<200x128xf32, #tpu.memory_space<vmem>> -> memref<96x128xf32, #tpu.memory_space<vmem>>
    %dma_wait3A_1478 = arith.constant 0 : i32
    %dma_wait3A_1479 = tpu.memref_slice %arg7[%dma_wait3A_1474, %dma_wait3A_1478] : memref<3x96xi32, #tpu.memory_space<vmem>> -> memref<1x96xi32, #tpu.memory_space<vmem>>
    %dma_wait3A_1480 = tpu.memref_squeeze %dma_wait3A_1479 : memref<1x96xi32, #tpu.memory_space<vmem>> -> memref<96xi32, #tpu.memory_space<vmem>>
    %dma_wait3A_1481 = arith.constant 0 : i32
    %dma_wait3A_1482 = arith.constant 0 : i32
    %dma_wait3A_1483 = tpu.memref_slice %arg8[%dma_wait3A_1481, %dma_wait3A_1482] : memref<9600x128xf32, #tpu.memory_space<vmem_shared>> -> memref<9600x128xf32, #tpu.memory_space<vmem_shared>>
    tpu.wait_indirect_dma semaphore(%arg12 : memref<!tpu.dma_semaphore, #tpu.memory_space<semaphore_mem>>) src(%dma_wait3A_1477 : memref<96x128xf32, #tpu.memory_space<vmem>>) dst(%dma_wait3A_1483 : memref<9600x128xf32, #tpu.memory_space<vmem_shared>>)
    %add3A_1484 = arith.constant 0 : i32
    %add3A_1485 = arith.addi %mul3A_4, %add3A_1484 : i32
    %add3A_1486 = arith.constant 12 : i32
    %add3A_1487 = arith.addi %mul3A_2, %add3A_1486 : i32
    %dma_start3A_1488 = arith.constant 0 : i32
    %dma_start3A_1489 = arith.constant 0 : i32
    %dma_start3A_1490 = tpu.memref_slice %arg4[%add3A_1487, %dma_start3A_1488, %dma_start3A_1489] : memref<1024x200x128xf32, #tpu.memory_space<hbm>> -> memref<1x200x128xf32, #tpu.memory_space<hbm>>
    %dma_start3A_1491 = tpu.memref_squeeze %dma_start3A_1490 : memref<1x200x128xf32, #tpu.memory_space<hbm>> -> memref<200x128xf32, #tpu.memory_space<hbm>>
    %dma_start3A_1492 = arith.constant 0 : i32
    %dma_start3A_1493 = tpu.memref_slice %arg8[%add3A_1485, %dma_start3A_1492] : memref<9600x128xf32, #tpu.memory_space<vmem_shared>> -> memref<200x128xf32, #tpu.memory_space<vmem_shared>>
    tpu.enqueue_dma source(%dma_start3A_1493 : memref<200x128xf32, #tpu.memory_space<vmem_shared>>) target(%dma_start3A_1491 : memref<200x128xf32, #tpu.memory_space<hbm>>) target_semaphore(%arg15 : memref<!tpu.dma_semaphore, #tpu.memory_space<semaphore_mem>>)
    %add3A_1494 = arith.constant 400 : i32
    %add3A_1495 = arith.addi %mul3A_4, %add3A_1494 : i32
    %add3A_1496 = arith.constant 11 : i32
    %add3A_1497 = arith.addi %mul3A_2, %add3A_1496 : i32
    %dma_wait3A_1498 = arith.constant 0 : i32
    %dma_wait3A_1499 = arith.constant 0 : i32
    %dma_wait3A_1500 = tpu.memref_slice %arg4[%add3A_1497, %dma_wait3A_1498, %dma_wait3A_1499] : memref<1024x200x128xf32, #tpu.memory_space<hbm>> -> memref<1x200x128xf32, #tpu.memory_space<hbm>>
    %dma_wait3A_1501 = tpu.memref_squeeze %dma_wait3A_1500 : memref<1x200x128xf32, #tpu.memory_space<hbm>> -> memref<200x128xf32, #tpu.memory_space<hbm>>
    %dma_wait3A_1502 = arith.constant 0 : i32
    %dma_wait3A_1503 = tpu.memref_slice %arg8[%add3A_1495, %dma_wait3A_1502] : memref<9600x128xf32, #tpu.memory_space<vmem_shared>> -> memref<200x128xf32, #tpu.memory_space<vmem_shared>>
    tpu.wait_dma2 semaphore(%arg17 : memref<!tpu.dma_semaphore, #tpu.memory_space<semaphore_mem>>) src(%dma_wait3A_1503 : memref<200x128xf32, #tpu.memory_space<vmem_shared>>) dst(%dma_wait3A_1501 : memref<200x128xf32, #tpu.memory_space<hbm>>)
    %add3A_1504 = arith.constant 14 : i32
    %add3A_1505 = arith.addi %mul3A_2, %add3A_1504 : i32
    %add3A_1506 = arith.constant 400 : i32
    %add3A_1507 = arith.addi %mul3A_4, %add3A_1506 : i32
    %dma_start3A_1508 = arith.constant 0 : i32
    %dma_start3A_1509 = tpu.memref_slice %arg8[%add3A_1507, %dma_start3A_1508] : memref<9600x128xf32, #tpu.memory_space<vmem_shared>> -> memref<200x128xf32, #tpu.memory_space<vmem_shared>>
    %dma_start3A_1510 = arith.constant 0 : i32
    %dma_start3A_1511 = arith.constant 0 : i32
    %dma_start3A_1512 = tpu.memref_slice %arg2[%add3A_1505, %dma_start3A_1510, %dma_start3A_1511] : memref<1024x200x128xf32, #tpu.memory_space<hbm>> -> memref<1x200x128xf32, #tpu.memory_space<hbm>>
    %dma_start3A_1513 = tpu.memref_squeeze %dma_start3A_1512 : memref<1x200x128xf32, #tpu.memory_space<hbm>> -> memref<200x128xf32, #tpu.memory_space<hbm>>
    tpu.enqueue_dma source(%dma_start3A_1513 : memref<200x128xf32, #tpu.memory_space<hbm>>) target(%dma_start3A_1509 : memref<200x128xf32, #tpu.memory_space<vmem_shared>>) target_semaphore(%arg11 : memref<!tpu.dma_semaphore, #tpu.memory_space<semaphore_mem>>)
    %add3A_1514 = arith.constant 14 : i32
    %add3A_1515 = arith.addi %mul3A_2, %add3A_1514 : i32
    %add3A_1516 = arith.constant 400 : i32
    %add3A_1517 = arith.addi %mul3A_4, %add3A_1516 : i32
    %dma_wait3A_1518 = arith.constant 0 : i32
    %dma_wait3A_1519 = tpu.memref_slice %arg8[%add3A_1517, %dma_wait3A_1518] : memref<9600x128xf32, #tpu.memory_space<vmem_shared>> -> memref<200x128xf32, #tpu.memory_space<vmem_shared>>
    %dma_wait3A_1520 = arith.constant 0 : i32
    %dma_wait3A_1521 = arith.constant 0 : i32
    %dma_wait3A_1522 = tpu.memref_slice %arg2[%add3A_1515, %dma_wait3A_1520, %dma_wait3A_1521] : memref<1024x200x128xf32, #tpu.memory_space<hbm>> -> memref<1x200x128xf32, #tpu.memory_space<hbm>>
    %dma_wait3A_1523 = tpu.memref_squeeze %dma_wait3A_1522 : memref<1x200x128xf32, #tpu.memory_space<hbm>> -> memref<200x128xf32, #tpu.memory_space<hbm>>
    tpu.wait_dma2 semaphore(%arg11 : memref<!tpu.dma_semaphore, #tpu.memory_space<semaphore_mem>>) src(%dma_wait3A_1523 : memref<200x128xf32, #tpu.memory_space<hbm>>) dst(%dma_wait3A_1519 : memref<200x128xf32, #tpu.memory_space<vmem_shared>>)
    %dma_start3A_1524 = arith.constant 2 : i32
    %dma_start3A_1525 = arith.constant 0 : i32
    %dma_start3A_1526 = arith.constant 0 : i32
    %dma_start3A_1527 = tpu.memref_slice %arg5[%dma_start3A_1525, %dma_start3A_1526] : memref<200x128xf32, #tpu.memory_space<vmem>> -> memref<104x128xf32, #tpu.memory_space<vmem>>
    %dma_start3A_1528 = arith.constant 0 : i32
    %dma_start3A_1529 = tpu.memref_slice %arg6[%dma_start3A_1524, %dma_start3A_1528] : memref<3x104xi32, #tpu.memory_space<vmem>> -> memref<1x104xi32, #tpu.memory_space<vmem>>
    %dma_start3A_1530 = tpu.memref_squeeze %dma_start3A_1529 : memref<1x104xi32, #tpu.memory_space<vmem>> -> memref<104xi32, #tpu.memory_space<vmem>>
    %dma_start3A_1531 = arith.constant 0 : i32
    %dma_start3A_1532 = arith.constant 0 : i32
    %dma_start3A_1533 = tpu.memref_slice %arg8[%dma_start3A_1531, %dma_start3A_1532] : memref<9600x128xf32, #tpu.memory_space<vmem_shared>> -> memref<9600x128xf32, #tpu.memory_space<vmem_shared>>
    tpu.enqueue_indirect_dma source(%dma_start3A_1527 : memref<104x128xf32, #tpu.memory_space<vmem>>) target(%dma_start3A_1533 : memref<9600x128xf32, #tpu.memory_space<vmem_shared>>) offsets(%dma_start3A_1530 : memref<104xi32, #tpu.memory_space<vmem>>) semaphore(%arg14 : memref<!tpu.dma_semaphore, #tpu.memory_space<semaphore_mem>>) {add = true}
    %dma_start3A_1534 = arith.constant 2 : i32
    %dma_start3A_1535 = arith.constant 104 : i32
    %dma_start3A_1536 = arith.constant 0 : i32
    %dma_start3A_1537 = tpu.memref_slice %arg5[%dma_start3A_1535, %dma_start3A_1536] : memref<200x128xf32, #tpu.memory_space<vmem>> -> memref<96x128xf32, #tpu.memory_space<vmem>>
    %dma_start3A_1538 = arith.constant 0 : i32
    %dma_start3A_1539 = tpu.memref_slice %arg7[%dma_start3A_1534, %dma_start3A_1538] : memref<3x96xi32, #tpu.memory_space<vmem>> -> memref<1x96xi32, #tpu.memory_space<vmem>>
    %dma_start3A_1540 = tpu.memref_squeeze %dma_start3A_1539 : memref<1x96xi32, #tpu.memory_space<vmem>> -> memref<96xi32, #tpu.memory_space<vmem>>
    %dma_start3A_1541 = arith.constant 0 : i32
    %dma_start3A_1542 = arith.constant 0 : i32
    %dma_start3A_1543 = tpu.memref_slice %arg8[%dma_start3A_1541, %dma_start3A_1542] : memref<9600x128xf32, #tpu.memory_space<vmem_shared>> -> memref<9600x128xf32, #tpu.memory_space<vmem_shared>>
    tpu.enqueue_indirect_dma source(%dma_start3A_1537 : memref<96x128xf32, #tpu.memory_space<vmem>>) target(%dma_start3A_1543 : memref<9600x128xf32, #tpu.memory_space<vmem_shared>>) offsets(%dma_start3A_1540 : memref<96xi32, #tpu.memory_space<vmem>>) semaphore(%arg14 : memref<!tpu.dma_semaphore, #tpu.memory_space<semaphore_mem>>) {add = true}
    %dma_wait3A_1544 = arith.constant 1 : i32
    %dma_wait3A_1545 = arith.constant 0 : i32
    %dma_wait3A_1546 = arith.constant 0 : i32
    %dma_wait3A_1547 = tpu.memref_slice %arg5[%dma_wait3A_1545, %dma_wait3A_1546] : memref<200x128xf32, #tpu.memory_space<vmem>> -> memref<104x128xf32, #tpu.memory_space<vmem>>
    %dma_wait3A_1548 = arith.constant 0 : i32
    %dma_wait3A_1549 = tpu.memref_slice %arg6[%dma_wait3A_1544, %dma_wait3A_1548] : memref<3x104xi32, #tpu.memory_space<vmem>> -> memref<1x104xi32, #tpu.memory_space<vmem>>
    %dma_wait3A_1550 = tpu.memref_squeeze %dma_wait3A_1549 : memref<1x104xi32, #tpu.memory_space<vmem>> -> memref<104xi32, #tpu.memory_space<vmem>>
    %dma_wait3A_1551 = arith.constant 0 : i32
    %dma_wait3A_1552 = arith.constant 0 : i32
    %dma_wait3A_1553 = tpu.memref_slice %arg8[%dma_wait3A_1551, %dma_wait3A_1552] : memref<9600x128xf32, #tpu.memory_space<vmem_shared>> -> memref<9600x128xf32, #tpu.memory_space<vmem_shared>>
    tpu.wait_indirect_dma semaphore(%arg13 : memref<!tpu.dma_semaphore, #tpu.memory_space<semaphore_mem>>) src(%dma_wait3A_1547 : memref<104x128xf32, #tpu.memory_space<vmem>>) dst(%dma_wait3A_1553 : memref<9600x128xf32, #tpu.memory_space<vmem_shared>>)
    %dma_wait3A_1554 = arith.constant 1 : i32
    %dma_wait3A_1555 = arith.constant 104 : i32
    %dma_wait3A_1556 = arith.constant 0 : i32
    %dma_wait3A_1557 = tpu.memref_slice %arg5[%dma_wait3A_1555, %dma_wait3A_1556] : memref<200x128xf32, #tpu.memory_space<vmem>> -> memref<96x128xf32, #tpu.memory_space<vmem>>
    %dma_wait3A_1558 = arith.constant 0 : i32
    %dma_wait3A_1559 = tpu.memref_slice %arg7[%dma_wait3A_1554, %dma_wait3A_1558] : memref<3x96xi32, #tpu.memory_space<vmem>> -> memref<1x96xi32, #tpu.memory_space<vmem>>
    %dma_wait3A_1560 = tpu.memref_squeeze %dma_wait3A_1559 : memref<1x96xi32, #tpu.memory_space<vmem>> -> memref<96xi32, #tpu.memory_space<vmem>>
    %dma_wait3A_1561 = arith.constant 0 : i32
    %dma_wait3A_1562 = arith.constant 0 : i32
    %dma_wait3A_1563 = tpu.memref_slice %arg8[%dma_wait3A_1561, %dma_wait3A_1562] : memref<9600x128xf32, #tpu.memory_space<vmem_shared>> -> memref<9600x128xf32, #tpu.memory_space<vmem_shared>>
    tpu.wait_indirect_dma semaphore(%arg13 : memref<!tpu.dma_semaphore, #tpu.memory_space<semaphore_mem>>) src(%dma_wait3A_1557 : memref<96x128xf32, #tpu.memory_space<vmem>>) dst(%dma_wait3A_1563 : memref<9600x128xf32, #tpu.memory_space<vmem_shared>>)
    %add3A_1564 = arith.constant 200 : i32
    %add3A_1565 = arith.addi %mul3A_4, %add3A_1564 : i32
    %add3A_1566 = arith.constant 13 : i32
    %add3A_1567 = arith.addi %mul3A_2, %add3A_1566 : i32
    %dma_start3A_1568 = arith.constant 0 : i32
    %dma_start3A_1569 = arith.constant 0 : i32
    %dma_start3A_1570 = tpu.memref_slice %arg4[%add3A_1567, %dma_start3A_1568, %dma_start3A_1569] : memref<1024x200x128xf32, #tpu.memory_space<hbm>> -> memref<1x200x128xf32, #tpu.memory_space<hbm>>
    %dma_start3A_1571 = tpu.memref_squeeze %dma_start3A_1570 : memref<1x200x128xf32, #tpu.memory_space<hbm>> -> memref<200x128xf32, #tpu.memory_space<hbm>>
    %dma_start3A_1572 = arith.constant 0 : i32
    %dma_start3A_1573 = tpu.memref_slice %arg8[%add3A_1565, %dma_start3A_1572] : memref<9600x128xf32, #tpu.memory_space<vmem_shared>> -> memref<200x128xf32, #tpu.memory_space<vmem_shared>>
    tpu.enqueue_dma source(%dma_start3A_1573 : memref<200x128xf32, #tpu.memory_space<vmem_shared>>) target(%dma_start3A_1571 : memref<200x128xf32, #tpu.memory_space<hbm>>) target_semaphore(%arg16 : memref<!tpu.dma_semaphore, #tpu.memory_space<semaphore_mem>>)
    %add3A_1574 = arith.constant 0 : i32
    %add3A_1575 = arith.addi %mul3A_4, %add3A_1574 : i32
    %add3A_1576 = arith.constant 12 : i32
    %add3A_1577 = arith.addi %mul3A_2, %add3A_1576 : i32
    %dma_wait3A_1578 = arith.constant 0 : i32
    %dma_wait3A_1579 = arith.constant 0 : i32
    %dma_wait3A_1580 = tpu.memref_slice %arg4[%add3A_1577, %dma_wait3A_1578, %dma_wait3A_1579] : memref<1024x200x128xf32, #tpu.memory_space<hbm>> -> memref<1x200x128xf32, #tpu.memory_space<hbm>>
    %dma_wait3A_1581 = tpu.memref_squeeze %dma_wait3A_1580 : memref<1x200x128xf32, #tpu.memory_space<hbm>> -> memref<200x128xf32, #tpu.memory_space<hbm>>
    %dma_wait3A_1582 = arith.constant 0 : i32
    %dma_wait3A_1583 = tpu.memref_slice %arg8[%add3A_1575, %dma_wait3A_1582] : memref<9600x128xf32, #tpu.memory_space<vmem_shared>> -> memref<200x128xf32, #tpu.memory_space<vmem_shared>>
    tpu.wait_dma2 semaphore(%arg15 : memref<!tpu.dma_semaphore, #tpu.memory_space<semaphore_mem>>) src(%dma_wait3A_1583 : memref<200x128xf32, #tpu.memory_space<vmem_shared>>) dst(%dma_wait3A_1581 : memref<200x128xf32, #tpu.memory_space<hbm>>)
    %add3A_1584 = arith.constant 15 : i32
    %add3A_1585 = arith.addi %mul3A_2, %add3A_1584 : i32
    %add3A_1586 = arith.constant 0 : i32
    %add3A_1587 = arith.addi %mul3A_4, %add3A_1586 : i32
    %dma_start3A_1588 = arith.constant 0 : i32
    %dma_start3A_1589 = tpu.memref_slice %arg8[%add3A_1587, %dma_start3A_1588] : memref<9600x128xf32, #tpu.memory_space<vmem_shared>> -> memref<200x128xf32, #tpu.memory_space<vmem_shared>>
    %dma_start3A_1590 = arith.constant 0 : i32
    %dma_start3A_1591 = arith.constant 0 : i32
    %dma_start3A_1592 = tpu.memref_slice %arg2[%add3A_1585, %dma_start3A_1590, %dma_start3A_1591] : memref<1024x200x128xf32, #tpu.memory_space<hbm>> -> memref<1x200x128xf32, #tpu.memory_space<hbm>>
    %dma_start3A_1593 = tpu.memref_squeeze %dma_start3A_1592 : memref<1x200x128xf32, #tpu.memory_space<hbm>> -> memref<200x128xf32, #tpu.memory_space<hbm>>
    tpu.enqueue_dma source(%dma_start3A_1593 : memref<200x128xf32, #tpu.memory_space<hbm>>) target(%dma_start3A_1589 : memref<200x128xf32, #tpu.memory_space<vmem_shared>>) target_semaphore(%arg9 : memref<!tpu.dma_semaphore, #tpu.memory_space<semaphore_mem>>)
    %add3A_1594 = arith.constant 15 : i32
    %add3A_1595 = arith.addi %mul3A_2, %add3A_1594 : i32
    %add3A_1596 = arith.constant 0 : i32
    %add3A_1597 = arith.addi %mul3A_4, %add3A_1596 : i32
    %dma_wait3A_1598 = arith.constant 0 : i32
    %dma_wait3A_1599 = tpu.memref_slice %arg8[%add3A_1597, %dma_wait3A_1598] : memref<9600x128xf32, #tpu.memory_space<vmem_shared>> -> memref<200x128xf32, #tpu.memory_space<vmem_shared>>
    %dma_wait3A_1600 = arith.constant 0 : i32
    %dma_wait3A_1601 = arith.constant 0 : i32
    %dma_wait3A_1602 = tpu.memref_slice %arg2[%add3A_1595, %dma_wait3A_1600, %dma_wait3A_1601] : memref<1024x200x128xf32, #tpu.memory_space<hbm>> -> memref<1x200x128xf32, #tpu.memory_space<hbm>>
    %dma_wait3A_1603 = tpu.memref_squeeze %dma_wait3A_1602 : memref<1x200x128xf32, #tpu.memory_space<hbm>> -> memref<200x128xf32, #tpu.memory_space<hbm>>
    tpu.wait_dma2 semaphore(%arg9 : memref<!tpu.dma_semaphore, #tpu.memory_space<semaphore_mem>>) src(%dma_wait3A_1603 : memref<200x128xf32, #tpu.memory_space<hbm>>) dst(%dma_wait3A_1599 : memref<200x128xf32, #tpu.memory_space<vmem_shared>>)
    %dma_start3A_1604 = arith.constant 0 : i32
    %dma_start3A_1605 = arith.constant 0 : i32
    %dma_start3A_1606 = arith.constant 0 : i32
    %dma_start3A_1607 = tpu.memref_slice %arg5[%dma_start3A_1605, %dma_start3A_1606] : memref<200x128xf32, #tpu.memory_space<vmem>> -> memref<104x128xf32, #tpu.memory_space<vmem>>
    %dma_start3A_1608 = arith.constant 0 : i32
    %dma_start3A_1609 = tpu.memref_slice %arg6[%dma_start3A_1604, %dma_start3A_1608] : memref<3x104xi32, #tpu.memory_space<vmem>> -> memref<1x104xi32, #tpu.memory_space<vmem>>
    %dma_start3A_1610 = tpu.memref_squeeze %dma_start3A_1609 : memref<1x104xi32, #tpu.memory_space<vmem>> -> memref<104xi32, #tpu.memory_space<vmem>>
    %dma_start3A_1611 = arith.constant 0 : i32
    %dma_start3A_1612 = arith.constant 0 : i32
    %dma_start3A_1613 = tpu.memref_slice %arg8[%dma_start3A_1611, %dma_start3A_1612] : memref<9600x128xf32, #tpu.memory_space<vmem_shared>> -> memref<9600x128xf32, #tpu.memory_space<vmem_shared>>
    tpu.enqueue_indirect_dma source(%dma_start3A_1607 : memref<104x128xf32, #tpu.memory_space<vmem>>) target(%dma_start3A_1613 : memref<9600x128xf32, #tpu.memory_space<vmem_shared>>) offsets(%dma_start3A_1610 : memref<104xi32, #tpu.memory_space<vmem>>) semaphore(%arg12 : memref<!tpu.dma_semaphore, #tpu.memory_space<semaphore_mem>>) {add = true}
    %dma_start3A_1614 = arith.constant 0 : i32
    %dma_start3A_1615 = arith.constant 104 : i32
    %dma_start3A_1616 = arith.constant 0 : i32
    %dma_start3A_1617 = tpu.memref_slice %arg5[%dma_start3A_1615, %dma_start3A_1616] : memref<200x128xf32, #tpu.memory_space<vmem>> -> memref<96x128xf32, #tpu.memory_space<vmem>>
    %dma_start3A_1618 = arith.constant 0 : i32
    %dma_start3A_1619 = tpu.memref_slice %arg7[%dma_start3A_1614, %dma_start3A_1618] : memref<3x96xi32, #tpu.memory_space<vmem>> -> memref<1x96xi32, #tpu.memory_space<vmem>>
    %dma_start3A_1620 = tpu.memref_squeeze %dma_start3A_1619 : memref<1x96xi32, #tpu.memory_space<vmem>> -> memref<96xi32, #tpu.memory_space<vmem>>
    %dma_start3A_1621 = arith.constant 0 : i32
    %dma_start3A_1622 = arith.constant 0 : i32
    %dma_start3A_1623 = tpu.memref_slice %arg8[%dma_start3A_1621, %dma_start3A_1622] : memref<9600x128xf32, #tpu.memory_space<vmem_shared>> -> memref<9600x128xf32, #tpu.memory_space<vmem_shared>>
    tpu.enqueue_indirect_dma source(%dma_start3A_1617 : memref<96x128xf32, #tpu.memory_space<vmem>>) target(%dma_start3A_1623 : memref<9600x128xf32, #tpu.memory_space<vmem_shared>>) offsets(%dma_start3A_1620 : memref<96xi32, #tpu.memory_space<vmem>>) semaphore(%arg12 : memref<!tpu.dma_semaphore, #tpu.memory_space<semaphore_mem>>) {add = true}
    %dma_wait3A_1624 = arith.constant 2 : i32
    %dma_wait3A_1625 = arith.constant 0 : i32
    %dma_wait3A_1626 = arith.constant 0 : i32
    %dma_wait3A_1627 = tpu.memref_slice %arg5[%dma_wait3A_1625, %dma_wait3A_1626] : memref<200x128xf32, #tpu.memory_space<vmem>> -> memref<104x128xf32, #tpu.memory_space<vmem>>
    %dma_wait3A_1628 = arith.constant 0 : i32
    %dma_wait3A_1629 = tpu.memref_slice %arg6[%dma_wait3A_1624, %dma_wait3A_1628] : memref<3x104xi32, #tpu.memory_space<vmem>> -> memref<1x104xi32, #tpu.memory_space<vmem>>
    %dma_wait3A_1630 = tpu.memref_squeeze %dma_wait3A_1629 : memref<1x104xi32, #tpu.memory_space<vmem>> -> memref<104xi32, #tpu.memory_space<vmem>>
    %dma_wait3A_1631 = arith.constant 0 : i32
    %dma_wait3A_1632 = arith.constant 0 : i32
    %dma_wait3A_1633 = tpu.memref_slice %arg8[%dma_wait3A_1631, %dma_wait3A_1632] : memref<9600x128xf32, #tpu.memory_space<vmem_shared>> -> memref<9600x128xf32, #tpu.memory_space<vmem_shared>>
    tpu.wait_indirect_dma semaphore(%arg14 : memref<!tpu.dma_semaphore, #tpu.memory_space<semaphore_mem>>) src(%dma_wait3A_1627 : memref<104x128xf32, #tpu.memory_space<vmem>>) dst(%dma_wait3A_1633 : memref<9600x128xf32, #tpu.memory_space<vmem_shared>>)
    %dma_wait3A_1634 = arith.constant 2 : i32
    %dma_wait3A_1635 = arith.constant 104 : i32
    %dma_wait3A_1636 = arith.constant 0 : i32
    %dma_wait3A_1637 = tpu.memref_slice %arg5[%dma_wait3A_1635, %dma_wait3A_1636] : memref<200x128xf32, #tpu.memory_space<vmem>> -> memref<96x128xf32, #tpu.memory_space<vmem>>
    %dma_wait3A_1638 = arith.constant 0 : i32
    %dma_wait3A_1639 = tpu.memref_slice %arg7[%dma_wait3A_1634, %dma_wait3A_1638] : memref<3x96xi32, #tpu.memory_space<vmem>> -> memref<1x96xi32, #tpu.memory_space<vmem>>
    %dma_wait3A_1640 = tpu.memref_squeeze %dma_wait3A_1639 : memref<1x96xi32, #tpu.memory_space<vmem>> -> memref<96xi32, #tpu.memory_space<vmem>>
    %dma_wait3A_1641 = arith.constant 0 : i32
    %dma_wait3A_1642 = arith.constant 0 : i32
    %dma_wait3A_1643 = tpu.memref_slice %arg8[%dma_wait3A_1641, %dma_wait3A_1642] : memref<9600x128xf32, #tpu.memory_space<vmem_shared>> -> memref<9600x128xf32, #tpu.memory_space<vmem_shared>>
    tpu.wait_indirect_dma semaphore(%arg14 : memref<!tpu.dma_semaphore, #tpu.memory_space<semaphore_mem>>) src(%dma_wait3A_1637 : memref<96x128xf32, #tpu.memory_space<vmem>>) dst(%dma_wait3A_1643 : memref<9600x128xf32, #tpu.memory_space<vmem_shared>>)
    %add3A_1644 = arith.constant 400 : i32
    %add3A_1645 = arith.addi %mul3A_4, %add3A_1644 : i32
    %add3A_1646 = arith.constant 14 : i32
    %add3A_1647 = arith.addi %mul3A_2, %add3A_1646 : i32
    %dma_start3A_1648 = arith.constant 0 : i32
    %dma_start3A_1649 = arith.constant 0 : i32
    %dma_start3A_1650 = tpu.memref_slice %arg4[%add3A_1647, %dma_start3A_1648, %dma_start3A_1649] : memref<1024x200x128xf32, #tpu.memory_space<hbm>> -> memref<1x200x128xf32, #tpu.memory_space<hbm>>
    %dma_start3A_1651 = tpu.memref_squeeze %dma_start3A_1650 : memref<1x200x128xf32, #tpu.memory_space<hbm>> -> memref<200x128xf32, #tpu.memory_space<hbm>>
    %dma_start3A_1652 = arith.constant 0 : i32
    %dma_start3A_1653 = tpu.memref_slice %arg8[%add3A_1645, %dma_start3A_1652] : memref<9600x128xf32, #tpu.memory_space<vmem_shared>> -> memref<200x128xf32, #tpu.memory_space<vmem_shared>>
    tpu.enqueue_dma source(%dma_start3A_1653 : memref<200x128xf32, #tpu.memory_space<vmem_shared>>) target(%dma_start3A_1651 : memref<200x128xf32, #tpu.memory_space<hbm>>) target_semaphore(%arg17 : memref<!tpu.dma_semaphore, #tpu.memory_space<semaphore_mem>>)
    %add3A_1654 = arith.constant 200 : i32
    %add3A_1655 = arith.addi %mul3A_4, %add3A_1654 : i32
    %add3A_1656 = arith.constant 13 : i32
    %add3A_1657 = arith.addi %mul3A_2, %add3A_1656 : i32
    %dma_wait3A_1658 = arith.constant 0 : i32
    %dma_wait3A_1659 = arith.constant 0 : i32
    %dma_wait3A_1660 = tpu.memref_slice %arg4[%add3A_1657, %dma_wait3A_1658, %dma_wait3A_1659] : memref<1024x200x128xf32, #tpu.memory_space<hbm>> -> memref<1x200x128xf32, #tpu.memory_space<hbm>>
    %dma_wait3A_1661 = tpu.memref_squeeze %dma_wait3A_1660 : memref<1x200x128xf32, #tpu.memory_space<hbm>> -> memref<200x128xf32, #tpu.memory_space<hbm>>
    %dma_wait3A_1662 = arith.constant 0 : i32
    %dma_wait3A_1663 = tpu.memref_slice %arg8[%add3A_1655, %dma_wait3A_1662] : memref<9600x128xf32, #tpu.memory_space<vmem_shared>> -> memref<200x128xf32, #tpu.memory_space<vmem_shared>>
    tpu.wait_dma2 semaphore(%arg16 : memref<!tpu.dma_semaphore, #tpu.memory_space<semaphore_mem>>) src(%dma_wait3A_1663 : memref<200x128xf32, #tpu.memory_space<vmem_shared>>) dst(%dma_wait3A_1661 : memref<200x128xf32, #tpu.memory_space<hbm>>)
    %add3A_1664 = arith.constant 16 : i32
    %add3A_1665 = arith.addi %mul3A_2, %add3A_1664 : i32
    %add3A_1666 = arith.constant 200 : i32
    %add3A_1667 = arith.addi %mul3A_4, %add3A_1666 : i32
    %dma_start3A_1668 = arith.constant 0 : i32
    %dma_start3A_1669 = tpu.memref_slice %arg8[%add3A_1667, %dma_start3A_1668] : memref<9600x128xf32, #tpu.memory_space<vmem_shared>> -> memref<200x128xf32, #tpu.memory_space<vmem_shared>>
    %dma_start3A_1670 = arith.constant 0 : i32
    %dma_start3A_1671 = arith.constant 0 : i32
    %dma_start3A_1672 = tpu.memref_slice %arg2[%add3A_1665, %dma_start3A_1670, %dma_start3A_1671] : memref<1024x200x128xf32, #tpu.memory_space<hbm>> -> memref<1x200x128xf32, #tpu.memory_space<hbm>>
    %dma_start3A_1673 = tpu.memref_squeeze %dma_start3A_1672 : memref<1x200x128xf32, #tpu.memory_space<hbm>> -> memref<200x128xf32, #tpu.memory_space<hbm>>
    tpu.enqueue_dma source(%dma_start3A_1673 : memref<200x128xf32, #tpu.memory_space<hbm>>) target(%dma_start3A_1669 : memref<200x128xf32, #tpu.memory_space<vmem_shared>>) target_semaphore(%arg10 : memref<!tpu.dma_semaphore, #tpu.memory_space<semaphore_mem>>)
    %add3A_1674 = arith.constant 16 : i32
    %add3A_1675 = arith.addi %mul3A_2, %add3A_1674 : i32
    %add3A_1676 = arith.constant 200 : i32
    %add3A_1677 = arith.addi %mul3A_4, %add3A_1676 : i32
    %dma_wait3A_1678 = arith.constant 0 : i32
    %dma_wait3A_1679 = tpu.memref_slice %arg8[%add3A_1677, %dma_wait3A_1678] : memref<9600x128xf32, #tpu.memory_space<vmem_shared>> -> memref<200x128xf32, #tpu.memory_space<vmem_shared>>
    %dma_wait3A_1680 = arith.constant 0 : i32
    %dma_wait3A_1681 = arith.constant 0 : i32
    %dma_wait3A_1682 = tpu.memref_slice %arg2[%add3A_1675, %dma_wait3A_1680, %dma_wait3A_1681] : memref<1024x200x128xf32, #tpu.memory_space<hbm>> -> memref<1x200x128xf32, #tpu.memory_space<hbm>>
    %dma_wait3A_1683 = tpu.memref_squeeze %dma_wait3A_1682 : memref<1x200x128xf32, #tpu.memory_space<hbm>> -> memref<200x128xf32, #tpu.memory_space<hbm>>
    tpu.wait_dma2 semaphore(%arg10 : memref<!tpu.dma_semaphore, #tpu.memory_space<semaphore_mem>>) src(%dma_wait3A_1683 : memref<200x128xf32, #tpu.memory_space<hbm>>) dst(%dma_wait3A_1679 : memref<200x128xf32, #tpu.memory_space<vmem_shared>>)
    %dma_start3A_1684 = arith.constant 1 : i32
    %dma_start3A_1685 = arith.constant 0 : i32
    %dma_start3A_1686 = arith.constant 0 : i32
    %dma_start3A_1687 = tpu.memref_slice %arg5[%dma_start3A_1685, %dma_start3A_1686] : memref<200x128xf32, #tpu.memory_space<vmem>> -> memref<104x128xf32, #tpu.memory_space<vmem>>
    %dma_start3A_1688 = arith.constant 0 : i32
    %dma_start3A_1689 = tpu.memref_slice %arg6[%dma_start3A_1684, %dma_start3A_1688] : memref<3x104xi32, #tpu.memory_space<vmem>> -> memref<1x104xi32, #tpu.memory_space<vmem>>
    %dma_start3A_1690 = tpu.memref_squeeze %dma_start3A_1689 : memref<1x104xi32, #tpu.memory_space<vmem>> -> memref<104xi32, #tpu.memory_space<vmem>>
    %dma_start3A_1691 = arith.constant 0 : i32
    %dma_start3A_1692 = arith.constant 0 : i32
    %dma_start3A_1693 = tpu.memref_slice %arg8[%dma_start3A_1691, %dma_start3A_1692] : memref<9600x128xf32, #tpu.memory_space<vmem_shared>> -> memref<9600x128xf32, #tpu.memory_space<vmem_shared>>
    tpu.enqueue_indirect_dma source(%dma_start3A_1687 : memref<104x128xf32, #tpu.memory_space<vmem>>) target(%dma_start3A_1693 : memref<9600x128xf32, #tpu.memory_space<vmem_shared>>) offsets(%dma_start3A_1690 : memref<104xi32, #tpu.memory_space<vmem>>) semaphore(%arg13 : memref<!tpu.dma_semaphore, #tpu.memory_space<semaphore_mem>>) {add = true}
    %dma_start3A_1694 = arith.constant 1 : i32
    %dma_start3A_1695 = arith.constant 104 : i32
    %dma_start3A_1696 = arith.constant 0 : i32
    %dma_start3A_1697 = tpu.memref_slice %arg5[%dma_start3A_1695, %dma_start3A_1696] : memref<200x128xf32, #tpu.memory_space<vmem>> -> memref<96x128xf32, #tpu.memory_space<vmem>>
    %dma_start3A_1698 = arith.constant 0 : i32
    %dma_start3A_1699 = tpu.memref_slice %arg7[%dma_start3A_1694, %dma_start3A_1698] : memref<3x96xi32, #tpu.memory_space<vmem>> -> memref<1x96xi32, #tpu.memory_space<vmem>>
    %dma_start3A_1700 = tpu.memref_squeeze %dma_start3A_1699 : memref<1x96xi32, #tpu.memory_space<vmem>> -> memref<96xi32, #tpu.memory_space<vmem>>
    %dma_start3A_1701 = arith.constant 0 : i32
    %dma_start3A_1702 = arith.constant 0 : i32
    %dma_start3A_1703 = tpu.memref_slice %arg8[%dma_start3A_1701, %dma_start3A_1702] : memref<9600x128xf32, #tpu.memory_space<vmem_shared>> -> memref<9600x128xf32, #tpu.memory_space<vmem_shared>>
    tpu.enqueue_indirect_dma source(%dma_start3A_1697 : memref<96x128xf32, #tpu.memory_space<vmem>>) target(%dma_start3A_1703 : memref<9600x128xf32, #tpu.memory_space<vmem_shared>>) offsets(%dma_start3A_1700 : memref<96xi32, #tpu.memory_space<vmem>>) semaphore(%arg13 : memref<!tpu.dma_semaphore, #tpu.memory_space<semaphore_mem>>) {add = true}
    %dma_wait3A_1704 = arith.constant 0 : i32
    %dma_wait3A_1705 = arith.constant 0 : i32
    %dma_wait3A_1706 = arith.constant 0 : i32
    %dma_wait3A_1707 = tpu.memref_slice %arg5[%dma_wait3A_1705, %dma_wait3A_1706] : memref<200x128xf32, #tpu.memory_space<vmem>> -> memref<104x128xf32, #tpu.memory_space<vmem>>
    %dma_wait3A_1708 = arith.constant 0 : i32
    %dma_wait3A_1709 = tpu.memref_slice %arg6[%dma_wait3A_1704, %dma_wait3A_1708] : memref<3x104xi32, #tpu.memory_space<vmem>> -> memref<1x104xi32, #tpu.memory_space<vmem>>
    %dma_wait3A_1710 = tpu.memref_squeeze %dma_wait3A_1709 : memref<1x104xi32, #tpu.memory_space<vmem>> -> memref<104xi32, #tpu.memory_space<vmem>>
    %dma_wait3A_1711 = arith.constant 0 : i32
    %dma_wait3A_1712 = arith.constant 0 : i32
    %dma_wait3A_1713 = tpu.memref_slice %arg8[%dma_wait3A_1711, %dma_wait3A_1712] : memref<9600x128xf32, #tpu.memory_space<vmem_shared>> -> memref<9600x128xf32, #tpu.memory_space<vmem_shared>>
    tpu.wait_indirect_dma semaphore(%arg12 : memref<!tpu.dma_semaphore, #tpu.memory_space<semaphore_mem>>) src(%dma_wait3A_1707 : memref<104x128xf32, #tpu.memory_space<vmem>>) dst(%dma_wait3A_1713 : memref<9600x128xf32, #tpu.memory_space<vmem_shared>>)
    %dma_wait3A_1714 = arith.constant 0 : i32
    %dma_wait3A_1715 = arith.constant 104 : i32
    %dma_wait3A_1716 = arith.constant 0 : i32
    %dma_wait3A_1717 = tpu.memref_slice %arg5[%dma_wait3A_1715, %dma_wait3A_1716] : memref<200x128xf32, #tpu.memory_space<vmem>> -> memref<96x128xf32, #tpu.memory_space<vmem>>
    %dma_wait3A_1718 = arith.constant 0 : i32
    %dma_wait3A_1719 = tpu.memref_slice %arg7[%dma_wait3A_1714, %dma_wait3A_1718] : memref<3x96xi32, #tpu.memory_space<vmem>> -> memref<1x96xi32, #tpu.memory_space<vmem>>
    %dma_wait3A_1720 = tpu.memref_squeeze %dma_wait3A_1719 : memref<1x96xi32, #tpu.memory_space<vmem>> -> memref<96xi32, #tpu.memory_space<vmem>>
    %dma_wait3A_1721 = arith.constant 0 : i32
    %dma_wait3A_1722 = arith.constant 0 : i32
    %dma_wait3A_1723 = tpu.memref_slice %arg8[%dma_wait3A_1721, %dma_wait3A_1722] : memref<9600x128xf32, #tpu.memory_space<vmem_shared>> -> memref<9600x128xf32, #tpu.memory_space<vmem_shared>>
    tpu.wait_indirect_dma semaphore(%arg12 : memref<!tpu.dma_semaphore, #tpu.memory_space<semaphore_mem>>) src(%dma_wait3A_1717 : memref<96x128xf32, #tpu.memory_space<vmem>>) dst(%dma_wait3A_1723 : memref<9600x128xf32, #tpu.memory_space<vmem_shared>>)
    %add3A_1724 = arith.constant 0 : i32
    %add3A_1725 = arith.addi %mul3A_4, %add3A_1724 : i32
    %add3A_1726 = arith.constant 15 : i32
    %add3A_1727 = arith.addi %mul3A_2, %add3A_1726 : i32
    %dma_start3A_1728 = arith.constant 0 : i32
    %dma_start3A_1729 = arith.constant 0 : i32
    %dma_start3A_1730 = tpu.memref_slice %arg4[%add3A_1727, %dma_start3A_1728, %dma_start3A_1729] : memref<1024x200x128xf32, #tpu.memory_space<hbm>> -> memref<1x200x128xf32, #tpu.memory_space<hbm>>
    %dma_start3A_1731 = tpu.memref_squeeze %dma_start3A_1730 : memref<1x200x128xf32, #tpu.memory_space<hbm>> -> memref<200x128xf32, #tpu.memory_space<hbm>>
    %dma_start3A_1732 = arith.constant 0 : i32
    %dma_start3A_1733 = tpu.memref_slice %arg8[%add3A_1725, %dma_start3A_1732] : memref<9600x128xf32, #tpu.memory_space<vmem_shared>> -> memref<200x128xf32, #tpu.memory_space<vmem_shared>>
    tpu.enqueue_dma source(%dma_start3A_1733 : memref<200x128xf32, #tpu.memory_space<vmem_shared>>) target(%dma_start3A_1731 : memref<200x128xf32, #tpu.memory_space<hbm>>) target_semaphore(%arg15 : memref<!tpu.dma_semaphore, #tpu.memory_space<semaphore_mem>>)
    %add3A_1734 = arith.constant 400 : i32
    %add3A_1735 = arith.addi %mul3A_4, %add3A_1734 : i32
    %add3A_1736 = arith.constant 14 : i32
    %add3A_1737 = arith.addi %mul3A_2, %add3A_1736 : i32
    %dma_wait3A_1738 = arith.constant 0 : i32
    %dma_wait3A_1739 = arith.constant 0 : i32
    %dma_wait3A_1740 = tpu.memref_slice %arg4[%add3A_1737, %dma_wait3A_1738, %dma_wait3A_1739] : memref<1024x200x128xf32, #tpu.memory_space<hbm>> -> memref<1x200x128xf32, #tpu.memory_space<hbm>>
    %dma_wait3A_1741 = tpu.memref_squeeze %dma_wait3A_1740 : memref<1x200x128xf32, #tpu.memory_space<hbm>> -> memref<200x128xf32, #tpu.memory_space<hbm>>
    %dma_wait3A_1742 = arith.constant 0 : i32
    %dma_wait3A_1743 = tpu.memref_slice %arg8[%add3A_1735, %dma_wait3A_1742] : memref<9600x128xf32, #tpu.memory_space<vmem_shared>> -> memref<200x128xf32, #tpu.memory_space<vmem_shared>>
    tpu.wait_dma2 semaphore(%arg17 : memref<!tpu.dma_semaphore, #tpu.memory_space<semaphore_mem>>) src(%dma_wait3A_1743 : memref<200x128xf32, #tpu.memory_space<vmem_shared>>) dst(%dma_wait3A_1741 : memref<200x128xf32, #tpu.memory_space<hbm>>)
    %add3A_1744 = arith.constant 17 : i32
    %add3A_1745 = arith.addi %mul3A_2, %add3A_1744 : i32
    %add3A_1746 = arith.constant 400 : i32
    %add3A_1747 = arith.addi %mul3A_4, %add3A_1746 : i32
    %dma_start3A_1748 = arith.constant 0 : i32
    %dma_start3A_1749 = tpu.memref_slice %arg8[%add3A_1747, %dma_start3A_1748] : memref<9600x128xf32, #tpu.memory_space<vmem_shared>> -> memref<200x128xf32, #tpu.memory_space<vmem_shared>>
    %dma_start3A_1750 = arith.constant 0 : i32
    %dma_start3A_1751 = arith.constant 0 : i32
    %dma_start3A_1752 = tpu.memref_slice %arg2[%add3A_1745, %dma_start3A_1750, %dma_start3A_1751] : memref<1024x200x128xf32, #tpu.memory_space<hbm>> -> memref<1x200x128xf32, #tpu.memory_space<hbm>>
    %dma_start3A_1753 = tpu.memref_squeeze %dma_start3A_1752 : memref<1x200x128xf32, #tpu.memory_space<hbm>> -> memref<200x128xf32, #tpu.memory_space<hbm>>
    tpu.enqueue_dma source(%dma_start3A_1753 : memref<200x128xf32, #tpu.memory_space<hbm>>) target(%dma_start3A_1749 : memref<200x128xf32, #tpu.memory_space<vmem_shared>>) target_semaphore(%arg11 : memref<!tpu.dma_semaphore, #tpu.memory_space<semaphore_mem>>)
    %add3A_1754 = arith.constant 17 : i32
    %add3A_1755 = arith.addi %mul3A_2, %add3A_1754 : i32
    %add3A_1756 = arith.constant 400 : i32
    %add3A_1757 = arith.addi %mul3A_4, %add3A_1756 : i32
    %dma_wait3A_1758 = arith.constant 0 : i32
    %dma_wait3A_1759 = tpu.memref_slice %arg8[%add3A_1757, %dma_wait3A_1758] : memref<9600x128xf32, #tpu.memory_space<vmem_shared>> -> memref<200x128xf32, #tpu.memory_space<vmem_shared>>
    %dma_wait3A_1760 = arith.constant 0 : i32
    %dma_wait3A_1761 = arith.constant 0 : i32
    %dma_wait3A_1762 = tpu.memref_slice %arg2[%add3A_1755, %dma_wait3A_1760, %dma_wait3A_1761] : memref<1024x200x128xf32, #tpu.memory_space<hbm>> -> memref<1x200x128xf32, #tpu.memory_space<hbm>>
    %dma_wait3A_1763 = tpu.memref_squeeze %dma_wait3A_1762 : memref<1x200x128xf32, #tpu.memory_space<hbm>> -> memref<200x128xf32, #tpu.memory_space<hbm>>
    tpu.wait_dma2 semaphore(%arg11 : memref<!tpu.dma_semaphore, #tpu.memory_space<semaphore_mem>>) src(%dma_wait3A_1763 : memref<200x128xf32, #tpu.memory_space<hbm>>) dst(%dma_wait3A_1759 : memref<200x128xf32, #tpu.memory_space<vmem_shared>>)
    %dma_start3A_1764 = arith.constant 2 : i32
    %dma_start3A_1765 = arith.constant 0 : i32
    %dma_start3A_1766 = arith.constant 0 : i32
    %dma_start3A_1767 = tpu.memref_slice %arg5[%dma_start3A_1765, %dma_start3A_1766] : memref<200x128xf32, #tpu.memory_space<vmem>> -> memref<104x128xf32, #tpu.memory_space<vmem>>
    %dma_start3A_1768 = arith.constant 0 : i32
    %dma_start3A_1769 = tpu.memref_slice %arg6[%dma_start3A_1764, %dma_start3A_1768] : memref<3x104xi32, #tpu.memory_space<vmem>> -> memref<1x104xi32, #tpu.memory_space<vmem>>
    %dma_start3A_1770 = tpu.memref_squeeze %dma_start3A_1769 : memref<1x104xi32, #tpu.memory_space<vmem>> -> memref<104xi32, #tpu.memory_space<vmem>>
    %dma_start3A_1771 = arith.constant 0 : i32
    %dma_start3A_1772 = arith.constant 0 : i32
    %dma_start3A_1773 = tpu.memref_slice %arg8[%dma_start3A_1771, %dma_start3A_1772] : memref<9600x128xf32, #tpu.memory_space<vmem_shared>> -> memref<9600x128xf32, #tpu.memory_space<vmem_shared>>
    tpu.enqueue_indirect_dma source(%dma_start3A_1767 : memref<104x128xf32, #tpu.memory_space<vmem>>) target(%dma_start3A_1773 : memref<9600x128xf32, #tpu.memory_space<vmem_shared>>) offsets(%dma_start3A_1770 : memref<104xi32, #tpu.memory_space<vmem>>) semaphore(%arg14 : memref<!tpu.dma_semaphore, #tpu.memory_space<semaphore_mem>>) {add = true}
    %dma_start3A_1774 = arith.constant 2 : i32
    %dma_start3A_1775 = arith.constant 104 : i32
    %dma_start3A_1776 = arith.constant 0 : i32
    %dma_start3A_1777 = tpu.memref_slice %arg5[%dma_start3A_1775, %dma_start3A_1776] : memref<200x128xf32, #tpu.memory_space<vmem>> -> memref<96x128xf32, #tpu.memory_space<vmem>>
    %dma_start3A_1778 = arith.constant 0 : i32
    %dma_start3A_1779 = tpu.memref_slice %arg7[%dma_start3A_1774, %dma_start3A_1778] : memref<3x96xi32, #tpu.memory_space<vmem>> -> memref<1x96xi32, #tpu.memory_space<vmem>>
    %dma_start3A_1780 = tpu.memref_squeeze %dma_start3A_1779 : memref<1x96xi32, #tpu.memory_space<vmem>> -> memref<96xi32, #tpu.memory_space<vmem>>
    %dma_start3A_1781 = arith.constant 0 : i32
    %dma_start3A_1782 = arith.constant 0 : i32
    %dma_start3A_1783 = tpu.memref_slice %arg8[%dma_start3A_1781, %dma_start3A_1782] : memref<9600x128xf32, #tpu.memory_space<vmem_shared>> -> memref<9600x128xf32, #tpu.memory_space<vmem_shared>>
    tpu.enqueue_indirect_dma source(%dma_start3A_1777 : memref<96x128xf32, #tpu.memory_space<vmem>>) target(%dma_start3A_1783 : memref<9600x128xf32, #tpu.memory_space<vmem_shared>>) offsets(%dma_start3A_1780 : memref<96xi32, #tpu.memory_space<vmem>>) semaphore(%arg14 : memref<!tpu.dma_semaphore, #tpu.memory_space<semaphore_mem>>) {add = true}
    %dma_wait3A_1784 = arith.constant 1 : i32
    %dma_wait3A_1785 = arith.constant 0 : i32
    %dma_wait3A_1786 = arith.constant 0 : i32
    %dma_wait3A_1787 = tpu.memref_slice %arg5[%dma_wait3A_1785, %dma_wait3A_1786] : memref<200x128xf32, #tpu.memory_space<vmem>> -> memref<104x128xf32, #tpu.memory_space<vmem>>
    %dma_wait3A_1788 = arith.constant 0 : i32
    %dma_wait3A_1789 = tpu.memref_slice %arg6[%dma_wait3A_1784, %dma_wait3A_1788] : memref<3x104xi32, #tpu.memory_space<vmem>> -> memref<1x104xi32, #tpu.memory_space<vmem>>
    %dma_wait3A_1790 = tpu.memref_squeeze %dma_wait3A_1789 : memref<1x104xi32, #tpu.memory_space<vmem>> -> memref<104xi32, #tpu.memory_space<vmem>>
    %dma_wait3A_1791 = arith.constant 0 : i32
    %dma_wait3A_1792 = arith.constant 0 : i32
    %dma_wait3A_1793 = tpu.memref_slice %arg8[%dma_wait3A_1791, %dma_wait3A_1792] : memref<9600x128xf32, #tpu.memory_space<vmem_shared>> -> memref<9600x128xf32, #tpu.memory_space<vmem_shared>>
    tpu.wait_indirect_dma semaphore(%arg13 : memref<!tpu.dma_semaphore, #tpu.memory_space<semaphore_mem>>) src(%dma_wait3A_1787 : memref<104x128xf32, #tpu.memory_space<vmem>>) dst(%dma_wait3A_1793 : memref<9600x128xf32, #tpu.memory_space<vmem_shared>>)
    %dma_wait3A_1794 = arith.constant 1 : i32
    %dma_wait3A_1795 = arith.constant 104 : i32
    %dma_wait3A_1796 = arith.constant 0 : i32
    %dma_wait3A_1797 = tpu.memref_slice %arg5[%dma_wait3A_1795, %dma_wait3A_1796] : memref<200x128xf32, #tpu.memory_space<vmem>> -> memref<96x128xf32, #tpu.memory_space<vmem>>
    %dma_wait3A_1798 = arith.constant 0 : i32
    %dma_wait3A_1799 = tpu.memref_slice %arg7[%dma_wait3A_1794, %dma_wait3A_1798] : memref<3x96xi32, #tpu.memory_space<vmem>> -> memref<1x96xi32, #tpu.memory_space<vmem>>
    %dma_wait3A_1800 = tpu.memref_squeeze %dma_wait3A_1799 : memref<1x96xi32, #tpu.memory_space<vmem>> -> memref<96xi32, #tpu.memory_space<vmem>>
    %dma_wait3A_1801 = arith.constant 0 : i32
    %dma_wait3A_1802 = arith.constant 0 : i32
    %dma_wait3A_1803 = tpu.memref_slice %arg8[%dma_wait3A_1801, %dma_wait3A_1802] : memref<9600x128xf32, #tpu.memory_space<vmem_shared>> -> memref<9600x128xf32, #tpu.memory_space<vmem_shared>>
    tpu.wait_indirect_dma semaphore(%arg13 : memref<!tpu.dma_semaphore, #tpu.memory_space<semaphore_mem>>) src(%dma_wait3A_1797 : memref<96x128xf32, #tpu.memory_space<vmem>>) dst(%dma_wait3A_1803 : memref<9600x128xf32, #tpu.memory_space<vmem_shared>>)
    %add3A_1804 = arith.constant 200 : i32
    %add3A_1805 = arith.addi %mul3A_4, %add3A_1804 : i32
    %add3A_1806 = arith.constant 16 : i32
    %add3A_1807 = arith.addi %mul3A_2, %add3A_1806 : i32
    %dma_start3A_1808 = arith.constant 0 : i32
    %dma_start3A_1809 = arith.constant 0 : i32
    %dma_start3A_1810 = tpu.memref_slice %arg4[%add3A_1807, %dma_start3A_1808, %dma_start3A_1809] : memref<1024x200x128xf32, #tpu.memory_space<hbm>> -> memref<1x200x128xf32, #tpu.memory_space<hbm>>
    %dma_start3A_1811 = tpu.memref_squeeze %dma_start3A_1810 : memref<1x200x128xf32, #tpu.memory_space<hbm>> -> memref<200x128xf32, #tpu.memory_space<hbm>>
    %dma_start3A_1812 = arith.constant 0 : i32
    %dma_start3A_1813 = tpu.memref_slice %arg8[%add3A_1805, %dma_start3A_1812] : memref<9600x128xf32, #tpu.memory_space<vmem_shared>> -> memref<200x128xf32, #tpu.memory_space<vmem_shared>>
    tpu.enqueue_dma source(%dma_start3A_1813 : memref<200x128xf32, #tpu.memory_space<vmem_shared>>) target(%dma_start3A_1811 : memref<200x128xf32, #tpu.memory_space<hbm>>) target_semaphore(%arg16 : memref<!tpu.dma_semaphore, #tpu.memory_space<semaphore_mem>>)
    %add3A_1814 = arith.constant 0 : i32
    %add3A_1815 = arith.addi %mul3A_4, %add3A_1814 : i32
    %add3A_1816 = arith.constant 15 : i32
    %add3A_1817 = arith.addi %mul3A_2, %add3A_1816 : i32
    %dma_wait3A_1818 = arith.constant 0 : i32
    %dma_wait3A_1819 = arith.constant 0 : i32
    %dma_wait3A_1820 = tpu.memref_slice %arg4[%add3A_1817, %dma_wait3A_1818, %dma_wait3A_1819] : memref<1024x200x128xf32, #tpu.memory_space<hbm>> -> memref<1x200x128xf32, #tpu.memory_space<hbm>>
    %dma_wait3A_1821 = tpu.memref_squeeze %dma_wait3A_1820 : memref<1x200x128xf32, #tpu.memory_space<hbm>> -> memref<200x128xf32, #tpu.memory_space<hbm>>
    %dma_wait3A_1822 = arith.constant 0 : i32
    %dma_wait3A_1823 = tpu.memref_slice %arg8[%add3A_1815, %dma_wait3A_1822] : memref<9600x128xf32, #tpu.memory_space<vmem_shared>> -> memref<200x128xf32, #tpu.memory_space<vmem_shared>>
    tpu.wait_dma2 semaphore(%arg15 : memref<!tpu.dma_semaphore, #tpu.memory_space<semaphore_mem>>) src(%dma_wait3A_1823 : memref<200x128xf32, #tpu.memory_space<vmem_shared>>) dst(%dma_wait3A_1821 : memref<200x128xf32, #tpu.memory_space<hbm>>)
    %add3A_1824 = arith.constant 18 : i32
    %add3A_1825 = arith.addi %mul3A_2, %add3A_1824 : i32
    %add3A_1826 = arith.constant 0 : i32
    %add3A_1827 = arith.addi %mul3A_4, %add3A_1826 : i32
    %dma_start3A_1828 = arith.constant 0 : i32
    %dma_start3A_1829 = tpu.memref_slice %arg8[%add3A_1827, %dma_start3A_1828] : memref<9600x128xf32, #tpu.memory_space<vmem_shared>> -> memref<200x128xf32, #tpu.memory_space<vmem_shared>>
    %dma_start3A_1830 = arith.constant 0 : i32
    %dma_start3A_1831 = arith.constant 0 : i32
    %dma_start3A_1832 = tpu.memref_slice %arg2[%add3A_1825, %dma_start3A_1830, %dma_start3A_1831] : memref<1024x200x128xf32, #tpu.memory_space<hbm>> -> memref<1x200x128xf32, #tpu.memory_space<hbm>>
    %dma_start3A_1833 = tpu.memref_squeeze %dma_start3A_1832 : memref<1x200x128xf32, #tpu.memory_space<hbm>> -> memref<200x128xf32, #tpu.memory_space<hbm>>
    tpu.enqueue_dma source(%dma_start3A_1833 : memref<200x128xf32, #tpu.memory_space<hbm>>) target(%dma_start3A_1829 : memref<200x128xf32, #tpu.memory_space<vmem_shared>>) target_semaphore(%arg9 : memref<!tpu.dma_semaphore, #tpu.memory_space<semaphore_mem>>)
    %add3A_1834 = arith.constant 18 : i32
    %add3A_1835 = arith.addi %mul3A_2, %add3A_1834 : i32
    %add3A_1836 = arith.constant 0 : i32
    %add3A_1837 = arith.addi %mul3A_4, %add3A_1836 : i32
    %dma_wait3A_1838 = arith.constant 0 : i32
    %dma_wait3A_1839 = tpu.memref_slice %arg8[%add3A_1837, %dma_wait3A_1838] : memref<9600x128xf32, #tpu.memory_space<vmem_shared>> -> memref<200x128xf32, #tpu.memory_space<vmem_shared>>
    %dma_wait3A_1840 = arith.constant 0 : i32
    %dma_wait3A_1841 = arith.constant 0 : i32
    %dma_wait3A_1842 = tpu.memref_slice %arg2[%add3A_1835, %dma_wait3A_1840, %dma_wait3A_1841] : memref<1024x200x128xf32, #tpu.memory_space<hbm>> -> memref<1x200x128xf32, #tpu.memory_space<hbm>>
    %dma_wait3A_1843 = tpu.memref_squeeze %dma_wait3A_1842 : memref<1x200x128xf32, #tpu.memory_space<hbm>> -> memref<200x128xf32, #tpu.memory_space<hbm>>
    tpu.wait_dma2 semaphore(%arg9 : memref<!tpu.dma_semaphore, #tpu.memory_space<semaphore_mem>>) src(%dma_wait3A_1843 : memref<200x128xf32, #tpu.memory_space<hbm>>) dst(%dma_wait3A_1839 : memref<200x128xf32, #tpu.memory_space<vmem_shared>>)
    %dma_start3A_1844 = arith.constant 0 : i32
    %dma_start3A_1845 = arith.constant 0 : i32
    %dma_start3A_1846 = arith.constant 0 : i32
    %dma_start3A_1847 = tpu.memref_slice %arg5[%dma_start3A_1845, %dma_start3A_1846] : memref<200x128xf32, #tpu.memory_space<vmem>> -> memref<104x128xf32, #tpu.memory_space<vmem>>
    %dma_start3A_1848 = arith.constant 0 : i32
    %dma_start3A_1849 = tpu.memref_slice %arg6[%dma_start3A_1844, %dma_start3A_1848] : memref<3x104xi32, #tpu.memory_space<vmem>> -> memref<1x104xi32, #tpu.memory_space<vmem>>
    %dma_start3A_1850 = tpu.memref_squeeze %dma_start3A_1849 : memref<1x104xi32, #tpu.memory_space<vmem>> -> memref<104xi32, #tpu.memory_space<vmem>>
    %dma_start3A_1851 = arith.constant 0 : i32
    %dma_start3A_1852 = arith.constant 0 : i32
    %dma_start3A_1853 = tpu.memref_slice %arg8[%dma_start3A_1851, %dma_start3A_1852] : memref<9600x128xf32, #tpu.memory_space<vmem_shared>> -> memref<9600x128xf32, #tpu.memory_space<vmem_shared>>
    tpu.enqueue_indirect_dma source(%dma_start3A_1847 : memref<104x128xf32, #tpu.memory_space<vmem>>) target(%dma_start3A_1853 : memref<9600x128xf32, #tpu.memory_space<vmem_shared>>) offsets(%dma_start3A_1850 : memref<104xi32, #tpu.memory_space<vmem>>) semaphore(%arg12 : memref<!tpu.dma_semaphore, #tpu.memory_space<semaphore_mem>>) {add = true}
    %dma_start3A_1854 = arith.constant 0 : i32
    %dma_start3A_1855 = arith.constant 104 : i32
    %dma_start3A_1856 = arith.constant 0 : i32
    %dma_start3A_1857 = tpu.memref_slice %arg5[%dma_start3A_1855, %dma_start3A_1856] : memref<200x128xf32, #tpu.memory_space<vmem>> -> memref<96x128xf32, #tpu.memory_space<vmem>>
    %dma_start3A_1858 = arith.constant 0 : i32
    %dma_start3A_1859 = tpu.memref_slice %arg7[%dma_start3A_1854, %dma_start3A_1858] : memref<3x96xi32, #tpu.memory_space<vmem>> -> memref<1x96xi32, #tpu.memory_space<vmem>>
    %dma_start3A_1860 = tpu.memref_squeeze %dma_start3A_1859 : memref<1x96xi32, #tpu.memory_space<vmem>> -> memref<96xi32, #tpu.memory_space<vmem>>
    %dma_start3A_1861 = arith.constant 0 : i32
    %dma_start3A_1862 = arith.constant 0 : i32
    %dma_start3A_1863 = tpu.memref_slice %arg8[%dma_start3A_1861, %dma_start3A_1862] : memref<9600x128xf32, #tpu.memory_space<vmem_shared>> -> memref<9600x128xf32, #tpu.memory_space<vmem_shared>>
    tpu.enqueue_indirect_dma source(%dma_start3A_1857 : memref<96x128xf32, #tpu.memory_space<vmem>>) target(%dma_start3A_1863 : memref<9600x128xf32, #tpu.memory_space<vmem_shared>>) offsets(%dma_start3A_1860 : memref<96xi32, #tpu.memory_space<vmem>>) semaphore(%arg12 : memref<!tpu.dma_semaphore, #tpu.memory_space<semaphore_mem>>) {add = true}
    %dma_wait3A_1864 = arith.constant 2 : i32
    %dma_wait3A_1865 = arith.constant 0 : i32
    %dma_wait3A_1866 = arith.constant 0 : i32
    %dma_wait3A_1867 = tpu.memref_slice %arg5[%dma_wait3A_1865, %dma_wait3A_1866] : memref<200x128xf32, #tpu.memory_space<vmem>> -> memref<104x128xf32, #tpu.memory_space<vmem>>
    %dma_wait3A_1868 = arith.constant 0 : i32
    %dma_wait3A_1869 = tpu.memref_slice %arg6[%dma_wait3A_1864, %dma_wait3A_1868] : memref<3x104xi32, #tpu.memory_space<vmem>> -> memref<1x104xi32, #tpu.memory_space<vmem>>
    %dma_wait3A_1870 = tpu.memref_squeeze %dma_wait3A_1869 : memref<1x104xi32, #tpu.memory_space<vmem>> -> memref<104xi32, #tpu.memory_space<vmem>>
    %dma_wait3A_1871 = arith.constant 0 : i32
    %dma_wait3A_1872 = arith.constant 0 : i32
    %dma_wait3A_1873 = tpu.memref_slice %arg8[%dma_wait3A_1871, %dma_wait3A_1872] : memref<9600x128xf32, #tpu.memory_space<vmem_shared>> -> memref<9600x128xf32, #tpu.memory_space<vmem_shared>>
    tpu.wait_indirect_dma semaphore(%arg14 : memref<!tpu.dma_semaphore, #tpu.memory_space<semaphore_mem>>) src(%dma_wait3A_1867 : memref<104x128xf32, #tpu.memory_space<vmem>>) dst(%dma_wait3A_1873 : memref<9600x128xf32, #tpu.memory_space<vmem_shared>>)
    %dma_wait3A_1874 = arith.constant 2 : i32
    %dma_wait3A_1875 = arith.constant 104 : i32
    %dma_wait3A_1876 = arith.constant 0 : i32
    %dma_wait3A_1877 = tpu.memref_slice %arg5[%dma_wait3A_1875, %dma_wait3A_1876] : memref<200x128xf32, #tpu.memory_space<vmem>> -> memref<96x128xf32, #tpu.memory_space<vmem>>
    %dma_wait3A_1878 = arith.constant 0 : i32
    %dma_wait3A_1879 = tpu.memref_slice %arg7[%dma_wait3A_1874, %dma_wait3A_1878] : memref<3x96xi32, #tpu.memory_space<vmem>> -> memref<1x96xi32, #tpu.memory_space<vmem>>
    %dma_wait3A_1880 = tpu.memref_squeeze %dma_wait3A_1879 : memref<1x96xi32, #tpu.memory_space<vmem>> -> memref<96xi32, #tpu.memory_space<vmem>>
    %dma_wait3A_1881 = arith.constant 0 : i32
    %dma_wait3A_1882 = arith.constant 0 : i32
    %dma_wait3A_1883 = tpu.memref_slice %arg8[%dma_wait3A_1881, %dma_wait3A_1882] : memref<9600x128xf32, #tpu.memory_space<vmem_shared>> -> memref<9600x128xf32, #tpu.memory_space<vmem_shared>>
    tpu.wait_indirect_dma semaphore(%arg14 : memref<!tpu.dma_semaphore, #tpu.memory_space<semaphore_mem>>) src(%dma_wait3A_1877 : memref<96x128xf32, #tpu.memory_space<vmem>>) dst(%dma_wait3A_1883 : memref<9600x128xf32, #tpu.memory_space<vmem_shared>>)
    %add3A_1884 = arith.constant 400 : i32
    %add3A_1885 = arith.addi %mul3A_4, %add3A_1884 : i32
    %add3A_1886 = arith.constant 17 : i32
    %add3A_1887 = arith.addi %mul3A_2, %add3A_1886 : i32
    %dma_start3A_1888 = arith.constant 0 : i32
    %dma_start3A_1889 = arith.constant 0 : i32
    %dma_start3A_1890 = tpu.memref_slice %arg4[%add3A_1887, %dma_start3A_1888, %dma_start3A_1889] : memref<1024x200x128xf32, #tpu.memory_space<hbm>> -> memref<1x200x128xf32, #tpu.memory_space<hbm>>
    %dma_start3A_1891 = tpu.memref_squeeze %dma_start3A_1890 : memref<1x200x128xf32, #tpu.memory_space<hbm>> -> memref<200x128xf32, #tpu.memory_space<hbm>>
    %dma_start3A_1892 = arith.constant 0 : i32
    %dma_start3A_1893 = tpu.memref_slice %arg8[%add3A_1885, %dma_start3A_1892] : memref<9600x128xf32, #tpu.memory_space<vmem_shared>> -> memref<200x128xf32, #tpu.memory_space<vmem_shared>>
    tpu.enqueue_dma source(%dma_start3A_1893 : memref<200x128xf32, #tpu.memory_space<vmem_shared>>) target(%dma_start3A_1891 : memref<200x128xf32, #tpu.memory_space<hbm>>) target_semaphore(%arg17 : memref<!tpu.dma_semaphore, #tpu.memory_space<semaphore_mem>>)
    %add3A_1894 = arith.constant 200 : i32
    %add3A_1895 = arith.addi %mul3A_4, %add3A_1894 : i32
    %add3A_1896 = arith.constant 16 : i32
    %add3A_1897 = arith.addi %mul3A_2, %add3A_1896 : i32
    %dma_wait3A_1898 = arith.constant 0 : i32
    %dma_wait3A_1899 = arith.constant 0 : i32
    %dma_wait3A_1900 = tpu.memref_slice %arg4[%add3A_1897, %dma_wait3A_1898, %dma_wait3A_1899] : memref<1024x200x128xf32, #tpu.memory_space<hbm>> -> memref<1x200x128xf32, #tpu.memory_space<hbm>>
    %dma_wait3A_1901 = tpu.memref_squeeze %dma_wait3A_1900 : memref<1x200x128xf32, #tpu.memory_space<hbm>> -> memref<200x128xf32, #tpu.memory_space<hbm>>
    %dma_wait3A_1902 = arith.constant 0 : i32
    %dma_wait3A_1903 = tpu.memref_slice %arg8[%add3A_1895, %dma_wait3A_1902] : memref<9600x128xf32, #tpu.memory_space<vmem_shared>> -> memref<200x128xf32, #tpu.memory_space<vmem_shared>>
    tpu.wait_dma2 semaphore(%arg16 : memref<!tpu.dma_semaphore, #tpu.memory_space<semaphore_mem>>) src(%dma_wait3A_1903 : memref<200x128xf32, #tpu.memory_space<vmem_shared>>) dst(%dma_wait3A_1901 : memref<200x128xf32, #tpu.memory_space<hbm>>)
    %add3A_1904 = arith.constant 19 : i32
    %add3A_1905 = arith.addi %mul3A_2, %add3A_1904 : i32
    %add3A_1906 = arith.constant 200 : i32
    %add3A_1907 = arith.addi %mul3A_4, %add3A_1906 : i32
    %dma_start3A_1908 = arith.constant 0 : i32
    %dma_start3A_1909 = tpu.memref_slice %arg8[%add3A_1907, %dma_start3A_1908] : memref<9600x128xf32, #tpu.memory_space<vmem_shared>> -> memref<200x128xf32, #tpu.memory_space<vmem_shared>>
    %dma_start3A_1910 = arith.constant 0 : i32
    %dma_start3A_1911 = arith.constant 0 : i32
    %dma_start3A_1912 = tpu.memref_slice %arg2[%add3A_1905, %dma_start3A_1910, %dma_start3A_1911] : memref<1024x200x128xf32, #tpu.memory_space<hbm>> -> memref<1x200x128xf32, #tpu.memory_space<hbm>>
    %dma_start3A_1913 = tpu.memref_squeeze %dma_start3A_1912 : memref<1x200x128xf32, #tpu.memory_space<hbm>> -> memref<200x128xf32, #tpu.memory_space<hbm>>
    tpu.enqueue_dma source(%dma_start3A_1913 : memref<200x128xf32, #tpu.memory_space<hbm>>) target(%dma_start3A_1909 : memref<200x128xf32, #tpu.memory_space<vmem_shared>>) target_semaphore(%arg10 : memref<!tpu.dma_semaphore, #tpu.memory_space<semaphore_mem>>)
    %add3A_1914 = arith.constant 19 : i32
    %add3A_1915 = arith.addi %mul3A_2, %add3A_1914 : i32
    %add3A_1916 = arith.constant 200 : i32
    %add3A_1917 = arith.addi %mul3A_4, %add3A_1916 : i32
    %dma_wait3A_1918 = arith.constant 0 : i32
    %dma_wait3A_1919 = tpu.memref_slice %arg8[%add3A_1917, %dma_wait3A_1918] : memref<9600x128xf32, #tpu.memory_space<vmem_shared>> -> memref<200x128xf32, #tpu.memory_space<vmem_shared>>
    %dma_wait3A_1920 = arith.constant 0 : i32
    %dma_wait3A_1921 = arith.constant 0 : i32
    %dma_wait3A_1922 = tpu.memref_slice %arg2[%add3A_1915, %dma_wait3A_1920, %dma_wait3A_1921] : memref<1024x200x128xf32, #tpu.memory_space<hbm>> -> memref<1x200x128xf32, #tpu.memory_space<hbm>>
    %dma_wait3A_1923 = tpu.memref_squeeze %dma_wait3A_1922 : memref<1x200x128xf32, #tpu.memory_space<hbm>> -> memref<200x128xf32, #tpu.memory_space<hbm>>
    tpu.wait_dma2 semaphore(%arg10 : memref<!tpu.dma_semaphore, #tpu.memory_space<semaphore_mem>>) src(%dma_wait3A_1923 : memref<200x128xf32, #tpu.memory_space<hbm>>) dst(%dma_wait3A_1919 : memref<200x128xf32, #tpu.memory_space<vmem_shared>>)
    %dma_start3A_1924 = arith.constant 1 : i32
    %dma_start3A_1925 = arith.constant 0 : i32
    %dma_start3A_1926 = arith.constant 0 : i32
    %dma_start3A_1927 = tpu.memref_slice %arg5[%dma_start3A_1925, %dma_start3A_1926] : memref<200x128xf32, #tpu.memory_space<vmem>> -> memref<104x128xf32, #tpu.memory_space<vmem>>
    %dma_start3A_1928 = arith.constant 0 : i32
    %dma_start3A_1929 = tpu.memref_slice %arg6[%dma_start3A_1924, %dma_start3A_1928] : memref<3x104xi32, #tpu.memory_space<vmem>> -> memref<1x104xi32, #tpu.memory_space<vmem>>
    %dma_start3A_1930 = tpu.memref_squeeze %dma_start3A_1929 : memref<1x104xi32, #tpu.memory_space<vmem>> -> memref<104xi32, #tpu.memory_space<vmem>>
    %dma_start3A_1931 = arith.constant 0 : i32
    %dma_start3A_1932 = arith.constant 0 : i32
    %dma_start3A_1933 = tpu.memref_slice %arg8[%dma_start3A_1931, %dma_start3A_1932] : memref<9600x128xf32, #tpu.memory_space<vmem_shared>> -> memref<9600x128xf32, #tpu.memory_space<vmem_shared>>
    tpu.enqueue_indirect_dma source(%dma_start3A_1927 : memref<104x128xf32, #tpu.memory_space<vmem>>) target(%dma_start3A_1933 : memref<9600x128xf32, #tpu.memory_space<vmem_shared>>) offsets(%dma_start3A_1930 : memref<104xi32, #tpu.memory_space<vmem>>) semaphore(%arg13 : memref<!tpu.dma_semaphore, #tpu.memory_space<semaphore_mem>>) {add = true}
    %dma_start3A_1934 = arith.constant 1 : i32
    %dma_start3A_1935 = arith.constant 104 : i32
    %dma_start3A_1936 = arith.constant 0 : i32
    %dma_start3A_1937 = tpu.memref_slice %arg5[%dma_start3A_1935, %dma_start3A_1936] : memref<200x128xf32, #tpu.memory_space<vmem>> -> memref<96x128xf32, #tpu.memory_space<vmem>>
    %dma_start3A_1938 = arith.constant 0 : i32
    %dma_start3A_1939 = tpu.memref_slice %arg7[%dma_start3A_1934, %dma_start3A_1938] : memref<3x96xi32, #tpu.memory_space<vmem>> -> memref<1x96xi32, #tpu.memory_space<vmem>>
    %dma_start3A_1940 = tpu.memref_squeeze %dma_start3A_1939 : memref<1x96xi32, #tpu.memory_space<vmem>> -> memref<96xi32, #tpu.memory_space<vmem>>
    %dma_start3A_1941 = arith.constant 0 : i32
    %dma_start3A_1942 = arith.constant 0 : i32
    %dma_start3A_1943 = tpu.memref_slice %arg8[%dma_start3A_1941, %dma_start3A_1942] : memref<9600x128xf32, #tpu.memory_space<vmem_shared>> -> memref<9600x128xf32, #tpu.memory_space<vmem_shared>>
    tpu.enqueue_indirect_dma source(%dma_start3A_1937 : memref<96x128xf32, #tpu.memory_space<vmem>>) target(%dma_start3A_1943 : memref<9600x128xf32, #tpu.memory_space<vmem_shared>>) offsets(%dma_start3A_1940 : memref<96xi32, #tpu.memory_space<vmem>>) semaphore(%arg13 : memref<!tpu.dma_semaphore, #tpu.memory_space<semaphore_mem>>) {add = true}
    %dma_wait3A_1944 = arith.constant 0 : i32
    %dma_wait3A_1945 = arith.constant 0 : i32
    %dma_wait3A_1946 = arith.constant 0 : i32
    %dma_wait3A_1947 = tpu.memref_slice %arg5[%dma_wait3A_1945, %dma_wait3A_1946] : memref<200x128xf32, #tpu.memory_space<vmem>> -> memref<104x128xf32, #tpu.memory_space<vmem>>
    %dma_wait3A_1948 = arith.constant 0 : i32
    %dma_wait3A_1949 = tpu.memref_slice %arg6[%dma_wait3A_1944, %dma_wait3A_1948] : memref<3x104xi32, #tpu.memory_space<vmem>> -> memref<1x104xi32, #tpu.memory_space<vmem>>
    %dma_wait3A_1950 = tpu.memref_squeeze %dma_wait3A_1949 : memref<1x104xi32, #tpu.memory_space<vmem>> -> memref<104xi32, #tpu.memory_space<vmem>>
    %dma_wait3A_1951 = arith.constant 0 : i32
    %dma_wait3A_1952 = arith.constant 0 : i32
    %dma_wait3A_1953 = tpu.memref_slice %arg8[%dma_wait3A_1951, %dma_wait3A_1952] : memref<9600x128xf32, #tpu.memory_space<vmem_shared>> -> memref<9600x128xf32, #tpu.memory_space<vmem_shared>>
    tpu.wait_indirect_dma semaphore(%arg12 : memref<!tpu.dma_semaphore, #tpu.memory_space<semaphore_mem>>) src(%dma_wait3A_1947 : memref<104x128xf32, #tpu.memory_space<vmem>>) dst(%dma_wait3A_1953 : memref<9600x128xf32, #tpu.memory_space<vmem_shared>>)
    %dma_wait3A_1954 = arith.constant 0 : i32
    %dma_wait3A_1955 = arith.constant 104 : i32
    %dma_wait3A_1956 = arith.constant 0 : i32
    %dma_wait3A_1957 = tpu.memref_slice %arg5[%dma_wait3A_1955, %dma_wait3A_1956] : memref<200x128xf32, #tpu.memory_space<vmem>> -> memref<96x128xf32, #tpu.memory_space<vmem>>
    %dma_wait3A_1958 = arith.constant 0 : i32
    %dma_wait3A_1959 = tpu.memref_slice %arg7[%dma_wait3A_1954, %dma_wait3A_1958] : memref<3x96xi32, #tpu.memory_space<vmem>> -> memref<1x96xi32, #tpu.memory_space<vmem>>
    %dma_wait3A_1960 = tpu.memref_squeeze %dma_wait3A_1959 : memref<1x96xi32, #tpu.memory_space<vmem>> -> memref<96xi32, #tpu.memory_space<vmem>>
    %dma_wait3A_1961 = arith.constant 0 : i32
    %dma_wait3A_1962 = arith.constant 0 : i32
    %dma_wait3A_1963 = tpu.memref_slice %arg8[%dma_wait3A_1961, %dma_wait3A_1962] : memref<9600x128xf32, #tpu.memory_space<vmem_shared>> -> memref<9600x128xf32, #tpu.memory_space<vmem_shared>>
    tpu.wait_indirect_dma semaphore(%arg12 : memref<!tpu.dma_semaphore, #tpu.memory_space<semaphore_mem>>) src(%dma_wait3A_1957 : memref<96x128xf32, #tpu.memory_space<vmem>>) dst(%dma_wait3A_1963 : memref<9600x128xf32, #tpu.memory_space<vmem_shared>>)
    %add3A_1964 = arith.constant 0 : i32
    %add3A_1965 = arith.addi %mul3A_4, %add3A_1964 : i32
    %add3A_1966 = arith.constant 18 : i32
    %add3A_1967 = arith.addi %mul3A_2, %add3A_1966 : i32
    %dma_start3A_1968 = arith.constant 0 : i32
    %dma_start3A_1969 = arith.constant 0 : i32
    %dma_start3A_1970 = tpu.memref_slice %arg4[%add3A_1967, %dma_start3A_1968, %dma_start3A_1969] : memref<1024x200x128xf32, #tpu.memory_space<hbm>> -> memref<1x200x128xf32, #tpu.memory_space<hbm>>
    %dma_start3A_1971 = tpu.memref_squeeze %dma_start3A_1970 : memref<1x200x128xf32, #tpu.memory_space<hbm>> -> memref<200x128xf32, #tpu.memory_space<hbm>>
    %dma_start3A_1972 = arith.constant 0 : i32
    %dma_start3A_1973 = tpu.memref_slice %arg8[%add3A_1965, %dma_start3A_1972] : memref<9600x128xf32, #tpu.memory_space<vmem_shared>> -> memref<200x128xf32, #tpu.memory_space<vmem_shared>>
    tpu.enqueue_dma source(%dma_start3A_1973 : memref<200x128xf32, #tpu.memory_space<vmem_shared>>) target(%dma_start3A_1971 : memref<200x128xf32, #tpu.memory_space<hbm>>) target_semaphore(%arg15 : memref<!tpu.dma_semaphore, #tpu.memory_space<semaphore_mem>>)
    %add3A_1974 = arith.constant 400 : i32
    %add3A_1975 = arith.addi %mul3A_4, %add3A_1974 : i32
    %add3A_1976 = arith.constant 17 : i32
    %add3A_1977 = arith.addi %mul3A_2, %add3A_1976 : i32
    %dma_wait3A_1978 = arith.constant 0 : i32
    %dma_wait3A_1979 = arith.constant 0 : i32
    %dma_wait3A_1980 = tpu.memref_slice %arg4[%add3A_1977, %dma_wait3A_1978, %dma_wait3A_1979] : memref<1024x200x128xf32, #tpu.memory_space<hbm>> -> memref<1x200x128xf32, #tpu.memory_space<hbm>>
    %dma_wait3A_1981 = tpu.memref_squeeze %dma_wait3A_1980 : memref<1x200x128xf32, #tpu.memory_space<hbm>> -> memref<200x128xf32, #tpu.memory_space<hbm>>
    %dma_wait3A_1982 = arith.constant 0 : i32
    %dma_wait3A_1983 = tpu.memref_slice %arg8[%add3A_1975, %dma_wait3A_1982] : memref<9600x128xf32, #tpu.memory_space<vmem_shared>> -> memref<200x128xf32, #tpu.memory_space<vmem_shared>>
    tpu.wait_dma2 semaphore(%arg17 : memref<!tpu.dma_semaphore, #tpu.memory_space<semaphore_mem>>) src(%dma_wait3A_1983 : memref<200x128xf32, #tpu.memory_space<vmem_shared>>) dst(%dma_wait3A_1981 : memref<200x128xf32, #tpu.memory_space<hbm>>)
    %add3A_1984 = arith.constant 20 : i32
    %add3A_1985 = arith.addi %mul3A_2, %add3A_1984 : i32
    %add3A_1986 = arith.constant 400 : i32
    %add3A_1987 = arith.addi %mul3A_4, %add3A_1986 : i32
    %dma_start3A_1988 = arith.constant 0 : i32
    %dma_start3A_1989 = tpu.memref_slice %arg8[%add3A_1987, %dma_start3A_1988] : memref<9600x128xf32, #tpu.memory_space<vmem_shared>> -> memref<200x128xf32, #tpu.memory_space<vmem_shared>>
    %dma_start3A_1990 = arith.constant 0 : i32
    %dma_start3A_1991 = arith.constant 0 : i32
    %dma_start3A_1992 = tpu.memref_slice %arg2[%add3A_1985, %dma_start3A_1990, %dma_start3A_1991] : memref<1024x200x128xf32, #tpu.memory_space<hbm>> -> memref<1x200x128xf32, #tpu.memory_space<hbm>>
    %dma_start3A_1993 = tpu.memref_squeeze %dma_start3A_1992 : memref<1x200x128xf32, #tpu.memory_space<hbm>> -> memref<200x128xf32, #tpu.memory_space<hbm>>
    tpu.enqueue_dma source(%dma_start3A_1993 : memref<200x128xf32, #tpu.memory_space<hbm>>) target(%dma_start3A_1989 : memref<200x128xf32, #tpu.memory_space<vmem_shared>>) target_semaphore(%arg11 : memref<!tpu.dma_semaphore, #tpu.memory_space<semaphore_mem>>)
    %add3A_1994 = arith.constant 20 : i32
    %add3A_1995 = arith.addi %mul3A_2, %add3A_1994 : i32
    %add3A_1996 = arith.constant 400 : i32
    %add3A_1997 = arith.addi %mul3A_4, %add3A_1996 : i32
    %dma_wait3A_1998 = arith.constant 0 : i32
    %dma_wait3A_1999 = tpu.memref_slice %arg8[%add3A_1997, %dma_wait3A_1998] : memref<9600x128xf32, #tpu.memory_space<vmem_shared>> -> memref<200x128xf32, #tpu.memory_space<vmem_shared>>
    %dma_wait3A_2000 = arith.constant 0 : i32
    %dma_wait3A_2001 = arith.constant 0 : i32
    %dma_wait3A_2002 = tpu.memref_slice %arg2[%add3A_1995, %dma_wait3A_2000, %dma_wait3A_2001] : memref<1024x200x128xf32, #tpu.memory_space<hbm>> -> memref<1x200x128xf32, #tpu.memory_space<hbm>>
    %dma_wait3A_2003 = tpu.memref_squeeze %dma_wait3A_2002 : memref<1x200x128xf32, #tpu.memory_space<hbm>> -> memref<200x128xf32, #tpu.memory_space<hbm>>
    tpu.wait_dma2 semaphore(%arg11 : memref<!tpu.dma_semaphore, #tpu.memory_space<semaphore_mem>>) src(%dma_wait3A_2003 : memref<200x128xf32, #tpu.memory_space<hbm>>) dst(%dma_wait3A_1999 : memref<200x128xf32, #tpu.memory_space<vmem_shared>>)
    %dma_start3A_2004 = arith.constant 2 : i32
    %dma_start3A_2005 = arith.constant 0 : i32
    %dma_start3A_2006 = arith.constant 0 : i32
    %dma_start3A_2007 = tpu.memref_slice %arg5[%dma_start3A_2005, %dma_start3A_2006] : memref<200x128xf32, #tpu.memory_space<vmem>> -> memref<104x128xf32, #tpu.memory_space<vmem>>
    %dma_start3A_2008 = arith.constant 0 : i32
    %dma_start3A_2009 = tpu.memref_slice %arg6[%dma_start3A_2004, %dma_start3A_2008] : memref<3x104xi32, #tpu.memory_space<vmem>> -> memref<1x104xi32, #tpu.memory_space<vmem>>
    %dma_start3A_2010 = tpu.memref_squeeze %dma_start3A_2009 : memref<1x104xi32, #tpu.memory_space<vmem>> -> memref<104xi32, #tpu.memory_space<vmem>>
    %dma_start3A_2011 = arith.constant 0 : i32
    %dma_start3A_2012 = arith.constant 0 : i32
    %dma_start3A_2013 = tpu.memref_slice %arg8[%dma_start3A_2011, %dma_start3A_2012] : memref<9600x128xf32, #tpu.memory_space<vmem_shared>> -> memref<9600x128xf32, #tpu.memory_space<vmem_shared>>
    tpu.enqueue_indirect_dma source(%dma_start3A_2007 : memref<104x128xf32, #tpu.memory_space<vmem>>) target(%dma_start3A_2013 : memref<9600x128xf32, #tpu.memory_space<vmem_shared>>) offsets(%dma_start3A_2010 : memref<104xi32, #tpu.memory_space<vmem>>) semaphore(%arg14 : memref<!tpu.dma_semaphore, #tpu.memory_space<semaphore_mem>>) {add = true}
    %dma_start3A_2014 = arith.constant 2 : i32
    %dma_start3A_2015 = arith.constant 104 : i32
    %dma_start3A_2016 = arith.constant 0 : i32
    %dma_start3A_2017 = tpu.memref_slice %arg5[%dma_start3A_2015, %dma_start3A_2016] : memref<200x128xf32, #tpu.memory_space<vmem>> -> memref<96x128xf32, #tpu.memory_space<vmem>>
    %dma_start3A_2018 = arith.constant 0 : i32
    %dma_start3A_2019 = tpu.memref_slice %arg7[%dma_start3A_2014, %dma_start3A_2018] : memref<3x96xi32, #tpu.memory_space<vmem>> -> memref<1x96xi32, #tpu.memory_space<vmem>>
    %dma_start3A_2020 = tpu.memref_squeeze %dma_start3A_2019 : memref<1x96xi32, #tpu.memory_space<vmem>> -> memref<96xi32, #tpu.memory_space<vmem>>
    %dma_start3A_2021 = arith.constant 0 : i32
    %dma_start3A_2022 = arith.constant 0 : i32
    %dma_start3A_2023 = tpu.memref_slice %arg8[%dma_start3A_2021, %dma_start3A_2022] : memref<9600x128xf32, #tpu.memory_space<vmem_shared>> -> memref<9600x128xf32, #tpu.memory_space<vmem_shared>>
    tpu.enqueue_indirect_dma source(%dma_start3A_2017 : memref<96x128xf32, #tpu.memory_space<vmem>>) target(%dma_start3A_2023 : memref<9600x128xf32, #tpu.memory_space<vmem_shared>>) offsets(%dma_start3A_2020 : memref<96xi32, #tpu.memory_space<vmem>>) semaphore(%arg14 : memref<!tpu.dma_semaphore, #tpu.memory_space<semaphore_mem>>) {add = true}
    %dma_wait3A_2024 = arith.constant 1 : i32
    %dma_wait3A_2025 = arith.constant 0 : i32
    %dma_wait3A_2026 = arith.constant 0 : i32
    %dma_wait3A_2027 = tpu.memref_slice %arg5[%dma_wait3A_2025, %dma_wait3A_2026] : memref<200x128xf32, #tpu.memory_space<vmem>> -> memref<104x128xf32, #tpu.memory_space<vmem>>
    %dma_wait3A_2028 = arith.constant 0 : i32
    %dma_wait3A_2029 = tpu.memref_slice %arg6[%dma_wait3A_2024, %dma_wait3A_2028] : memref<3x104xi32, #tpu.memory_space<vmem>> -> memref<1x104xi32, #tpu.memory_space<vmem>>
    %dma_wait3A_2030 = tpu.memref_squeeze %dma_wait3A_2029 : memref<1x104xi32, #tpu.memory_space<vmem>> -> memref<104xi32, #tpu.memory_space<vmem>>
    %dma_wait3A_2031 = arith.constant 0 : i32
    %dma_wait3A_2032 = arith.constant 0 : i32
    %dma_wait3A_2033 = tpu.memref_slice %arg8[%dma_wait3A_2031, %dma_wait3A_2032] : memref<9600x128xf32, #tpu.memory_space<vmem_shared>> -> memref<9600x128xf32, #tpu.memory_space<vmem_shared>>
    tpu.wait_indirect_dma semaphore(%arg13 : memref<!tpu.dma_semaphore, #tpu.memory_space<semaphore_mem>>) src(%dma_wait3A_2027 : memref<104x128xf32, #tpu.memory_space<vmem>>) dst(%dma_wait3A_2033 : memref<9600x128xf32, #tpu.memory_space<vmem_shared>>)
    %dma_wait3A_2034 = arith.constant 1 : i32
    %dma_wait3A_2035 = arith.constant 104 : i32
    %dma_wait3A_2036 = arith.constant 0 : i32
    %dma_wait3A_2037 = tpu.memref_slice %arg5[%dma_wait3A_2035, %dma_wait3A_2036] : memref<200x128xf32, #tpu.memory_space<vmem>> -> memref<96x128xf32, #tpu.memory_space<vmem>>
    %dma_wait3A_2038 = arith.constant 0 : i32
    %dma_wait3A_2039 = tpu.memref_slice %arg7[%dma_wait3A_2034, %dma_wait3A_2038] : memref<3x96xi32, #tpu.memory_space<vmem>> -> memref<1x96xi32, #tpu.memory_space<vmem>>
    %dma_wait3A_2040 = tpu.memref_squeeze %dma_wait3A_2039 : memref<1x96xi32, #tpu.memory_space<vmem>> -> memref<96xi32, #tpu.memory_space<vmem>>
    %dma_wait3A_2041 = arith.constant 0 : i32
    %dma_wait3A_2042 = arith.constant 0 : i32
    %dma_wait3A_2043 = tpu.memref_slice %arg8[%dma_wait3A_2041, %dma_wait3A_2042] : memref<9600x128xf32, #tpu.memory_space<vmem_shared>> -> memref<9600x128xf32, #tpu.memory_space<vmem_shared>>
    tpu.wait_indirect_dma semaphore(%arg13 : memref<!tpu.dma_semaphore, #tpu.memory_space<semaphore_mem>>) src(%dma_wait3A_2037 : memref<96x128xf32, #tpu.memory_space<vmem>>) dst(%dma_wait3A_2043 : memref<9600x128xf32, #tpu.memory_space<vmem_shared>>)
    %add3A_2044 = arith.constant 200 : i32
    %add3A_2045 = arith.addi %mul3A_4, %add3A_2044 : i32
    %add3A_2046 = arith.constant 19 : i32
    %add3A_2047 = arith.addi %mul3A_2, %add3A_2046 : i32
    %dma_start3A_2048 = arith.constant 0 : i32
    %dma_start3A_2049 = arith.constant 0 : i32
    %dma_start3A_2050 = tpu.memref_slice %arg4[%add3A_2047, %dma_start3A_2048, %dma_start3A_2049] : memref<1024x200x128xf32, #tpu.memory_space<hbm>> -> memref<1x200x128xf32, #tpu.memory_space<hbm>>
    %dma_start3A_2051 = tpu.memref_squeeze %dma_start3A_2050 : memref<1x200x128xf32, #tpu.memory_space<hbm>> -> memref<200x128xf32, #tpu.memory_space<hbm>>
    %dma_start3A_2052 = arith.constant 0 : i32
    %dma_start3A_2053 = tpu.memref_slice %arg8[%add3A_2045, %dma_start3A_2052] : memref<9600x128xf32, #tpu.memory_space<vmem_shared>> -> memref<200x128xf32, #tpu.memory_space<vmem_shared>>
    tpu.enqueue_dma source(%dma_start3A_2053 : memref<200x128xf32, #tpu.memory_space<vmem_shared>>) target(%dma_start3A_2051 : memref<200x128xf32, #tpu.memory_space<hbm>>) target_semaphore(%arg16 : memref<!tpu.dma_semaphore, #tpu.memory_space<semaphore_mem>>)
    %add3A_2054 = arith.constant 0 : i32
    %add3A_2055 = arith.addi %mul3A_4, %add3A_2054 : i32
    %add3A_2056 = arith.constant 18 : i32
    %add3A_2057 = arith.addi %mul3A_2, %add3A_2056 : i32
    %dma_wait3A_2058 = arith.constant 0 : i32
    %dma_wait3A_2059 = arith.constant 0 : i32
    %dma_wait3A_2060 = tpu.memref_slice %arg4[%add3A_2057, %dma_wait3A_2058, %dma_wait3A_2059] : memref<1024x200x128xf32, #tpu.memory_space<hbm>> -> memref<1x200x128xf32, #tpu.memory_space<hbm>>
    %dma_wait3A_2061 = tpu.memref_squeeze %dma_wait3A_2060 : memref<1x200x128xf32, #tpu.memory_space<hbm>> -> memref<200x128xf32, #tpu.memory_space<hbm>>
    %dma_wait3A_2062 = arith.constant 0 : i32
    %dma_wait3A_2063 = tpu.memref_slice %arg8[%add3A_2055, %dma_wait3A_2062] : memref<9600x128xf32, #tpu.memory_space<vmem_shared>> -> memref<200x128xf32, #tpu.memory_space<vmem_shared>>
    tpu.wait_dma2 semaphore(%arg15 : memref<!tpu.dma_semaphore, #tpu.memory_space<semaphore_mem>>) src(%dma_wait3A_2063 : memref<200x128xf32, #tpu.memory_space<vmem_shared>>) dst(%dma_wait3A_2061 : memref<200x128xf32, #tpu.memory_space<hbm>>)
    %add3A_2064 = arith.constant 21 : i32
    %add3A_2065 = arith.addi %mul3A_2, %add3A_2064 : i32
    %add3A_2066 = arith.constant 0 : i32
    %add3A_2067 = arith.addi %mul3A_4, %add3A_2066 : i32
    %dma_start3A_2068 = arith.constant 0 : i32
    %dma_start3A_2069 = tpu.memref_slice %arg8[%add3A_2067, %dma_start3A_2068] : memref<9600x128xf32, #tpu.memory_space<vmem_shared>> -> memref<200x128xf32, #tpu.memory_space<vmem_shared>>
    %dma_start3A_2070 = arith.constant 0 : i32
    %dma_start3A_2071 = arith.constant 0 : i32
    %dma_start3A_2072 = tpu.memref_slice %arg2[%add3A_2065, %dma_start3A_2070, %dma_start3A_2071] : memref<1024x200x128xf32, #tpu.memory_space<hbm>> -> memref<1x200x128xf32, #tpu.memory_space<hbm>>
    %dma_start3A_2073 = tpu.memref_squeeze %dma_start3A_2072 : memref<1x200x128xf32, #tpu.memory_space<hbm>> -> memref<200x128xf32, #tpu.memory_space<hbm>>
    tpu.enqueue_dma source(%dma_start3A_2073 : memref<200x128xf32, #tpu.memory_space<hbm>>) target(%dma_start3A_2069 : memref<200x128xf32, #tpu.memory_space<vmem_shared>>) target_semaphore(%arg9 : memref<!tpu.dma_semaphore, #tpu.memory_space<semaphore_mem>>)
    %add3A_2074 = arith.constant 21 : i32
    %add3A_2075 = arith.addi %mul3A_2, %add3A_2074 : i32
    %add3A_2076 = arith.constant 0 : i32
    %add3A_2077 = arith.addi %mul3A_4, %add3A_2076 : i32
    %dma_wait3A_2078 = arith.constant 0 : i32
    %dma_wait3A_2079 = tpu.memref_slice %arg8[%add3A_2077, %dma_wait3A_2078] : memref<9600x128xf32, #tpu.memory_space<vmem_shared>> -> memref<200x128xf32, #tpu.memory_space<vmem_shared>>
    %dma_wait3A_2080 = arith.constant 0 : i32
    %dma_wait3A_2081 = arith.constant 0 : i32
    %dma_wait3A_2082 = tpu.memref_slice %arg2[%add3A_2075, %dma_wait3A_2080, %dma_wait3A_2081] : memref<1024x200x128xf32, #tpu.memory_space<hbm>> -> memref<1x200x128xf32, #tpu.memory_space<hbm>>
    %dma_wait3A_2083 = tpu.memref_squeeze %dma_wait3A_2082 : memref<1x200x128xf32, #tpu.memory_space<hbm>> -> memref<200x128xf32, #tpu.memory_space<hbm>>
    tpu.wait_dma2 semaphore(%arg9 : memref<!tpu.dma_semaphore, #tpu.memory_space<semaphore_mem>>) src(%dma_wait3A_2083 : memref<200x128xf32, #tpu.memory_space<hbm>>) dst(%dma_wait3A_2079 : memref<200x128xf32, #tpu.memory_space<vmem_shared>>)
    %dma_start3A_2084 = arith.constant 0 : i32
    %dma_start3A_2085 = arith.constant 0 : i32
    %dma_start3A_2086 = arith.constant 0 : i32
    %dma_start3A_2087 = tpu.memref_slice %arg5[%dma_start3A_2085, %dma_start3A_2086] : memref<200x128xf32, #tpu.memory_space<vmem>> -> memref<104x128xf32, #tpu.memory_space<vmem>>
    %dma_start3A_2088 = arith.constant 0 : i32
    %dma_start3A_2089 = tpu.memref_slice %arg6[%dma_start3A_2084, %dma_start3A_2088] : memref<3x104xi32, #tpu.memory_space<vmem>> -> memref<1x104xi32, #tpu.memory_space<vmem>>
    %dma_start3A_2090 = tpu.memref_squeeze %dma_start3A_2089 : memref<1x104xi32, #tpu.memory_space<vmem>> -> memref<104xi32, #tpu.memory_space<vmem>>
    %dma_start3A_2091 = arith.constant 0 : i32
    %dma_start3A_2092 = arith.constant 0 : i32
    %dma_start3A_2093 = tpu.memref_slice %arg8[%dma_start3A_2091, %dma_start3A_2092] : memref<9600x128xf32, #tpu.memory_space<vmem_shared>> -> memref<9600x128xf32, #tpu.memory_space<vmem_shared>>
    tpu.enqueue_indirect_dma source(%dma_start3A_2087 : memref<104x128xf32, #tpu.memory_space<vmem>>) target(%dma_start3A_2093 : memref<9600x128xf32, #tpu.memory_space<vmem_shared>>) offsets(%dma_start3A_2090 : memref<104xi32, #tpu.memory_space<vmem>>) semaphore(%arg12 : memref<!tpu.dma_semaphore, #tpu.memory_space<semaphore_mem>>) {add = true}
    %dma_start3A_2094 = arith.constant 0 : i32
    %dma_start3A_2095 = arith.constant 104 : i32
    %dma_start3A_2096 = arith.constant 0 : i32
    %dma_start3A_2097 = tpu.memref_slice %arg5[%dma_start3A_2095, %dma_start3A_2096] : memref<200x128xf32, #tpu.memory_space<vmem>> -> memref<96x128xf32, #tpu.memory_space<vmem>>
    %dma_start3A_2098 = arith.constant 0 : i32
    %dma_start3A_2099 = tpu.memref_slice %arg7[%dma_start3A_2094, %dma_start3A_2098] : memref<3x96xi32, #tpu.memory_space<vmem>> -> memref<1x96xi32, #tpu.memory_space<vmem>>
    %dma_start3A_2100 = tpu.memref_squeeze %dma_start3A_2099 : memref<1x96xi32, #tpu.memory_space<vmem>> -> memref<96xi32, #tpu.memory_space<vmem>>
    %dma_start3A_2101 = arith.constant 0 : i32
    %dma_start3A_2102 = arith.constant 0 : i32
    %dma_start3A_2103 = tpu.memref_slice %arg8[%dma_start3A_2101, %dma_start3A_2102] : memref<9600x128xf32, #tpu.memory_space<vmem_shared>> -> memref<9600x128xf32, #tpu.memory_space<vmem_shared>>
    tpu.enqueue_indirect_dma source(%dma_start3A_2097 : memref<96x128xf32, #tpu.memory_space<vmem>>) target(%dma_start3A_2103 : memref<9600x128xf32, #tpu.memory_space<vmem_shared>>) offsets(%dma_start3A_2100 : memref<96xi32, #tpu.memory_space<vmem>>) semaphore(%arg12 : memref<!tpu.dma_semaphore, #tpu.memory_space<semaphore_mem>>) {add = true}
    %dma_wait3A_2104 = arith.constant 2 : i32
    %dma_wait3A_2105 = arith.constant 0 : i32
    %dma_wait3A_2106 = arith.constant 0 : i32
    %dma_wait3A_2107 = tpu.memref_slice %arg5[%dma_wait3A_2105, %dma_wait3A_2106] : memref<200x128xf32, #tpu.memory_space<vmem>> -> memref<104x128xf32, #tpu.memory_space<vmem>>
    %dma_wait3A_2108 = arith.constant 0 : i32
    %dma_wait3A_2109 = tpu.memref_slice %arg6[%dma_wait3A_2104, %dma_wait3A_2108] : memref<3x104xi32, #tpu.memory_space<vmem>> -> memref<1x104xi32, #tpu.memory_space<vmem>>
    %dma_wait3A_2110 = tpu.memref_squeeze %dma_wait3A_2109 : memref<1x104xi32, #tpu.memory_space<vmem>> -> memref<104xi32, #tpu.memory_space<vmem>>
    %dma_wait3A_2111 = arith.constant 0 : i32
    %dma_wait3A_2112 = arith.constant 0 : i32
    %dma_wait3A_2113 = tpu.memref_slice %arg8[%dma_wait3A_2111, %dma_wait3A_2112] : memref<9600x128xf32, #tpu.memory_space<vmem_shared>> -> memref<9600x128xf32, #tpu.memory_space<vmem_shared>>
    tpu.wait_indirect_dma semaphore(%arg14 : memref<!tpu.dma_semaphore, #tpu.memory_space<semaphore_mem>>) src(%dma_wait3A_2107 : memref<104x128xf32, #tpu.memory_space<vmem>>) dst(%dma_wait3A_2113 : memref<9600x128xf32, #tpu.memory_space<vmem_shared>>)
    %dma_wait3A_2114 = arith.constant 2 : i32
    %dma_wait3A_2115 = arith.constant 104 : i32
    %dma_wait3A_2116 = arith.constant 0 : i32
    %dma_wait3A_2117 = tpu.memref_slice %arg5[%dma_wait3A_2115, %dma_wait3A_2116] : memref<200x128xf32, #tpu.memory_space<vmem>> -> memref<96x128xf32, #tpu.memory_space<vmem>>
    %dma_wait3A_2118 = arith.constant 0 : i32
    %dma_wait3A_2119 = tpu.memref_slice %arg7[%dma_wait3A_2114, %dma_wait3A_2118] : memref<3x96xi32, #tpu.memory_space<vmem>> -> memref<1x96xi32, #tpu.memory_space<vmem>>
    %dma_wait3A_2120 = tpu.memref_squeeze %dma_wait3A_2119 : memref<1x96xi32, #tpu.memory_space<vmem>> -> memref<96xi32, #tpu.memory_space<vmem>>
    %dma_wait3A_2121 = arith.constant 0 : i32
    %dma_wait3A_2122 = arith.constant 0 : i32
    %dma_wait3A_2123 = tpu.memref_slice %arg8[%dma_wait3A_2121, %dma_wait3A_2122] : memref<9600x128xf32, #tpu.memory_space<vmem_shared>> -> memref<9600x128xf32, #tpu.memory_space<vmem_shared>>
    tpu.wait_indirect_dma semaphore(%arg14 : memref<!tpu.dma_semaphore, #tpu.memory_space<semaphore_mem>>) src(%dma_wait3A_2117 : memref<96x128xf32, #tpu.memory_space<vmem>>) dst(%dma_wait3A_2123 : memref<9600x128xf32, #tpu.memory_space<vmem_shared>>)
    %add3A_2124 = arith.constant 400 : i32
    %add3A_2125 = arith.addi %mul3A_4, %add3A_2124 : i32
    %add3A_2126 = arith.constant 20 : i32
    %add3A_2127 = arith.addi %mul3A_2, %add3A_2126 : i32
    %dma_start3A_2128 = arith.constant 0 : i32
    %dma_start3A_2129 = arith.constant 0 : i32
    %dma_start3A_2130 = tpu.memref_slice %arg4[%add3A_2127, %dma_start3A_2128, %dma_start3A_2129] : memref<1024x200x128xf32, #tpu.memory_space<hbm>> -> memref<1x200x128xf32, #tpu.memory_space<hbm>>
    %dma_start3A_2131 = tpu.memref_squeeze %dma_start3A_2130 : memref<1x200x128xf32, #tpu.memory_space<hbm>> -> memref<200x128xf32, #tpu.memory_space<hbm>>
    %dma_start3A_2132 = arith.constant 0 : i32
    %dma_start3A_2133 = tpu.memref_slice %arg8[%add3A_2125, %dma_start3A_2132] : memref<9600x128xf32, #tpu.memory_space<vmem_shared>> -> memref<200x128xf32, #tpu.memory_space<vmem_shared>>
    tpu.enqueue_dma source(%dma_start3A_2133 : memref<200x128xf32, #tpu.memory_space<vmem_shared>>) target(%dma_start3A_2131 : memref<200x128xf32, #tpu.memory_space<hbm>>) target_semaphore(%arg17 : memref<!tpu.dma_semaphore, #tpu.memory_space<semaphore_mem>>)
    %add3A_2134 = arith.constant 200 : i32
    %add3A_2135 = arith.addi %mul3A_4, %add3A_2134 : i32
    %add3A_2136 = arith.constant 19 : i32
    %add3A_2137 = arith.addi %mul3A_2, %add3A_2136 : i32
    %dma_wait3A_2138 = arith.constant 0 : i32
    %dma_wait3A_2139 = arith.constant 0 : i32
    %dma_wait3A_2140 = tpu.memref_slice %arg4[%add3A_2137, %dma_wait3A_2138, %dma_wait3A_2139] : memref<1024x200x128xf32, #tpu.memory_space<hbm>> -> memref<1x200x128xf32, #tpu.memory_space<hbm>>
    %dma_wait3A_2141 = tpu.memref_squeeze %dma_wait3A_2140 : memref<1x200x128xf32, #tpu.memory_space<hbm>> -> memref<200x128xf32, #tpu.memory_space<hbm>>
    %dma_wait3A_2142 = arith.constant 0 : i32
    %dma_wait3A_2143 = tpu.memref_slice %arg8[%add3A_2135, %dma_wait3A_2142] : memref<9600x128xf32, #tpu.memory_space<vmem_shared>> -> memref<200x128xf32, #tpu.memory_space<vmem_shared>>
    tpu.wait_dma2 semaphore(%arg16 : memref<!tpu.dma_semaphore, #tpu.memory_space<semaphore_mem>>) src(%dma_wait3A_2143 : memref<200x128xf32, #tpu.memory_space<vmem_shared>>) dst(%dma_wait3A_2141 : memref<200x128xf32, #tpu.memory_space<hbm>>)
    %add3A_2144 = arith.constant 22 : i32
    %add3A_2145 = arith.addi %mul3A_2, %add3A_2144 : i32
    %add3A_2146 = arith.constant 200 : i32
    %add3A_2147 = arith.addi %mul3A_4, %add3A_2146 : i32
    %dma_start3A_2148 = arith.constant 0 : i32
    %dma_start3A_2149 = tpu.memref_slice %arg8[%add3A_2147, %dma_start3A_2148] : memref<9600x128xf32, #tpu.memory_space<vmem_shared>> -> memref<200x128xf32, #tpu.memory_space<vmem_shared>>
    %dma_start3A_2150 = arith.constant 0 : i32
    %dma_start3A_2151 = arith.constant 0 : i32
    %dma_start3A_2152 = tpu.memref_slice %arg2[%add3A_2145, %dma_start3A_2150, %dma_start3A_2151] : memref<1024x200x128xf32, #tpu.memory_space<hbm>> -> memref<1x200x128xf32, #tpu.memory_space<hbm>>
    %dma_start3A_2153 = tpu.memref_squeeze %dma_start3A_2152 : memref<1x200x128xf32, #tpu.memory_space<hbm>> -> memref<200x128xf32, #tpu.memory_space<hbm>>
    tpu.enqueue_dma source(%dma_start3A_2153 : memref<200x128xf32, #tpu.memory_space<hbm>>) target(%dma_start3A_2149 : memref<200x128xf32, #tpu.memory_space<vmem_shared>>) target_semaphore(%arg10 : memref<!tpu.dma_semaphore, #tpu.memory_space<semaphore_mem>>)
    %add3A_2154 = arith.constant 22 : i32
    %add3A_2155 = arith.addi %mul3A_2, %add3A_2154 : i32
    %add3A_2156 = arith.constant 200 : i32
    %add3A_2157 = arith.addi %mul3A_4, %add3A_2156 : i32
    %dma_wait3A_2158 = arith.constant 0 : i32
    %dma_wait3A_2159 = tpu.memref_slice %arg8[%add3A_2157, %dma_wait3A_2158] : memref<9600x128xf32, #tpu.memory_space<vmem_shared>> -> memref<200x128xf32, #tpu.memory_space<vmem_shared>>
    %dma_wait3A_2160 = arith.constant 0 : i32
    %dma_wait3A_2161 = arith.constant 0 : i32
    %dma_wait3A_2162 = tpu.memref_slice %arg2[%add3A_2155, %dma_wait3A_2160, %dma_wait3A_2161] : memref<1024x200x128xf32, #tpu.memory_space<hbm>> -> memref<1x200x128xf32, #tpu.memory_space<hbm>>
    %dma_wait3A_2163 = tpu.memref_squeeze %dma_wait3A_2162 : memref<1x200x128xf32, #tpu.memory_space<hbm>> -> memref<200x128xf32, #tpu.memory_space<hbm>>
    tpu.wait_dma2 semaphore(%arg10 : memref<!tpu.dma_semaphore, #tpu.memory_space<semaphore_mem>>) src(%dma_wait3A_2163 : memref<200x128xf32, #tpu.memory_space<hbm>>) dst(%dma_wait3A_2159 : memref<200x128xf32, #tpu.memory_space<vmem_shared>>)
    %dma_start3A_2164 = arith.constant 1 : i32
    %dma_start3A_2165 = arith.constant 0 : i32
    %dma_start3A_2166 = arith.constant 0 : i32
    %dma_start3A_2167 = tpu.memref_slice %arg5[%dma_start3A_2165, %dma_start3A_2166] : memref<200x128xf32, #tpu.memory_space<vmem>> -> memref<104x128xf32, #tpu.memory_space<vmem>>
    %dma_start3A_2168 = arith.constant 0 : i32
    %dma_start3A_2169 = tpu.memref_slice %arg6[%dma_start3A_2164, %dma_start3A_2168] : memref<3x104xi32, #tpu.memory_space<vmem>> -> memref<1x104xi32, #tpu.memory_space<vmem>>
    %dma_start3A_2170 = tpu.memref_squeeze %dma_start3A_2169 : memref<1x104xi32, #tpu.memory_space<vmem>> -> memref<104xi32, #tpu.memory_space<vmem>>
    %dma_start3A_2171 = arith.constant 0 : i32
    %dma_start3A_2172 = arith.constant 0 : i32
    %dma_start3A_2173 = tpu.memref_slice %arg8[%dma_start3A_2171, %dma_start3A_2172] : memref<9600x128xf32, #tpu.memory_space<vmem_shared>> -> memref<9600x128xf32, #tpu.memory_space<vmem_shared>>
    tpu.enqueue_indirect_dma source(%dma_start3A_2167 : memref<104x128xf32, #tpu.memory_space<vmem>>) target(%dma_start3A_2173 : memref<9600x128xf32, #tpu.memory_space<vmem_shared>>) offsets(%dma_start3A_2170 : memref<104xi32, #tpu.memory_space<vmem>>) semaphore(%arg13 : memref<!tpu.dma_semaphore, #tpu.memory_space<semaphore_mem>>) {add = true}
    %dma_start3A_2174 = arith.constant 1 : i32
    %dma_start3A_2175 = arith.constant 104 : i32
    %dma_start3A_2176 = arith.constant 0 : i32
    %dma_start3A_2177 = tpu.memref_slice %arg5[%dma_start3A_2175, %dma_start3A_2176] : memref<200x128xf32, #tpu.memory_space<vmem>> -> memref<96x128xf32, #tpu.memory_space<vmem>>
    %dma_start3A_2178 = arith.constant 0 : i32
    %dma_start3A_2179 = tpu.memref_slice %arg7[%dma_start3A_2174, %dma_start3A_2178] : memref<3x96xi32, #tpu.memory_space<vmem>> -> memref<1x96xi32, #tpu.memory_space<vmem>>
    %dma_start3A_2180 = tpu.memref_squeeze %dma_start3A_2179 : memref<1x96xi32, #tpu.memory_space<vmem>> -> memref<96xi32, #tpu.memory_space<vmem>>
    %dma_start3A_2181 = arith.constant 0 : i32
    %dma_start3A_2182 = arith.constant 0 : i32
    %dma_start3A_2183 = tpu.memref_slice %arg8[%dma_start3A_2181, %dma_start3A_2182] : memref<9600x128xf32, #tpu.memory_space<vmem_shared>> -> memref<9600x128xf32, #tpu.memory_space<vmem_shared>>
    tpu.enqueue_indirect_dma source(%dma_start3A_2177 : memref<96x128xf32, #tpu.memory_space<vmem>>) target(%dma_start3A_2183 : memref<9600x128xf32, #tpu.memory_space<vmem_shared>>) offsets(%dma_start3A_2180 : memref<96xi32, #tpu.memory_space<vmem>>) semaphore(%arg13 : memref<!tpu.dma_semaphore, #tpu.memory_space<semaphore_mem>>) {add = true}
    %dma_wait3A_2184 = arith.constant 0 : i32
    %dma_wait3A_2185 = arith.constant 0 : i32
    %dma_wait3A_2186 = arith.constant 0 : i32
    %dma_wait3A_2187 = tpu.memref_slice %arg5[%dma_wait3A_2185, %dma_wait3A_2186] : memref<200x128xf32, #tpu.memory_space<vmem>> -> memref<104x128xf32, #tpu.memory_space<vmem>>
    %dma_wait3A_2188 = arith.constant 0 : i32
    %dma_wait3A_2189 = tpu.memref_slice %arg6[%dma_wait3A_2184, %dma_wait3A_2188] : memref<3x104xi32, #tpu.memory_space<vmem>> -> memref<1x104xi32, #tpu.memory_space<vmem>>
    %dma_wait3A_2190 = tpu.memref_squeeze %dma_wait3A_2189 : memref<1x104xi32, #tpu.memory_space<vmem>> -> memref<104xi32, #tpu.memory_space<vmem>>
    %dma_wait3A_2191 = arith.constant 0 : i32
    %dma_wait3A_2192 = arith.constant 0 : i32
    %dma_wait3A_2193 = tpu.memref_slice %arg8[%dma_wait3A_2191, %dma_wait3A_2192] : memref<9600x128xf32, #tpu.memory_space<vmem_shared>> -> memref<9600x128xf32, #tpu.memory_space<vmem_shared>>
    tpu.wait_indirect_dma semaphore(%arg12 : memref<!tpu.dma_semaphore, #tpu.memory_space<semaphore_mem>>) src(%dma_wait3A_2187 : memref<104x128xf32, #tpu.memory_space<vmem>>) dst(%dma_wait3A_2193 : memref<9600x128xf32, #tpu.memory_space<vmem_shared>>)
    %dma_wait3A_2194 = arith.constant 0 : i32
    %dma_wait3A_2195 = arith.constant 104 : i32
    %dma_wait3A_2196 = arith.constant 0 : i32
    %dma_wait3A_2197 = tpu.memref_slice %arg5[%dma_wait3A_2195, %dma_wait3A_2196] : memref<200x128xf32, #tpu.memory_space<vmem>> -> memref<96x128xf32, #tpu.memory_space<vmem>>
    %dma_wait3A_2198 = arith.constant 0 : i32
    %dma_wait3A_2199 = tpu.memref_slice %arg7[%dma_wait3A_2194, %dma_wait3A_2198] : memref<3x96xi32, #tpu.memory_space<vmem>> -> memref<1x96xi32, #tpu.memory_space<vmem>>
    %dma_wait3A_2200 = tpu.memref_squeeze %dma_wait3A_2199 : memref<1x96xi32, #tpu.memory_space<vmem>> -> memref<96xi32, #tpu.memory_space<vmem>>
    %dma_wait3A_2201 = arith.constant 0 : i32
    %dma_wait3A_2202 = arith.constant 0 : i32
    %dma_wait3A_2203 = tpu.memref_slice %arg8[%dma_wait3A_2201, %dma_wait3A_2202] : memref<9600x128xf32, #tpu.memory_space<vmem_shared>> -> memref<9600x128xf32, #tpu.memory_space<vmem_shared>>
    tpu.wait_indirect_dma semaphore(%arg12 : memref<!tpu.dma_semaphore, #tpu.memory_space<semaphore_mem>>) src(%dma_wait3A_2197 : memref<96x128xf32, #tpu.memory_space<vmem>>) dst(%dma_wait3A_2203 : memref<9600x128xf32, #tpu.memory_space<vmem_shared>>)
    %add3A_2204 = arith.constant 0 : i32
    %add3A_2205 = arith.addi %mul3A_4, %add3A_2204 : i32
    %add3A_2206 = arith.constant 21 : i32
    %add3A_2207 = arith.addi %mul3A_2, %add3A_2206 : i32
    %dma_start3A_2208 = arith.constant 0 : i32
    %dma_start3A_2209 = arith.constant 0 : i32
    %dma_start3A_2210 = tpu.memref_slice %arg4[%add3A_2207, %dma_start3A_2208, %dma_start3A_2209] : memref<1024x200x128xf32, #tpu.memory_space<hbm>> -> memref<1x200x128xf32, #tpu.memory_space<hbm>>
    %dma_start3A_2211 = tpu.memref_squeeze %dma_start3A_2210 : memref<1x200x128xf32, #tpu.memory_space<hbm>> -> memref<200x128xf32, #tpu.memory_space<hbm>>
    %dma_start3A_2212 = arith.constant 0 : i32
    %dma_start3A_2213 = tpu.memref_slice %arg8[%add3A_2205, %dma_start3A_2212] : memref<9600x128xf32, #tpu.memory_space<vmem_shared>> -> memref<200x128xf32, #tpu.memory_space<vmem_shared>>
    tpu.enqueue_dma source(%dma_start3A_2213 : memref<200x128xf32, #tpu.memory_space<vmem_shared>>) target(%dma_start3A_2211 : memref<200x128xf32, #tpu.memory_space<hbm>>) target_semaphore(%arg15 : memref<!tpu.dma_semaphore, #tpu.memory_space<semaphore_mem>>)
    %add3A_2214 = arith.constant 400 : i32
    %add3A_2215 = arith.addi %mul3A_4, %add3A_2214 : i32
    %add3A_2216 = arith.constant 20 : i32
    %add3A_2217 = arith.addi %mul3A_2, %add3A_2216 : i32
    %dma_wait3A_2218 = arith.constant 0 : i32
    %dma_wait3A_2219 = arith.constant 0 : i32
    %dma_wait3A_2220 = tpu.memref_slice %arg4[%add3A_2217, %dma_wait3A_2218, %dma_wait3A_2219] : memref<1024x200x128xf32, #tpu.memory_space<hbm>> -> memref<1x200x128xf32, #tpu.memory_space<hbm>>
    %dma_wait3A_2221 = tpu.memref_squeeze %dma_wait3A_2220 : memref<1x200x128xf32, #tpu.memory_space<hbm>> -> memref<200x128xf32, #tpu.memory_space<hbm>>
    %dma_wait3A_2222 = arith.constant 0 : i32
    %dma_wait3A_2223 = tpu.memref_slice %arg8[%add3A_2215, %dma_wait3A_2222] : memref<9600x128xf32, #tpu.memory_space<vmem_shared>> -> memref<200x128xf32, #tpu.memory_space<vmem_shared>>
    tpu.wait_dma2 semaphore(%arg17 : memref<!tpu.dma_semaphore, #tpu.memory_space<semaphore_mem>>) src(%dma_wait3A_2223 : memref<200x128xf32, #tpu.memory_space<vmem_shared>>) dst(%dma_wait3A_2221 : memref<200x128xf32, #tpu.memory_space<hbm>>)
    %add3A_2224 = arith.constant 23 : i32
    %add3A_2225 = arith.addi %mul3A_2, %add3A_2224 : i32
    %add3A_2226 = arith.constant 400 : i32
    %add3A_2227 = arith.addi %mul3A_4, %add3A_2226 : i32
    %dma_start3A_2228 = arith.constant 0 : i32
    %dma_start3A_2229 = tpu.memref_slice %arg8[%add3A_2227, %dma_start3A_2228] : memref<9600x128xf32, #tpu.memory_space<vmem_shared>> -> memref<200x128xf32, #tpu.memory_space<vmem_shared>>
    %dma_start3A_2230 = arith.constant 0 : i32
    %dma_start3A_2231 = arith.constant 0 : i32
    %dma_start3A_2232 = tpu.memref_slice %arg2[%add3A_2225, %dma_start3A_2230, %dma_start3A_2231] : memref<1024x200x128xf32, #tpu.memory_space<hbm>> -> memref<1x200x128xf32, #tpu.memory_space<hbm>>
    %dma_start3A_2233 = tpu.memref_squeeze %dma_start3A_2232 : memref<1x200x128xf32, #tpu.memory_space<hbm>> -> memref<200x128xf32, #tpu.memory_space<hbm>>
    tpu.enqueue_dma source(%dma_start3A_2233 : memref<200x128xf32, #tpu.memory_space<hbm>>) target(%dma_start3A_2229 : memref<200x128xf32, #tpu.memory_space<vmem_shared>>) target_semaphore(%arg11 : memref<!tpu.dma_semaphore, #tpu.memory_space<semaphore_mem>>)
    %add3A_2234 = arith.constant 23 : i32
    %add3A_2235 = arith.addi %mul3A_2, %add3A_2234 : i32
    %add3A_2236 = arith.constant 400 : i32
    %add3A_2237 = arith.addi %mul3A_4, %add3A_2236 : i32
    %dma_wait3A_2238 = arith.constant 0 : i32
    %dma_wait3A_2239 = tpu.memref_slice %arg8[%add3A_2237, %dma_wait3A_2238] : memref<9600x128xf32, #tpu.memory_space<vmem_shared>> -> memref<200x128xf32, #tpu.memory_space<vmem_shared>>
    %dma_wait3A_2240 = arith.constant 0 : i32
    %dma_wait3A_2241 = arith.constant 0 : i32
    %dma_wait3A_2242 = tpu.memref_slice %arg2[%add3A_2235, %dma_wait3A_2240, %dma_wait3A_2241] : memref<1024x200x128xf32, #tpu.memory_space<hbm>> -> memref<1x200x128xf32, #tpu.memory_space<hbm>>
    %dma_wait3A_2243 = tpu.memref_squeeze %dma_wait3A_2242 : memref<1x200x128xf32, #tpu.memory_space<hbm>> -> memref<200x128xf32, #tpu.memory_space<hbm>>
    tpu.wait_dma2 semaphore(%arg11 : memref<!tpu.dma_semaphore, #tpu.memory_space<semaphore_mem>>) src(%dma_wait3A_2243 : memref<200x128xf32, #tpu.memory_space<hbm>>) dst(%dma_wait3A_2239 : memref<200x128xf32, #tpu.memory_space<vmem_shared>>)
    %dma_start3A_2244 = arith.constant 2 : i32
    %dma_start3A_2245 = arith.constant 0 : i32
    %dma_start3A_2246 = arith.constant 0 : i32
    %dma_start3A_2247 = tpu.memref_slice %arg5[%dma_start3A_2245, %dma_start3A_2246] : memref<200x128xf32, #tpu.memory_space<vmem>> -> memref<104x128xf32, #tpu.memory_space<vmem>>
    %dma_start3A_2248 = arith.constant 0 : i32
    %dma_start3A_2249 = tpu.memref_slice %arg6[%dma_start3A_2244, %dma_start3A_2248] : memref<3x104xi32, #tpu.memory_space<vmem>> -> memref<1x104xi32, #tpu.memory_space<vmem>>
    %dma_start3A_2250 = tpu.memref_squeeze %dma_start3A_2249 : memref<1x104xi32, #tpu.memory_space<vmem>> -> memref<104xi32, #tpu.memory_space<vmem>>
    %dma_start3A_2251 = arith.constant 0 : i32
    %dma_start3A_2252 = arith.constant 0 : i32
    %dma_start3A_2253 = tpu.memref_slice %arg8[%dma_start3A_2251, %dma_start3A_2252] : memref<9600x128xf32, #tpu.memory_space<vmem_shared>> -> memref<9600x128xf32, #tpu.memory_space<vmem_shared>>
    tpu.enqueue_indirect_dma source(%dma_start3A_2247 : memref<104x128xf32, #tpu.memory_space<vmem>>) target(%dma_start3A_2253 : memref<9600x128xf32, #tpu.memory_space<vmem_shared>>) offsets(%dma_start3A_2250 : memref<104xi32, #tpu.memory_space<vmem>>) semaphore(%arg14 : memref<!tpu.dma_semaphore, #tpu.memory_space<semaphore_mem>>) {add = true}
    %dma_start3A_2254 = arith.constant 2 : i32
    %dma_start3A_2255 = arith.constant 104 : i32
    %dma_start3A_2256 = arith.constant 0 : i32
    %dma_start3A_2257 = tpu.memref_slice %arg5[%dma_start3A_2255, %dma_start3A_2256] : memref<200x128xf32, #tpu.memory_space<vmem>> -> memref<96x128xf32, #tpu.memory_space<vmem>>
    %dma_start3A_2258 = arith.constant 0 : i32
    %dma_start3A_2259 = tpu.memref_slice %arg7[%dma_start3A_2254, %dma_start3A_2258] : memref<3x96xi32, #tpu.memory_space<vmem>> -> memref<1x96xi32, #tpu.memory_space<vmem>>
    %dma_start3A_2260 = tpu.memref_squeeze %dma_start3A_2259 : memref<1x96xi32, #tpu.memory_space<vmem>> -> memref<96xi32, #tpu.memory_space<vmem>>
    %dma_start3A_2261 = arith.constant 0 : i32
    %dma_start3A_2262 = arith.constant 0 : i32
    %dma_start3A_2263 = tpu.memref_slice %arg8[%dma_start3A_2261, %dma_start3A_2262] : memref<9600x128xf32, #tpu.memory_space<vmem_shared>> -> memref<9600x128xf32, #tpu.memory_space<vmem_shared>>
    tpu.enqueue_indirect_dma source(%dma_start3A_2257 : memref<96x128xf32, #tpu.memory_space<vmem>>) target(%dma_start3A_2263 : memref<9600x128xf32, #tpu.memory_space<vmem_shared>>) offsets(%dma_start3A_2260 : memref<96xi32, #tpu.memory_space<vmem>>) semaphore(%arg14 : memref<!tpu.dma_semaphore, #tpu.memory_space<semaphore_mem>>) {add = true}
    %dma_wait3A_2264 = arith.constant 1 : i32
    %dma_wait3A_2265 = arith.constant 0 : i32
    %dma_wait3A_2266 = arith.constant 0 : i32
    %dma_wait3A_2267 = tpu.memref_slice %arg5[%dma_wait3A_2265, %dma_wait3A_2266] : memref<200x128xf32, #tpu.memory_space<vmem>> -> memref<104x128xf32, #tpu.memory_space<vmem>>
    %dma_wait3A_2268 = arith.constant 0 : i32
    %dma_wait3A_2269 = tpu.memref_slice %arg6[%dma_wait3A_2264, %dma_wait3A_2268] : memref<3x104xi32, #tpu.memory_space<vmem>> -> memref<1x104xi32, #tpu.memory_space<vmem>>
    %dma_wait3A_2270 = tpu.memref_squeeze %dma_wait3A_2269 : memref<1x104xi32, #tpu.memory_space<vmem>> -> memref<104xi32, #tpu.memory_space<vmem>>
    %dma_wait3A_2271 = arith.constant 0 : i32
    %dma_wait3A_2272 = arith.constant 0 : i32
    %dma_wait3A_2273 = tpu.memref_slice %arg8[%dma_wait3A_2271, %dma_wait3A_2272] : memref<9600x128xf32, #tpu.memory_space<vmem_shared>> -> memref<9600x128xf32, #tpu.memory_space<vmem_shared>>
    tpu.wait_indirect_dma semaphore(%arg13 : memref<!tpu.dma_semaphore, #tpu.memory_space<semaphore_mem>>) src(%dma_wait3A_2267 : memref<104x128xf32, #tpu.memory_space<vmem>>) dst(%dma_wait3A_2273 : memref<9600x128xf32, #tpu.memory_space<vmem_shared>>)
    %dma_wait3A_2274 = arith.constant 1 : i32
    %dma_wait3A_2275 = arith.constant 104 : i32
    %dma_wait3A_2276 = arith.constant 0 : i32
    %dma_wait3A_2277 = tpu.memref_slice %arg5[%dma_wait3A_2275, %dma_wait3A_2276] : memref<200x128xf32, #tpu.memory_space<vmem>> -> memref<96x128xf32, #tpu.memory_space<vmem>>
    %dma_wait3A_2278 = arith.constant 0 : i32
    %dma_wait3A_2279 = tpu.memref_slice %arg7[%dma_wait3A_2274, %dma_wait3A_2278] : memref<3x96xi32, #tpu.memory_space<vmem>> -> memref<1x96xi32, #tpu.memory_space<vmem>>
    %dma_wait3A_2280 = tpu.memref_squeeze %dma_wait3A_2279 : memref<1x96xi32, #tpu.memory_space<vmem>> -> memref<96xi32, #tpu.memory_space<vmem>>
    %dma_wait3A_2281 = arith.constant 0 : i32
    %dma_wait3A_2282 = arith.constant 0 : i32
    %dma_wait3A_2283 = tpu.memref_slice %arg8[%dma_wait3A_2281, %dma_wait3A_2282] : memref<9600x128xf32, #tpu.memory_space<vmem_shared>> -> memref<9600x128xf32, #tpu.memory_space<vmem_shared>>
    tpu.wait_indirect_dma semaphore(%arg13 : memref<!tpu.dma_semaphore, #tpu.memory_space<semaphore_mem>>) src(%dma_wait3A_2277 : memref<96x128xf32, #tpu.memory_space<vmem>>) dst(%dma_wait3A_2283 : memref<9600x128xf32, #tpu.memory_space<vmem_shared>>)
    %add3A_2284 = arith.constant 200 : i32
    %add3A_2285 = arith.addi %mul3A_4, %add3A_2284 : i32
    %add3A_2286 = arith.constant 22 : i32
    %add3A_2287 = arith.addi %mul3A_2, %add3A_2286 : i32
    %dma_start3A_2288 = arith.constant 0 : i32
    %dma_start3A_2289 = arith.constant 0 : i32
    %dma_start3A_2290 = tpu.memref_slice %arg4[%add3A_2287, %dma_start3A_2288, %dma_start3A_2289] : memref<1024x200x128xf32, #tpu.memory_space<hbm>> -> memref<1x200x128xf32, #tpu.memory_space<hbm>>
    %dma_start3A_2291 = tpu.memref_squeeze %dma_start3A_2290 : memref<1x200x128xf32, #tpu.memory_space<hbm>> -> memref<200x128xf32, #tpu.memory_space<hbm>>
    %dma_start3A_2292 = arith.constant 0 : i32
    %dma_start3A_2293 = tpu.memref_slice %arg8[%add3A_2285, %dma_start3A_2292] : memref<9600x128xf32, #tpu.memory_space<vmem_shared>> -> memref<200x128xf32, #tpu.memory_space<vmem_shared>>
    tpu.enqueue_dma source(%dma_start3A_2293 : memref<200x128xf32, #tpu.memory_space<vmem_shared>>) target(%dma_start3A_2291 : memref<200x128xf32, #tpu.memory_space<hbm>>) target_semaphore(%arg16 : memref<!tpu.dma_semaphore, #tpu.memory_space<semaphore_mem>>)
    %add3A_2294 = arith.constant 0 : i32
    %add3A_2295 = arith.addi %mul3A_4, %add3A_2294 : i32
    %add3A_2296 = arith.constant 21 : i32
    %add3A_2297 = arith.addi %mul3A_2, %add3A_2296 : i32
    %dma_wait3A_2298 = arith.constant 0 : i32
    %dma_wait3A_2299 = arith.constant 0 : i32
    %dma_wait3A_2300 = tpu.memref_slice %arg4[%add3A_2297, %dma_wait3A_2298, %dma_wait3A_2299] : memref<1024x200x128xf32, #tpu.memory_space<hbm>> -> memref<1x200x128xf32, #tpu.memory_space<hbm>>
    %dma_wait3A_2301 = tpu.memref_squeeze %dma_wait3A_2300 : memref<1x200x128xf32, #tpu.memory_space<hbm>> -> memref<200x128xf32, #tpu.memory_space<hbm>>
    %dma_wait3A_2302 = arith.constant 0 : i32
    %dma_wait3A_2303 = tpu.memref_slice %arg8[%add3A_2295, %dma_wait3A_2302] : memref<9600x128xf32, #tpu.memory_space<vmem_shared>> -> memref<200x128xf32, #tpu.memory_space<vmem_shared>>
    tpu.wait_dma2 semaphore(%arg15 : memref<!tpu.dma_semaphore, #tpu.memory_space<semaphore_mem>>) src(%dma_wait3A_2303 : memref<200x128xf32, #tpu.memory_space<vmem_shared>>) dst(%dma_wait3A_2301 : memref<200x128xf32, #tpu.memory_space<hbm>>)
    %add3A_2304 = arith.constant 24 : i32
    %add3A_2305 = arith.addi %mul3A_2, %add3A_2304 : i32
    %add3A_2306 = arith.constant 0 : i32
    %add3A_2307 = arith.addi %mul3A_4, %add3A_2306 : i32
    %dma_start3A_2308 = arith.constant 0 : i32
    %dma_start3A_2309 = tpu.memref_slice %arg8[%add3A_2307, %dma_start3A_2308] : memref<9600x128xf32, #tpu.memory_space<vmem_shared>> -> memref<200x128xf32, #tpu.memory_space<vmem_shared>>
    %dma_start3A_2310 = arith.constant 0 : i32
    %dma_start3A_2311 = arith.constant 0 : i32
    %dma_start3A_2312 = tpu.memref_slice %arg2[%add3A_2305, %dma_start3A_2310, %dma_start3A_2311] : memref<1024x200x128xf32, #tpu.memory_space<hbm>> -> memref<1x200x128xf32, #tpu.memory_space<hbm>>
    %dma_start3A_2313 = tpu.memref_squeeze %dma_start3A_2312 : memref<1x200x128xf32, #tpu.memory_space<hbm>> -> memref<200x128xf32, #tpu.memory_space<hbm>>
    tpu.enqueue_dma source(%dma_start3A_2313 : memref<200x128xf32, #tpu.memory_space<hbm>>) target(%dma_start3A_2309 : memref<200x128xf32, #tpu.memory_space<vmem_shared>>) target_semaphore(%arg9 : memref<!tpu.dma_semaphore, #tpu.memory_space<semaphore_mem>>)
    %add3A_2314 = arith.constant 24 : i32
    %add3A_2315 = arith.addi %mul3A_2, %add3A_2314 : i32
    %add3A_2316 = arith.constant 0 : i32
    %add3A_2317 = arith.addi %mul3A_4, %add3A_2316 : i32
    %dma_wait3A_2318 = arith.constant 0 : i32
    %dma_wait3A_2319 = tpu.memref_slice %arg8[%add3A_2317, %dma_wait3A_2318] : memref<9600x128xf32, #tpu.memory_space<vmem_shared>> -> memref<200x128xf32, #tpu.memory_space<vmem_shared>>
    %dma_wait3A_2320 = arith.constant 0 : i32
    %dma_wait3A_2321 = arith.constant 0 : i32
    %dma_wait3A_2322 = tpu.memref_slice %arg2[%add3A_2315, %dma_wait3A_2320, %dma_wait3A_2321] : memref<1024x200x128xf32, #tpu.memory_space<hbm>> -> memref<1x200x128xf32, #tpu.memory_space<hbm>>
    %dma_wait3A_2323 = tpu.memref_squeeze %dma_wait3A_2322 : memref<1x200x128xf32, #tpu.memory_space<hbm>> -> memref<200x128xf32, #tpu.memory_space<hbm>>
    tpu.wait_dma2 semaphore(%arg9 : memref<!tpu.dma_semaphore, #tpu.memory_space<semaphore_mem>>) src(%dma_wait3A_2323 : memref<200x128xf32, #tpu.memory_space<hbm>>) dst(%dma_wait3A_2319 : memref<200x128xf32, #tpu.memory_space<vmem_shared>>)
    %dma_start3A_2324 = arith.constant 0 : i32
    %dma_start3A_2325 = arith.constant 0 : i32
    %dma_start3A_2326 = arith.constant 0 : i32
    %dma_start3A_2327 = tpu.memref_slice %arg5[%dma_start3A_2325, %dma_start3A_2326] : memref<200x128xf32, #tpu.memory_space<vmem>> -> memref<104x128xf32, #tpu.memory_space<vmem>>
    %dma_start3A_2328 = arith.constant 0 : i32
    %dma_start3A_2329 = tpu.memref_slice %arg6[%dma_start3A_2324, %dma_start3A_2328] : memref<3x104xi32, #tpu.memory_space<vmem>> -> memref<1x104xi32, #tpu.memory_space<vmem>>
    %dma_start3A_2330 = tpu.memref_squeeze %dma_start3A_2329 : memref<1x104xi32, #tpu.memory_space<vmem>> -> memref<104xi32, #tpu.memory_space<vmem>>
    %dma_start3A_2331 = arith.constant 0 : i32
    %dma_start3A_2332 = arith.constant 0 : i32
    %dma_start3A_2333 = tpu.memref_slice %arg8[%dma_start3A_2331, %dma_start3A_2332] : memref<9600x128xf32, #tpu.memory_space<vmem_shared>> -> memref<9600x128xf32, #tpu.memory_space<vmem_shared>>
    tpu.enqueue_indirect_dma source(%dma_start3A_2327 : memref<104x128xf32, #tpu.memory_space<vmem>>) target(%dma_start3A_2333 : memref<9600x128xf32, #tpu.memory_space<vmem_shared>>) offsets(%dma_start3A_2330 : memref<104xi32, #tpu.memory_space<vmem>>) semaphore(%arg12 : memref<!tpu.dma_semaphore, #tpu.memory_space<semaphore_mem>>) {add = true}
    %dma_start3A_2334 = arith.constant 0 : i32
    %dma_start3A_2335 = arith.constant 104 : i32
    %dma_start3A_2336 = arith.constant 0 : i32
    %dma_start3A_2337 = tpu.memref_slice %arg5[%dma_start3A_2335, %dma_start3A_2336] : memref<200x128xf32, #tpu.memory_space<vmem>> -> memref<96x128xf32, #tpu.memory_space<vmem>>
    %dma_start3A_2338 = arith.constant 0 : i32
    %dma_start3A_2339 = tpu.memref_slice %arg7[%dma_start3A_2334, %dma_start3A_2338] : memref<3x96xi32, #tpu.memory_space<vmem>> -> memref<1x96xi32, #tpu.memory_space<vmem>>
    %dma_start3A_2340 = tpu.memref_squeeze %dma_start3A_2339 : memref<1x96xi32, #tpu.memory_space<vmem>> -> memref<96xi32, #tpu.memory_space<vmem>>
    %dma_start3A_2341 = arith.constant 0 : i32
    %dma_start3A_2342 = arith.constant 0 : i32
    %dma_start3A_2343 = tpu.memref_slice %arg8[%dma_start3A_2341, %dma_start3A_2342] : memref<9600x128xf32, #tpu.memory_space<vmem_shared>> -> memref<9600x128xf32, #tpu.memory_space<vmem_shared>>
    tpu.enqueue_indirect_dma source(%dma_start3A_2337 : memref<96x128xf32, #tpu.memory_space<vmem>>) target(%dma_start3A_2343 : memref<9600x128xf32, #tpu.memory_space<vmem_shared>>) offsets(%dma_start3A_2340 : memref<96xi32, #tpu.memory_space<vmem>>) semaphore(%arg12 : memref<!tpu.dma_semaphore, #tpu.memory_space<semaphore_mem>>) {add = true}
    %dma_wait3A_2344 = arith.constant 2 : i32
    %dma_wait3A_2345 = arith.constant 0 : i32
    %dma_wait3A_2346 = arith.constant 0 : i32
    %dma_wait3A_2347 = tpu.memref_slice %arg5[%dma_wait3A_2345, %dma_wait3A_2346] : memref<200x128xf32, #tpu.memory_space<vmem>> -> memref<104x128xf32, #tpu.memory_space<vmem>>
    %dma_wait3A_2348 = arith.constant 0 : i32
    %dma_wait3A_2349 = tpu.memref_slice %arg6[%dma_wait3A_2344, %dma_wait3A_2348] : memref<3x104xi32, #tpu.memory_space<vmem>> -> memref<1x104xi32, #tpu.memory_space<vmem>>
    %dma_wait3A_2350 = tpu.memref_squeeze %dma_wait3A_2349 : memref<1x104xi32, #tpu.memory_space<vmem>> -> memref<104xi32, #tpu.memory_space<vmem>>
    %dma_wait3A_2351 = arith.constant 0 : i32
    %dma_wait3A_2352 = arith.constant 0 : i32
    %dma_wait3A_2353 = tpu.memref_slice %arg8[%dma_wait3A_2351, %dma_wait3A_2352] : memref<9600x128xf32, #tpu.memory_space<vmem_shared>> -> memref<9600x128xf32, #tpu.memory_space<vmem_shared>>
    tpu.wait_indirect_dma semaphore(%arg14 : memref<!tpu.dma_semaphore, #tpu.memory_space<semaphore_mem>>) src(%dma_wait3A_2347 : memref<104x128xf32, #tpu.memory_space<vmem>>) dst(%dma_wait3A_2353 : memref<9600x128xf32, #tpu.memory_space<vmem_shared>>)
    %dma_wait3A_2354 = arith.constant 2 : i32
    %dma_wait3A_2355 = arith.constant 104 : i32
    %dma_wait3A_2356 = arith.constant 0 : i32
    %dma_wait3A_2357 = tpu.memref_slice %arg5[%dma_wait3A_2355, %dma_wait3A_2356] : memref<200x128xf32, #tpu.memory_space<vmem>> -> memref<96x128xf32, #tpu.memory_space<vmem>>
    %dma_wait3A_2358 = arith.constant 0 : i32
    %dma_wait3A_2359 = tpu.memref_slice %arg7[%dma_wait3A_2354, %dma_wait3A_2358] : memref<3x96xi32, #tpu.memory_space<vmem>> -> memref<1x96xi32, #tpu.memory_space<vmem>>
    %dma_wait3A_2360 = tpu.memref_squeeze %dma_wait3A_2359 : memref<1x96xi32, #tpu.memory_space<vmem>> -> memref<96xi32, #tpu.memory_space<vmem>>
    %dma_wait3A_2361 = arith.constant 0 : i32
    %dma_wait3A_2362 = arith.constant 0 : i32
    %dma_wait3A_2363 = tpu.memref_slice %arg8[%dma_wait3A_2361, %dma_wait3A_2362] : memref<9600x128xf32, #tpu.memory_space<vmem_shared>> -> memref<9600x128xf32, #tpu.memory_space<vmem_shared>>
    tpu.wait_indirect_dma semaphore(%arg14 : memref<!tpu.dma_semaphore, #tpu.memory_space<semaphore_mem>>) src(%dma_wait3A_2357 : memref<96x128xf32, #tpu.memory_space<vmem>>) dst(%dma_wait3A_2363 : memref<9600x128xf32, #tpu.memory_space<vmem_shared>>)
    %add3A_2364 = arith.constant 400 : i32
    %add3A_2365 = arith.addi %mul3A_4, %add3A_2364 : i32
    %add3A_2366 = arith.constant 23 : i32
    %add3A_2367 = arith.addi %mul3A_2, %add3A_2366 : i32
    %dma_start3A_2368 = arith.constant 0 : i32
    %dma_start3A_2369 = arith.constant 0 : i32
    %dma_start3A_2370 = tpu.memref_slice %arg4[%add3A_2367, %dma_start3A_2368, %dma_start3A_2369] : memref<1024x200x128xf32, #tpu.memory_space<hbm>> -> memref<1x200x128xf32, #tpu.memory_space<hbm>>
    %dma_start3A_2371 = tpu.memref_squeeze %dma_start3A_2370 : memref<1x200x128xf32, #tpu.memory_space<hbm>> -> memref<200x128xf32, #tpu.memory_space<hbm>>
    %dma_start3A_2372 = arith.constant 0 : i32
    %dma_start3A_2373 = tpu.memref_slice %arg8[%add3A_2365, %dma_start3A_2372] : memref<9600x128xf32, #tpu.memory_space<vmem_shared>> -> memref<200x128xf32, #tpu.memory_space<vmem_shared>>
    tpu.enqueue_dma source(%dma_start3A_2373 : memref<200x128xf32, #tpu.memory_space<vmem_shared>>) target(%dma_start3A_2371 : memref<200x128xf32, #tpu.memory_space<hbm>>) target_semaphore(%arg17 : memref<!tpu.dma_semaphore, #tpu.memory_space<semaphore_mem>>)
    %add3A_2374 = arith.constant 200 : i32
    %add3A_2375 = arith.addi %mul3A_4, %add3A_2374 : i32
    %add3A_2376 = arith.constant 22 : i32
    %add3A_2377 = arith.addi %mul3A_2, %add3A_2376 : i32
    %dma_wait3A_2378 = arith.constant 0 : i32
    %dma_wait3A_2379 = arith.constant 0 : i32
    %dma_wait3A_2380 = tpu.memref_slice %arg4[%add3A_2377, %dma_wait3A_2378, %dma_wait3A_2379] : memref<1024x200x128xf32, #tpu.memory_space<hbm>> -> memref<1x200x128xf32, #tpu.memory_space<hbm>>
    %dma_wait3A_2381 = tpu.memref_squeeze %dma_wait3A_2380 : memref<1x200x128xf32, #tpu.memory_space<hbm>> -> memref<200x128xf32, #tpu.memory_space<hbm>>
    %dma_wait3A_2382 = arith.constant 0 : i32
    %dma_wait3A_2383 = tpu.memref_slice %arg8[%add3A_2375, %dma_wait3A_2382] : memref<9600x128xf32, #tpu.memory_space<vmem_shared>> -> memref<200x128xf32, #tpu.memory_space<vmem_shared>>
    tpu.wait_dma2 semaphore(%arg16 : memref<!tpu.dma_semaphore, #tpu.memory_space<semaphore_mem>>) src(%dma_wait3A_2383 : memref<200x128xf32, #tpu.memory_space<vmem_shared>>) dst(%dma_wait3A_2381 : memref<200x128xf32, #tpu.memory_space<hbm>>)
    %add3A_2384 = arith.constant 25 : i32
    %add3A_2385 = arith.addi %mul3A_2, %add3A_2384 : i32
    %add3A_2386 = arith.constant 200 : i32
    %add3A_2387 = arith.addi %mul3A_4, %add3A_2386 : i32
    %dma_start3A_2388 = arith.constant 0 : i32
    %dma_start3A_2389 = tpu.memref_slice %arg8[%add3A_2387, %dma_start3A_2388] : memref<9600x128xf32, #tpu.memory_space<vmem_shared>> -> memref<200x128xf32, #tpu.memory_space<vmem_shared>>
    %dma_start3A_2390 = arith.constant 0 : i32
    %dma_start3A_2391 = arith.constant 0 : i32
    %dma_start3A_2392 = tpu.memref_slice %arg2[%add3A_2385, %dma_start3A_2390, %dma_start3A_2391] : memref<1024x200x128xf32, #tpu.memory_space<hbm>> -> memref<1x200x128xf32, #tpu.memory_space<hbm>>
    %dma_start3A_2393 = tpu.memref_squeeze %dma_start3A_2392 : memref<1x200x128xf32, #tpu.memory_space<hbm>> -> memref<200x128xf32, #tpu.memory_space<hbm>>
    tpu.enqueue_dma source(%dma_start3A_2393 : memref<200x128xf32, #tpu.memory_space<hbm>>) target(%dma_start3A_2389 : memref<200x128xf32, #tpu.memory_space<vmem_shared>>) target_semaphore(%arg10 : memref<!tpu.dma_semaphore, #tpu.memory_space<semaphore_mem>>)
    %add3A_2394 = arith.constant 25 : i32
    %add3A_2395 = arith.addi %mul3A_2, %add3A_2394 : i32
    %add3A_2396 = arith.constant 200 : i32
    %add3A_2397 = arith.addi %mul3A_4, %add3A_2396 : i32
    %dma_wait3A_2398 = arith.constant 0 : i32
    %dma_wait3A_2399 = tpu.memref_slice %arg8[%add3A_2397, %dma_wait3A_2398] : memref<9600x128xf32, #tpu.memory_space<vmem_shared>> -> memref<200x128xf32, #tpu.memory_space<vmem_shared>>
    %dma_wait3A_2400 = arith.constant 0 : i32
    %dma_wait3A_2401 = arith.constant 0 : i32
    %dma_wait3A_2402 = tpu.memref_slice %arg2[%add3A_2395, %dma_wait3A_2400, %dma_wait3A_2401] : memref<1024x200x128xf32, #tpu.memory_space<hbm>> -> memref<1x200x128xf32, #tpu.memory_space<hbm>>
    %dma_wait3A_2403 = tpu.memref_squeeze %dma_wait3A_2402 : memref<1x200x128xf32, #tpu.memory_space<hbm>> -> memref<200x128xf32, #tpu.memory_space<hbm>>
    tpu.wait_dma2 semaphore(%arg10 : memref<!tpu.dma_semaphore, #tpu.memory_space<semaphore_mem>>) src(%dma_wait3A_2403 : memref<200x128xf32, #tpu.memory_space<hbm>>) dst(%dma_wait3A_2399 : memref<200x128xf32, #tpu.memory_space<vmem_shared>>)
    %dma_start3A_2404 = arith.constant 1 : i32
    %dma_start3A_2405 = arith.constant 0 : i32
    %dma_start3A_2406 = arith.constant 0 : i32
    %dma_start3A_2407 = tpu.memref_slice %arg5[%dma_start3A_2405, %dma_start3A_2406] : memref<200x128xf32, #tpu.memory_space<vmem>> -> memref<104x128xf32, #tpu.memory_space<vmem>>
    %dma_start3A_2408 = arith.constant 0 : i32
    %dma_start3A_2409 = tpu.memref_slice %arg6[%dma_start3A_2404, %dma_start3A_2408] : memref<3x104xi32, #tpu.memory_space<vmem>> -> memref<1x104xi32, #tpu.memory_space<vmem>>
    %dma_start3A_2410 = tpu.memref_squeeze %dma_start3A_2409 : memref<1x104xi32, #tpu.memory_space<vmem>> -> memref<104xi32, #tpu.memory_space<vmem>>
    %dma_start3A_2411 = arith.constant 0 : i32
    %dma_start3A_2412 = arith.constant 0 : i32
    %dma_start3A_2413 = tpu.memref_slice %arg8[%dma_start3A_2411, %dma_start3A_2412] : memref<9600x128xf32, #tpu.memory_space<vmem_shared>> -> memref<9600x128xf32, #tpu.memory_space<vmem_shared>>
    tpu.enqueue_indirect_dma source(%dma_start3A_2407 : memref<104x128xf32, #tpu.memory_space<vmem>>) target(%dma_start3A_2413 : memref<9600x128xf32, #tpu.memory_space<vmem_shared>>) offsets(%dma_start3A_2410 : memref<104xi32, #tpu.memory_space<vmem>>) semaphore(%arg13 : memref<!tpu.dma_semaphore, #tpu.memory_space<semaphore_mem>>) {add = true}
    %dma_start3A_2414 = arith.constant 1 : i32
    %dma_start3A_2415 = arith.constant 104 : i32
    %dma_start3A_2416 = arith.constant 0 : i32
    %dma_start3A_2417 = tpu.memref_slice %arg5[%dma_start3A_2415, %dma_start3A_2416] : memref<200x128xf32, #tpu.memory_space<vmem>> -> memref<96x128xf32, #tpu.memory_space<vmem>>
    %dma_start3A_2418 = arith.constant 0 : i32
    %dma_start3A_2419 = tpu.memref_slice %arg7[%dma_start3A_2414, %dma_start3A_2418] : memref<3x96xi32, #tpu.memory_space<vmem>> -> memref<1x96xi32, #tpu.memory_space<vmem>>
    %dma_start3A_2420 = tpu.memref_squeeze %dma_start3A_2419 : memref<1x96xi32, #tpu.memory_space<vmem>> -> memref<96xi32, #tpu.memory_space<vmem>>
    %dma_start3A_2421 = arith.constant 0 : i32
    %dma_start3A_2422 = arith.constant 0 : i32
    %dma_start3A_2423 = tpu.memref_slice %arg8[%dma_start3A_2421, %dma_start3A_2422] : memref<9600x128xf32, #tpu.memory_space<vmem_shared>> -> memref<9600x128xf32, #tpu.memory_space<vmem_shared>>
    tpu.enqueue_indirect_dma source(%dma_start3A_2417 : memref<96x128xf32, #tpu.memory_space<vmem>>) target(%dma_start3A_2423 : memref<9600x128xf32, #tpu.memory_space<vmem_shared>>) offsets(%dma_start3A_2420 : memref<96xi32, #tpu.memory_space<vmem>>) semaphore(%arg13 : memref<!tpu.dma_semaphore, #tpu.memory_space<semaphore_mem>>) {add = true}
    %dma_wait3A_2424 = arith.constant 0 : i32
    %dma_wait3A_2425 = arith.constant 0 : i32
    %dma_wait3A_2426 = arith.constant 0 : i32
    %dma_wait3A_2427 = tpu.memref_slice %arg5[%dma_wait3A_2425, %dma_wait3A_2426] : memref<200x128xf32, #tpu.memory_space<vmem>> -> memref<104x128xf32, #tpu.memory_space<vmem>>
    %dma_wait3A_2428 = arith.constant 0 : i32
    %dma_wait3A_2429 = tpu.memref_slice %arg6[%dma_wait3A_2424, %dma_wait3A_2428] : memref<3x104xi32, #tpu.memory_space<vmem>> -> memref<1x104xi32, #tpu.memory_space<vmem>>
    %dma_wait3A_2430 = tpu.memref_squeeze %dma_wait3A_2429 : memref<1x104xi32, #tpu.memory_space<vmem>> -> memref<104xi32, #tpu.memory_space<vmem>>
    %dma_wait3A_2431 = arith.constant 0 : i32
    %dma_wait3A_2432 = arith.constant 0 : i32
    %dma_wait3A_2433 = tpu.memref_slice %arg8[%dma_wait3A_2431, %dma_wait3A_2432] : memref<9600x128xf32, #tpu.memory_space<vmem_shared>> -> memref<9600x128xf32, #tpu.memory_space<vmem_shared>>
    tpu.wait_indirect_dma semaphore(%arg12 : memref<!tpu.dma_semaphore, #tpu.memory_space<semaphore_mem>>) src(%dma_wait3A_2427 : memref<104x128xf32, #tpu.memory_space<vmem>>) dst(%dma_wait3A_2433 : memref<9600x128xf32, #tpu.memory_space<vmem_shared>>)
    %dma_wait3A_2434 = arith.constant 0 : i32
    %dma_wait3A_2435 = arith.constant 104 : i32
    %dma_wait3A_2436 = arith.constant 0 : i32
    %dma_wait3A_2437 = tpu.memref_slice %arg5[%dma_wait3A_2435, %dma_wait3A_2436] : memref<200x128xf32, #tpu.memory_space<vmem>> -> memref<96x128xf32, #tpu.memory_space<vmem>>
    %dma_wait3A_2438 = arith.constant 0 : i32
    %dma_wait3A_2439 = tpu.memref_slice %arg7[%dma_wait3A_2434, %dma_wait3A_2438] : memref<3x96xi32, #tpu.memory_space<vmem>> -> memref<1x96xi32, #tpu.memory_space<vmem>>
    %dma_wait3A_2440 = tpu.memref_squeeze %dma_wait3A_2439 : memref<1x96xi32, #tpu.memory_space<vmem>> -> memref<96xi32, #tpu.memory_space<vmem>>
    %dma_wait3A_2441 = arith.constant 0 : i32
    %dma_wait3A_2442 = arith.constant 0 : i32
    %dma_wait3A_2443 = tpu.memref_slice %arg8[%dma_wait3A_2441, %dma_wait3A_2442] : memref<9600x128xf32, #tpu.memory_space<vmem_shared>> -> memref<9600x128xf32, #tpu.memory_space<vmem_shared>>
    tpu.wait_indirect_dma semaphore(%arg12 : memref<!tpu.dma_semaphore, #tpu.memory_space<semaphore_mem>>) src(%dma_wait3A_2437 : memref<96x128xf32, #tpu.memory_space<vmem>>) dst(%dma_wait3A_2443 : memref<9600x128xf32, #tpu.memory_space<vmem_shared>>)
    %add3A_2444 = arith.constant 0 : i32
    %add3A_2445 = arith.addi %mul3A_4, %add3A_2444 : i32
    %add3A_2446 = arith.constant 24 : i32
    %add3A_2447 = arith.addi %mul3A_2, %add3A_2446 : i32
    %dma_start3A_2448 = arith.constant 0 : i32
    %dma_start3A_2449 = arith.constant 0 : i32
    %dma_start3A_2450 = tpu.memref_slice %arg4[%add3A_2447, %dma_start3A_2448, %dma_start3A_2449] : memref<1024x200x128xf32, #tpu.memory_space<hbm>> -> memref<1x200x128xf32, #tpu.memory_space<hbm>>
    %dma_start3A_2451 = tpu.memref_squeeze %dma_start3A_2450 : memref<1x200x128xf32, #tpu.memory_space<hbm>> -> memref<200x128xf32, #tpu.memory_space<hbm>>
    %dma_start3A_2452 = arith.constant 0 : i32
    %dma_start3A_2453 = tpu.memref_slice %arg8[%add3A_2445, %dma_start3A_2452] : memref<9600x128xf32, #tpu.memory_space<vmem_shared>> -> memref<200x128xf32, #tpu.memory_space<vmem_shared>>
    tpu.enqueue_dma source(%dma_start3A_2453 : memref<200x128xf32, #tpu.memory_space<vmem_shared>>) target(%dma_start3A_2451 : memref<200x128xf32, #tpu.memory_space<hbm>>) target_semaphore(%arg15 : memref<!tpu.dma_semaphore, #tpu.memory_space<semaphore_mem>>)
    %add3A_2454 = arith.constant 400 : i32
    %add3A_2455 = arith.addi %mul3A_4, %add3A_2454 : i32
    %add3A_2456 = arith.constant 23 : i32
    %add3A_2457 = arith.addi %mul3A_2, %add3A_2456 : i32
    %dma_wait3A_2458 = arith.constant 0 : i32
    %dma_wait3A_2459 = arith.constant 0 : i32
    %dma_wait3A_2460 = tpu.memref_slice %arg4[%add3A_2457, %dma_wait3A_2458, %dma_wait3A_2459] : memref<1024x200x128xf32, #tpu.memory_space<hbm>> -> memref<1x200x128xf32, #tpu.memory_space<hbm>>
    %dma_wait3A_2461 = tpu.memref_squeeze %dma_wait3A_2460 : memref<1x200x128xf32, #tpu.memory_space<hbm>> -> memref<200x128xf32, #tpu.memory_space<hbm>>
    %dma_wait3A_2462 = arith.constant 0 : i32
    %dma_wait3A_2463 = tpu.memref_slice %arg8[%add3A_2455, %dma_wait3A_2462] : memref<9600x128xf32, #tpu.memory_space<vmem_shared>> -> memref<200x128xf32, #tpu.memory_space<vmem_shared>>
    tpu.wait_dma2 semaphore(%arg17 : memref<!tpu.dma_semaphore, #tpu.memory_space<semaphore_mem>>) src(%dma_wait3A_2463 : memref<200x128xf32, #tpu.memory_space<vmem_shared>>) dst(%dma_wait3A_2461 : memref<200x128xf32, #tpu.memory_space<hbm>>)
    %add3A_2464 = arith.constant 26 : i32
    %add3A_2465 = arith.addi %mul3A_2, %add3A_2464 : i32
    %add3A_2466 = arith.constant 400 : i32
    %add3A_2467 = arith.addi %mul3A_4, %add3A_2466 : i32
    %dma_start3A_2468 = arith.constant 0 : i32
    %dma_start3A_2469 = tpu.memref_slice %arg8[%add3A_2467, %dma_start3A_2468] : memref<9600x128xf32, #tpu.memory_space<vmem_shared>> -> memref<200x128xf32, #tpu.memory_space<vmem_shared>>
    %dma_start3A_2470 = arith.constant 0 : i32
    %dma_start3A_2471 = arith.constant 0 : i32
    %dma_start3A_2472 = tpu.memref_slice %arg2[%add3A_2465, %dma_start3A_2470, %dma_start3A_2471] : memref<1024x200x128xf32, #tpu.memory_space<hbm>> -> memref<1x200x128xf32, #tpu.memory_space<hbm>>
    %dma_start3A_2473 = tpu.memref_squeeze %dma_start3A_2472 : memref<1x200x128xf32, #tpu.memory_space<hbm>> -> memref<200x128xf32, #tpu.memory_space<hbm>>
    tpu.enqueue_dma source(%dma_start3A_2473 : memref<200x128xf32, #tpu.memory_space<hbm>>) target(%dma_start3A_2469 : memref<200x128xf32, #tpu.memory_space<vmem_shared>>) target_semaphore(%arg11 : memref<!tpu.dma_semaphore, #tpu.memory_space<semaphore_mem>>)
    %add3A_2474 = arith.constant 26 : i32
    %add3A_2475 = arith.addi %mul3A_2, %add3A_2474 : i32
    %add3A_2476 = arith.constant 400 : i32
    %add3A_2477 = arith.addi %mul3A_4, %add3A_2476 : i32
    %dma_wait3A_2478 = arith.constant 0 : i32
    %dma_wait3A_2479 = tpu.memref_slice %arg8[%add3A_2477, %dma_wait3A_2478] : memref<9600x128xf32, #tpu.memory_space<vmem_shared>> -> memref<200x128xf32, #tpu.memory_space<vmem_shared>>
    %dma_wait3A_2480 = arith.constant 0 : i32
    %dma_wait3A_2481 = arith.constant 0 : i32
    %dma_wait3A_2482 = tpu.memref_slice %arg2[%add3A_2475, %dma_wait3A_2480, %dma_wait3A_2481] : memref<1024x200x128xf32, #tpu.memory_space<hbm>> -> memref<1x200x128xf32, #tpu.memory_space<hbm>>
    %dma_wait3A_2483 = tpu.memref_squeeze %dma_wait3A_2482 : memref<1x200x128xf32, #tpu.memory_space<hbm>> -> memref<200x128xf32, #tpu.memory_space<hbm>>
    tpu.wait_dma2 semaphore(%arg11 : memref<!tpu.dma_semaphore, #tpu.memory_space<semaphore_mem>>) src(%dma_wait3A_2483 : memref<200x128xf32, #tpu.memory_space<hbm>>) dst(%dma_wait3A_2479 : memref<200x128xf32, #tpu.memory_space<vmem_shared>>)
    %dma_start3A_2484 = arith.constant 2 : i32
    %dma_start3A_2485 = arith.constant 0 : i32
    %dma_start3A_2486 = arith.constant 0 : i32
    %dma_start3A_2487 = tpu.memref_slice %arg5[%dma_start3A_2485, %dma_start3A_2486] : memref<200x128xf32, #tpu.memory_space<vmem>> -> memref<104x128xf32, #tpu.memory_space<vmem>>
    %dma_start3A_2488 = arith.constant 0 : i32
    %dma_start3A_2489 = tpu.memref_slice %arg6[%dma_start3A_2484, %dma_start3A_2488] : memref<3x104xi32, #tpu.memory_space<vmem>> -> memref<1x104xi32, #tpu.memory_space<vmem>>
    %dma_start3A_2490 = tpu.memref_squeeze %dma_start3A_2489 : memref<1x104xi32, #tpu.memory_space<vmem>> -> memref<104xi32, #tpu.memory_space<vmem>>
    %dma_start3A_2491 = arith.constant 0 : i32
    %dma_start3A_2492 = arith.constant 0 : i32
    %dma_start3A_2493 = tpu.memref_slice %arg8[%dma_start3A_2491, %dma_start3A_2492] : memref<9600x128xf32, #tpu.memory_space<vmem_shared>> -> memref<9600x128xf32, #tpu.memory_space<vmem_shared>>
    tpu.enqueue_indirect_dma source(%dma_start3A_2487 : memref<104x128xf32, #tpu.memory_space<vmem>>) target(%dma_start3A_2493 : memref<9600x128xf32, #tpu.memory_space<vmem_shared>>) offsets(%dma_start3A_2490 : memref<104xi32, #tpu.memory_space<vmem>>) semaphore(%arg14 : memref<!tpu.dma_semaphore, #tpu.memory_space<semaphore_mem>>) {add = true}
    %dma_start3A_2494 = arith.constant 2 : i32
    %dma_start3A_2495 = arith.constant 104 : i32
    %dma_start3A_2496 = arith.constant 0 : i32
    %dma_start3A_2497 = tpu.memref_slice %arg5[%dma_start3A_2495, %dma_start3A_2496] : memref<200x128xf32, #tpu.memory_space<vmem>> -> memref<96x128xf32, #tpu.memory_space<vmem>>
    %dma_start3A_2498 = arith.constant 0 : i32
    %dma_start3A_2499 = tpu.memref_slice %arg7[%dma_start3A_2494, %dma_start3A_2498] : memref<3x96xi32, #tpu.memory_space<vmem>> -> memref<1x96xi32, #tpu.memory_space<vmem>>
    %dma_start3A_2500 = tpu.memref_squeeze %dma_start3A_2499 : memref<1x96xi32, #tpu.memory_space<vmem>> -> memref<96xi32, #tpu.memory_space<vmem>>
    %dma_start3A_2501 = arith.constant 0 : i32
    %dma_start3A_2502 = arith.constant 0 : i32
    %dma_start3A_2503 = tpu.memref_slice %arg8[%dma_start3A_2501, %dma_start3A_2502] : memref<9600x128xf32, #tpu.memory_space<vmem_shared>> -> memref<9600x128xf32, #tpu.memory_space<vmem_shared>>
    tpu.enqueue_indirect_dma source(%dma_start3A_2497 : memref<96x128xf32, #tpu.memory_space<vmem>>) target(%dma_start3A_2503 : memref<9600x128xf32, #tpu.memory_space<vmem_shared>>) offsets(%dma_start3A_2500 : memref<96xi32, #tpu.memory_space<vmem>>) semaphore(%arg14 : memref<!tpu.dma_semaphore, #tpu.memory_space<semaphore_mem>>) {add = true}
    %dma_wait3A_2504 = arith.constant 1 : i32
    %dma_wait3A_2505 = arith.constant 0 : i32
    %dma_wait3A_2506 = arith.constant 0 : i32
    %dma_wait3A_2507 = tpu.memref_slice %arg5[%dma_wait3A_2505, %dma_wait3A_2506] : memref<200x128xf32, #tpu.memory_space<vmem>> -> memref<104x128xf32, #tpu.memory_space<vmem>>
    %dma_wait3A_2508 = arith.constant 0 : i32
    %dma_wait3A_2509 = tpu.memref_slice %arg6[%dma_wait3A_2504, %dma_wait3A_2508] : memref<3x104xi32, #tpu.memory_space<vmem>> -> memref<1x104xi32, #tpu.memory_space<vmem>>
    %dma_wait3A_2510 = tpu.memref_squeeze %dma_wait3A_2509 : memref<1x104xi32, #tpu.memory_space<vmem>> -> memref<104xi32, #tpu.memory_space<vmem>>
    %dma_wait3A_2511 = arith.constant 0 : i32
    %dma_wait3A_2512 = arith.constant 0 : i32
    %dma_wait3A_2513 = tpu.memref_slice %arg8[%dma_wait3A_2511, %dma_wait3A_2512] : memref<9600x128xf32, #tpu.memory_space<vmem_shared>> -> memref<9600x128xf32, #tpu.memory_space<vmem_shared>>
    tpu.wait_indirect_dma semaphore(%arg13 : memref<!tpu.dma_semaphore, #tpu.memory_space<semaphore_mem>>) src(%dma_wait3A_2507 : memref<104x128xf32, #tpu.memory_space<vmem>>) dst(%dma_wait3A_2513 : memref<9600x128xf32, #tpu.memory_space<vmem_shared>>)
    %dma_wait3A_2514 = arith.constant 1 : i32
    %dma_wait3A_2515 = arith.constant 104 : i32
    %dma_wait3A_2516 = arith.constant 0 : i32
    %dma_wait3A_2517 = tpu.memref_slice %arg5[%dma_wait3A_2515, %dma_wait3A_2516] : memref<200x128xf32, #tpu.memory_space<vmem>> -> memref<96x128xf32, #tpu.memory_space<vmem>>
    %dma_wait3A_2518 = arith.constant 0 : i32
    %dma_wait3A_2519 = tpu.memref_slice %arg7[%dma_wait3A_2514, %dma_wait3A_2518] : memref<3x96xi32, #tpu.memory_space<vmem>> -> memref<1x96xi32, #tpu.memory_space<vmem>>
    %dma_wait3A_2520 = tpu.memref_squeeze %dma_wait3A_2519 : memref<1x96xi32, #tpu.memory_space<vmem>> -> memref<96xi32, #tpu.memory_space<vmem>>
    %dma_wait3A_2521 = arith.constant 0 : i32
    %dma_wait3A_2522 = arith.constant 0 : i32
    %dma_wait3A_2523 = tpu.memref_slice %arg8[%dma_wait3A_2521, %dma_wait3A_2522] : memref<9600x128xf32, #tpu.memory_space<vmem_shared>> -> memref<9600x128xf32, #tpu.memory_space<vmem_shared>>
    tpu.wait_indirect_dma semaphore(%arg13 : memref<!tpu.dma_semaphore, #tpu.memory_space<semaphore_mem>>) src(%dma_wait3A_2517 : memref<96x128xf32, #tpu.memory_space<vmem>>) dst(%dma_wait3A_2523 : memref<9600x128xf32, #tpu.memory_space<vmem_shared>>)
    %add3A_2524 = arith.constant 200 : i32
    %add3A_2525 = arith.addi %mul3A_4, %add3A_2524 : i32
    %add3A_2526 = arith.constant 25 : i32
    %add3A_2527 = arith.addi %mul3A_2, %add3A_2526 : i32
    %dma_start3A_2528 = arith.constant 0 : i32
    %dma_start3A_2529 = arith.constant 0 : i32
    %dma_start3A_2530 = tpu.memref_slice %arg4[%add3A_2527, %dma_start3A_2528, %dma_start3A_2529] : memref<1024x200x128xf32, #tpu.memory_space<hbm>> -> memref<1x200x128xf32, #tpu.memory_space<hbm>>
    %dma_start3A_2531 = tpu.memref_squeeze %dma_start3A_2530 : memref<1x200x128xf32, #tpu.memory_space<hbm>> -> memref<200x128xf32, #tpu.memory_space<hbm>>
    %dma_start3A_2532 = arith.constant 0 : i32
    %dma_start3A_2533 = tpu.memref_slice %arg8[%add3A_2525, %dma_start3A_2532] : memref<9600x128xf32, #tpu.memory_space<vmem_shared>> -> memref<200x128xf32, #tpu.memory_space<vmem_shared>>
    tpu.enqueue_dma source(%dma_start3A_2533 : memref<200x128xf32, #tpu.memory_space<vmem_shared>>) target(%dma_start3A_2531 : memref<200x128xf32, #tpu.memory_space<hbm>>) target_semaphore(%arg16 : memref<!tpu.dma_semaphore, #tpu.memory_space<semaphore_mem>>)
    %add3A_2534 = arith.constant 0 : i32
    %add3A_2535 = arith.addi %mul3A_4, %add3A_2534 : i32
    %add3A_2536 = arith.constant 24 : i32
    %add3A_2537 = arith.addi %mul3A_2, %add3A_2536 : i32
    %dma_wait3A_2538 = arith.constant 0 : i32
    %dma_wait3A_2539 = arith.constant 0 : i32
    %dma_wait3A_2540 = tpu.memref_slice %arg4[%add3A_2537, %dma_wait3A_2538, %dma_wait3A_2539] : memref<1024x200x128xf32, #tpu.memory_space<hbm>> -> memref<1x200x128xf32, #tpu.memory_space<hbm>>
    %dma_wait3A_2541 = tpu.memref_squeeze %dma_wait3A_2540 : memref<1x200x128xf32, #tpu.memory_space<hbm>> -> memref<200x128xf32, #tpu.memory_space<hbm>>
    %dma_wait3A_2542 = arith.constant 0 : i32
    %dma_wait3A_2543 = tpu.memref_slice %arg8[%add3A_2535, %dma_wait3A_2542] : memref<9600x128xf32, #tpu.memory_space<vmem_shared>> -> memref<200x128xf32, #tpu.memory_space<vmem_shared>>
    tpu.wait_dma2 semaphore(%arg15 : memref<!tpu.dma_semaphore, #tpu.memory_space<semaphore_mem>>) src(%dma_wait3A_2543 : memref<200x128xf32, #tpu.memory_space<vmem_shared>>) dst(%dma_wait3A_2541 : memref<200x128xf32, #tpu.memory_space<hbm>>)
    %add3A_2544 = arith.constant 27 : i32
    %add3A_2545 = arith.addi %mul3A_2, %add3A_2544 : i32
    %add3A_2546 = arith.constant 0 : i32
    %add3A_2547 = arith.addi %mul3A_4, %add3A_2546 : i32
    %dma_start3A_2548 = arith.constant 0 : i32
    %dma_start3A_2549 = tpu.memref_slice %arg8[%add3A_2547, %dma_start3A_2548] : memref<9600x128xf32, #tpu.memory_space<vmem_shared>> -> memref<200x128xf32, #tpu.memory_space<vmem_shared>>
    %dma_start3A_2550 = arith.constant 0 : i32
    %dma_start3A_2551 = arith.constant 0 : i32
    %dma_start3A_2552 = tpu.memref_slice %arg2[%add3A_2545, %dma_start3A_2550, %dma_start3A_2551] : memref<1024x200x128xf32, #tpu.memory_space<hbm>> -> memref<1x200x128xf32, #tpu.memory_space<hbm>>
    %dma_start3A_2553 = tpu.memref_squeeze %dma_start3A_2552 : memref<1x200x128xf32, #tpu.memory_space<hbm>> -> memref<200x128xf32, #tpu.memory_space<hbm>>
    tpu.enqueue_dma source(%dma_start3A_2553 : memref<200x128xf32, #tpu.memory_space<hbm>>) target(%dma_start3A_2549 : memref<200x128xf32, #tpu.memory_space<vmem_shared>>) target_semaphore(%arg9 : memref<!tpu.dma_semaphore, #tpu.memory_space<semaphore_mem>>)
    %add3A_2554 = arith.constant 27 : i32
    %add3A_2555 = arith.addi %mul3A_2, %add3A_2554 : i32
    %add3A_2556 = arith.constant 0 : i32
    %add3A_2557 = arith.addi %mul3A_4, %add3A_2556 : i32
    %dma_wait3A_2558 = arith.constant 0 : i32
    %dma_wait3A_2559 = tpu.memref_slice %arg8[%add3A_2557, %dma_wait3A_2558] : memref<9600x128xf32, #tpu.memory_space<vmem_shared>> -> memref<200x128xf32, #tpu.memory_space<vmem_shared>>
    %dma_wait3A_2560 = arith.constant 0 : i32
    %dma_wait3A_2561 = arith.constant 0 : i32
    %dma_wait3A_2562 = tpu.memref_slice %arg2[%add3A_2555, %dma_wait3A_2560, %dma_wait3A_2561] : memref<1024x200x128xf32, #tpu.memory_space<hbm>> -> memref<1x200x128xf32, #tpu.memory_space<hbm>>
    %dma_wait3A_2563 = tpu.memref_squeeze %dma_wait3A_2562 : memref<1x200x128xf32, #tpu.memory_space<hbm>> -> memref<200x128xf32, #tpu.memory_space<hbm>>
    tpu.wait_dma2 semaphore(%arg9 : memref<!tpu.dma_semaphore, #tpu.memory_space<semaphore_mem>>) src(%dma_wait3A_2563 : memref<200x128xf32, #tpu.memory_space<hbm>>) dst(%dma_wait3A_2559 : memref<200x128xf32, #tpu.memory_space<vmem_shared>>)
    %dma_start3A_2564 = arith.constant 0 : i32
    %dma_start3A_2565 = arith.constant 0 : i32
    %dma_start3A_2566 = arith.constant 0 : i32
    %dma_start3A_2567 = tpu.memref_slice %arg5[%dma_start3A_2565, %dma_start3A_2566] : memref<200x128xf32, #tpu.memory_space<vmem>> -> memref<104x128xf32, #tpu.memory_space<vmem>>
    %dma_start3A_2568 = arith.constant 0 : i32
    %dma_start3A_2569 = tpu.memref_slice %arg6[%dma_start3A_2564, %dma_start3A_2568] : memref<3x104xi32, #tpu.memory_space<vmem>> -> memref<1x104xi32, #tpu.memory_space<vmem>>
    %dma_start3A_2570 = tpu.memref_squeeze %dma_start3A_2569 : memref<1x104xi32, #tpu.memory_space<vmem>> -> memref<104xi32, #tpu.memory_space<vmem>>
    %dma_start3A_2571 = arith.constant 0 : i32
    %dma_start3A_2572 = arith.constant 0 : i32
    %dma_start3A_2573 = tpu.memref_slice %arg8[%dma_start3A_2571, %dma_start3A_2572] : memref<9600x128xf32, #tpu.memory_space<vmem_shared>> -> memref<9600x128xf32, #tpu.memory_space<vmem_shared>>
    tpu.enqueue_indirect_dma source(%dma_start3A_2567 : memref<104x128xf32, #tpu.memory_space<vmem>>) target(%dma_start3A_2573 : memref<9600x128xf32, #tpu.memory_space<vmem_shared>>) offsets(%dma_start3A_2570 : memref<104xi32, #tpu.memory_space<vmem>>) semaphore(%arg12 : memref<!tpu.dma_semaphore, #tpu.memory_space<semaphore_mem>>) {add = true}
    %dma_start3A_2574 = arith.constant 0 : i32
    %dma_start3A_2575 = arith.constant 104 : i32
    %dma_start3A_2576 = arith.constant 0 : i32
    %dma_start3A_2577 = tpu.memref_slice %arg5[%dma_start3A_2575, %dma_start3A_2576] : memref<200x128xf32, #tpu.memory_space<vmem>> -> memref<96x128xf32, #tpu.memory_space<vmem>>
    %dma_start3A_2578 = arith.constant 0 : i32
    %dma_start3A_2579 = tpu.memref_slice %arg7[%dma_start3A_2574, %dma_start3A_2578] : memref<3x96xi32, #tpu.memory_space<vmem>> -> memref<1x96xi32, #tpu.memory_space<vmem>>
    %dma_start3A_2580 = tpu.memref_squeeze %dma_start3A_2579 : memref<1x96xi32, #tpu.memory_space<vmem>> -> memref<96xi32, #tpu.memory_space<vmem>>
    %dma_start3A_2581 = arith.constant 0 : i32
    %dma_start3A_2582 = arith.constant 0 : i32
    %dma_start3A_2583 = tpu.memref_slice %arg8[%dma_start3A_2581, %dma_start3A_2582] : memref<9600x128xf32, #tpu.memory_space<vmem_shared>> -> memref<9600x128xf32, #tpu.memory_space<vmem_shared>>
    tpu.enqueue_indirect_dma source(%dma_start3A_2577 : memref<96x128xf32, #tpu.memory_space<vmem>>) target(%dma_start3A_2583 : memref<9600x128xf32, #tpu.memory_space<vmem_shared>>) offsets(%dma_start3A_2580 : memref<96xi32, #tpu.memory_space<vmem>>) semaphore(%arg12 : memref<!tpu.dma_semaphore, #tpu.memory_space<semaphore_mem>>) {add = true}
    %dma_wait3A_2584 = arith.constant 2 : i32
    %dma_wait3A_2585 = arith.constant 0 : i32
    %dma_wait3A_2586 = arith.constant 0 : i32
    %dma_wait3A_2587 = tpu.memref_slice %arg5[%dma_wait3A_2585, %dma_wait3A_2586] : memref<200x128xf32, #tpu.memory_space<vmem>> -> memref<104x128xf32, #tpu.memory_space<vmem>>
    %dma_wait3A_2588 = arith.constant 0 : i32
    %dma_wait3A_2589 = tpu.memref_slice %arg6[%dma_wait3A_2584, %dma_wait3A_2588] : memref<3x104xi32, #tpu.memory_space<vmem>> -> memref<1x104xi32, #tpu.memory_space<vmem>>
    %dma_wait3A_2590 = tpu.memref_squeeze %dma_wait3A_2589 : memref<1x104xi32, #tpu.memory_space<vmem>> -> memref<104xi32, #tpu.memory_space<vmem>>
    %dma_wait3A_2591 = arith.constant 0 : i32
    %dma_wait3A_2592 = arith.constant 0 : i32
    %dma_wait3A_2593 = tpu.memref_slice %arg8[%dma_wait3A_2591, %dma_wait3A_2592] : memref<9600x128xf32, #tpu.memory_space<vmem_shared>> -> memref<9600x128xf32, #tpu.memory_space<vmem_shared>>
    tpu.wait_indirect_dma semaphore(%arg14 : memref<!tpu.dma_semaphore, #tpu.memory_space<semaphore_mem>>) src(%dma_wait3A_2587 : memref<104x128xf32, #tpu.memory_space<vmem>>) dst(%dma_wait3A_2593 : memref<9600x128xf32, #tpu.memory_space<vmem_shared>>)
    %dma_wait3A_2594 = arith.constant 2 : i32
    %dma_wait3A_2595 = arith.constant 104 : i32
    %dma_wait3A_2596 = arith.constant 0 : i32
    %dma_wait3A_2597 = tpu.memref_slice %arg5[%dma_wait3A_2595, %dma_wait3A_2596] : memref<200x128xf32, #tpu.memory_space<vmem>> -> memref<96x128xf32, #tpu.memory_space<vmem>>
    %dma_wait3A_2598 = arith.constant 0 : i32
    %dma_wait3A_2599 = tpu.memref_slice %arg7[%dma_wait3A_2594, %dma_wait3A_2598] : memref<3x96xi32, #tpu.memory_space<vmem>> -> memref<1x96xi32, #tpu.memory_space<vmem>>
    %dma_wait3A_2600 = tpu.memref_squeeze %dma_wait3A_2599 : memref<1x96xi32, #tpu.memory_space<vmem>> -> memref<96xi32, #tpu.memory_space<vmem>>
    %dma_wait3A_2601 = arith.constant 0 : i32
    %dma_wait3A_2602 = arith.constant 0 : i32
    %dma_wait3A_2603 = tpu.memref_slice %arg8[%dma_wait3A_2601, %dma_wait3A_2602] : memref<9600x128xf32, #tpu.memory_space<vmem_shared>> -> memref<9600x128xf32, #tpu.memory_space<vmem_shared>>
    tpu.wait_indirect_dma semaphore(%arg14 : memref<!tpu.dma_semaphore, #tpu.memory_space<semaphore_mem>>) src(%dma_wait3A_2597 : memref<96x128xf32, #tpu.memory_space<vmem>>) dst(%dma_wait3A_2603 : memref<9600x128xf32, #tpu.memory_space<vmem_shared>>)
    %add3A_2604 = arith.constant 400 : i32
    %add3A_2605 = arith.addi %mul3A_4, %add3A_2604 : i32
    %add3A_2606 = arith.constant 26 : i32
    %add3A_2607 = arith.addi %mul3A_2, %add3A_2606 : i32
    %dma_start3A_2608 = arith.constant 0 : i32
    %dma_start3A_2609 = arith.constant 0 : i32
    %dma_start3A_2610 = tpu.memref_slice %arg4[%add3A_2607, %dma_start3A_2608, %dma_start3A_2609] : memref<1024x200x128xf32, #tpu.memory_space<hbm>> -> memref<1x200x128xf32, #tpu.memory_space<hbm>>
    %dma_start3A_2611 = tpu.memref_squeeze %dma_start3A_2610 : memref<1x200x128xf32, #tpu.memory_space<hbm>> -> memref<200x128xf32, #tpu.memory_space<hbm>>
    %dma_start3A_2612 = arith.constant 0 : i32
    %dma_start3A_2613 = tpu.memref_slice %arg8[%add3A_2605, %dma_start3A_2612] : memref<9600x128xf32, #tpu.memory_space<vmem_shared>> -> memref<200x128xf32, #tpu.memory_space<vmem_shared>>
    tpu.enqueue_dma source(%dma_start3A_2613 : memref<200x128xf32, #tpu.memory_space<vmem_shared>>) target(%dma_start3A_2611 : memref<200x128xf32, #tpu.memory_space<hbm>>) target_semaphore(%arg17 : memref<!tpu.dma_semaphore, #tpu.memory_space<semaphore_mem>>)
    %add3A_2614 = arith.constant 200 : i32
    %add3A_2615 = arith.addi %mul3A_4, %add3A_2614 : i32
    %add3A_2616 = arith.constant 25 : i32
    %add3A_2617 = arith.addi %mul3A_2, %add3A_2616 : i32
    %dma_wait3A_2618 = arith.constant 0 : i32
    %dma_wait3A_2619 = arith.constant 0 : i32
    %dma_wait3A_2620 = tpu.memref_slice %arg4[%add3A_2617, %dma_wait3A_2618, %dma_wait3A_2619] : memref<1024x200x128xf32, #tpu.memory_space<hbm>> -> memref<1x200x128xf32, #tpu.memory_space<hbm>>
    %dma_wait3A_2621 = tpu.memref_squeeze %dma_wait3A_2620 : memref<1x200x128xf32, #tpu.memory_space<hbm>> -> memref<200x128xf32, #tpu.memory_space<hbm>>
    %dma_wait3A_2622 = arith.constant 0 : i32
    %dma_wait3A_2623 = tpu.memref_slice %arg8[%add3A_2615, %dma_wait3A_2622] : memref<9600x128xf32, #tpu.memory_space<vmem_shared>> -> memref<200x128xf32, #tpu.memory_space<vmem_shared>>
    tpu.wait_dma2 semaphore(%arg16 : memref<!tpu.dma_semaphore, #tpu.memory_space<semaphore_mem>>) src(%dma_wait3A_2623 : memref<200x128xf32, #tpu.memory_space<vmem_shared>>) dst(%dma_wait3A_2621 : memref<200x128xf32, #tpu.memory_space<hbm>>)
    %add3A_2624 = arith.constant 28 : i32
    %add3A_2625 = arith.addi %mul3A_2, %add3A_2624 : i32
    %add3A_2626 = arith.constant 200 : i32
    %add3A_2627 = arith.addi %mul3A_4, %add3A_2626 : i32
    %dma_start3A_2628 = arith.constant 0 : i32
    %dma_start3A_2629 = tpu.memref_slice %arg8[%add3A_2627, %dma_start3A_2628] : memref<9600x128xf32, #tpu.memory_space<vmem_shared>> -> memref<200x128xf32, #tpu.memory_space<vmem_shared>>
    %dma_start3A_2630 = arith.constant 0 : i32
    %dma_start3A_2631 = arith.constant 0 : i32
    %dma_start3A_2632 = tpu.memref_slice %arg2[%add3A_2625, %dma_start3A_2630, %dma_start3A_2631] : memref<1024x200x128xf32, #tpu.memory_space<hbm>> -> memref<1x200x128xf32, #tpu.memory_space<hbm>>
    %dma_start3A_2633 = tpu.memref_squeeze %dma_start3A_2632 : memref<1x200x128xf32, #tpu.memory_space<hbm>> -> memref<200x128xf32, #tpu.memory_space<hbm>>
    tpu.enqueue_dma source(%dma_start3A_2633 : memref<200x128xf32, #tpu.memory_space<hbm>>) target(%dma_start3A_2629 : memref<200x128xf32, #tpu.memory_space<vmem_shared>>) target_semaphore(%arg10 : memref<!tpu.dma_semaphore, #tpu.memory_space<semaphore_mem>>)
    %add3A_2634 = arith.constant 28 : i32
    %add3A_2635 = arith.addi %mul3A_2, %add3A_2634 : i32
    %add3A_2636 = arith.constant 200 : i32
    %add3A_2637 = arith.addi %mul3A_4, %add3A_2636 : i32
    %dma_wait3A_2638 = arith.constant 0 : i32
    %dma_wait3A_2639 = tpu.memref_slice %arg8[%add3A_2637, %dma_wait3A_2638] : memref<9600x128xf32, #tpu.memory_space<vmem_shared>> -> memref<200x128xf32, #tpu.memory_space<vmem_shared>>
    %dma_wait3A_2640 = arith.constant 0 : i32
    %dma_wait3A_2641 = arith.constant 0 : i32
    %dma_wait3A_2642 = tpu.memref_slice %arg2[%add3A_2635, %dma_wait3A_2640, %dma_wait3A_2641] : memref<1024x200x128xf32, #tpu.memory_space<hbm>> -> memref<1x200x128xf32, #tpu.memory_space<hbm>>
    %dma_wait3A_2643 = tpu.memref_squeeze %dma_wait3A_2642 : memref<1x200x128xf32, #tpu.memory_space<hbm>> -> memref<200x128xf32, #tpu.memory_space<hbm>>
    tpu.wait_dma2 semaphore(%arg10 : memref<!tpu.dma_semaphore, #tpu.memory_space<semaphore_mem>>) src(%dma_wait3A_2643 : memref<200x128xf32, #tpu.memory_space<hbm>>) dst(%dma_wait3A_2639 : memref<200x128xf32, #tpu.memory_space<vmem_shared>>)
    %dma_start3A_2644 = arith.constant 1 : i32
    %dma_start3A_2645 = arith.constant 0 : i32
    %dma_start3A_2646 = arith.constant 0 : i32
    %dma_start3A_2647 = tpu.memref_slice %arg5[%dma_start3A_2645, %dma_start3A_2646] : memref<200x128xf32, #tpu.memory_space<vmem>> -> memref<104x128xf32, #tpu.memory_space<vmem>>
    %dma_start3A_2648 = arith.constant 0 : i32
    %dma_start3A_2649 = tpu.memref_slice %arg6[%dma_start3A_2644, %dma_start3A_2648] : memref<3x104xi32, #tpu.memory_space<vmem>> -> memref<1x104xi32, #tpu.memory_space<vmem>>
    %dma_start3A_2650 = tpu.memref_squeeze %dma_start3A_2649 : memref<1x104xi32, #tpu.memory_space<vmem>> -> memref<104xi32, #tpu.memory_space<vmem>>
    %dma_start3A_2651 = arith.constant 0 : i32
    %dma_start3A_2652 = arith.constant 0 : i32
    %dma_start3A_2653 = tpu.memref_slice %arg8[%dma_start3A_2651, %dma_start3A_2652] : memref<9600x128xf32, #tpu.memory_space<vmem_shared>> -> memref<9600x128xf32, #tpu.memory_space<vmem_shared>>
    tpu.enqueue_indirect_dma source(%dma_start3A_2647 : memref<104x128xf32, #tpu.memory_space<vmem>>) target(%dma_start3A_2653 : memref<9600x128xf32, #tpu.memory_space<vmem_shared>>) offsets(%dma_start3A_2650 : memref<104xi32, #tpu.memory_space<vmem>>) semaphore(%arg13 : memref<!tpu.dma_semaphore, #tpu.memory_space<semaphore_mem>>) {add = true}
    %dma_start3A_2654 = arith.constant 1 : i32
    %dma_start3A_2655 = arith.constant 104 : i32
    %dma_start3A_2656 = arith.constant 0 : i32
    %dma_start3A_2657 = tpu.memref_slice %arg5[%dma_start3A_2655, %dma_start3A_2656] : memref<200x128xf32, #tpu.memory_space<vmem>> -> memref<96x128xf32, #tpu.memory_space<vmem>>
    %dma_start3A_2658 = arith.constant 0 : i32
    %dma_start3A_2659 = tpu.memref_slice %arg7[%dma_start3A_2654, %dma_start3A_2658] : memref<3x96xi32, #tpu.memory_space<vmem>> -> memref<1x96xi32, #tpu.memory_space<vmem>>
    %dma_start3A_2660 = tpu.memref_squeeze %dma_start3A_2659 : memref<1x96xi32, #tpu.memory_space<vmem>> -> memref<96xi32, #tpu.memory_space<vmem>>
    %dma_start3A_2661 = arith.constant 0 : i32
    %dma_start3A_2662 = arith.constant 0 : i32
    %dma_start3A_2663 = tpu.memref_slice %arg8[%dma_start3A_2661, %dma_start3A_2662] : memref<9600x128xf32, #tpu.memory_space<vmem_shared>> -> memref<9600x128xf32, #tpu.memory_space<vmem_shared>>
    tpu.enqueue_indirect_dma source(%dma_start3A_2657 : memref<96x128xf32, #tpu.memory_space<vmem>>) target(%dma_start3A_2663 : memref<9600x128xf32, #tpu.memory_space<vmem_shared>>) offsets(%dma_start3A_2660 : memref<96xi32, #tpu.memory_space<vmem>>) semaphore(%arg13 : memref<!tpu.dma_semaphore, #tpu.memory_space<semaphore_mem>>) {add = true}
    %dma_wait3A_2664 = arith.constant 0 : i32
    %dma_wait3A_2665 = arith.constant 0 : i32
    %dma_wait3A_2666 = arith.constant 0 : i32
    %dma_wait3A_2667 = tpu.memref_slice %arg5[%dma_wait3A_2665, %dma_wait3A_2666] : memref<200x128xf32, #tpu.memory_space<vmem>> -> memref<104x128xf32, #tpu.memory_space<vmem>>
    %dma_wait3A_2668 = arith.constant 0 : i32
    %dma_wait3A_2669 = tpu.memref_slice %arg6[%dma_wait3A_2664, %dma_wait3A_2668] : memref<3x104xi32, #tpu.memory_space<vmem>> -> memref<1x104xi32, #tpu.memory_space<vmem>>
    %dma_wait3A_2670 = tpu.memref_squeeze %dma_wait3A_2669 : memref<1x104xi32, #tpu.memory_space<vmem>> -> memref<104xi32, #tpu.memory_space<vmem>>
    %dma_wait3A_2671 = arith.constant 0 : i32
    %dma_wait3A_2672 = arith.constant 0 : i32
    %dma_wait3A_2673 = tpu.memref_slice %arg8[%dma_wait3A_2671, %dma_wait3A_2672] : memref<9600x128xf32, #tpu.memory_space<vmem_shared>> -> memref<9600x128xf32, #tpu.memory_space<vmem_shared>>
    tpu.wait_indirect_dma semaphore(%arg12 : memref<!tpu.dma_semaphore, #tpu.memory_space<semaphore_mem>>) src(%dma_wait3A_2667 : memref<104x128xf32, #tpu.memory_space<vmem>>) dst(%dma_wait3A_2673 : memref<9600x128xf32, #tpu.memory_space<vmem_shared>>)
    %dma_wait3A_2674 = arith.constant 0 : i32
    %dma_wait3A_2675 = arith.constant 104 : i32
    %dma_wait3A_2676 = arith.constant 0 : i32
    %dma_wait3A_2677 = tpu.memref_slice %arg5[%dma_wait3A_2675, %dma_wait3A_2676] : memref<200x128xf32, #tpu.memory_space<vmem>> -> memref<96x128xf32, #tpu.memory_space<vmem>>
    %dma_wait3A_2678 = arith.constant 0 : i32
    %dma_wait3A_2679 = tpu.memref_slice %arg7[%dma_wait3A_2674, %dma_wait3A_2678] : memref<3x96xi32, #tpu.memory_space<vmem>> -> memref<1x96xi32, #tpu.memory_space<vmem>>
    %dma_wait3A_2680 = tpu.memref_squeeze %dma_wait3A_2679 : memref<1x96xi32, #tpu.memory_space<vmem>> -> memref<96xi32, #tpu.memory_space<vmem>>
    %dma_wait3A_2681 = arith.constant 0 : i32
    %dma_wait3A_2682 = arith.constant 0 : i32
    %dma_wait3A_2683 = tpu.memref_slice %arg8[%dma_wait3A_2681, %dma_wait3A_2682] : memref<9600x128xf32, #tpu.memory_space<vmem_shared>> -> memref<9600x128xf32, #tpu.memory_space<vmem_shared>>
    tpu.wait_indirect_dma semaphore(%arg12 : memref<!tpu.dma_semaphore, #tpu.memory_space<semaphore_mem>>) src(%dma_wait3A_2677 : memref<96x128xf32, #tpu.memory_space<vmem>>) dst(%dma_wait3A_2683 : memref<9600x128xf32, #tpu.memory_space<vmem_shared>>)
    %add3A_2684 = arith.constant 0 : i32
    %add3A_2685 = arith.addi %mul3A_4, %add3A_2684 : i32
    %add3A_2686 = arith.constant 27 : i32
    %add3A_2687 = arith.addi %mul3A_2, %add3A_2686 : i32
    %dma_start3A_2688 = arith.constant 0 : i32
    %dma_start3A_2689 = arith.constant 0 : i32
    %dma_start3A_2690 = tpu.memref_slice %arg4[%add3A_2687, %dma_start3A_2688, %dma_start3A_2689] : memref<1024x200x128xf32, #tpu.memory_space<hbm>> -> memref<1x200x128xf32, #tpu.memory_space<hbm>>
    %dma_start3A_2691 = tpu.memref_squeeze %dma_start3A_2690 : memref<1x200x128xf32, #tpu.memory_space<hbm>> -> memref<200x128xf32, #tpu.memory_space<hbm>>
    %dma_start3A_2692 = arith.constant 0 : i32
    %dma_start3A_2693 = tpu.memref_slice %arg8[%add3A_2685, %dma_start3A_2692] : memref<9600x128xf32, #tpu.memory_space<vmem_shared>> -> memref<200x128xf32, #tpu.memory_space<vmem_shared>>
    tpu.enqueue_dma source(%dma_start3A_2693 : memref<200x128xf32, #tpu.memory_space<vmem_shared>>) target(%dma_start3A_2691 : memref<200x128xf32, #tpu.memory_space<hbm>>) target_semaphore(%arg15 : memref<!tpu.dma_semaphore, #tpu.memory_space<semaphore_mem>>)
    %add3A_2694 = arith.constant 400 : i32
    %add3A_2695 = arith.addi %mul3A_4, %add3A_2694 : i32
    %add3A_2696 = arith.constant 26 : i32
    %add3A_2697 = arith.addi %mul3A_2, %add3A_2696 : i32
    %dma_wait3A_2698 = arith.constant 0 : i32
    %dma_wait3A_2699 = arith.constant 0 : i32
    %dma_wait3A_2700 = tpu.memref_slice %arg4[%add3A_2697, %dma_wait3A_2698, %dma_wait3A_2699] : memref<1024x200x128xf32, #tpu.memory_space<hbm>> -> memref<1x200x128xf32, #tpu.memory_space<hbm>>
    %dma_wait3A_2701 = tpu.memref_squeeze %dma_wait3A_2700 : memref<1x200x128xf32, #tpu.memory_space<hbm>> -> memref<200x128xf32, #tpu.memory_space<hbm>>
    %dma_wait3A_2702 = arith.constant 0 : i32
    %dma_wait3A_2703 = tpu.memref_slice %arg8[%add3A_2695, %dma_wait3A_2702] : memref<9600x128xf32, #tpu.memory_space<vmem_shared>> -> memref<200x128xf32, #tpu.memory_space<vmem_shared>>
    tpu.wait_dma2 semaphore(%arg17 : memref<!tpu.dma_semaphore, #tpu.memory_space<semaphore_mem>>) src(%dma_wait3A_2703 : memref<200x128xf32, #tpu.memory_space<vmem_shared>>) dst(%dma_wait3A_2701 : memref<200x128xf32, #tpu.memory_space<hbm>>)
    %add3A_2704 = arith.constant 29 : i32
    %add3A_2705 = arith.addi %mul3A_2, %add3A_2704 : i32
    %add3A_2706 = arith.constant 400 : i32
    %add3A_2707 = arith.addi %mul3A_4, %add3A_2706 : i32
    %dma_start3A_2708 = arith.constant 0 : i32
    %dma_start3A_2709 = tpu.memref_slice %arg8[%add3A_2707, %dma_start3A_2708] : memref<9600x128xf32, #tpu.memory_space<vmem_shared>> -> memref<200x128xf32, #tpu.memory_space<vmem_shared>>
    %dma_start3A_2710 = arith.constant 0 : i32
    %dma_start3A_2711 = arith.constant 0 : i32
    %dma_start3A_2712 = tpu.memref_slice %arg2[%add3A_2705, %dma_start3A_2710, %dma_start3A_2711] : memref<1024x200x128xf32, #tpu.memory_space<hbm>> -> memref<1x200x128xf32, #tpu.memory_space<hbm>>
    %dma_start3A_2713 = tpu.memref_squeeze %dma_start3A_2712 : memref<1x200x128xf32, #tpu.memory_space<hbm>> -> memref<200x128xf32, #tpu.memory_space<hbm>>
    tpu.enqueue_dma source(%dma_start3A_2713 : memref<200x128xf32, #tpu.memory_space<hbm>>) target(%dma_start3A_2709 : memref<200x128xf32, #tpu.memory_space<vmem_shared>>) target_semaphore(%arg11 : memref<!tpu.dma_semaphore, #tpu.memory_space<semaphore_mem>>)
    %add3A_2714 = arith.constant 29 : i32
    %add3A_2715 = arith.addi %mul3A_2, %add3A_2714 : i32
    %add3A_2716 = arith.constant 400 : i32
    %add3A_2717 = arith.addi %mul3A_4, %add3A_2716 : i32
    %dma_wait3A_2718 = arith.constant 0 : i32
    %dma_wait3A_2719 = tpu.memref_slice %arg8[%add3A_2717, %dma_wait3A_2718] : memref<9600x128xf32, #tpu.memory_space<vmem_shared>> -> memref<200x128xf32, #tpu.memory_space<vmem_shared>>
    %dma_wait3A_2720 = arith.constant 0 : i32
    %dma_wait3A_2721 = arith.constant 0 : i32
    %dma_wait3A_2722 = tpu.memref_slice %arg2[%add3A_2715, %dma_wait3A_2720, %dma_wait3A_2721] : memref<1024x200x128xf32, #tpu.memory_space<hbm>> -> memref<1x200x128xf32, #tpu.memory_space<hbm>>
    %dma_wait3A_2723 = tpu.memref_squeeze %dma_wait3A_2722 : memref<1x200x128xf32, #tpu.memory_space<hbm>> -> memref<200x128xf32, #tpu.memory_space<hbm>>
    tpu.wait_dma2 semaphore(%arg11 : memref<!tpu.dma_semaphore, #tpu.memory_space<semaphore_mem>>) src(%dma_wait3A_2723 : memref<200x128xf32, #tpu.memory_space<hbm>>) dst(%dma_wait3A_2719 : memref<200x128xf32, #tpu.memory_space<vmem_shared>>)
    %dma_start3A_2724 = arith.constant 2 : i32
    %dma_start3A_2725 = arith.constant 0 : i32
    %dma_start3A_2726 = arith.constant 0 : i32
    %dma_start3A_2727 = tpu.memref_slice %arg5[%dma_start3A_2725, %dma_start3A_2726] : memref<200x128xf32, #tpu.memory_space<vmem>> -> memref<104x128xf32, #tpu.memory_space<vmem>>
    %dma_start3A_2728 = arith.constant 0 : i32
    %dma_start3A_2729 = tpu.memref_slice %arg6[%dma_start3A_2724, %dma_start3A_2728] : memref<3x104xi32, #tpu.memory_space<vmem>> -> memref<1x104xi32, #tpu.memory_space<vmem>>
    %dma_start3A_2730 = tpu.memref_squeeze %dma_start3A_2729 : memref<1x104xi32, #tpu.memory_space<vmem>> -> memref<104xi32, #tpu.memory_space<vmem>>
    %dma_start3A_2731 = arith.constant 0 : i32
    %dma_start3A_2732 = arith.constant 0 : i32
    %dma_start3A_2733 = tpu.memref_slice %arg8[%dma_start3A_2731, %dma_start3A_2732] : memref<9600x128xf32, #tpu.memory_space<vmem_shared>> -> memref<9600x128xf32, #tpu.memory_space<vmem_shared>>
    tpu.enqueue_indirect_dma source(%dma_start3A_2727 : memref<104x128xf32, #tpu.memory_space<vmem>>) target(%dma_start3A_2733 : memref<9600x128xf32, #tpu.memory_space<vmem_shared>>) offsets(%dma_start3A_2730 : memref<104xi32, #tpu.memory_space<vmem>>) semaphore(%arg14 : memref<!tpu.dma_semaphore, #tpu.memory_space<semaphore_mem>>) {add = true}
    %dma_start3A_2734 = arith.constant 2 : i32
    %dma_start3A_2735 = arith.constant 104 : i32
    %dma_start3A_2736 = arith.constant 0 : i32
    %dma_start3A_2737 = tpu.memref_slice %arg5[%dma_start3A_2735, %dma_start3A_2736] : memref<200x128xf32, #tpu.memory_space<vmem>> -> memref<96x128xf32, #tpu.memory_space<vmem>>
    %dma_start3A_2738 = arith.constant 0 : i32
    %dma_start3A_2739 = tpu.memref_slice %arg7[%dma_start3A_2734, %dma_start3A_2738] : memref<3x96xi32, #tpu.memory_space<vmem>> -> memref<1x96xi32, #tpu.memory_space<vmem>>
    %dma_start3A_2740 = tpu.memref_squeeze %dma_start3A_2739 : memref<1x96xi32, #tpu.memory_space<vmem>> -> memref<96xi32, #tpu.memory_space<vmem>>
    %dma_start3A_2741 = arith.constant 0 : i32
    %dma_start3A_2742 = arith.constant 0 : i32
    %dma_start3A_2743 = tpu.memref_slice %arg8[%dma_start3A_2741, %dma_start3A_2742] : memref<9600x128xf32, #tpu.memory_space<vmem_shared>> -> memref<9600x128xf32, #tpu.memory_space<vmem_shared>>
    tpu.enqueue_indirect_dma source(%dma_start3A_2737 : memref<96x128xf32, #tpu.memory_space<vmem>>) target(%dma_start3A_2743 : memref<9600x128xf32, #tpu.memory_space<vmem_shared>>) offsets(%dma_start3A_2740 : memref<96xi32, #tpu.memory_space<vmem>>) semaphore(%arg14 : memref<!tpu.dma_semaphore, #tpu.memory_space<semaphore_mem>>) {add = true}
    %dma_wait3A_2744 = arith.constant 1 : i32
    %dma_wait3A_2745 = arith.constant 0 : i32
    %dma_wait3A_2746 = arith.constant 0 : i32
    %dma_wait3A_2747 = tpu.memref_slice %arg5[%dma_wait3A_2745, %dma_wait3A_2746] : memref<200x128xf32, #tpu.memory_space<vmem>> -> memref<104x128xf32, #tpu.memory_space<vmem>>
    %dma_wait3A_2748 = arith.constant 0 : i32
    %dma_wait3A_2749 = tpu.memref_slice %arg6[%dma_wait3A_2744, %dma_wait3A_2748] : memref<3x104xi32, #tpu.memory_space<vmem>> -> memref<1x104xi32, #tpu.memory_space<vmem>>
    %dma_wait3A_2750 = tpu.memref_squeeze %dma_wait3A_2749 : memref<1x104xi32, #tpu.memory_space<vmem>> -> memref<104xi32, #tpu.memory_space<vmem>>
    %dma_wait3A_2751 = arith.constant 0 : i32
    %dma_wait3A_2752 = arith.constant 0 : i32
    %dma_wait3A_2753 = tpu.memref_slice %arg8[%dma_wait3A_2751, %dma_wait3A_2752] : memref<9600x128xf32, #tpu.memory_space<vmem_shared>> -> memref<9600x128xf32, #tpu.memory_space<vmem_shared>>
    tpu.wait_indirect_dma semaphore(%arg13 : memref<!tpu.dma_semaphore, #tpu.memory_space<semaphore_mem>>) src(%dma_wait3A_2747 : memref<104x128xf32, #tpu.memory_space<vmem>>) dst(%dma_wait3A_2753 : memref<9600x128xf32, #tpu.memory_space<vmem_shared>>)
    %dma_wait3A_2754 = arith.constant 1 : i32
    %dma_wait3A_2755 = arith.constant 104 : i32
    %dma_wait3A_2756 = arith.constant 0 : i32
    %dma_wait3A_2757 = tpu.memref_slice %arg5[%dma_wait3A_2755, %dma_wait3A_2756] : memref<200x128xf32, #tpu.memory_space<vmem>> -> memref<96x128xf32, #tpu.memory_space<vmem>>
    %dma_wait3A_2758 = arith.constant 0 : i32
    %dma_wait3A_2759 = tpu.memref_slice %arg7[%dma_wait3A_2754, %dma_wait3A_2758] : memref<3x96xi32, #tpu.memory_space<vmem>> -> memref<1x96xi32, #tpu.memory_space<vmem>>
    %dma_wait3A_2760 = tpu.memref_squeeze %dma_wait3A_2759 : memref<1x96xi32, #tpu.memory_space<vmem>> -> memref<96xi32, #tpu.memory_space<vmem>>
    %dma_wait3A_2761 = arith.constant 0 : i32
    %dma_wait3A_2762 = arith.constant 0 : i32
    %dma_wait3A_2763 = tpu.memref_slice %arg8[%dma_wait3A_2761, %dma_wait3A_2762] : memref<9600x128xf32, #tpu.memory_space<vmem_shared>> -> memref<9600x128xf32, #tpu.memory_space<vmem_shared>>
    tpu.wait_indirect_dma semaphore(%arg13 : memref<!tpu.dma_semaphore, #tpu.memory_space<semaphore_mem>>) src(%dma_wait3A_2757 : memref<96x128xf32, #tpu.memory_space<vmem>>) dst(%dma_wait3A_2763 : memref<9600x128xf32, #tpu.memory_space<vmem_shared>>)
    %add3A_2764 = arith.constant 200 : i32
    %add3A_2765 = arith.addi %mul3A_4, %add3A_2764 : i32
    %add3A_2766 = arith.constant 28 : i32
    %add3A_2767 = arith.addi %mul3A_2, %add3A_2766 : i32
    %dma_start3A_2768 = arith.constant 0 : i32
    %dma_start3A_2769 = arith.constant 0 : i32
    %dma_start3A_2770 = tpu.memref_slice %arg4[%add3A_2767, %dma_start3A_2768, %dma_start3A_2769] : memref<1024x200x128xf32, #tpu.memory_space<hbm>> -> memref<1x200x128xf32, #tpu.memory_space<hbm>>
    %dma_start3A_2771 = tpu.memref_squeeze %dma_start3A_2770 : memref<1x200x128xf32, #tpu.memory_space<hbm>> -> memref<200x128xf32, #tpu.memory_space<hbm>>
    %dma_start3A_2772 = arith.constant 0 : i32
    %dma_start3A_2773 = tpu.memref_slice %arg8[%add3A_2765, %dma_start3A_2772] : memref<9600x128xf32, #tpu.memory_space<vmem_shared>> -> memref<200x128xf32, #tpu.memory_space<vmem_shared>>
    tpu.enqueue_dma source(%dma_start3A_2773 : memref<200x128xf32, #tpu.memory_space<vmem_shared>>) target(%dma_start3A_2771 : memref<200x128xf32, #tpu.memory_space<hbm>>) target_semaphore(%arg16 : memref<!tpu.dma_semaphore, #tpu.memory_space<semaphore_mem>>)
    %add3A_2774 = arith.constant 0 : i32
    %add3A_2775 = arith.addi %mul3A_4, %add3A_2774 : i32
    %add3A_2776 = arith.constant 27 : i32
    %add3A_2777 = arith.addi %mul3A_2, %add3A_2776 : i32
    %dma_wait3A_2778 = arith.constant 0 : i32
    %dma_wait3A_2779 = arith.constant 0 : i32
    %dma_wait3A_2780 = tpu.memref_slice %arg4[%add3A_2777, %dma_wait3A_2778, %dma_wait3A_2779] : memref<1024x200x128xf32, #tpu.memory_space<hbm>> -> memref<1x200x128xf32, #tpu.memory_space<hbm>>
    %dma_wait3A_2781 = tpu.memref_squeeze %dma_wait3A_2780 : memref<1x200x128xf32, #tpu.memory_space<hbm>> -> memref<200x128xf32, #tpu.memory_space<hbm>>
    %dma_wait3A_2782 = arith.constant 0 : i32
    %dma_wait3A_2783 = tpu.memref_slice %arg8[%add3A_2775, %dma_wait3A_2782] : memref<9600x128xf32, #tpu.memory_space<vmem_shared>> -> memref<200x128xf32, #tpu.memory_space<vmem_shared>>
    tpu.wait_dma2 semaphore(%arg15 : memref<!tpu.dma_semaphore, #tpu.memory_space<semaphore_mem>>) src(%dma_wait3A_2783 : memref<200x128xf32, #tpu.memory_space<vmem_shared>>) dst(%dma_wait3A_2781 : memref<200x128xf32, #tpu.memory_space<hbm>>)
    %add3A_2784 = arith.constant 30 : i32
    %add3A_2785 = arith.addi %mul3A_2, %add3A_2784 : i32
    %add3A_2786 = arith.constant 0 : i32
    %add3A_2787 = arith.addi %mul3A_4, %add3A_2786 : i32
    %dma_start3A_2788 = arith.constant 0 : i32
    %dma_start3A_2789 = tpu.memref_slice %arg8[%add3A_2787, %dma_start3A_2788] : memref<9600x128xf32, #tpu.memory_space<vmem_shared>> -> memref<200x128xf32, #tpu.memory_space<vmem_shared>>
    %dma_start3A_2790 = arith.constant 0 : i32
    %dma_start3A_2791 = arith.constant 0 : i32
    %dma_start3A_2792 = tpu.memref_slice %arg2[%add3A_2785, %dma_start3A_2790, %dma_start3A_2791] : memref<1024x200x128xf32, #tpu.memory_space<hbm>> -> memref<1x200x128xf32, #tpu.memory_space<hbm>>
    %dma_start3A_2793 = tpu.memref_squeeze %dma_start3A_2792 : memref<1x200x128xf32, #tpu.memory_space<hbm>> -> memref<200x128xf32, #tpu.memory_space<hbm>>
    tpu.enqueue_dma source(%dma_start3A_2793 : memref<200x128xf32, #tpu.memory_space<hbm>>) target(%dma_start3A_2789 : memref<200x128xf32, #tpu.memory_space<vmem_shared>>) target_semaphore(%arg9 : memref<!tpu.dma_semaphore, #tpu.memory_space<semaphore_mem>>)
    %add3A_2794 = arith.constant 30 : i32
    %add3A_2795 = arith.addi %mul3A_2, %add3A_2794 : i32
    %add3A_2796 = arith.constant 0 : i32
    %add3A_2797 = arith.addi %mul3A_4, %add3A_2796 : i32
    %dma_wait3A_2798 = arith.constant 0 : i32
    %dma_wait3A_2799 = tpu.memref_slice %arg8[%add3A_2797, %dma_wait3A_2798] : memref<9600x128xf32, #tpu.memory_space<vmem_shared>> -> memref<200x128xf32, #tpu.memory_space<vmem_shared>>
    %dma_wait3A_2800 = arith.constant 0 : i32
    %dma_wait3A_2801 = arith.constant 0 : i32
    %dma_wait3A_2802 = tpu.memref_slice %arg2[%add3A_2795, %dma_wait3A_2800, %dma_wait3A_2801] : memref<1024x200x128xf32, #tpu.memory_space<hbm>> -> memref<1x200x128xf32, #tpu.memory_space<hbm>>
    %dma_wait3A_2803 = tpu.memref_squeeze %dma_wait3A_2802 : memref<1x200x128xf32, #tpu.memory_space<hbm>> -> memref<200x128xf32, #tpu.memory_space<hbm>>
    tpu.wait_dma2 semaphore(%arg9 : memref<!tpu.dma_semaphore, #tpu.memory_space<semaphore_mem>>) src(%dma_wait3A_2803 : memref<200x128xf32, #tpu.memory_space<hbm>>) dst(%dma_wait3A_2799 : memref<200x128xf32, #tpu.memory_space<vmem_shared>>)
    %dma_start3A_2804 = arith.constant 0 : i32
    %dma_start3A_2805 = arith.constant 0 : i32
    %dma_start3A_2806 = arith.constant 0 : i32
    %dma_start3A_2807 = tpu.memref_slice %arg5[%dma_start3A_2805, %dma_start3A_2806] : memref<200x128xf32, #tpu.memory_space<vmem>> -> memref<104x128xf32, #tpu.memory_space<vmem>>
    %dma_start3A_2808 = arith.constant 0 : i32
    %dma_start3A_2809 = tpu.memref_slice %arg6[%dma_start3A_2804, %dma_start3A_2808] : memref<3x104xi32, #tpu.memory_space<vmem>> -> memref<1x104xi32, #tpu.memory_space<vmem>>
    %dma_start3A_2810 = tpu.memref_squeeze %dma_start3A_2809 : memref<1x104xi32, #tpu.memory_space<vmem>> -> memref<104xi32, #tpu.memory_space<vmem>>
    %dma_start3A_2811 = arith.constant 0 : i32
    %dma_start3A_2812 = arith.constant 0 : i32
    %dma_start3A_2813 = tpu.memref_slice %arg8[%dma_start3A_2811, %dma_start3A_2812] : memref<9600x128xf32, #tpu.memory_space<vmem_shared>> -> memref<9600x128xf32, #tpu.memory_space<vmem_shared>>
    tpu.enqueue_indirect_dma source(%dma_start3A_2807 : memref<104x128xf32, #tpu.memory_space<vmem>>) target(%dma_start3A_2813 : memref<9600x128xf32, #tpu.memory_space<vmem_shared>>) offsets(%dma_start3A_2810 : memref<104xi32, #tpu.memory_space<vmem>>) semaphore(%arg12 : memref<!tpu.dma_semaphore, #tpu.memory_space<semaphore_mem>>) {add = true}
    %dma_start3A_2814 = arith.constant 0 : i32
    %dma_start3A_2815 = arith.constant 104 : i32
    %dma_start3A_2816 = arith.constant 0 : i32
    %dma_start3A_2817 = tpu.memref_slice %arg5[%dma_start3A_2815, %dma_start3A_2816] : memref<200x128xf32, #tpu.memory_space<vmem>> -> memref<96x128xf32, #tpu.memory_space<vmem>>
    %dma_start3A_2818 = arith.constant 0 : i32
    %dma_start3A_2819 = tpu.memref_slice %arg7[%dma_start3A_2814, %dma_start3A_2818] : memref<3x96xi32, #tpu.memory_space<vmem>> -> memref<1x96xi32, #tpu.memory_space<vmem>>
    %dma_start3A_2820 = tpu.memref_squeeze %dma_start3A_2819 : memref<1x96xi32, #tpu.memory_space<vmem>> -> memref<96xi32, #tpu.memory_space<vmem>>
    %dma_start3A_2821 = arith.constant 0 : i32
    %dma_start3A_2822 = arith.constant 0 : i32
    %dma_start3A_2823 = tpu.memref_slice %arg8[%dma_start3A_2821, %dma_start3A_2822] : memref<9600x128xf32, #tpu.memory_space<vmem_shared>> -> memref<9600x128xf32, #tpu.memory_space<vmem_shared>>
    tpu.enqueue_indirect_dma source(%dma_start3A_2817 : memref<96x128xf32, #tpu.memory_space<vmem>>) target(%dma_start3A_2823 : memref<9600x128xf32, #tpu.memory_space<vmem_shared>>) offsets(%dma_start3A_2820 : memref<96xi32, #tpu.memory_space<vmem>>) semaphore(%arg12 : memref<!tpu.dma_semaphore, #tpu.memory_space<semaphore_mem>>) {add = true}
    %dma_wait3A_2824 = arith.constant 2 : i32
    %dma_wait3A_2825 = arith.constant 0 : i32
    %dma_wait3A_2826 = arith.constant 0 : i32
    %dma_wait3A_2827 = tpu.memref_slice %arg5[%dma_wait3A_2825, %dma_wait3A_2826] : memref<200x128xf32, #tpu.memory_space<vmem>> -> memref<104x128xf32, #tpu.memory_space<vmem>>
    %dma_wait3A_2828 = arith.constant 0 : i32
    %dma_wait3A_2829 = tpu.memref_slice %arg6[%dma_wait3A_2824, %dma_wait3A_2828] : memref<3x104xi32, #tpu.memory_space<vmem>> -> memref<1x104xi32, #tpu.memory_space<vmem>>
    %dma_wait3A_2830 = tpu.memref_squeeze %dma_wait3A_2829 : memref<1x104xi32, #tpu.memory_space<vmem>> -> memref<104xi32, #tpu.memory_space<vmem>>
    %dma_wait3A_2831 = arith.constant 0 : i32
    %dma_wait3A_2832 = arith.constant 0 : i32
    %dma_wait3A_2833 = tpu.memref_slice %arg8[%dma_wait3A_2831, %dma_wait3A_2832] : memref<9600x128xf32, #tpu.memory_space<vmem_shared>> -> memref<9600x128xf32, #tpu.memory_space<vmem_shared>>
    tpu.wait_indirect_dma semaphore(%arg14 : memref<!tpu.dma_semaphore, #tpu.memory_space<semaphore_mem>>) src(%dma_wait3A_2827 : memref<104x128xf32, #tpu.memory_space<vmem>>) dst(%dma_wait3A_2833 : memref<9600x128xf32, #tpu.memory_space<vmem_shared>>)
    %dma_wait3A_2834 = arith.constant 2 : i32
    %dma_wait3A_2835 = arith.constant 104 : i32
    %dma_wait3A_2836 = arith.constant 0 : i32
    %dma_wait3A_2837 = tpu.memref_slice %arg5[%dma_wait3A_2835, %dma_wait3A_2836] : memref<200x128xf32, #tpu.memory_space<vmem>> -> memref<96x128xf32, #tpu.memory_space<vmem>>
    %dma_wait3A_2838 = arith.constant 0 : i32
    %dma_wait3A_2839 = tpu.memref_slice %arg7[%dma_wait3A_2834, %dma_wait3A_2838] : memref<3x96xi32, #tpu.memory_space<vmem>> -> memref<1x96xi32, #tpu.memory_space<vmem>>
    %dma_wait3A_2840 = tpu.memref_squeeze %dma_wait3A_2839 : memref<1x96xi32, #tpu.memory_space<vmem>> -> memref<96xi32, #tpu.memory_space<vmem>>
    %dma_wait3A_2841 = arith.constant 0 : i32
    %dma_wait3A_2842 = arith.constant 0 : i32
    %dma_wait3A_2843 = tpu.memref_slice %arg8[%dma_wait3A_2841, %dma_wait3A_2842] : memref<9600x128xf32, #tpu.memory_space<vmem_shared>> -> memref<9600x128xf32, #tpu.memory_space<vmem_shared>>
    tpu.wait_indirect_dma semaphore(%arg14 : memref<!tpu.dma_semaphore, #tpu.memory_space<semaphore_mem>>) src(%dma_wait3A_2837 : memref<96x128xf32, #tpu.memory_space<vmem>>) dst(%dma_wait3A_2843 : memref<9600x128xf32, #tpu.memory_space<vmem_shared>>)
    %add3A_2844 = arith.constant 400 : i32
    %add3A_2845 = arith.addi %mul3A_4, %add3A_2844 : i32
    %add3A_2846 = arith.constant 29 : i32
    %add3A_2847 = arith.addi %mul3A_2, %add3A_2846 : i32
    %dma_start3A_2848 = arith.constant 0 : i32
    %dma_start3A_2849 = arith.constant 0 : i32
    %dma_start3A_2850 = tpu.memref_slice %arg4[%add3A_2847, %dma_start3A_2848, %dma_start3A_2849] : memref<1024x200x128xf32, #tpu.memory_space<hbm>> -> memref<1x200x128xf32, #tpu.memory_space<hbm>>
    %dma_start3A_2851 = tpu.memref_squeeze %dma_start3A_2850 : memref<1x200x128xf32, #tpu.memory_space<hbm>> -> memref<200x128xf32, #tpu.memory_space<hbm>>
    %dma_start3A_2852 = arith.constant 0 : i32
    %dma_start3A_2853 = tpu.memref_slice %arg8[%add3A_2845, %dma_start3A_2852] : memref<9600x128xf32, #tpu.memory_space<vmem_shared>> -> memref<200x128xf32, #tpu.memory_space<vmem_shared>>
    tpu.enqueue_dma source(%dma_start3A_2853 : memref<200x128xf32, #tpu.memory_space<vmem_shared>>) target(%dma_start3A_2851 : memref<200x128xf32, #tpu.memory_space<hbm>>) target_semaphore(%arg17 : memref<!tpu.dma_semaphore, #tpu.memory_space<semaphore_mem>>)
    %add3A_2854 = arith.constant 200 : i32
    %add3A_2855 = arith.addi %mul3A_4, %add3A_2854 : i32
    %add3A_2856 = arith.constant 28 : i32
    %add3A_2857 = arith.addi %mul3A_2, %add3A_2856 : i32
    %dma_wait3A_2858 = arith.constant 0 : i32
    %dma_wait3A_2859 = arith.constant 0 : i32
    %dma_wait3A_2860 = tpu.memref_slice %arg4[%add3A_2857, %dma_wait3A_2858, %dma_wait3A_2859] : memref<1024x200x128xf32, #tpu.memory_space<hbm>> -> memref<1x200x128xf32, #tpu.memory_space<hbm>>
    %dma_wait3A_2861 = tpu.memref_squeeze %dma_wait3A_2860 : memref<1x200x128xf32, #tpu.memory_space<hbm>> -> memref<200x128xf32, #tpu.memory_space<hbm>>
    %dma_wait3A_2862 = arith.constant 0 : i32
    %dma_wait3A_2863 = tpu.memref_slice %arg8[%add3A_2855, %dma_wait3A_2862] : memref<9600x128xf32, #tpu.memory_space<vmem_shared>> -> memref<200x128xf32, #tpu.memory_space<vmem_shared>>
    tpu.wait_dma2 semaphore(%arg16 : memref<!tpu.dma_semaphore, #tpu.memory_space<semaphore_mem>>) src(%dma_wait3A_2863 : memref<200x128xf32, #tpu.memory_space<vmem_shared>>) dst(%dma_wait3A_2861 : memref<200x128xf32, #tpu.memory_space<hbm>>)
    %add3A_2864 = arith.constant 31 : i32
    %add3A_2865 = arith.addi %mul3A_2, %add3A_2864 : i32
    %add3A_2866 = arith.constant 200 : i32
    %add3A_2867 = arith.addi %mul3A_4, %add3A_2866 : i32
    %dma_start3A_2868 = arith.constant 0 : i32
    %dma_start3A_2869 = tpu.memref_slice %arg8[%add3A_2867, %dma_start3A_2868] : memref<9600x128xf32, #tpu.memory_space<vmem_shared>> -> memref<200x128xf32, #tpu.memory_space<vmem_shared>>
    %dma_start3A_2870 = arith.constant 0 : i32
    %dma_start3A_2871 = arith.constant 0 : i32
    %dma_start3A_2872 = tpu.memref_slice %arg2[%add3A_2865, %dma_start3A_2870, %dma_start3A_2871] : memref<1024x200x128xf32, #tpu.memory_space<hbm>> -> memref<1x200x128xf32, #tpu.memory_space<hbm>>
    %dma_start3A_2873 = tpu.memref_squeeze %dma_start3A_2872 : memref<1x200x128xf32, #tpu.memory_space<hbm>> -> memref<200x128xf32, #tpu.memory_space<hbm>>
    tpu.enqueue_dma source(%dma_start3A_2873 : memref<200x128xf32, #tpu.memory_space<hbm>>) target(%dma_start3A_2869 : memref<200x128xf32, #tpu.memory_space<vmem_shared>>) target_semaphore(%arg10 : memref<!tpu.dma_semaphore, #tpu.memory_space<semaphore_mem>>)
    %add3A_2874 = arith.constant 31 : i32
    %add3A_2875 = arith.addi %mul3A_2, %add3A_2874 : i32
    %add3A_2876 = arith.constant 200 : i32
    %add3A_2877 = arith.addi %mul3A_4, %add3A_2876 : i32
    %dma_wait3A_2878 = arith.constant 0 : i32
    %dma_wait3A_2879 = tpu.memref_slice %arg8[%add3A_2877, %dma_wait3A_2878] : memref<9600x128xf32, #tpu.memory_space<vmem_shared>> -> memref<200x128xf32, #tpu.memory_space<vmem_shared>>
    %dma_wait3A_2880 = arith.constant 0 : i32
    %dma_wait3A_2881 = arith.constant 0 : i32
    %dma_wait3A_2882 = tpu.memref_slice %arg2[%add3A_2875, %dma_wait3A_2880, %dma_wait3A_2881] : memref<1024x200x128xf32, #tpu.memory_space<hbm>> -> memref<1x200x128xf32, #tpu.memory_space<hbm>>
    %dma_wait3A_2883 = tpu.memref_squeeze %dma_wait3A_2882 : memref<1x200x128xf32, #tpu.memory_space<hbm>> -> memref<200x128xf32, #tpu.memory_space<hbm>>
    tpu.wait_dma2 semaphore(%arg10 : memref<!tpu.dma_semaphore, #tpu.memory_space<semaphore_mem>>) src(%dma_wait3A_2883 : memref<200x128xf32, #tpu.memory_space<hbm>>) dst(%dma_wait3A_2879 : memref<200x128xf32, #tpu.memory_space<vmem_shared>>)
    %dma_start3A_2884 = arith.constant 1 : i32
    %dma_start3A_2885 = arith.constant 0 : i32
    %dma_start3A_2886 = arith.constant 0 : i32
    %dma_start3A_2887 = tpu.memref_slice %arg5[%dma_start3A_2885, %dma_start3A_2886] : memref<200x128xf32, #tpu.memory_space<vmem>> -> memref<104x128xf32, #tpu.memory_space<vmem>>
    %dma_start3A_2888 = arith.constant 0 : i32
    %dma_start3A_2889 = tpu.memref_slice %arg6[%dma_start3A_2884, %dma_start3A_2888] : memref<3x104xi32, #tpu.memory_space<vmem>> -> memref<1x104xi32, #tpu.memory_space<vmem>>
    %dma_start3A_2890 = tpu.memref_squeeze %dma_start3A_2889 : memref<1x104xi32, #tpu.memory_space<vmem>> -> memref<104xi32, #tpu.memory_space<vmem>>
    %dma_start3A_2891 = arith.constant 0 : i32
    %dma_start3A_2892 = arith.constant 0 : i32
    %dma_start3A_2893 = tpu.memref_slice %arg8[%dma_start3A_2891, %dma_start3A_2892] : memref<9600x128xf32, #tpu.memory_space<vmem_shared>> -> memref<9600x128xf32, #tpu.memory_space<vmem_shared>>
    tpu.enqueue_indirect_dma source(%dma_start3A_2887 : memref<104x128xf32, #tpu.memory_space<vmem>>) target(%dma_start3A_2893 : memref<9600x128xf32, #tpu.memory_space<vmem_shared>>) offsets(%dma_start3A_2890 : memref<104xi32, #tpu.memory_space<vmem>>) semaphore(%arg13 : memref<!tpu.dma_semaphore, #tpu.memory_space<semaphore_mem>>) {add = true}
    %dma_start3A_2894 = arith.constant 1 : i32
    %dma_start3A_2895 = arith.constant 104 : i32
    %dma_start3A_2896 = arith.constant 0 : i32
    %dma_start3A_2897 = tpu.memref_slice %arg5[%dma_start3A_2895, %dma_start3A_2896] : memref<200x128xf32, #tpu.memory_space<vmem>> -> memref<96x128xf32, #tpu.memory_space<vmem>>
    %dma_start3A_2898 = arith.constant 0 : i32
    %dma_start3A_2899 = tpu.memref_slice %arg7[%dma_start3A_2894, %dma_start3A_2898] : memref<3x96xi32, #tpu.memory_space<vmem>> -> memref<1x96xi32, #tpu.memory_space<vmem>>
    %dma_start3A_2900 = tpu.memref_squeeze %dma_start3A_2899 : memref<1x96xi32, #tpu.memory_space<vmem>> -> memref<96xi32, #tpu.memory_space<vmem>>
    %dma_start3A_2901 = arith.constant 0 : i32
    %dma_start3A_2902 = arith.constant 0 : i32
    %dma_start3A_2903 = tpu.memref_slice %arg8[%dma_start3A_2901, %dma_start3A_2902] : memref<9600x128xf32, #tpu.memory_space<vmem_shared>> -> memref<9600x128xf32, #tpu.memory_space<vmem_shared>>
    tpu.enqueue_indirect_dma source(%dma_start3A_2897 : memref<96x128xf32, #tpu.memory_space<vmem>>) target(%dma_start3A_2903 : memref<9600x128xf32, #tpu.memory_space<vmem_shared>>) offsets(%dma_start3A_2900 : memref<96xi32, #tpu.memory_space<vmem>>) semaphore(%arg13 : memref<!tpu.dma_semaphore, #tpu.memory_space<semaphore_mem>>) {add = true}
    %dma_wait3A_2904 = arith.constant 0 : i32
    %dma_wait3A_2905 = arith.constant 0 : i32
    %dma_wait3A_2906 = arith.constant 0 : i32
    %dma_wait3A_2907 = tpu.memref_slice %arg5[%dma_wait3A_2905, %dma_wait3A_2906] : memref<200x128xf32, #tpu.memory_space<vmem>> -> memref<104x128xf32, #tpu.memory_space<vmem>>
    %dma_wait3A_2908 = arith.constant 0 : i32
    %dma_wait3A_2909 = tpu.memref_slice %arg6[%dma_wait3A_2904, %dma_wait3A_2908] : memref<3x104xi32, #tpu.memory_space<vmem>> -> memref<1x104xi32, #tpu.memory_space<vmem>>
    %dma_wait3A_2910 = tpu.memref_squeeze %dma_wait3A_2909 : memref<1x104xi32, #tpu.memory_space<vmem>> -> memref<104xi32, #tpu.memory_space<vmem>>
    %dma_wait3A_2911 = arith.constant 0 : i32
    %dma_wait3A_2912 = arith.constant 0 : i32
    %dma_wait3A_2913 = tpu.memref_slice %arg8[%dma_wait3A_2911, %dma_wait3A_2912] : memref<9600x128xf32, #tpu.memory_space<vmem_shared>> -> memref<9600x128xf32, #tpu.memory_space<vmem_shared>>
    tpu.wait_indirect_dma semaphore(%arg12 : memref<!tpu.dma_semaphore, #tpu.memory_space<semaphore_mem>>) src(%dma_wait3A_2907 : memref<104x128xf32, #tpu.memory_space<vmem>>) dst(%dma_wait3A_2913 : memref<9600x128xf32, #tpu.memory_space<vmem_shared>>)
    %dma_wait3A_2914 = arith.constant 0 : i32
    %dma_wait3A_2915 = arith.constant 104 : i32
    %dma_wait3A_2916 = arith.constant 0 : i32
    %dma_wait3A_2917 = tpu.memref_slice %arg5[%dma_wait3A_2915, %dma_wait3A_2916] : memref<200x128xf32, #tpu.memory_space<vmem>> -> memref<96x128xf32, #tpu.memory_space<vmem>>
    %dma_wait3A_2918 = arith.constant 0 : i32
    %dma_wait3A_2919 = tpu.memref_slice %arg7[%dma_wait3A_2914, %dma_wait3A_2918] : memref<3x96xi32, #tpu.memory_space<vmem>> -> memref<1x96xi32, #tpu.memory_space<vmem>>
    %dma_wait3A_2920 = tpu.memref_squeeze %dma_wait3A_2919 : memref<1x96xi32, #tpu.memory_space<vmem>> -> memref<96xi32, #tpu.memory_space<vmem>>
    %dma_wait3A_2921 = arith.constant 0 : i32
    %dma_wait3A_2922 = arith.constant 0 : i32
    %dma_wait3A_2923 = tpu.memref_slice %arg8[%dma_wait3A_2921, %dma_wait3A_2922] : memref<9600x128xf32, #tpu.memory_space<vmem_shared>> -> memref<9600x128xf32, #tpu.memory_space<vmem_shared>>
    tpu.wait_indirect_dma semaphore(%arg12 : memref<!tpu.dma_semaphore, #tpu.memory_space<semaphore_mem>>) src(%dma_wait3A_2917 : memref<96x128xf32, #tpu.memory_space<vmem>>) dst(%dma_wait3A_2923 : memref<9600x128xf32, #tpu.memory_space<vmem_shared>>)
    %add3A_2924 = arith.constant 0 : i32
    %add3A_2925 = arith.addi %mul3A_4, %add3A_2924 : i32
    %add3A_2926 = arith.constant 30 : i32
    %add3A_2927 = arith.addi %mul3A_2, %add3A_2926 : i32
    %dma_start3A_2928 = arith.constant 0 : i32
    %dma_start3A_2929 = arith.constant 0 : i32
    %dma_start3A_2930 = tpu.memref_slice %arg4[%add3A_2927, %dma_start3A_2928, %dma_start3A_2929] : memref<1024x200x128xf32, #tpu.memory_space<hbm>> -> memref<1x200x128xf32, #tpu.memory_space<hbm>>
    %dma_start3A_2931 = tpu.memref_squeeze %dma_start3A_2930 : memref<1x200x128xf32, #tpu.memory_space<hbm>> -> memref<200x128xf32, #tpu.memory_space<hbm>>
    %dma_start3A_2932 = arith.constant 0 : i32
    %dma_start3A_2933 = tpu.memref_slice %arg8[%add3A_2925, %dma_start3A_2932] : memref<9600x128xf32, #tpu.memory_space<vmem_shared>> -> memref<200x128xf32, #tpu.memory_space<vmem_shared>>
    tpu.enqueue_dma source(%dma_start3A_2933 : memref<200x128xf32, #tpu.memory_space<vmem_shared>>) target(%dma_start3A_2931 : memref<200x128xf32, #tpu.memory_space<hbm>>) target_semaphore(%arg15 : memref<!tpu.dma_semaphore, #tpu.memory_space<semaphore_mem>>)
    %dma_wait3A_2934 = arith.constant 1 : i32
    %dma_wait3A_2935 = arith.constant 0 : i32
    %dma_wait3A_2936 = arith.constant 0 : i32
    %dma_wait3A_2937 = tpu.memref_slice %arg5[%dma_wait3A_2935, %dma_wait3A_2936] : memref<200x128xf32, #tpu.memory_space<vmem>> -> memref<104x128xf32, #tpu.memory_space<vmem>>
    %dma_wait3A_2938 = arith.constant 0 : i32
    %dma_wait3A_2939 = tpu.memref_slice %arg6[%dma_wait3A_2934, %dma_wait3A_2938] : memref<3x104xi32, #tpu.memory_space<vmem>> -> memref<1x104xi32, #tpu.memory_space<vmem>>
    %dma_wait3A_2940 = tpu.memref_squeeze %dma_wait3A_2939 : memref<1x104xi32, #tpu.memory_space<vmem>> -> memref<104xi32, #tpu.memory_space<vmem>>
    %dma_wait3A_2941 = arith.constant 0 : i32
    %dma_wait3A_2942 = arith.constant 0 : i32
    %dma_wait3A_2943 = tpu.memref_slice %arg8[%dma_wait3A_2941, %dma_wait3A_2942] : memref<9600x128xf32, #tpu.memory_space<vmem_shared>> -> memref<9600x128xf32, #tpu.memory_space<vmem_shared>>
    tpu.wait_indirect_dma semaphore(%arg13 : memref<!tpu.dma_semaphore, #tpu.memory_space<semaphore_mem>>) src(%dma_wait3A_2937 : memref<104x128xf32, #tpu.memory_space<vmem>>) dst(%dma_wait3A_2943 : memref<9600x128xf32, #tpu.memory_space<vmem_shared>>)
    %dma_wait3A_2944 = arith.constant 1 : i32
    %dma_wait3A_2945 = arith.constant 104 : i32
    %dma_wait3A_2946 = arith.constant 0 : i32
    %dma_wait3A_2947 = tpu.memref_slice %arg5[%dma_wait3A_2945, %dma_wait3A_2946] : memref<200x128xf32, #tpu.memory_space<vmem>> -> memref<96x128xf32, #tpu.memory_space<vmem>>
    %dma_wait3A_2948 = arith.constant 0 : i32
    %dma_wait3A_2949 = tpu.memref_slice %arg7[%dma_wait3A_2944, %dma_wait3A_2948] : memref<3x96xi32, #tpu.memory_space<vmem>> -> memref<1x96xi32, #tpu.memory_space<vmem>>
    %dma_wait3A_2950 = tpu.memref_squeeze %dma_wait3A_2949 : memref<1x96xi32, #tpu.memory_space<vmem>> -> memref<96xi32, #tpu.memory_space<vmem>>
    %dma_wait3A_2951 = arith.constant 0 : i32
    %dma_wait3A_2952 = arith.constant 0 : i32
    %dma_wait3A_2953 = tpu.memref_slice %arg8[%dma_wait3A_2951, %dma_wait3A_2952] : memref<9600x128xf32, #tpu.memory_space<vmem_shared>> -> memref<9600x128xf32, #tpu.memory_space<vmem_shared>>
    tpu.wait_indirect_dma semaphore(%arg13 : memref<!tpu.dma_semaphore, #tpu.memory_space<semaphore_mem>>) src(%dma_wait3A_2947 : memref<96x128xf32, #tpu.memory_space<vmem>>) dst(%dma_wait3A_2953 : memref<9600x128xf32, #tpu.memory_space<vmem_shared>>)
    %add3A_2954 = arith.constant 200 : i32
    %add3A_2955 = arith.addi %mul3A_4, %add3A_2954 : i32
    %add3A_2956 = arith.constant 31 : i32
    %add3A_2957 = arith.addi %mul3A_2, %add3A_2956 : i32
    %dma_start3A_2958 = arith.constant 0 : i32
    %dma_start3A_2959 = arith.constant 0 : i32
    %dma_start3A_2960 = tpu.memref_slice %arg4[%add3A_2957, %dma_start3A_2958, %dma_start3A_2959] : memref<1024x200x128xf32, #tpu.memory_space<hbm>> -> memref<1x200x128xf32, #tpu.memory_space<hbm>>
    %dma_start3A_2961 = tpu.memref_squeeze %dma_start3A_2960 : memref<1x200x128xf32, #tpu.memory_space<hbm>> -> memref<200x128xf32, #tpu.memory_space<hbm>>
    %dma_start3A_2962 = arith.constant 0 : i32
    %dma_start3A_2963 = tpu.memref_slice %arg8[%add3A_2955, %dma_start3A_2962] : memref<9600x128xf32, #tpu.memory_space<vmem_shared>> -> memref<200x128xf32, #tpu.memory_space<vmem_shared>>
    tpu.enqueue_dma source(%dma_start3A_2963 : memref<200x128xf32, #tpu.memory_space<vmem_shared>>) target(%dma_start3A_2961 : memref<200x128xf32, #tpu.memory_space<hbm>>) target_semaphore(%arg16 : memref<!tpu.dma_semaphore, #tpu.memory_space<semaphore_mem>>)
    %add3A_2964 = arith.constant 400 : i32
    %add3A_2965 = arith.addi %mul3A_4, %add3A_2964 : i32
    %add3A_2966 = arith.constant 29 : i32
    %add3A_2967 = arith.addi %mul3A_2, %add3A_2966 : i32
    %dma_wait3A_2968 = arith.constant 0 : i32
    %dma_wait3A_2969 = arith.constant 0 : i32
    %dma_wait3A_2970 = tpu.memref_slice %arg4[%add3A_2967, %dma_wait3A_2968, %dma_wait3A_2969] : memref<1024x200x128xf32, #tpu.memory_space<hbm>> -> memref<1x200x128xf32, #tpu.memory_space<hbm>>
    %dma_wait3A_2971 = tpu.memref_squeeze %dma_wait3A_2970 : memref<1x200x128xf32, #tpu.memory_space<hbm>> -> memref<200x128xf32, #tpu.memory_space<hbm>>
    %dma_wait3A_2972 = arith.constant 0 : i32
    %dma_wait3A_2973 = tpu.memref_slice %arg8[%add3A_2965, %dma_wait3A_2972] : memref<9600x128xf32, #tpu.memory_space<vmem_shared>> -> memref<200x128xf32, #tpu.memory_space<vmem_shared>>
    tpu.wait_dma2 semaphore(%arg17 : memref<!tpu.dma_semaphore, #tpu.memory_space<semaphore_mem>>) src(%dma_wait3A_2973 : memref<200x128xf32, #tpu.memory_space<vmem_shared>>) dst(%dma_wait3A_2971 : memref<200x128xf32, #tpu.memory_space<hbm>>)
    %add3A_2974 = arith.constant 0 : i32
    %add3A_2975 = arith.addi %mul3A_4, %add3A_2974 : i32
    %add3A_2976 = arith.constant 30 : i32
    %add3A_2977 = arith.addi %mul3A_2, %add3A_2976 : i32
    %dma_wait3A_2978 = arith.constant 0 : i32
    %dma_wait3A_2979 = arith.constant 0 : i32
    %dma_wait3A_2980 = tpu.memref_slice %arg4[%add3A_2977, %dma_wait3A_2978, %dma_wait3A_2979] : memref<1024x200x128xf32, #tpu.memory_space<hbm>> -> memref<1x200x128xf32, #tpu.memory_space<hbm>>
    %dma_wait3A_2981 = tpu.memref_squeeze %dma_wait3A_2980 : memref<1x200x128xf32, #tpu.memory_space<hbm>> -> memref<200x128xf32, #tpu.memory_space<hbm>>
    %dma_wait3A_2982 = arith.constant 0 : i32
    %dma_wait3A_2983 = tpu.memref_slice %arg8[%add3A_2975, %dma_wait3A_2982] : memref<9600x128xf32, #tpu.memory_space<vmem_shared>> -> memref<200x128xf32, #tpu.memory_space<vmem_shared>>
    tpu.wait_dma2 semaphore(%arg15 : memref<!tpu.dma_semaphore, #tpu.memory_space<semaphore_mem>>) src(%dma_wait3A_2983 : memref<200x128xf32, #tpu.memory_space<vmem_shared>>) dst(%dma_wait3A_2981 : memref<200x128xf32, #tpu.memory_space<hbm>>)
    %add3A_2984 = arith.constant 200 : i32
    %add3A_2985 = arith.addi %mul3A_4, %add3A_2984 : i32
    %add3A_2986 = arith.constant 31 : i32
    %add3A_2987 = arith.addi %mul3A_2, %add3A_2986 : i32
    %dma_wait3A_2988 = arith.constant 0 : i32
    %dma_wait3A_2989 = arith.constant 0 : i32
    %dma_wait3A_2990 = tpu.memref_slice %arg4[%add3A_2987, %dma_wait3A_2988, %dma_wait3A_2989] : memref<1024x200x128xf32, #tpu.memory_space<hbm>> -> memref<1x200x128xf32, #tpu.memory_space<hbm>>
    %dma_wait3A_2991 = tpu.memref_squeeze %dma_wait3A_2990 : memref<1x200x128xf32, #tpu.memory_space<hbm>> -> memref<200x128xf32, #tpu.memory_space<hbm>>
    %dma_wait3A_2992 = arith.constant 0 : i32
    %dma_wait3A_2993 = tpu.memref_slice %arg8[%add3A_2985, %dma_wait3A_2992] : memref<9600x128xf32, #tpu.memory_space<vmem_shared>> -> memref<200x128xf32, #tpu.memory_space<vmem_shared>>
    tpu.wait_dma2 semaphore(%arg16 : memref<!tpu.dma_semaphore, #tpu.memory_space<semaphore_mem>>) src(%dma_wait3A_2993 : memref<200x128xf32, #tpu.memory_space<vmem_shared>>) dst(%dma_wait3A_2991 : memref<200x128xf32, #tpu.memory_space<hbm>>)
    return
  }
}

</mosaic_0001>

<sc_bundles>
// kernel: kernel.3.cloned.1.call-start
scs
__scs_entry_jumppad:
0x0: {  	(pc) =	sbr.rel $0x88, $3  }
0x1: {  	(tag) =	ssettag $0x0;
	lr =	simm.s32 $0x1  }
0x2: {  	[smem:$0x3F9F] =	sst lr;
	_ =	strace $0xD0000000  }
0x3: {  	_ = 	snop  }
0x4: {  	_ = 	snop  }
0x5: {  	_ = 	snop  }
0x6: {  	_ = 	snop  }
0x7: {  	_ = 	snop  }
__scs_overlays_trampoline_lowered:
0x8: {  	[smem:$0x3FAE] =	sst s0  }
0x9: {  	[smem:$0x3FAF] =	sst s1  }
0xa: {  	[smem:$0x3FB0] =	sst s2  }
0xb: {  	[smem:$0x3FB1] =	sst s3  }
0xc: {  	[smem:$0x3FB2] =	sst s4  }
0xd: {  	[smem:$0x3FB3] =	sst s5  }
0xe: {  	[smem:$0x3FB4] =	sst s6  }
0xf: {  	[smem:$0x3FB5] =	sst s7  }
0x10: {  	[smem:$0x3FB6] =	sst s8  }
0x11: {  	[smem:$0x3FB7] =	sst s9;
	s0 =	simm.s32 @!p0 $0x0  }
0x12: {  	s1 =	sld [smem:$0x3F9D];
	s0 =	simm.s32 @p0 $0x1  }
0x13: {  	[smem:$0x3FB8] =	sst s0;
	s0 =	simm.s32 @!p1 $0x0  }
0x14: {  	s2 =	sld [smem:$0x3F9C];
	s0 =	simm.s32 @p1 $0x1  }
0x15: {  	[smem:$0x3FB9] =	sst s0;
	s0 =	simm.s32 @!p2 $0x0  }
0x16: {  	s3 =	sld [smem:$0x3FDB];
	s0 =	simm.s32 @p2 $0x1  }
0x17: {  	s4 =	simm.s32 $0x1BF5;
	[smem:$0x3FBB] =	sst s0  }
0x18: {  	s0 =	sld [smem:$0x3F9E];
	_ =	swait.ge [sflag:s4], $0x0  }
0x19: {  	s7 =	sld [smem:$0x3F9F]  }
0x1a: {  	s8 =	sadd.s32 $0xFFFFE003, lr  }
0x1b: {  	s9 =	sadd.s32 $0xFFFFFEF7, lr;
	s5 =	simm.s32 $0xFFFFFFFF;
	p2 =	slt.u32 s8, $0xFFFFF086  }
0x1c: {  	p1 =	slt.u32 s9, $0xF7A;
	s5 =	simm.s32 @!p2 $0x0  }
0x1d: {  	s5 =	simm.s32 @p1 $0x1;
	p0 =	seq.s32 s7, s2  }
0x1e: {  	s7 =	smul.u32 @!p0 $0xF7A, s2;
	p2 =	seq.s32 @!p0 s5, $0x0  }
0x1f: {  	s9 =	smul.u32 $0xF7A, s1;
	s8 =	simm.s32 @!p0 $0x1BF5;
	p2 =	por !p2, p0  }
0x20: {  	[sflag:s8] =	ssyncset.s32 @!p0 $0xFFFFF086;
	s6 =	sadd.s32 @!p0 s3, s7;
	s7 =	simm.s32 @!p0 $0x108  }
0x21: {  	s3 =	sadd.s32 s3, s9;
	s6 =	sadd.s32 @!p0 $0x88, s6;
	s7 =	simm.s32 @p2 $0x1082  }
0x22: {  	[simem:s7], [sflag:s8] =	dma.local @!p0 [hbm:s6], $0xF7A  }
0x23: {  	s9 =	sor.u32 $0xD0000000, s2;
	s6 =	simm.s32 $0x108;
	_ =	swait.ge @!p0 [sflag:s8], $0x0  }
0x24: {  	s3 =	sadd.s32 $0x88, s3;
	s6 =	simm.s32 @!p1 $0x1082;
	[sflag:s4] =	ssyncset.s32 $0xFFFFF086  }
0x25: {  	[simem:s6], [sflag:s4] =	dma.local [hbm:s3], $0xF7A  }
0x26: {  	[smem:$0x3F9F] =	sst s1;
	(tag) =	ssettag s2;
	_ =	strace s9  }
0x27: {  	s1 =	sld [smem:$0x3FAF]  }
0x28: {  	s2 =	sld [smem:$0x3FB0]  }
0x29: {  	s4 =	sld [smem:$0x3FB2]  }
0x2a: {  	p0 =	seq.s32 s5, $0x0;
	s5 =	sld [smem:$0x3FB3]  }
0x2b: {  	s6 =	sld [smem:$0x3FB4]  }
0x2c: {  	s7 =	sld [smem:$0x3FB5]  }
0x2d: {  	s3 =	simm.s32 $0x108;
	s8 =	sld [smem:$0x3FB6]  }
0x2e: {  	s3 =	simm.s32 @!p0 $0x1082;
	s9 =	sld [smem:$0x3FB7]  }
0x2f: {  	lr =	sadd.s32 s0, s3;
	s0 =	sld [smem:$0x3FAE]  }
0x30: {  	s3 =	sld [smem:$0x3FB1]  }
0x31: {  	[smem:$0x3FBA] =	sst s10  }
0x32: {  	s10 =	sld [smem:$0x3FB8];
	_ =	sdelay $0x3  }
0x33: {  	p0 =	seq.s32 s10, $0x1;
	s10 =	sld [smem:$0x3FBA];
	_ =	sdelay $0x3  }
0x34: {  	[smem:$0x3FBA] =	sst s10  }
0x35: {  	s10 =	sld [smem:$0x3FB9];
	_ =	sdelay $0x3  }
0x36: {  	p1 =	seq.s32 s10, $0x1;
	s10 =	sld [smem:$0x3FBA];
	_ =	sdelay $0x3  }
0x37: {  	[smem:$0x3FBA] =	sst s10  }
0x38: {  	s10 =	sld [smem:$0x3FBB]  }
0x39: {  	_ = 	snop;
	(pc) =	sbr.ind lr, $3  }
0x3a: {  	_ = 	snop  }
0x3b: {  	_ = 	snop  }
0x3c: {  	p2 =	seq.s32 s10, $0x1;
	s10 =	sld [smem:$0x3FBA]  }
0x3d: {  	_ =	shalt  }
0x3e: {  	_ =	shalt  }
0x3f: {  	_ =	shalt  }
0x40: {  	_ =	shalt  }
0x41: {  	_ =	shalt  }
0x42: {  	_ =	shalt  }
0x43: {  	_ =	shalt  }
0x44: {  	_ =	shalt  }
0x45: {  	_ =	shalt  }
0x46: {  	_ =	shalt  }
0x47: {  	_ =	shalt  }
0x48: {  	_ =	shalt  }
0x49: {  	_ =	shalt  }
0x4a: {  	_ =	shalt  }
0x4b: {  	_ =	shalt  }
0x4c: {  	_ =	shalt  }
0x4d: {  	_ =	shalt  }
0x4e: {  	_ =	shalt  }
0x4f: {  	_ =	shalt  }
0x50: {  	_ =	shalt  }
0x51: {  	_ =	shalt  }
0x52: {  	_ =	shalt  }
0x53: {  	_ =	shalt  }
0x54: {  	_ =	shalt  }
0x55: {  	_ =	shalt  }
0x56: {  	_ =	shalt  }
0x57: {  	_ =	shalt  }
0x58: {  	_ =	shalt  }
0x59: {  	_ =	shalt  }
0x5a: {  	_ =	shalt  }
0x5b: {  	_ =	shalt  }
0x5c: {  	_ =	shalt  }
0x5d: {  	_ =	shalt  }
0x5e: {  	_ =	shalt  }
0x5f: {  	_ =	shalt  }
0x60: {  	_ =	shalt  }
0x61: {  	_ =	shalt  }
0x62: {  	_ =	shalt  }
0x63: {  	_ =	shalt  }
0x64: {  	_ =	shalt  }
0x65: {  	_ =	shalt  }
0x66: {  	_ =	shalt  }
0x67: {  	_ =	shalt  }
0x68: {  	_ =	shalt  }
0x69: {  	_ =	shalt  }
0x6a: {  	_ =	shalt  }
0x6b: {  	_ =	shalt  }
0x6c: {  	_ =	shalt  }
0x6d: {  	_ =	shalt  }
0x6e: {  	_ =	shalt  }
0x6f: {  	_ =	shalt  }
0x70: {  	_ =	shalt  }
0x71: {  	_ =	shalt  }
0x72: {  	_ =	shalt  }
0x73: {  	_ =	shalt  }
0x74: {  	_ =	shalt  }
0x75: {  	_ =	shalt  }
0x76: {  	_ =	shalt  }
0x77: {  	_ =	shalt  }
0x78: {  	_ =	shalt  }
0x79: {  	_ =	shalt  }
0x7a: {  	_ =	shalt  }
0x7b: {  	_ =	shalt  }
0x7c: {  	_ =	shalt  }
0x7d: {  	_ =	shalt  }
0x7e: {  	_ =	shalt  }
0x7f: {  	_ =	shalt  }
0x80: {  	_ =	shalt  }
0x81: {  	_ =	shalt  }
0x82: {  	_ =	shalt  }
0x83: {  	_ =	shalt  }
0x84: {  	_ =	shalt  }
0x85: {  	_ =	shalt  }
0x86: {  	_ =	shalt  }
0x87: {  	_ =	shalt  }
.Lfunc_end0:
.L_simem_size_0:
called_computation_lowered:
.L_overlay_start_0:
0x88: {  	s2 =	sld [smem:$0x3FD9]  }
0x89: {  	s3 =	sld [smem:$0x3FFE];
	_ =	sdelay $0x1  }
0x8a: {  	s1 =	srdreg.scid  }
0x8b: {  	s0 =	sand.u32 $0x1, s1  }
0x8c: {  	s18 =	sshll.u32 s0, $0xA;
	s2 =	sadd.s32 s3, s2  }
0x8d: {  	s2 =	sadd.s32 s2, s18  }
0x8e: {  	[smem:$0x3FC6] =	sst s2  }
0x8f: {  	_ = 	snop  }
0x90: {  	s2 =	sld [smem:$0x3FC9]  }
0x91: {  	s19 =	sld [smem:$0x3FC8]  }
0x92: {  	s4 =	sld [smem:$0x3FD0];
	(tm) =	ssettm $0x1  }
0x93: {  	s5 =	sld [smem:$0x3FFB];
	_ =	sdelay $0x3  }
0x94: {  	_ =	strace s5  }
0x95: {  	s5 =	sld [smem:$0x3FFC];
	_ =	sdelay $0x3  }
0x96: {  	_ =	strace s5  }
0x97: {  	s5 =	sld [smem:$0x3FFD];
	_ =	sdelay $0x3  }
0x98: {  	_ =	strace s5  }
0x99: {  	_ =	strace $0x8FFFFFFF  }
0x9a: {  	s20 =	sld [smem:$0x3FDB];
	_ =	sdelay $0x1  }
0x9b: {  	s6 =	simm.s32 $_scs_section_size  }
0x9c: {  	s7 =	simm.s32 $_size__tile_overlayer_lowered;
	s8 =	simm.s32 $_tile_overlayer_lowered  }
0x9d: {  	s23 =	simm.s32 $0x1BFF;
	s22 =	sshll.u32 s8, $0x1;
	s5 =	sadd.s32 s6, s20  }
0x9e: {  	s9 =	simm.s32 $0x0;
	s21 =	sshll.u32 s7, $0x1;
	s7 =	sadd.s32 s22, s5  }
0x9f: {  	[timem:s9], [sflag:s23] =	dma.local [hbm:s7], s21  }
0xa0: {  	_ =	swait.ge [sflag:s23], s21  }
0xa1: {  	s6 =	ssub.s32 $0x0, s21;
	[sflag:s23] =	ssyncset.done $0x0  }
0xa2: {  	[sflag:s23] =	ssyncadd.s32 s6;
	_ =	sdelay $0x1  }
0xa3: {  	s24 =	simm.s32 $0x1B8B  }
0xa4: {  	_ =	swait.ge [sflag:s24], $0x1  }
0xa5: {  	[sflag:s24] =	ssyncset.done $0x0  }
0xa6: {  	s25 =	simm.s32 $0x1B8E;
	[sflag:s24] =	ssyncadd.s32 $0xFFFFFFFF  }
0xa7: {  	s26 =	simm.s32 $execute0_lowered;
	[smem:$0x3FD2] =	sst s25  }
0xa8: {  	s6 =	sshll.u32 s26, $0x1;
	_ =	strace $0x80000046;
	[dreg:$0x1] =	wrdreg $0xFFFFFFFF  }
0xa9: {  	s28 =	simm.s32 $_size_execute0_lowered;
	s5 =	sadd.s32 s5, s6;
	[dreg:$0x0] =	wrdreg $0x0  }
0xaa: {  	s6 =	sshll.u32 s28, $0x1;
	[dreg:$0x2] =	wrdreg s5  }
0xab: {  	[dreg:$0x3] =	wrdreg s6  }
0xac: {  	[dreg:$0x4] =	wrdreg $0xC0  }
0xad: {  	_ =	task [dreg:s9], $0x5FFFF  }
0xae: {  	[dreg:$0x1] =	wrdreg $0xFFFFFFFF  }
0xaf: {  	[dreg:$0x0] =	wrdreg $0x60  }
0xb0: {  	[dreg:$0x2] =	wrdreg s2  }
0xb1: {  	[dreg:$0x3] =	wrdreg s19  }
0xb2: {  	[dreg:$0x4] =	wrdreg s4  }
0xb3: {  	[dreg:$0x5] =	wrdreg $0x68000  }
0xb4: {  	[dreg:$0x6] =	wrdreg $0x9  }
0xb5: {  	_ =	task.clear_ibuf [dreg:s9], $0x7FFFF;
	_ =	strace $0x90000046  }
0xb6: {  	s29 =	simm.s32 $0x9;
	_ =	strace $0x80000048  }
0xb7: {  	_ =	swait.ge [sflag:s29], $0x1  }
0xb8: {  	[sflag:s29] =	ssyncadd.s32 $0xFFFFFFFF  }
0xb9: {  	_ =	strace $0x90000048  }
0xba: {  	_ =	sfence  }
0xbb: {  	s30 =	sld [smem:$0x0];
	_ =	sdelay $0x2  }
0xbc: {  	s31 =	sshll.u32 s1, $0xD;
	s1 =	sshrl.u32 s1, $0x2  }
0xbd: {  	s3 =	sand.u32 $0x4000, s31;
	s1 =	sadd.s32 s1, s30  }
0xbe: {  	s0 =	sor.u32 s3, s0;
	s1 =	sshll.u32 s1, $0x11  }
0xbf: {  	s0 =	sor.u32 s1, s0  }
0xc0: {  	s0 =	sadd.s32 $0x8F2B, s0  }
0xc1: {  	[sflag:s0] =	ssyncadd.remote.s32 $0x1  }
0xc2: {  	_ =	sfence.sel $0xFFFF  }
0xc3: {  	[dreg:$0x0] =	wrdreg $0xFFFFFFFF;
	(pc) =	sbr.abs _section_cstart, $3  }
0xc4: {  	[dreg:$0x1] =	wrdreg $0xFFFFFFFF  }
0xc5: {  	_ =	task.clear_ibuf [dreg:s9], $0x2FFFF;
	_ =	strace $0x9FFFFFFF  }
0xc6: {  	(tm) =	ssettm $0x7FFFFFFF  }
0xc7: {  	_ =	shalt  }
tec
execute0_lowered:
.L_overlay_start_1:
0x0: {  	(tag) =	ssettag $0x1  }
0x1: {  	s1 =	rddreg [dreg:$0x0]  }
0x2: {  	s0 =	rddreg [dreg:$0x1];
	s2 =	srdreg.scid  }
0x3: {  	s30 =	stileid.u32;
	s3 =	rddreg [dreg:$0x3];
	s6 =	sand.u32 $0x1, s2  }
0x4: {  	[dreg:$0x5] =	wrdreg s0;
	s18 =	sshll.u32 s30, $0x6;
	s4 =	sshll.u32 s6, $0x5  }
0x5: {  	s0 =	rddreg [dreg:$0x2];
	s5 =	sor.u32 s4, s18  }
0x6: {  	[smem:$0x7CE] =	sst s18;
	s4 =	simm.s32 $0x0;
	s7 =	smul.u32 $0xC80, s5  }
0x7: {  	[smem:$0x7FF] =	sst s4  }
0x8: {  	s5 =	smul.u32 $0x6400, s5;
	_ =	strace $0x80000047;
	s8 =	sadd.s32 s1, s7  }
0x9: {  	s9 =	sor.u32 $0xC80, s7;
	s7 =	sadd.s32 s0, s7;
	[dreg:$0x6] =	wrdreg s8  }
0xa: {  	s5 =	sshrl.u32 s5, $0x3;
	s19 =	sadd.s32 s1, s9;
	[dreg:$0x9] =	wrdreg s7  }
0xb: {  	s10 =	sadd.s32 $0x1900, s5;
	s21 =	sadd.s32 s0, s9;
	[dreg:$0x7] =	wrdreg s19  }
0xc: {  	s22 =	sadd.s32 $0x2580, s5;
	s20 =	sadd.s32 s1, s10;
	[dreg:$0xa] =	wrdreg s21  }
0xd: {  	s23 =	sadd.s32 s1, s22;
	[dreg:$0x8] =	wrdreg s20  }
0xe: {  	s25 =	sadd.s32 $0x3200, s5;
	s24 =	sadd.s32 s0, s10;
	[dreg:$0xb] =	wrdreg s23  }
0xf: {  	s26 =	sadd.s32 s1, s25;
	[dreg:$0xc] =	wrdreg s24  }
0x10: {  	s31 =	sadd.s32 $0x3E80, s5;
	s29 =	sadd.s32 s0, s22;
	[dreg:$0xd] =	wrdreg s26  }
0x11: {  	s2 =	sadd.s32 s1, s31;
	[dreg:$0xe] =	wrdreg s29  }
0x12: {  	s9 =	sadd.s32 s0, s25;
	[dreg:$0xf] =	wrdreg s2  }
0x13: {  	s13 =	sadd.s32 $0x5780, s5;
	s12 =	sadd.s32 s0, s31;
	[dreg:$0x10] =	wrdreg s9  }
0x14: {  	s16 =	sadd.s32 $0x6400, s5;
	s14 =	sadd.s32 s1, s13;
	[dreg:$0x12] =	wrdreg s12  }
0x15: {  	s17 =	sadd.s32 s1, s16;
	[dreg:$0x13] =	wrdreg s14  }
0x16: {  	s18 =	sadd.s32 s0, s13;
	[dreg:$0x15] =	wrdreg s17  }
0x17: {  	s10 =	sadd.s32 $0x4B00, s5;
	s21 =	sadd.s32 s0, s16;
	[dreg:$0x16] =	wrdreg s18  }
0x18: {  	s11 =	sadd.s32 s1, s10;
	[dreg:$0x18] =	wrdreg s21  }
0x19: {  	s19 =	sadd.s32 $0x7080, s5;
	s15 =	sadd.s32 s0, s10;
	[dreg:$0x11] =	wrdreg s11  }
0x1a: {  	s22 =	sadd.s32 $0x7D00, s5;
	s20 =	sadd.s32 s1, s19;
	[dreg:$0x14] =	wrdreg s15  }
0x1b: {  	s23 =	sadd.s32 s1, s22;
	[dreg:$0x17] =	wrdreg s20  }
0x1c: {  	s25 =	sadd.s32 $0x8980, s5;
	s24 =	sadd.s32 s0, s19;
	[dreg:$0x19] =	wrdreg s23  }
0x1d: {  	s26 =	sadd.s32 s1, s25;
	[dreg:$0x1a] =	wrdreg s24  }
0x1e: {  	s31 =	sadd.s32 $0x9600, s5;
	s29 =	sadd.s32 s0, s22;
	[dreg:$0x1b] =	wrdreg s26  }
0x1f: {  	s2 =	sadd.s32 s1, s31;
	[dreg:$0x1c] =	wrdreg s29  }
0x20: {  	s6 =	ssub.s32 $0x2, s6;
	s8 =	sadd.s32 s0, s25;
	[dreg:$0x1d] =	wrdreg s2  }
0x21: {  	s13 =	sadd.s32 $0xAF00, s5;
	s12 =	sadd.s32 s0, s31;
	[dreg:$0x1e] =	wrdreg s8  }
0x22: {  	s16 =	sadd.s32 $0xBB80, s5;
	s14 =	sadd.s32 s1, s13;
	[smem:$0x7CF] =	sst s12  }
0x23: {  	s7 =	smul.u32 $0x258, s30;
	s17 =	sadd.s32 s1, s16;
	[smem:$0x7D0] =	sst s14  }
0x24: {  	s10 =	sadd.s32 $0xA280, s5;
	s18 =	sadd.s32 s0, s13;
	[smem:$0x7D2] =	sst s17  }
0x25: {  	s19 =	sadd.s32 $0xC800, s5;
	s22 =	sadd.s32 s0, s16;
	[smem:$0x7D3] =	sst s18  }
0x26: {  	s25 =	sadd.s32 $0xE100, s5;
	s31 =	sadd.s32 $0x10, s7;
	[smem:$0x7D5] =	sst s22  }
0x27: {  	s13 =	sadd.s32 $0x10680, s5;
	s11 =	sadd.s32 s1, s10;
	[smem:$0x7F5] =	sst s31  }
0x28: {  	s28 =	sadd.s32 $0x150, s7;
	s15 =	sadd.s32 s0, s10;
	[dreg:$0x1f] =	wrdreg s11  }
0x29: {  	s20 =	sshrl.u32 s6, $0x1;
	s21 =	sadd.s32 s1, s19;
	[smem:$0x7D1] =	sst s15  }
0x2a: {  	s23 =	sadd.s32 $0xD480, s5;
	s9 =	sadd.s32 s0, s19;
	[smem:$0x7D4] =	sst s21  }
0x2b: {  	s26 =	sadd.s32 s1, s25;
	s10 =	sadd.s32 s0, s25;
	[smem:$0x7D7] =	sst s9  }
0x2c: {  	s12 =	sadd.s32 $0xFA00, s5;
	s8 =	sadd.s32 $0x20, s7;
	[smem:$0x7D8] =	sst s26  }
0x2d: {  	s14 =	sadd.s32 s1, s13;
	s13 =	sadd.s32 s0, s13;
	[smem:$0x7F6] =	sst s8  }
0x2e: {  	v38 =	vlaneseq.u32;
	s22 =	sadd.s32 $0x15E00, s5;
	s25 =	sadd.s32 $0x16A80, s5;
	[smem:$0x7DB] =	sst s10  }
0x2f: {  	s31 =	sadd.s32 $0x17700, s5;
	v22 =	vadd.s32 s28, v38;
	s28 =	simm.s32 $0x9;
	[smem:$0x7DE] =	sst s14  }
0x30: {  	s2 =	ssub.s32 s6, s20;
	s24 =	sadd.s32 s1, s23;
	[smem:$0x7E1] =	sst s13  }
0x31: {  	s29 =	sadd.s32 s0, s23;
	s11 =	sadd.s32 $0xED80, s5;
	[smem:$0x7D6] =	sst s24  }
0x32: {  	s9 =	sadd.s32 s1, s12;
	s10 =	sadd.s32 $0x30, s7;
	[smem:$0x7D9] =	sst s29  }
0x33: {  	s12 =	sadd.s32 s0, s12;
	s14 =	sadd.s32 $0x11300, s5;
	[smem:$0x7DC] =	sst s9  }
0x34: {  	s23 =	sadd.s32 s1, s22;
	s26 =	sadd.s32 s1, s25;
	[smem:$0x7F7] =	sst s10  }
0x35: {  	s8 =	sadd.s32 s1, s31;
	s13 =	sadd.s32 s0, s25;
	[smem:$0x7DF] =	sst s12  }
0x36: {  	s25 =	sadd.s32 $0x130, s7;
	s6 =	sadd.s32 s1, s11;
	[smem:$0x7EC] =	sst s23  }
0x37: {  	s11 =	sadd.s32 s0, s11;
	s15 =	sadd.s32 s1, s14;
	[smem:$0x7EE] =	sst s26  }
0x38: {  	s12 =	sadd.s32 $0x50, s7;
	s14 =	sadd.s32 s0, s14;
	[smem:$0x7F0] =	sst s8  }
0x39: {  	s9 =	sadd.s32 $0x58, s7;
	s10 =	sadd.s32 $0x88, s7;
	[smem:$0x7F1] =	sst s13  }
0x3a: {  	s29 =	sadd.s32 s0, s22;
	s22 =	sadd.s32 $0xB8, s7;
	[smem:$0x7DA] =	sst s6  }
0x3b: {  	s23 =	sadd.s32 $0xF8, s7;
	s8 =	sadd.s32 $0x120, s7;
	[smem:$0x7DD] =	sst s11  }
0x3c: {  	s26 =	sadd.s32 $0x140, s7;
	s13 =	sadd.s32 $0x170, s7;
	[smem:$0x7E0] =	sst s15  }
0x3d: {  	s2 =	smax.u32 s2, $0x1;
	s11 =	sadd.s32 $0x40, s7;
	[smem:$0x7E3] =	sst s14  }
0x3e: {  	s15 =	sadd.s32 $0x11F80, s5;
	[smem:$0x7EF] =	sst s29;
	v5 =	vadd.s32 s9, v38;
	s9 =	sadd.s32 $0x208, s7  }
0x3f: {  	s14 =	sadd.s32 $0x68, s7;
	s16 =	sadd.s32 s1, s15;
	[smem:$0x7FC] =	sst s9  }
0x40: {  	s6 =	sadd.s32 $0x98, s7;
	s15 =	sadd.s32 s0, s15;
	[smem:$0x7E2] =	sst s16  }
0x41: {  	s29 =	sadd.s32 $0x160, s7;
	v3 =	vadd.s32 s11, v38;
	s11 =	sadd.s32 $0x238, s7;
	[smem:$0x7E5] =	sst s15  }
0x42: {  	v4 =	vadd.s32 s12, v38;
	s12 =	sadd.s32 $0x1F8, s7;
	s16 =	sadd.s32 $0x12C00, s5;
	[smem:$0x7FD] =	sst s11  }
0x43: {  	v8 =	vadd.s32 s10, v38;
	s10 =	simm.s32 $0x1;
	v23 =	vadd.s32 s29, v38;
	s29 =	sld [smem:$0x7FC];
	s17 =	sadd.s32 s1, s16  }
0x44: {  	v24 =	vadd.s32 s13, v38;
	s13 =	simm.s32 $0x60;
	s16 =	sadd.s32 s0, s16;
	[smem:$0x7E4] =	sst s17  }
0x45: {  	s9 =	sadd.s32 $0x218, s7;
	[smem:$0x7E7] =	sst s16;
	s16 =	sadd.s32 s0, s31  }
0x46: {  	s17 =	sadd.s32 $0x13880, s5;
	s31 =	sadd.s32 $0x180, s7;
	[smem:$0x7F3] =	sst s16  }
0x47: {  	v6 =	vadd.s32 s14, v38;
	s14 =	sadd.s32 $0x228, s7;
	s18 =	sadd.s32 s1, s17;
	v25 =	vadd.s32 s31, v38;
	s31 =	sld [smem:$0x7FD]  }
0x48: {  	s17 =	sadd.s32 s0, s17;
	[smem:$0x7E6] =	sst s18;
	s18 =	sadd.s32 $0x14500, s5  }
0x49: {  	v33 =	vadd.s32 s12, v38;
	s12 =	simm.s32 $0x6700;
	[smem:$0x7E9] =	sst s17;
	s19 =	sadd.s32 s1, s18  }
0x4a: {  	s21 =	sadd.s32 s0, s18;
	[smem:$0x7E8] =	sst s19;
	s19 =	sadd.s32 $0x15180, s5  }
0x4b: {  	s5 =	sadd.s32 $0x18380, s5;
	s20 =	sadd.s32 s1, s19;
	s24 =	sadd.s32 s0, s19  }
0x4c: {  	s1 =	sadd.s32 s1, s5;
	s0 =	sadd.s32 s0, s5;
	s5 =	sld [smem:$0x7F5]  }
0x4d: {  	s15 =	sadd.s32 $0x78, s7;
	s11 =	simm.s32 $0x68;
	[smem:$0x7EB] =	sst s21  }
0x4e: {  	v36 =	vadd.s32 s14, v38;
	s14 =	simm.s32 $0x6400;
	s16 =	sadd.s32 $0x1B0, s7;
	[smem:$0x7EA] =	sst s20  }
0x4f: {  	s17 =	sadd.s32 $0xD8, s7;
	v28 =	vadd.s32 s16, v38;
	s16 =	simm.s32 $0x2;
	v0 =	vadd.s32 s5, v38;
	s5 =	sld [smem:$0x7F6]  }
0x50: {  	s18 =	sadd.s32 $0xE8, s7;
	s21 =	sadd.s32 $0xA8, s7;
	[smem:$0x7ED] =	sst s24  }
0x51: {  	v15 =	vadd.s32 s18, v38;
	s18 =	simm.s32 $0x6480;
	s19 =	sadd.s32 $0xC8, s7;
	[smem:$0x7F2] =	sst s1  }
0x52: {  	s1 =	sadd.s32 $0x108, s7;
	s24 =	sadd.s32 $0x118, s7;
	v1 =	vadd.s32 s5, v38;
	s5 =	sld [smem:$0x7F7]  }
0x53: {  	[smem:$0x7F4] =	sst s0;
	s0 =	sadd.s32 $0x190, s7;
	s20 =	sadd.s32 $0x1A0, s7  }
0x54: {  	v7 =	vadd.s32 s15, v38;
	s15 =	sshll.u32 s19, $0x7;
	[smem:$0x7F8] =	sst s20;
	s20 =	sadd.s32 $0x1C0, s7  }
0x55: {  	v16 =	vadd.s32 s23, v38;
	v13 =	vadd.s32 s19, v38;
	s19 =	sadd.s32 s15, s3;
	s23 =	sld [smem:$0x7F8];
	v2 =	vadd.s32 s5, v38;
	s5 =	sadd.s32 $0x1D0, s7  }
0x56: {  	v10 =	vadd.s32 s21, v38;
	s21 =	sshll.u32 s0, $0x7;
	[smem:$0x7F9] =	sst s5;
	s5 =	sadd.s32 $0x1E0, s7  }
0x57: {  	v12 =	vadd.s32 s22, v38;
	s15 =	simm.s32 $0x3400;
	s22 =	sadd.s32 s21, s3;
	[smem:$0x7FA] =	sst s5  }
0x58: {  	v18 =	vadd.s32 s24, v38;
	v29 =	vadd.s32 s20, v38;
	s20 =	simm.s32 $0x3;
	s5 =	sadd.s32 $0x1E8, s7;
	s24 =	sld [smem:$0x7F9]  }
0x59: {  	v19 =	vadd.s32 s8, v38;
	s8 =	sshrl.u32 s22, $0x3;
	s22 =	simm.s32 $0x6500;
	[smem:$0x7FB] =	sst s5  }
0x5a: {  	v11 =	vadd.s32 s7, v38;
	v20 =	vadd.s32 s25, v38;
	v27 =	vadd.s32 s23, v38;
	s23 =	simm.s32 $0x5;
	s5 =	smul.u32 $0x4B000, s30;
	s25 =	sld [smem:$0x7FA]  }
0x5b: {  	v21 =	vadd.s32 s26, v38;
	v9 =	vadd.s32 s6, v38;
	v35 =	vadd.s32 s9, v38;
	s30 =	sadd.s32 $0x248, s7;
	s7 =	sshrl.u32 s19, $0x3;
	s26 =	sld [smem:$0x7FB]  }
0x5c: {  	v34 =	vadd.s32 s29, v38;
	v14 =	vadd.s32 s17, v38;
	s19 =	simm.s32 $0x4;
	s5 =	sshrl.u32 s5, $0x2;
	v30 =	vadd.s32 s24, v38;
	s24 =	simm.s32 $0x7  }
0x5d: {  	v37 =	vadd.s32 s31, v38;
	v17 =	vadd.s32 s1, v38;
	s17 =	sadd.s32 s5, s3;
	v31 =	vadd.s32 s25, v38;
	s25 =	simm.s32 $0x6;
	s5 =	simm.s32 $0x6680  }
0x5e: {  	v26 =	vadd.s32 s0, v38;
	s6 =	sshrl.u32 s17, $0x3;
	v32 =	vadd.s32 s26, v38;
	v38 =	vadd.s32 s30, v38;
	s26 =	simm.s32 $0x8;
	s17 =	simm.s32 $0x6600  }
.LBB2_1:
0x5f: {  	[smem:$0x7CD] =	sst s2  }
0x60: {  	s0 =	rddreg [dreg:$0x5];
	s1 =	simm.s32 $0xA  }
0x61: {  	[tilespmem:s4], [sflag:$0xA] =	stream.linear.gather [hbm4b:s0+s4], $0x6400, $0x38;
	[tilespmem:$0x19400] =	vst v63  }
0x62: {  	_ =	swait.ge [sflag:s1], $0x6400  }
0x63: {  	[sflag:s1] =	ssyncset.done $0x0  }
0x64: {  	[sflag:s1] =	ssyncadd.s32 $0xFFFF9C00  }
0x65: {  	[tilespmem:$0x6400] =	vst v11  }
0x66: {  	[tilespmem:$0x6410] =	vst v0  }
0x67: {  	[tilespmem:$0x6420] =	vst v1  }
0x68: {  	[tilespmem:$0x6430] =	vst v2  }
0x69: {  	[tilespmem:$0x6440] =	vst v3  }
0x6a: {  	[tilespmem:$0x6450] =	vst v4  }
0x6b: {  	[tilespmem:$0x6600] =	vst v6  }
0x6c: {  	[tilespmem:$0x6610] =	vst v7  }
0x6d: {  	[tilespmem:$0x6620] =	vst v8  }
0x6e: {  	[tilespmem:$0x6630] =	vst v9  }
0x6f: {  	[tilespmem:$0x6640] =	vst v10  }
0x70: {  	[tilespmem:$0x6650] =	vst v12  }
0x71: {  	[tilespmem:$0x6480] =	vst v13  }
0x72: {  	[tilespmem:$0x6490] =	vst v14  }
0x73: {  	[tilespmem:$0x64A0] =	vst v15  }
0x74: {  	[tilespmem:$0x64B0] =	vst v16  }
0x75: {  	[tilespmem:$0x64C0] =	vst v17  }
0x76: {  	[tilespmem:$0x64D0] =	vst v18  }
0x77: {  	[tilespmem:$0x6680] =	vst v20  }
0x78: {  	[tilespmem:$0x6690] =	vst v21  }
0x79: {  	[tilespmem:$0x66A0] =	vst v22  }
0x7a: {  	[tilespmem:$0x66B0] =	vst v23  }
0x7b: {  	[tilespmem:$0x66C0] =	vst v24  }
0x7c: {  	[tilespmem:$0x66D0] =	vst v25  }
0x7d: {  	[tilespmem:$0x6500] =	vst v26  }
0x7e: {  	[tilespmem:$0x6510] =	vst v27  }
0x7f: {  	[tilespmem:$0x6520] =	vst v28  }
0x80: {  	[tilespmem:$0x6530] =	vst v29  }
0x81: {  	[tilespmem:$0x6540] =	vst v30  }
0x82: {  	[tilespmem:$0x6550] =	vst v31  }
0x83: {  	[tilespmem:$0x6700] =	vst v33  }
0x84: {  	[tilespmem:$0x6710] =	vst v34  }
0x85: {  	[tilespmem:$0x6720] =	vst v35  }
0x86: {  	[tilespmem:$0x6730] =	vst v36  }
0x87: {  	[tilespmem:$0x6740] =	vst v37  }
0x88: {  	s21 =	sld [smem:$0x7CE];
	[tilespmem:$0x6750] =	vst v38  }
0x89: {  	[tilespmem:$0x6458] =	vst v5  }
0x8a: {  	[tilespmem:$0x64D8] =	vst v19  }
0x8b: {  	s2 =	rddreg [dreg:$0x6];
	[tilespmem:$0x6558] =	vst v32;
	s31 =	sor.u32 $0x1C01, s21  }
0x8c: {  	[spmem:s6], [sflag:s31] =	dma.local [hbm:s2], $0xC80  }
0x8d: {  	s29 =	sor.u32 $0x1C02, s21;
	s0 =	rddreg [dreg:$0x7]  }
0x8e: {  	[spmem:s7], [sflag:s29] =	dma.local [hbm:s0], $0xC80  }
0x8f: {  	s0 =	sor.u32 $0x1C03, s21;
	s1 =	rddreg [dreg:$0x8]  }
0x90: {  	[spmem:s8], [sflag:s0] =	dma.local [hbm:s1], $0xC80  }
0x91: {  	_ =	swait.ge [sflag:s10], $0xC80  }
0x92: {  	[sflag:s10] =	ssyncset.done $0x0  }
0x93: {  	[sflag:s10] =	ssyncadd.s32 $0xFFFFF380  }
0x94: {  	[spmem:s3] =	stream.indirect.scatter.add.f32 [tilespmem:s4], [sflag:$0x4], $0x80, s14, s11, $0xb8;
	[tilespmem:$0x19400] =	vst v63  }
0x95: {  	_ = 	snop  }
0x96: {  	[spmem:s3] =	stream.indirect.scatter.add.f32 [tilespmem:s15], [sflag:$0x4], $0x80, s17, s13, $0xb8;
	[tilespmem:$0x19400] =	vst v63  }
0x97: {  	_ =	swait.ge [sflag:s16], $0xC80  }
0x98: {  	[sflag:s16] =	ssyncset.done $0x0  }
0x99: {  	[sflag:s16] =	ssyncadd.s32 $0xFFFFF380  }
0x9a: {  	[spmem:s3] =	stream.indirect.scatter.add.f32 [tilespmem:s4], [sflag:$0x5], $0x80, s18, s11, $0xb8;
	[tilespmem:$0x19400] =	vst v63  }
0x9b: {  	_ = 	snop  }
0x9c: {  	[spmem:s3] =	stream.indirect.scatter.add.f32 [tilespmem:s15], [sflag:$0x5], $0x80, s5, s13, $0xb8;
	[tilespmem:$0x19400] =	vst v63  }
0x9d: {  	_ =	swait.ge [sflag:s19], $0x3400  }
0x9e: {  	[sflag:s19] =	ssyncset.done $0x0  }
0x9f: {  	[sflag:s19] =	ssyncadd.s32 $0xFFFFCC00  }
0xa0: {  	_ =	swait.ge [sflag:s19], $0x3000  }
0xa1: {  	[sflag:s19] =	ssyncset.done $0x0  }
0xa2: {  	s30 =	sor.u32 $0x1C07, s21;
	s9 =	rddreg [dreg:$0x9];
	[sflag:s19] =	ssyncadd.s32 $0xFFFFD000  }
0xa3: {  	[hbm:s9], [sflag:s30] =	dma.local [spmem:s6], $0xC80  }
0xa4: {  	_ =	swait.ge [sflag:s20], $0xC80  }
0xa5: {  	[sflag:s20] =	ssyncset.done $0x0  }
0xa6: {  	[sflag:s20] =	ssyncadd.s32 $0xFFFFF380  }
0xa7: {  	[spmem:s3] =	stream.indirect.scatter.add.f32 [tilespmem:s4], [sflag:$0x6], $0x80, s22, s11, $0xb8;
	[tilespmem:$0x19400] =	vst v63  }
0xa8: {  	_ = 	snop  }
0xa9: {  	[spmem:s3] =	stream.indirect.scatter.add.f32 [tilespmem:s15], [sflag:$0x6], $0x80, s12, s13, $0xb8;
	[tilespmem:$0x19400] =	vst v63  }
0xaa: {  	_ =	swait.ge [sflag:s23], $0x3400  }
0xab: {  	[sflag:s23] =	ssyncset.done $0x0  }
0xac: {  	[sflag:s23] =	ssyncadd.s32 $0xFFFFCC00  }
0xad: {  	_ =	swait.ge [sflag:s23], $0x3000  }
0xae: {  	[sflag:s23] =	ssyncset.done $0x0  }
0xaf: {  	s1 =	sor.u32 $0x1C08, s21;
	s9 =	rddreg [dreg:$0xa];
	[sflag:s23] =	ssyncadd.s32 $0xFFFFD000  }
0xb0: {  	[hbm:s9], [sflag:s1] =	dma.local [spmem:s7], $0xC80  }
0xb1: {  	_ =	swait.ge [sflag:s24], $0xC80  }
0xb2: {  	[sflag:s24] =	ssyncset.done $0x0  }
0xb3: {  	s2 =	rddreg [dreg:$0xb];
	[sflag:s24] =	ssyncadd.s32 $0xFFFFF380  }
0xb4: {  	[spmem:s6], [sflag:s31] =	dma.local [hbm:s2], $0xC80  }
0xb5: {  	_ =	swait.ge [sflag:s10], $0xC80  }
0xb6: {  	[sflag:s10] =	ssyncset.done $0x0  }
0xb7: {  	[sflag:s10] =	ssyncadd.s32 $0xFFFFF380  }
0xb8: {  	[spmem:s3] =	stream.indirect.scatter.add.f32 [tilespmem:s4], [sflag:$0x4], $0x80, s14, s11, $0xb8;
	[tilespmem:$0x19400] =	vst v63  }
0xb9: {  	_ = 	snop  }
0xba: {  	[spmem:s3] =	stream.indirect.scatter.add.f32 [tilespmem:s15], [sflag:$0x4], $0x80, s17, s13, $0xb8;
	[tilespmem:$0x19400] =	vst v63  }
0xbb: {  	_ =	swait.ge [sflag:s25], $0x3400  }
0xbc: {  	[sflag:s25] =	ssyncset.done $0x0  }
0xbd: {  	[sflag:s25] =	ssyncadd.s32 $0xFFFFCC00  }
0xbe: {  	_ =	swait.ge [sflag:s25], $0x3000  }
0xbf: {  	[sflag:s25] =	ssyncset.done $0x0  }
0xc0: {  	s9 =	sor.u32 $0x1C09, s21;
	s2 =	rddreg [dreg:$0xc];
	[sflag:s25] =	ssyncadd.s32 $0xFFFFD000  }
0xc1: {  	[hbm:s2], [sflag:s9] =	dma.local [spmem:s8], $0xC80  }
0xc2: {  	_ =	swait.ge [sflag:s26], $0xC80  }
0xc3: {  	[sflag:s26] =	ssyncset.done $0x0  }
0xc4: {  	s21 =	rddreg [dreg:$0xd];
	[sflag:s26] =	ssyncadd.s32 $0xFFFFF380  }
0xc5: {  	[spmem:s7], [sflag:s29] =	dma.local [hbm:s21], $0xC80  }
0xc6: {  	_ =	swait.ge [sflag:s16], $0xC80  }
0xc7: {  	[sflag:s16] =	ssyncset.done $0x0  }
0xc8: {  	[sflag:s16] =	ssyncadd.s32 $0xFFFFF380  }
0xc9: {  	[spmem:s3] =	stream.indirect.scatter.add.f32 [tilespmem:s4], [sflag:$0x5], $0x80, s18, s11, $0xb8;
	[tilespmem:$0x19400] =	vst v63  }
0xca: {  	_ = 	snop  }
0xcb: {  	[spmem:s3] =	stream.indirect.scatter.add.f32 [tilespmem:s15], [sflag:$0x5], $0x80, s5, s13, $0xb8;
	[tilespmem:$0x19400] =	vst v63  }
0xcc: {  	_ =	swait.ge [sflag:s19], $0x3400  }
0xcd: {  	[sflag:s19] =	ssyncset.done $0x0  }
0xce: {  	[sflag:s19] =	ssyncadd.s32 $0xFFFFCC00  }
0xcf: {  	_ =	swait.ge [sflag:s19], $0x3000  }
0xd0: {  	[sflag:s19] =	ssyncset.done $0x0  }
0xd1: {  	s21 =	rddreg [dreg:$0xe];
	[sflag:s19] =	ssyncadd.s32 $0xFFFFD000  }
0xd2: {  	[hbm:s21], [sflag:s30] =	dma.local [spmem:s6], $0xC80  }
0xd3: {  	_ =	swait.ge [sflag:s28], $0xC80  }
0xd4: {  	[sflag:s28] =	ssyncset.done $0x0  }
0xd5: {  	s21 =	rddreg [dreg:$0xf];
	[sflag:s28] =	ssyncadd.s32 $0xFFFFF380  }
0xd6: {  	[spmem:s8], [sflag:s0] =	dma.local [hbm:s21], $0xC80  }
0xd7: {  	_ =	swait.ge [sflag:s20], $0xC80  }
0xd8: {  	[sflag:s20] =	ssyncset.done $0x0  }
0xd9: {  	[sflag:s20] =	ssyncadd.s32 $0xFFFFF380  }
0xda: {  	[spmem:s3] =	stream.indirect.scatter.add.f32 [tilespmem:s4], [sflag:$0x6], $0x80, s22, s11, $0xb8;
	[tilespmem:$0x19400] =	vst v63  }
0xdb: {  	_ = 	snop  }
0xdc: {  	[spmem:s3] =	stream.indirect.scatter.add.f32 [tilespmem:s15], [sflag:$0x6], $0x80, s12, s13, $0xb8;
	[tilespmem:$0x19400] =	vst v63  }
0xdd: {  	_ =	swait.ge [sflag:s23], $0x3400  }
0xde: {  	[sflag:s23] =	ssyncset.done $0x0  }
0xdf: {  	[sflag:s23] =	ssyncadd.s32 $0xFFFFCC00  }
0xe0: {  	_ =	swait.ge [sflag:s23], $0x3000  }
0xe1: {  	[sflag:s23] =	ssyncset.done $0x0  }
0xe2: {  	s21 =	rddreg [dreg:$0x10];
	[sflag:s23] =	ssyncadd.s32 $0xFFFFD000  }
0xe3: {  	[hbm:s21], [sflag:s1] =	dma.local [spmem:s7], $0xC80  }
0xe4: {  	_ =	swait.ge [sflag:s24], $0xC80  }
0xe5: {  	[sflag:s24] =	ssyncset.done $0x0  }
0xe6: {  	s21 =	rddreg [dreg:$0x11];
	[sflag:s24] =	ssyncadd.s32 $0xFFFFF380  }
0xe7: {  	[spmem:s6], [sflag:s31] =	dma.local [hbm:s21], $0xC80  }
0xe8: {  	_ =	swait.ge [sflag:s10], $0xC80  }
0xe9: {  	[sflag:s10] =	ssyncset.done $0x0  }
0xea: {  	[sflag:s10] =	ssyncadd.s32 $0xFFFFF380  }
0xeb: {  	[spmem:s3] =	stream.indirect.scatter.add.f32 [tilespmem:s4], [sflag:$0x4], $0x80, s14, s11, $0xb8;
	[tilespmem:$0x19400] =	vst v63  }
0xec: {  	_ = 	snop  }
0xed: {  	[spmem:s3] =	stream.indirect.scatter.add.f32 [tilespmem:s15], [sflag:$0x4], $0x80, s17, s13, $0xb8;
	[tilespmem:$0x19400] =	vst v63  }
0xee: {  	_ =	swait.ge [sflag:s25], $0x3400  }
0xef: {  	[sflag:s25] =	ssyncset.done $0x0  }
0xf0: {  	[sflag:s25] =	ssyncadd.s32 $0xFFFFCC00  }
0xf1: {  	_ =	swait.ge [sflag:s25], $0x3000  }
0xf2: {  	[sflag:s25] =	ssyncset.done $0x0  }
0xf3: {  	s21 =	rddreg [dreg:$0x12];
	[sflag:s25] =	ssyncadd.s32 $0xFFFFD000  }
0xf4: {  	[hbm:s21], [sflag:s9] =	dma.local [spmem:s8], $0xC80  }
0xf5: {  	_ =	swait.ge [sflag:s26], $0xC80  }
0xf6: {  	[sflag:s26] =	ssyncset.done $0x0  }
0xf7: {  	s21 =	rddreg [dreg:$0x13];
	[sflag:s26] =	ssyncadd.s32 $0xFFFFF380  }
0xf8: {  	[spmem:s7], [sflag:s29] =	dma.local [hbm:s21], $0xC80  }
0xf9: {  	_ =	swait.ge [sflag:s16], $0xC80  }
0xfa: {  	[sflag:s16] =	ssyncset.done $0x0  }
0xfb: {  	[sflag:s16] =	ssyncadd.s32 $0xFFFFF380  }
0xfc: {  	[spmem:s3] =	stream.indirect.scatter.add.f32 [tilespmem:s4], [sflag:$0x5], $0x80, s18, s11, $0xb8;
	[tilespmem:$0x19400] =	vst v63  }
0xfd: {  	_ = 	snop  }
0xfe: {  	[spmem:s3] =	stream.indirect.scatter.add.f32 [tilespmem:s15], [sflag:$0x5], $0x80, s5, s13, $0xb8;
	[tilespmem:$0x19400] =	vst v63  }
0xff: {  	_ =	swait.ge [sflag:s19], $0x3400  }
0x100: {  	[sflag:s19] =	ssyncset.done $0x0  }
0x101: {  	[sflag:s19] =	ssyncadd.s32 $0xFFFFCC00  }
0x102: {  	_ =	swait.ge [sflag:s19], $0x3000  }
0x103: {  	[sflag:s19] =	ssyncset.done $0x0  }
0x104: {  	s21 =	rddreg [dreg:$0x14];
	[sflag:s19] =	ssyncadd.s32 $0xFFFFD000  }
0x105: {  	[hbm:s21], [sflag:s30] =	dma.local [spmem:s6], $0xC80  }
0x106: {  	_ =	swait.ge [sflag:s28], $0xC80  }
0x107: {  	[sflag:s28] =	ssyncset.done $0x0  }
0x108: {  	s21 =	rddreg [dreg:$0x15];
	[sflag:s28] =	ssyncadd.s32 $0xFFFFF380  }
0x109: {  	[spmem:s8], [sflag:s0] =	dma.local [hbm:s21], $0xC80  }
0x10a: {  	_ =	swait.ge [sflag:s20], $0xC80  }
0x10b: {  	[sflag:s20] =	ssyncset.done $0x0  }
0x10c: {  	[sflag:s20] =	ssyncadd.s32 $0xFFFFF380  }
0x10d: {  	[spmem:s3] =	stream.indirect.scatter.add.f32 [tilespmem:s4], [sflag:$0x6], $0x80, s22, s11, $0xb8;
	[tilespmem:$0x19400] =	vst v63  }
0x10e: {  	_ = 	snop  }
0x10f: {  	[spmem:s3] =	stream.indirect.scatter.add.f32 [tilespmem:s15], [sflag:$0x6], $0x80, s12, s13, $0xb8;
	[tilespmem:$0x19400] =	vst v63  }
0x110: {  	_ =	swait.ge [sflag:s23], $0x3400  }
0x111: {  	[sflag:s23] =	ssyncset.done $0x0  }
0x112: {  	[sflag:s23] =	ssyncadd.s32 $0xFFFFCC00  }
0x113: {  	_ =	swait.ge [sflag:s23], $0x3000  }
0x114: {  	[sflag:s23] =	ssyncset.done $0x0  }
0x115: {  	s21 =	rddreg [dreg:$0x16];
	[sflag:s23] =	ssyncadd.s32 $0xFFFFD000  }
0x116: {  	[hbm:s21], [sflag:s1] =	dma.local [spmem:s7], $0xC80  }
0x117: {  	_ =	swait.ge [sflag:s24], $0xC80  }
0x118: {  	[sflag:s24] =	ssyncset.done $0x0  }
0x119: {  	s21 =	rddreg [dreg:$0x17];
	[sflag:s24] =	ssyncadd.s32 $0xFFFFF380  }
0x11a: {  	[spmem:s6], [sflag:s31] =	dma.local [hbm:s21], $0xC80  }
0x11b: {  	_ =	swait.ge [sflag:s10], $0xC80  }
0x11c: {  	[sflag:s10] =	ssyncset.done $0x0  }
0x11d: {  	[sflag:s10] =	ssyncadd.s32 $0xFFFFF380  }
0x11e: {  	[spmem:s3] =	stream.indirect.scatter.add.f32 [tilespmem:s4], [sflag:$0x4], $0x80, s14, s11, $0xb8;
	[tilespmem:$0x19400] =	vst v63  }
0x11f: {  	_ = 	snop  }
0x120: {  	[spmem:s3] =	stream.indirect.scatter.add.f32 [tilespmem:s15], [sflag:$0x4], $0x80, s17, s13, $0xb8;
	[tilespmem:$0x19400] =	vst v63  }
0x121: {  	_ =	swait.ge [sflag:s25], $0x3400  }
0x122: {  	[sflag:s25] =	ssyncset.done $0x0  }
0x123: {  	[sflag:s25] =	ssyncadd.s32 $0xFFFFCC00  }
0x124: {  	_ =	swait.ge [sflag:s25], $0x3000  }
0x125: {  	[sflag:s25] =	ssyncset.done $0x0  }
0x126: {  	s21 =	rddreg [dreg:$0x18];
	[sflag:s25] =	ssyncadd.s32 $0xFFFFD000  }
0x127: {  	[hbm:s21], [sflag:s9] =	dma.local [spmem:s8], $0xC80  }
0x128: {  	_ =	swait.ge [sflag:s26], $0xC80  }
0x129: {  	[sflag:s26] =	ssyncset.done $0x0  }
0x12a: {  	s21 =	rddreg [dreg:$0x19];
	[sflag:s26] =	ssyncadd.s32 $0xFFFFF380  }
0x12b: {  	[spmem:s7], [sflag:s29] =	dma.local [hbm:s21], $0xC80  }
0x12c: {  	_ =	swait.ge [sflag:s16], $0xC80  }
0x12d: {  	[sflag:s16] =	ssyncset.done $0x0  }
0x12e: {  	[sflag:s16] =	ssyncadd.s32 $0xFFFFF380  }
0x12f: {  	[spmem:s3] =	stream.indirect.scatter.add.f32 [tilespmem:s4], [sflag:$0x5], $0x80, s18, s11, $0xb8;
	[tilespmem:$0x19400] =	vst v63  }
0x130: {  	_ = 	snop  }
0x131: {  	[spmem:s3] =	stream.indirect.scatter.add.f32 [tilespmem:s15], [sflag:$0x5], $0x80, s5, s13, $0xb8;
	[tilespmem:$0x19400] =	vst v63  }
0x132: {  	_ =	swait.ge [sflag:s19], $0x3400  }
0x133: {  	[sflag:s19] =	ssyncset.done $0x0  }
0x134: {  	[sflag:s19] =	ssyncadd.s32 $0xFFFFCC00  }
0x135: {  	_ =	swait.ge [sflag:s19], $0x3000  }
0x136: {  	[sflag:s19] =	ssyncset.done $0x0  }
0x137: {  	s21 =	rddreg [dreg:$0x1a];
	[sflag:s19] =	ssyncadd.s32 $0xFFFFD000  }
0x138: {  	[hbm:s21], [sflag:s30] =	dma.local [spmem:s6], $0xC80  }
0x139: {  	_ =	swait.ge [sflag:s28], $0xC80  }
0x13a: {  	[sflag:s28] =	ssyncset.done $0x0  }
0x13b: {  	s21 =	rddreg [dreg:$0x1b];
	[sflag:s28] =	ssyncadd.s32 $0xFFFFF380  }
0x13c: {  	[spmem:s8], [sflag:s0] =	dma.local [hbm:s21], $0xC80  }
0x13d: {  	_ =	swait.ge [sflag:s20], $0xC80  }
0x13e: {  	[sflag:s20] =	ssyncset.done $0x0  }
0x13f: {  	[sflag:s20] =	ssyncadd.s32 $0xFFFFF380  }
0x140: {  	[spmem:s3] =	stream.indirect.scatter.add.f32 [tilespmem:s4], [sflag:$0x6], $0x80, s22, s11, $0xb8;
	[tilespmem:$0x19400] =	vst v63  }
0x141: {  	_ = 	snop  }
0x142: {  	[spmem:s3] =	stream.indirect.scatter.add.f32 [tilespmem:s15], [sflag:$0x6], $0x80, s12, s13, $0xb8;
	[tilespmem:$0x19400] =	vst v63  }
0x143: {  	_ =	swait.ge [sflag:s23], $0x3400  }
0x144: {  	[sflag:s23] =	ssyncset.done $0x0  }
0x145: {  	[sflag:s23] =	ssyncadd.s32 $0xFFFFCC00  }
0x146: {  	_ =	swait.ge [sflag:s23], $0x3000  }
0x147: {  	[sflag:s23] =	ssyncset.done $0x0  }
0x148: {  	s21 =	rddreg [dreg:$0x1c];
	[sflag:s23] =	ssyncadd.s32 $0xFFFFD000  }
0x149: {  	[hbm:s21], [sflag:s1] =	dma.local [spmem:s7], $0xC80  }
0x14a: {  	_ =	swait.ge [sflag:s24], $0xC80  }
0x14b: {  	[sflag:s24] =	ssyncset.done $0x0  }
0x14c: {  	s21 =	rddreg [dreg:$0x1d];
	[sflag:s24] =	ssyncadd.s32 $0xFFFFF380  }
0x14d: {  	[spmem:s6], [sflag:s31] =	dma.local [hbm:s21], $0xC80  }
0x14e: {  	_ =	swait.ge [sflag:s10], $0xC80  }
0x14f: {  	[sflag:s10] =	ssyncset.done $0x0  }
0x150: {  	[sflag:s10] =	ssyncadd.s32 $0xFFFFF380  }
0x151: {  	[spmem:s3] =	stream.indirect.scatter.add.f32 [tilespmem:s4], [sflag:$0x4], $0x80, s14, s11, $0xb8;
	[tilespmem:$0x19400] =	vst v63  }
0x152: {  	_ = 	snop  }
0x153: {  	[spmem:s3] =	stream.indirect.scatter.add.f32 [tilespmem:s15], [sflag:$0x4], $0x80, s17, s13, $0xb8;
	[tilespmem:$0x19400] =	vst v63  }
0x154: {  	_ =	swait.ge [sflag:s25], $0x3400  }
0x155: {  	[sflag:s25] =	ssyncset.done $0x0  }
0x156: {  	[sflag:s25] =	ssyncadd.s32 $0xFFFFCC00  }
0x157: {  	_ =	swait.ge [sflag:s25], $0x3000  }
0x158: {  	[sflag:s25] =	ssyncset.done $0x0  }
0x159: {  	s21 =	rddreg [dreg:$0x1e];
	[sflag:s25] =	ssyncadd.s32 $0xFFFFD000  }
0x15a: {  	[hbm:s21], [sflag:s9] =	dma.local [spmem:s8], $0xC80  }
0x15b: {  	_ =	swait.ge [sflag:s26], $0xC80  }
0x15c: {  	[sflag:s26] =	ssyncset.done $0x0  }
0x15d: {  	s21 =	rddreg [dreg:$0x1f];
	[sflag:s26] =	ssyncadd.s32 $0xFFFFF380  }
0x15e: {  	[spmem:s7], [sflag:s29] =	dma.local [hbm:s21], $0xC80  }
0x15f: {  	_ =	swait.ge [sflag:s16], $0xC80  }
0x160: {  	[sflag:s16] =	ssyncset.done $0x0  }
0x161: {  	[sflag:s16] =	ssyncadd.s32 $0xFFFFF380  }
0x162: {  	[spmem:s3] =	stream.indirect.scatter.add.f32 [tilespmem:s4], [sflag:$0x5], $0x80, s18, s11, $0xb8;
	[tilespmem:$0x19400] =	vst v63  }
0x163: {  	_ = 	snop  }
0x164: {  	[spmem:s3] =	stream.indirect.scatter.add.f32 [tilespmem:s15], [sflag:$0x5], $0x80, s5, s13, $0xb8;
	[tilespmem:$0x19400] =	vst v63  }
0x165: {  	_ =	swait.ge [sflag:s19], $0x3400  }
0x166: {  	[sflag:s19] =	ssyncset.done $0x0  }
0x167: {  	[sflag:s19] =	ssyncadd.s32 $0xFFFFCC00  }
0x168: {  	_ =	swait.ge [sflag:s19], $0x3000  }
0x169: {  	s21 =	sld [smem:$0x7CF]  }
0x16a: {  	[sflag:s19] =	ssyncset.done $0x0  }
0x16b: {  	[sflag:s19] =	ssyncadd.s32 $0xFFFFD000  }
0x16c: {  	[hbm:s21], [sflag:s30] =	dma.local [spmem:s6], $0xC80  }
0x16d: {  	_ =	swait.ge [sflag:s28], $0xC80  }
0x16e: {  	s21 =	sld [smem:$0x7D0]  }
0x16f: {  	[sflag:s28] =	ssyncset.done $0x0  }
0x170: {  	[sflag:s28] =	ssyncadd.s32 $0xFFFFF380  }
0x171: {  	[spmem:s8], [sflag:s0] =	dma.local [hbm:s21], $0xC80  }
0x172: {  	_ =	swait.ge [sflag:s20], $0xC80  }
0x173: {  	[sflag:s20] =	ssyncset.done $0x0  }
0x174: {  	[sflag:s20] =	ssyncadd.s32 $0xFFFFF380  }
0x175: {  	[spmem:s3] =	stream.indirect.scatter.add.f32 [tilespmem:s4], [sflag:$0x6], $0x80, s22, s11, $0xb8;
	[tilespmem:$0x19400] =	vst v63  }
0x176: {  	_ = 	snop  }
0x177: {  	[spmem:s3] =	stream.indirect.scatter.add.f32 [tilespmem:s15], [sflag:$0x6], $0x80, s12, s13, $0xb8;
	[tilespmem:$0x19400] =	vst v63  }
0x178: {  	_ =	swait.ge [sflag:s23], $0x3400  }
0x179: {  	[sflag:s23] =	ssyncset.done $0x0  }
0x17a: {  	[sflag:s23] =	ssyncadd.s32 $0xFFFFCC00  }
0x17b: {  	_ =	swait.ge [sflag:s23], $0x3000  }
0x17c: {  	s21 =	sld [smem:$0x7D1]  }
0x17d: {  	[sflag:s23] =	ssyncset.done $0x0  }
0x17e: {  	[sflag:s23] =	ssyncadd.s32 $0xFFFFD000  }
0x17f: {  	[hbm:s21], [sflag:s1] =	dma.local [spmem:s7], $0xC80  }
0x180: {  	_ =	swait.ge [sflag:s24], $0xC80  }
0x181: {  	s21 =	sld [smem:$0x7D2]  }
0x182: {  	[sflag:s24] =	ssyncset.done $0x0  }
0x183: {  	[sflag:s24] =	ssyncadd.s32 $0xFFFFF380  }
0x184: {  	[spmem:s6], [sflag:s31] =	dma.local [hbm:s21], $0xC80  }
0x185: {  	_ =	swait.ge [sflag:s10], $0xC80  }
0x186: {  	[sflag:s10] =	ssyncset.done $0x0  }
0x187: {  	[sflag:s10] =	ssyncadd.s32 $0xFFFFF380  }
0x188: {  	[spmem:s3] =	stream.indirect.scatter.add.f32 [tilespmem:s4], [sflag:$0x4], $0x80, s14, s11, $0xb8;
	[tilespmem:$0x19400] =	vst v63  }
0x189: {  	_ = 	snop  }
0x18a: {  	[spmem:s3] =	stream.indirect.scatter.add.f32 [tilespmem:s15], [sflag:$0x4], $0x80, s17, s13, $0xb8;
	[tilespmem:$0x19400] =	vst v63  }
0x18b: {  	_ =	swait.ge [sflag:s25], $0x3400  }
0x18c: {  	[sflag:s25] =	ssyncset.done $0x0  }
0x18d: {  	[sflag:s25] =	ssyncadd.s32 $0xFFFFCC00  }
0x18e: {  	_ =	swait.ge [sflag:s25], $0x3000  }
0x18f: {  	s21 =	sld [smem:$0x7D3]  }
0x190: {  	[sflag:s25] =	ssyncset.done $0x0  }
0x191: {  	[sflag:s25] =	ssyncadd.s32 $0xFFFFD000  }
0x192: {  	[hbm:s21], [sflag:s9] =	dma.local [spmem:s8], $0xC80  }
0x193: {  	_ =	swait.ge [sflag:s26], $0xC80  }
0x194: {  	s21 =	sld [smem:$0x7D4]  }
0x195: {  	[sflag:s26] =	ssyncset.done $0x0  }
0x196: {  	[sflag:s26] =	ssyncadd.s32 $0xFFFFF380  }
0x197: {  	[spmem:s7], [sflag:s29] =	dma.local [hbm:s21], $0xC80  }
0x198: {  	_ =	swait.ge [sflag:s16], $0xC80  }
0x199: {  	[sflag:s16] =	ssyncset.done $0x0  }
0x19a: {  	[sflag:s16] =	ssyncadd.s32 $0xFFFFF380  }
0x19b: {  	[spmem:s3] =	stream.indirect.scatter.add.f32 [tilespmem:s4], [sflag:$0x5], $0x80, s18, s11, $0xb8;
	[tilespmem:$0x19400] =	vst v63  }
0x19c: {  	_ = 	snop  }
0x19d: {  	[spmem:s3] =	stream.indirect.scatter.add.f32 [tilespmem:s15], [sflag:$0x5], $0x80, s5, s13, $0xb8;
	[tilespmem:$0x19400] =	vst v63  }
0x19e: {  	_ =	swait.ge [sflag:s19], $0x3400  }
0x19f: {  	[sflag:s19] =	ssyncset.done $0x0  }
0x1a0: {  	[sflag:s19] =	ssyncadd.s32 $0xFFFFCC00  }
0x1a1: {  	_ =	swait.ge [sflag:s19], $0x3000  }
0x1a2: {  	s21 =	sld [smem:$0x7D5]  }
0x1a3: {  	[sflag:s19] =	ssyncset.done $0x0  }
0x1a4: {  	[sflag:s19] =	ssyncadd.s32 $0xFFFFD000  }
0x1a5: {  	[hbm:s21], [sflag:s30] =	dma.local [spmem:s6], $0xC80  }
0x1a6: {  	_ =	swait.ge [sflag:s28], $0xC80  }
0x1a7: {  	s21 =	sld [smem:$0x7D6]  }
0x1a8: {  	[sflag:s28] =	ssyncset.done $0x0  }
0x1a9: {  	[sflag:s28] =	ssyncadd.s32 $0xFFFFF380  }
0x1aa: {  	[spmem:s8], [sflag:s0] =	dma.local [hbm:s21], $0xC80  }
0x1ab: {  	_ =	swait.ge [sflag:s20], $0xC80  }
0x1ac: {  	[sflag:s20] =	ssyncset.done $0x0  }
0x1ad: {  	[sflag:s20] =	ssyncadd.s32 $0xFFFFF380  }
0x1ae: {  	[spmem:s3] =	stream.indirect.scatter.add.f32 [tilespmem:s4], [sflag:$0x6], $0x80, s22, s11, $0xb8;
	[tilespmem:$0x19400] =	vst v63  }
0x1af: {  	_ = 	snop  }
0x1b0: {  	[spmem:s3] =	stream.indirect.scatter.add.f32 [tilespmem:s15], [sflag:$0x6], $0x80, s12, s13, $0xb8;
	[tilespmem:$0x19400] =	vst v63  }
0x1b1: {  	_ =	swait.ge [sflag:s23], $0x3400  }
0x1b2: {  	[sflag:s23] =	ssyncset.done $0x0  }
0x1b3: {  	[sflag:s23] =	ssyncadd.s32 $0xFFFFCC00  }
0x1b4: {  	_ =	swait.ge [sflag:s23], $0x3000  }
0x1b5: {  	s21 =	sld [smem:$0x7D7]  }
0x1b6: {  	[sflag:s23] =	ssyncset.done $0x0  }
0x1b7: {  	[sflag:s23] =	ssyncadd.s32 $0xFFFFD000  }
0x1b8: {  	[hbm:s21], [sflag:s1] =	dma.local [spmem:s7], $0xC80  }
0x1b9: {  	_ =	swait.ge [sflag:s24], $0xC80  }
0x1ba: {  	s21 =	sld [smem:$0x7D8]  }
0x1bb: {  	[sflag:s24] =	ssyncset.done $0x0  }
0x1bc: {  	[sflag:s24] =	ssyncadd.s32 $0xFFFFF380  }
0x1bd: {  	[spmem:s6], [sflag:s31] =	dma.local [hbm:s21], $0xC80  }
0x1be: {  	_ =	swait.ge [sflag:s10], $0xC80  }
0x1bf: {  	[sflag:s10] =	ssyncset.done $0x0  }
0x1c0: {  	[sflag:s10] =	ssyncadd.s32 $0xFFFFF380  }
0x1c1: {  	[spmem:s3] =	stream.indirect.scatter.add.f32 [tilespmem:s4], [sflag:$0x4], $0x80, s14, s11, $0xb8;
	[tilespmem:$0x19400] =	vst v63  }
0x1c2: {  	_ = 	snop  }
0x1c3: {  	[spmem:s3] =	stream.indirect.scatter.add.f32 [tilespmem:s15], [sflag:$0x4], $0x80, s17, s13, $0xb8;
	[tilespmem:$0x19400] =	vst v63  }
0x1c4: {  	_ =	swait.ge [sflag:s25], $0x3400  }
0x1c5: {  	[sflag:s25] =	ssyncset.done $0x0  }
0x1c6: {  	[sflag:s25] =	ssyncadd.s32 $0xFFFFCC00  }
0x1c7: {  	_ =	swait.ge [sflag:s25], $0x3000  }
0x1c8: {  	s21 =	sld [smem:$0x7D9]  }
0x1c9: {  	[sflag:s25] =	ssyncset.done $0x0  }
0x1ca: {  	[sflag:s25] =	ssyncadd.s32 $0xFFFFD000  }
0x1cb: {  	[hbm:s21], [sflag:s9] =	dma.local [spmem:s8], $0xC80  }
0x1cc: {  	_ =	swait.ge [sflag:s26], $0xC80  }
0x1cd: {  	s21 =	sld [smem:$0x7DA]  }
0x1ce: {  	[sflag:s26] =	ssyncset.done $0x0  }
0x1cf: {  	[sflag:s26] =	ssyncadd.s32 $0xFFFFF380  }
0x1d0: {  	[spmem:s7], [sflag:s29] =	dma.local [hbm:s21], $0xC80  }
0x1d1: {  	_ =	swait.ge [sflag:s16], $0xC80  }
0x1d2: {  	[sflag:s16] =	ssyncset.done $0x0  }
0x1d3: {  	[sflag:s16] =	ssyncadd.s32 $0xFFFFF380  }
0x1d4: {  	[spmem:s3] =	stream.indirect.scatter.add.f32 [tilespmem:s4], [sflag:$0x5], $0x80, s18, s11, $0xb8;
	[tilespmem:$0x19400] =	vst v63  }
0x1d5: {  	_ = 	snop  }
0x1d6: {  	[spmem:s3] =	stream.indirect.scatter.add.f32 [tilespmem:s15], [sflag:$0x5], $0x80, s5, s13, $0xb8;
	[tilespmem:$0x19400] =	vst v63  }
0x1d7: {  	_ =	swait.ge [sflag:s19], $0x3400  }
0x1d8: {  	[sflag:s19] =	ssyncset.done $0x0  }
0x1d9: {  	[sflag:s19] =	ssyncadd.s32 $0xFFFFCC00  }
0x1da: {  	_ =	swait.ge [sflag:s19], $0x3000  }
0x1db: {  	s21 =	sld [smem:$0x7DB]  }
0x1dc: {  	[sflag:s19] =	ssyncset.done $0x0  }
0x1dd: {  	[sflag:s19] =	ssyncadd.s32 $0xFFFFD000  }
0x1de: {  	[hbm:s21], [sflag:s30] =	dma.local [spmem:s6], $0xC80  }
0x1df: {  	_ =	swait.ge [sflag:s28], $0xC80  }
0x1e0: {  	s21 =	sld [smem:$0x7DC]  }
0x1e1: {  	[sflag:s28] =	ssyncset.done $0x0  }
0x1e2: {  	[sflag:s28] =	ssyncadd.s32 $0xFFFFF380  }
0x1e3: {  	[spmem:s8], [sflag:s0] =	dma.local [hbm:s21], $0xC80  }
0x1e4: {  	_ =	swait.ge [sflag:s20], $0xC80  }
0x1e5: {  	[sflag:s20] =	ssyncset.done $0x0  }
0x1e6: {  	[sflag:s20] =	ssyncadd.s32 $0xFFFFF380  }
0x1e7: {  	[spmem:s3] =	stream.indirect.scatter.add.f32 [tilespmem:s4], [sflag:$0x6], $0x80, s22, s11, $0xb8;
	[tilespmem:$0x19400] =	vst v63  }
0x1e8: {  	_ = 	snop  }
0x1e9: {  	[spmem:s3] =	stream.indirect.scatter.add.f32 [tilespmem:s15], [sflag:$0x6], $0x80, s12, s13, $0xb8;
	[tilespmem:$0x19400] =	vst v63  }
0x1ea: {  	_ =	swait.ge [sflag:s23], $0x3400  }
0x1eb: {  	[sflag:s23] =	ssyncset.done $0x0  }
0x1ec: {  	[sflag:s23] =	ssyncadd.s32 $0xFFFFCC00  }
0x1ed: {  	_ =	swait.ge [sflag:s23], $0x3000  }
0x1ee: {  	s21 =	sld [smem:$0x7DD]  }
0x1ef: {  	[sflag:s23] =	ssyncset.done $0x0  }
0x1f0: {  	[sflag:s23] =	ssyncadd.s32 $0xFFFFD000  }
0x1f1: {  	[hbm:s21], [sflag:s1] =	dma.local [spmem:s7], $0xC80  }
0x1f2: {  	_ =	swait.ge [sflag:s24], $0xC80  }
0x1f3: {  	s21 =	sld [smem:$0x7DE]  }
0x1f4: {  	[sflag:s24] =	ssyncset.done $0x0  }
0x1f5: {  	[sflag:s24] =	ssyncadd.s32 $0xFFFFF380  }
0x1f6: {  	[spmem:s6], [sflag:s31] =	dma.local [hbm:s21], $0xC80  }
0x1f7: {  	_ =	swait.ge [sflag:s10], $0xC80  }
0x1f8: {  	[sflag:s10] =	ssyncset.done $0x0  }
0x1f9: {  	[sflag:s10] =	ssyncadd.s32 $0xFFFFF380  }
0x1fa: {  	[spmem:s3] =	stream.indirect.scatter.add.f32 [tilespmem:s4], [sflag:$0x4], $0x80, s14, s11, $0xb8;
	[tilespmem:$0x19400] =	vst v63  }
0x1fb: {  	_ = 	snop  }
0x1fc: {  	[spmem:s3] =	stream.indirect.scatter.add.f32 [tilespmem:s15], [sflag:$0x4], $0x80, s17, s13, $0xb8;
	[tilespmem:$0x19400] =	vst v63  }
0x1fd: {  	_ =	swait.ge [sflag:s25], $0x3400  }
0x1fe: {  	[sflag:s25] =	ssyncset.done $0x0  }
0x1ff: {  	[sflag:s25] =	ssyncadd.s32 $0xFFFFCC00  }
0x200: {  	_ =	swait.ge [sflag:s25], $0x3000  }
0x201: {  	s21 =	sld [smem:$0x7DF]  }
0x202: {  	[sflag:s25] =	ssyncset.done $0x0  }
0x203: {  	[sflag:s25] =	ssyncadd.s32 $0xFFFFD000  }
0x204: {  	[hbm:s21], [sflag:s9] =	dma.local [spmem:s8], $0xC80  }
0x205: {  	_ =	swait.ge [sflag:s26], $0xC80  }
0x206: {  	s21 =	sld [smem:$0x7E0]  }
0x207: {  	[sflag:s26] =	ssyncset.done $0x0  }
0x208: {  	[sflag:s26] =	ssyncadd.s32 $0xFFFFF380  }
0x209: {  	[spmem:s7], [sflag:s29] =	dma.local [hbm:s21], $0xC80  }
0x20a: {  	_ =	swait.ge [sflag:s16], $0xC80  }
0x20b: {  	[sflag:s16] =	ssyncset.done $0x0  }
0x20c: {  	[sflag:s16] =	ssyncadd.s32 $0xFFFFF380  }
0x20d: {  	[spmem:s3] =	stream.indirect.scatter.add.f32 [tilespmem:s4], [sflag:$0x5], $0x80, s18, s11, $0xb8;
	[tilespmem:$0x19400] =	vst v63  }
0x20e: {  	_ = 	snop  }
0x20f: {  	[spmem:s3] =	stream.indirect.scatter.add.f32 [tilespmem:s15], [sflag:$0x5], $0x80, s5, s13, $0xb8;
	[tilespmem:$0x19400] =	vst v63  }
0x210: {  	_ =	swait.ge [sflag:s19], $0x3400  }
0x211: {  	[sflag:s19] =	ssyncset.done $0x0  }
0x212: {  	[sflag:s19] =	ssyncadd.s32 $0xFFFFCC00  }
0x213: {  	_ =	swait.ge [sflag:s19], $0x3000  }
0x214: {  	s21 =	sld [smem:$0x7E1]  }
0x215: {  	[sflag:s19] =	ssyncset.done $0x0  }
0x216: {  	[sflag:s19] =	ssyncadd.s32 $0xFFFFD000  }
0x217: {  	[hbm:s21], [sflag:s30] =	dma.local [spmem:s6], $0xC80  }
0x218: {  	_ =	swait.ge [sflag:s28], $0xC80  }
0x219: {  	s21 =	sld [smem:$0x7E2]  }
0x21a: {  	[sflag:s28] =	ssyncset.done $0x0  }
0x21b: {  	[sflag:s28] =	ssyncadd.s32 $0xFFFFF380  }
0x21c: {  	[spmem:s8], [sflag:s0] =	dma.local [hbm:s21], $0xC80  }
0x21d: {  	_ =	swait.ge [sflag:s20], $0xC80  }
0x21e: {  	[sflag:s20] =	ssyncset.done $0x0  }
0x21f: {  	[sflag:s20] =	ssyncadd.s32 $0xFFFFF380  }
0x220: {  	[spmem:s3] =	stream.indirect.scatter.add.f32 [tilespmem:s4], [sflag:$0x6], $0x80, s22, s11, $0xb8;
	[tilespmem:$0x19400] =	vst v63  }
0x221: {  	_ = 	snop  }
0x222: {  	[spmem:s3] =	stream.indirect.scatter.add.f32 [tilespmem:s15], [sflag:$0x6], $0x80, s12, s13, $0xb8;
	[tilespmem:$0x19400] =	vst v63  }
0x223: {  	_ =	swait.ge [sflag:s23], $0x3400  }
0x224: {  	[sflag:s23] =	ssyncset.done $0x0  }
0x225: {  	[sflag:s23] =	ssyncadd.s32 $0xFFFFCC00  }
0x226: {  	_ =	swait.ge [sflag:s23], $0x3000  }
0x227: {  	s21 =	sld [smem:$0x7E3]  }
0x228: {  	[sflag:s23] =	ssyncset.done $0x0  }
0x229: {  	[sflag:s23] =	ssyncadd.s32 $0xFFFFD000  }
0x22a: {  	[hbm:s21], [sflag:s1] =	dma.local [spmem:s7], $0xC80  }
0x22b: {  	_ =	swait.ge [sflag:s24], $0xC80  }
0x22c: {  	s21 =	sld [smem:$0x7E4]  }
0x22d: {  	[sflag:s24] =	ssyncset.done $0x0  }
0x22e: {  	[sflag:s24] =	ssyncadd.s32 $0xFFFFF380  }
0x22f: {  	[spmem:s6], [sflag:s31] =	dma.local [hbm:s21], $0xC80  }
0x230: {  	_ =	swait.ge [sflag:s10], $0xC80  }
0x231: {  	[sflag:s10] =	ssyncset.done $0x0  }
0x232: {  	[sflag:s10] =	ssyncadd.s32 $0xFFFFF380  }
0x233: {  	[spmem:s3] =	stream.indirect.scatter.add.f32 [tilespmem:s4], [sflag:$0x4], $0x80, s14, s11, $0xb8;
	[tilespmem:$0x19400] =	vst v63  }
0x234: {  	_ = 	snop  }
0x235: {  	[spmem:s3] =	stream.indirect.scatter.add.f32 [tilespmem:s15], [sflag:$0x4], $0x80, s17, s13, $0xb8;
	[tilespmem:$0x19400] =	vst v63  }
0x236: {  	_ =	swait.ge [sflag:s25], $0x3400  }
0x237: {  	[sflag:s25] =	ssyncset.done $0x0  }
0x238: {  	[sflag:s25] =	ssyncadd.s32 $0xFFFFCC00  }
0x239: {  	_ =	swait.ge [sflag:s25], $0x3000  }
0x23a: {  	s21 =	sld [smem:$0x7E5]  }
0x23b: {  	[sflag:s25] =	ssyncset.done $0x0  }
0x23c: {  	[sflag:s25] =	ssyncadd.s32 $0xFFFFD000  }
0x23d: {  	[hbm:s21], [sflag:s9] =	dma.local [spmem:s8], $0xC80  }
0x23e: {  	_ =	swait.ge [sflag:s26], $0xC80  }
0x23f: {  	s21 =	sld [smem:$0x7E6]  }
0x240: {  	[sflag:s26] =	ssyncset.done $0x0  }
0x241: {  	[sflag:s26] =	ssyncadd.s32 $0xFFFFF380  }
0x242: {  	[spmem:s7], [sflag:s29] =	dma.local [hbm:s21], $0xC80  }
0x243: {  	_ =	swait.ge [sflag:s16], $0xC80  }
0x244: {  	[sflag:s16] =	ssyncset.done $0x0  }
0x245: {  	[sflag:s16] =	ssyncadd.s32 $0xFFFFF380  }
0x246: {  	[spmem:s3] =	stream.indirect.scatter.add.f32 [tilespmem:s4], [sflag:$0x5], $0x80, s18, s11, $0xb8;
	[tilespmem:$0x19400] =	vst v63  }
0x247: {  	_ = 	snop  }
0x248: {  	[spmem:s3] =	stream.indirect.scatter.add.f32 [tilespmem:s15], [sflag:$0x5], $0x80, s5, s13, $0xb8;
	[tilespmem:$0x19400] =	vst v63  }
0x249: {  	_ =	swait.ge [sflag:s19], $0x3400  }
0x24a: {  	[sflag:s19] =	ssyncset.done $0x0  }
0x24b: {  	[sflag:s19] =	ssyncadd.s32 $0xFFFFCC00  }
0x24c: {  	_ =	swait.ge [sflag:s19], $0x3000  }
0x24d: {  	s21 =	sld [smem:$0x7E7]  }
0x24e: {  	[sflag:s19] =	ssyncset.done $0x0  }
0x24f: {  	[sflag:s19] =	ssyncadd.s32 $0xFFFFD000  }
0x250: {  	[hbm:s21], [sflag:s30] =	dma.local [spmem:s6], $0xC80  }
0x251: {  	_ =	swait.ge [sflag:s28], $0xC80  }
0x252: {  	s21 =	sld [smem:$0x7E8]  }
0x253: {  	[sflag:s28] =	ssyncset.done $0x0  }
0x254: {  	[sflag:s28] =	ssyncadd.s32 $0xFFFFF380  }
0x255: {  	[spmem:s8], [sflag:s0] =	dma.local [hbm:s21], $0xC80  }
0x256: {  	_ =	swait.ge [sflag:s20], $0xC80  }
0x257: {  	[sflag:s20] =	ssyncset.done $0x0  }
0x258: {  	[sflag:s20] =	ssyncadd.s32 $0xFFFFF380  }
0x259: {  	[spmem:s3] =	stream.indirect.scatter.add.f32 [tilespmem:s4], [sflag:$0x6], $0x80, s22, s11, $0xb8;
	[tilespmem:$0x19400] =	vst v63  }
0x25a: {  	_ = 	snop  }
0x25b: {  	[spmem:s3] =	stream.indirect.scatter.add.f32 [tilespmem:s15], [sflag:$0x6], $0x80, s12, s13, $0xb8;
	[tilespmem:$0x19400] =	vst v63  }
0x25c: {  	_ =	swait.ge [sflag:s23], $0x3400  }
0x25d: {  	[sflag:s23] =	ssyncset.done $0x0  }
0x25e: {  	[sflag:s23] =	ssyncadd.s32 $0xFFFFCC00  }
0x25f: {  	_ =	swait.ge [sflag:s23], $0x3000  }
0x260: {  	s21 =	sld [smem:$0x7E9]  }
0x261: {  	[sflag:s23] =	ssyncset.done $0x0  }
0x262: {  	[sflag:s23] =	ssyncadd.s32 $0xFFFFD000  }
0x263: {  	[hbm:s21], [sflag:s1] =	dma.local [spmem:s7], $0xC80  }
0x264: {  	_ =	swait.ge [sflag:s24], $0xC80  }
0x265: {  	s21 =	sld [smem:$0x7EA]  }
0x266: {  	[sflag:s24] =	ssyncset.done $0x0  }
0x267: {  	[sflag:s24] =	ssyncadd.s32 $0xFFFFF380  }
0x268: {  	[spmem:s6], [sflag:s31] =	dma.local [hbm:s21], $0xC80  }
0x269: {  	_ =	swait.ge [sflag:s10], $0xC80  }
0x26a: {  	[sflag:s10] =	ssyncset.done $0x0  }
0x26b: {  	[sflag:s10] =	ssyncadd.s32 $0xFFFFF380  }
0x26c: {  	[spmem:s3] =	stream.indirect.scatter.add.f32 [tilespmem:s4], [sflag:$0x4], $0x80, s14, s11, $0xb8;
	[tilespmem:$0x19400] =	vst v63  }
0x26d: {  	_ = 	snop  }
0x26e: {  	[spmem:s3] =	stream.indirect.scatter.add.f32 [tilespmem:s15], [sflag:$0x4], $0x80, s17, s13, $0xb8;
	[tilespmem:$0x19400] =	vst v63  }
0x26f: {  	_ =	swait.ge [sflag:s25], $0x3400  }
0x270: {  	[sflag:s25] =	ssyncset.done $0x0  }
0x271: {  	[sflag:s25] =	ssyncadd.s32 $0xFFFFCC00  }
0x272: {  	_ =	swait.ge [sflag:s25], $0x3000  }
0x273: {  	s21 =	sld [smem:$0x7EB]  }
0x274: {  	[sflag:s25] =	ssyncset.done $0x0  }
0x275: {  	[sflag:s25] =	ssyncadd.s32 $0xFFFFD000  }
0x276: {  	[hbm:s21], [sflag:s9] =	dma.local [spmem:s8], $0xC80  }
0x277: {  	_ =	swait.ge [sflag:s26], $0xC80  }
0x278: {  	s21 =	sld [smem:$0x7EC]  }
0x279: {  	[sflag:s26] =	ssyncset.done $0x0  }
0x27a: {  	[sflag:s26] =	ssyncadd.s32 $0xFFFFF380  }
0x27b: {  	[spmem:s7], [sflag:s29] =	dma.local [hbm:s21], $0xC80  }
0x27c: {  	_ =	swait.ge [sflag:s16], $0xC80  }
0x27d: {  	[sflag:s16] =	ssyncset.done $0x0  }
0x27e: {  	[sflag:s16] =	ssyncadd.s32 $0xFFFFF380  }
0x27f: {  	[spmem:s3] =	stream.indirect.scatter.add.f32 [tilespmem:s4], [sflag:$0x5], $0x80, s18, s11, $0xb8;
	[tilespmem:$0x19400] =	vst v63  }
0x280: {  	_ = 	snop  }
0x281: {  	[spmem:s3] =	stream.indirect.scatter.add.f32 [tilespmem:s15], [sflag:$0x5], $0x80, s5, s13, $0xb8;
	[tilespmem:$0x19400] =	vst v63  }
0x282: {  	_ =	swait.ge [sflag:s19], $0x3400  }
0x283: {  	[sflag:s19] =	ssyncset.done $0x0  }
0x284: {  	[sflag:s19] =	ssyncadd.s32 $0xFFFFCC00  }
0x285: {  	_ =	swait.ge [sflag:s19], $0x3000  }
0x286: {  	s21 =	sld [smem:$0x7ED]  }
0x287: {  	[sflag:s19] =	ssyncset.done $0x0  }
0x288: {  	[sflag:s19] =	ssyncadd.s32 $0xFFFFD000  }
0x289: {  	[hbm:s21], [sflag:s30] =	dma.local [spmem:s6], $0xC80  }
0x28a: {  	_ =	swait.ge [sflag:s28], $0xC80  }
0x28b: {  	s21 =	sld [smem:$0x7EE]  }
0x28c: {  	[sflag:s28] =	ssyncset.done $0x0  }
0x28d: {  	[sflag:s28] =	ssyncadd.s32 $0xFFFFF380  }
0x28e: {  	[spmem:s8], [sflag:s0] =	dma.local [hbm:s21], $0xC80  }
0x28f: {  	s2 =	sld [smem:$0x7CD];
	_ =	swait.ge [sflag:s20], $0xC80  }
0x290: {  	[sflag:s20] =	ssyncset.done $0x0  }
0x291: {  	[sflag:s20] =	ssyncadd.s32 $0xFFFFF380  }
0x292: {  	[spmem:s3] =	stream.indirect.scatter.add.f32 [tilespmem:s4], [sflag:$0x6], $0x80, s22, s11, $0xb8;
	[tilespmem:$0x19400] =	vst v63  }
0x293: {  	_ = 	snop  }
0x294: {  	[spmem:s3] =	stream.indirect.scatter.add.f32 [tilespmem:s15], [sflag:$0x6], $0x80, s12, s13, $0xb8;
	[tilespmem:$0x19400] =	vst v63  }
0x295: {  	_ =	swait.ge [sflag:s23], $0x3400  }
0x296: {  	[sflag:s23] =	ssyncset.done $0x0  }
0x297: {  	[sflag:s23] =	ssyncadd.s32 $0xFFFFCC00  }
0x298: {  	_ =	swait.ge [sflag:s23], $0x3000  }
0x299: {  	s21 =	sld [smem:$0x7EF]  }
0x29a: {  	[sflag:s23] =	ssyncset.done $0x0  }
0x29b: {  	[sflag:s23] =	ssyncadd.s32 $0xFFFFD000  }
0x29c: {  	[hbm:s21], [sflag:s1] =	dma.local [spmem:s7], $0xC80  }
0x29d: {  	_ =	swait.ge [sflag:s24], $0xC80  }
0x29e: {  	s21 =	sld [smem:$0x7F0]  }
0x29f: {  	[sflag:s24] =	ssyncset.done $0x0  }
0x2a0: {  	[sflag:s24] =	ssyncadd.s32 $0xFFFFF380  }
0x2a1: {  	[spmem:s6], [sflag:s31] =	dma.local [hbm:s21], $0xC80  }
0x2a2: {  	_ =	swait.ge [sflag:s10], $0xC80  }
0x2a3: {  	[sflag:s10] =	ssyncset.done $0x0  }
0x2a4: {  	[sflag:s10] =	ssyncadd.s32 $0xFFFFF380  }
0x2a5: {  	[spmem:s3] =	stream.indirect.scatter.add.f32 [tilespmem:s4], [sflag:$0x4], $0x80, s14, s11, $0xb8;
	[tilespmem:$0x19400] =	vst v63  }
0x2a6: {  	_ = 	snop  }
0x2a7: {  	[spmem:s3] =	stream.indirect.scatter.add.f32 [tilespmem:s15], [sflag:$0x4], $0x80, s17, s13, $0xb8;
	[tilespmem:$0x19400] =	vst v63  }
0x2a8: {  	_ =	swait.ge [sflag:s25], $0x3400  }
0x2a9: {  	[sflag:s25] =	ssyncset.done $0x0  }
0x2aa: {  	[sflag:s25] =	ssyncadd.s32 $0xFFFFCC00  }
0x2ab: {  	_ =	swait.ge [sflag:s25], $0x3000  }
0x2ac: {  	s31 =	sld [smem:$0x7F1]  }
0x2ad: {  	[sflag:s25] =	ssyncset.done $0x0  }
0x2ae: {  	[sflag:s25] =	ssyncadd.s32 $0xFFFFD000  }
0x2af: {  	[hbm:s31], [sflag:s9] =	dma.local [spmem:s8], $0xC80  }
0x2b0: {  	_ =	swait.ge [sflag:s26], $0xC80  }
0x2b1: {  	s21 =	sld [smem:$0x7F2]  }
0x2b2: {  	[sflag:s26] =	ssyncset.done $0x0  }
0x2b3: {  	[sflag:s26] =	ssyncadd.s32 $0xFFFFF380  }
0x2b4: {  	[spmem:s7], [sflag:s29] =	dma.local [hbm:s21], $0xC80  }
0x2b5: {  	_ =	swait.ge [sflag:s16], $0xC80  }
0x2b6: {  	[sflag:s16] =	ssyncset.done $0x0  }
0x2b7: {  	[sflag:s16] =	ssyncadd.s32 $0xFFFFF380  }
0x2b8: {  	[spmem:s3] =	stream.indirect.scatter.add.f32 [tilespmem:s4], [sflag:$0x5], $0x80, s18, s11, $0xb8;
	[tilespmem:$0x19400] =	vst v63  }
0x2b9: {  	_ = 	snop  }
0x2ba: {  	[spmem:s3] =	stream.indirect.scatter.add.f32 [tilespmem:s15], [sflag:$0x5], $0x80, s5, s13, $0xb8;
	[tilespmem:$0x19400] =	vst v63  }
0x2bb: {  	_ =	swait.ge [sflag:s19], $0x3400  }
0x2bc: {  	[sflag:s19] =	ssyncset.done $0x0  }
0x2bd: {  	[sflag:s19] =	ssyncadd.s32 $0xFFFFCC00  }
0x2be: {  	_ =	swait.ge [sflag:s19], $0x3000  }
0x2bf: {  	s29 =	sld [smem:$0x7F3]  }
0x2c0: {  	[sflag:s19] =	ssyncset.done $0x0  }
0x2c1: {  	[sflag:s19] =	ssyncadd.s32 $0xFFFFD000  }
0x2c2: {  	[hbm:s29], [sflag:s30] =	dma.local [spmem:s6], $0xC80  }
0x2c3: {  	_ =	swait.ge [sflag:s23], $0x3400  }
0x2c4: {  	[sflag:s23] =	ssyncset.done $0x0  }
0x2c5: {  	[sflag:s23] =	ssyncadd.s32 $0xFFFFCC00  }
0x2c6: {  	_ =	swait.ge [sflag:s23], $0x3000  }
0x2c7: {  	s31 =	sld [smem:$0x7F4]  }
0x2c8: {  	[sflag:s23] =	ssyncset.done $0x0  }
0x2c9: {  	[sflag:s23] =	ssyncadd.s32 $0xFFFFD000  }
0x2ca: {  	[hbm:s31], [sflag:s1] =	dma.local [spmem:s7], $0xC80  }
0x2cb: {  	_ =	swait.ge [sflag:s28], $0xC80  }
0x2cc: {  	[sflag:s28] =	ssyncset.done $0x0  }
0x2cd: {  	[sflag:s28] =	ssyncadd.s32 $0xFFFFF380  }
0x2ce: {  	p0 =	sne.s32 s2, $0x1;
	_ =	swait.ge [sflag:s24], $0xC80  }
.Ltmp0:
0x2cf: {  	[sflag:s24] =	ssyncset.done $0x0;
	(pc) =	sbr.rel @p0 .LBB2_1-.Ltmp0, $4  }
0x2d0: {  	[sflag:s24] =	ssyncadd.s32 $0xFFFFF380  }
0x2d1: {  	_ =	swait.ge [sflag:s26], $0xC80  }
0x2d2: {  	[sflag:s26] =	ssyncset.done $0x0  }
0x2d3: {  	s2 =	sadd.s32 $0xFFFFFFFF, s2;
	[sflag:s26] =	ssyncadd.s32 $0xFFFFF380  }
0x2d4: {  	_ =	sfence.sel $0x180000  }
0x2d5: {  	[bflag:$0x0] =	sbarrier.arrive $0xFFFF  }
0x2d6: {  	_ =	strace $0x90000047  }
0x2d7: {  	s0 =	stileid.u32;
	[bflag:$0x2] =	sbarrier.arrive $0xFFFF  }
0x2d8: {  	p0 =	sne.s32 s0, $0x0;
	s0 =	rddreg [dreg:$0x4]  }
0x2d9: {  	s0 =	sadd.s32 @!p0 $0x100000, s0  }
0x2da: {  	[sflag:s0] =	ssyncadd.tile.s32 @!p0 $0x1;
	_ =	shalt  }
.Lfunc_end2:
_tile_overlayer_lowered:
.L_overlay_start_2:
0x2db: {  	(tag) =	ssettag $0x2  }
0x2dc: {  	s0 =	rddreg [dreg:$0x0];
	s2 =	stileid.u32  }
0x2dd: {  	s1 =	rddreg [dreg:$0x1];
	p0 =	sne.s32 s2, $0x0  }
0x2de: {  	s3 =	rddreg [dreg:$0x2];
	[bflag:$0x3] =	sbarrier.arrive $0xFFFF;
	s2 =	simm.s32 @!p0 $0x1C0A  }
0x2df: {  	[timem:s3], [sflag:s2] =	dma.local @!p0 [hbm:s0], s1  }
0x2e0: {  	s0 =	simm.s32 @!p0 $0xA  }
0x2e1: {  	_ =	swait.ge @!p0 [sflag:s0], s1  }
0x2e2: {  	s1 =	ssub.s32 @!p0 $0x0, s1;
	[sflag:s0] =	ssyncset.done @!p0 $0x0  }
0x2e3: {  	[sflag:s0] =	ssyncadd.s32 @!p0 s1  }
0x2e4: {  	[bflag:$0x3] =	sbarrier.arrive $0xFFFF  }
0x2e5: {  	_ =	shalt  }

</sc_bundles>
